<compile_context>
chip_gen: v7x
topology: tpu7x:2x2x1
jax: 0.10.2.dev20260603
libtpu: 0.0.44.dev20260713+nightly
codegen_flags: <defaults>
</compile_context>

<pallas_src>
import jax
import jax.numpy as jnp
from jax import lax
from jax.experimental import pallas as pl
from jax.experimental.pallas import tpu as pltpu
from jax.experimental.pallas import tpu_sc as plsc

D = 128
SCALE = float(D) ** 0.5
NW = 32
SEQ = 200
CHUNK = 50
LANES = 16
SLOTS = 8


def _maybe(cond, fn):
    if isinstance(cond, bool):
        if cond:
            fn()
    else:
        pl.when(cond)(fn)


def _chunk(j, p, m, table_hbm, out_hbm, idx_v, pos_v, bufs, gs, ss, gbase):
    s = p
    pltpu.make_async_copy(table_hbm.at[idx_v.at[j]], bufs[s], gs[s]).wait()

    def _scatter_jm2():
        pltpu.async_copy(
            bufs[(p - 2) % SLOTS],
            out_hbm.at[pl.ds(gbase + (j - 2) * CHUNK, CHUNK)],
            ss[(p - 2) % SLOTS])
    _maybe(j >= 2, _scatter_jm2)

    def _wait_old_scatter():
        c = j + 3 - SLOTS
        pltpu.make_async_copy(
            bufs[(p + 3) % SLOTS],
            out_hbm.at[pl.ds(gbase + c * CHUNK, CHUNK)],
            ss[(p + 3) % SLOTS]).wait()
    _maybe(j + 3 - SLOTS >= 0, _wait_old_scatter)

    def _next_gather():
        pltpu.async_copy(table_hbm.at[idx_v.at[j + 3]],
                         bufs[(p + 3) % SLOTS], gs[(p + 3) % SLOTS])
    _maybe(j + 3 < m, _next_gather)

    poff = (p * CHUNK) % SEQ
    buf = bufs[s]

    @plsc.parallel_loop(0, CHUNK, step=1, unroll=4)
    def _compute(r):
        for c in range(D // LANES):
            sl = pl.ds(c * LANES, LANES)
            buf[r, sl] = buf[r, sl] * SCALE + pos_v[poff + r, sl]


def _body(x_hbm, table_hbm, pos_hbm, out_hbm, idx_v, pos_v, refs):
    bufs = refs[:SLOTS]
    gs = refs[SLOTS:2 * SLOTS]
    ss = refs[2 * SLOTS:]
    m = idx_v.shape[0]
    wid = lax.axis_index("s") * 2 + lax.axis_index("c")
    gbase = wid * (m * CHUNK)

    pltpu.sync_copy(x_hbm.at[pl.ds(wid * m, m)], idx_v)
    pltpu.sync_copy(pos_hbm, pos_v)

    for b in range(3):
        pltpu.async_copy(table_hbm.at[idx_v.at[b]], bufs[b], gs[b])

    def iter_body(t, carry):
        for p in range(SLOTS):
            _chunk(SLOTS * t + p, p, m, table_hbm, out_hbm, idx_v, pos_v,
                   bufs, gs, ss, gbase)
        return carry

    lax.fori_loop(0, m // SLOTS, iter_body, 0)

    def _scatter(c):
        pltpu.async_copy(
            bufs[c % SLOTS], out_hbm.at[pl.ds(gbase + c * CHUNK, CHUNK)],
            ss[c % SLOTS])

    def _wait(c):
        pltpu.make_async_copy(
            bufs[c % SLOTS], out_hbm.at[pl.ds(gbase + c * CHUNK, CHUNK)],
            ss[c % SLOTS]).wait()

    _scatter(m - 2)
    for c in range(m + 3 - SLOTS, m - 2):
        _wait(c)
    _scatter(m - 1)
    _wait(m - 2)
    _wait(m - 1)


def kernel(x, table, pos_encoding):
    B, S = x.shape
    N = B * S
    n_chunks = N // CHUNK
    x2 = x.reshape(n_chunks, CHUNK)
    seq = pos_encoding.shape[0]

    mesh = plsc.VectorSubcoreMesh(core_axis_name="c", subcore_axis_name="s")

    def body(x_hbm, table_hbm, pos_hbm, out_hbm, idx_v, pos_v, *refs):
        _body(x_hbm, table_hbm, pos_hbm, out_hbm, idx_v, pos_v, refs)

    run = pl.kernel(
        body,
        out_type=jax.ShapeDtypeStruct((N, D), jnp.float32),
        mesh=mesh,
        compiler_params=pltpu.CompilerParams(use_tc_tiling_on_sc=False),
        scratch_types=(
            [pltpu.VMEM((n_chunks // NW, CHUNK), jnp.int32),
             pltpu.VMEM((seq, D), jnp.float32)]
            + [pltpu.VMEM((CHUNK, D), jnp.float32)
               for _ in range(SLOTS)]
            + [pltpu.SemaphoreType.DMA for _ in range(2 * SLOTS)]
        ),
    )
    out = run(x2, table, pos_encoding)
    return out.reshape(B, S, D)

# --- scband reference (transcript-rebuilt; emitter-appended) ---
"""Pipeline reference for scband-positional-embedding-55834574848570 (READ-ONLY COPY).

The authoritative reference and input builder live on the scoring server;
editing this copy changes nothing except your own understanding.
"""

import jax, jax.numpy as jnp
import numpy as np

VOCAB = 100000
MAX_LEN = 200
D_MODEL = 128
BATCH = 1024
SEQ = 200


def positional_encoding(length, depth):
    depth = depth / 2
    positions = np.arange(length)[:, np.newaxis]
    depths = np.arange(depth)[np.newaxis, :] / depth
    angle_rates = 1 / 10000.0 ** depths
    angle_rads = positions * angle_rates
    pos_encoding = np.concatenate([np.sin(angle_rads), np.cos(angle_rads)], axis=-1)
    return jnp.asarray(pos_encoding, dtype=jnp.float32)


def setup_inputs(seed: int = 0) -> dict:
    key = jax.random.key(seed)
    k1, k2 = jax.random.split(key)
    x = jax.random.randint(k1, (BATCH, SEQ), 0, VOCAB, dtype=jnp.int32)
    # Embedding table (keras Embedding default init ~ uniform(-0.05, 0.05))
    table = jax.random.uniform(k2, (VOCAB, D_MODEL), dtype=jnp.float32, minval=-0.05, maxval=0.05)
    pos_encoding = positional_encoding(MAX_LEN, D_MODEL)
    return {"x": x, "table": table, "pos_encoding": pos_encoding}


def reference(x, table, pos_encoding):
    length = x.shape[1]
    emb = jnp.take(table, x, axis=0)  # [B, S, d_model] gather
    emb = emb * jnp.sqrt(jnp.asarray(D_MODEL, dtype=jnp.float32))
    out = emb + pos_encoding[jnp.newaxis, :length, :]
    return out

if __name__ == "__main__":
    import jax
    _d = setup_inputs()
    print(jax.jit(kernel)(*tuple(_d.values())))

</pallas_src>

<mosaic_0001>
#map = affine_map<(d0, d1) -> (0, 0)>
module attributes {stable_mosaic.version = 14 : i64} {
  func.func @body(%arg0: i32, %arg1: i32, %arg2: memref<4096x50xi32, #tpu.memory_space<hbm>>, %arg3: memref<100000x128xf32, #tpu.memory_space<hbm>>, %arg4: memref<200x128xf32, #tpu.memory_space<hbm>>, %arg5: memref<204800x128xf32, #tpu.memory_space<hbm>>, %arg6: memref<128x50xi32, #tpu.memory_space<vmem>>, %arg7: memref<200x128xf32, #tpu.memory_space<vmem>>, %arg8: memref<50x128xf32, #tpu.memory_space<vmem>>, %arg9: memref<50x128xf32, #tpu.memory_space<vmem>>, %arg10: memref<50x128xf32, #tpu.memory_space<vmem>>, %arg11: memref<50x128xf32, #tpu.memory_space<vmem>>, %arg12: memref<50x128xf32, #tpu.memory_space<vmem>>, %arg13: memref<50x128xf32, #tpu.memory_space<vmem>>, %arg14: memref<50x128xf32, #tpu.memory_space<vmem>>, %arg15: memref<50x128xf32, #tpu.memory_space<vmem>>, %arg16: memref<!tpu.dma_semaphore, #tpu.memory_space<semaphore_mem>>, %arg17: memref<!tpu.dma_semaphore, #tpu.memory_space<semaphore_mem>>, %arg18: memref<!tpu.dma_semaphore, #tpu.memory_space<semaphore_mem>>, %arg19: memref<!tpu.dma_semaphore, #tpu.memory_space<semaphore_mem>>, %arg20: memref<!tpu.dma_semaphore, #tpu.memory_space<semaphore_mem>>, %arg21: memref<!tpu.dma_semaphore, #tpu.memory_space<semaphore_mem>>, %arg22: memref<!tpu.dma_semaphore, #tpu.memory_space<semaphore_mem>>, %arg23: memref<!tpu.dma_semaphore, #tpu.memory_space<semaphore_mem>>, %arg24: memref<!tpu.dma_semaphore, #tpu.memory_space<semaphore_mem>>, %arg25: memref<!tpu.dma_semaphore, #tpu.memory_space<semaphore_mem>>, %arg26: memref<!tpu.dma_semaphore, #tpu.memory_space<semaphore_mem>>, %arg27: memref<!tpu.dma_semaphore, #tpu.memory_space<semaphore_mem>>, %arg28: memref<!tpu.dma_semaphore, #tpu.memory_space<semaphore_mem>>, %arg29: memref<!tpu.dma_semaphore, #tpu.memory_space<semaphore_mem>>, %arg30: memref<!tpu.dma_semaphore, #tpu.memory_space<semaphore_mem>>, %arg31: memref<!tpu.dma_semaphore, #tpu.memory_space<semaphore_mem>>) attributes {dimension_semantics = [#tpu.dimension_semantics<core_parallel>, #tpu.dimension_semantics<subcore_parallel>], iteration_bounds = array<i64: 2, 16>, scalar_prefetch = 0 : i64, scratch_operands = 26 : i64, tpu.core_type = #tpu.core_type<sc_vector_subcore>, window_params = [{transform_indices = #map}, {transform_indices = #map}, {transform_indices = #map}, {transform_indices = #map}]} {
    %mul3A = arith.constant 2 : i32
    %mul3A_0 = arith.muli %arg1, %mul3A : i32
    %add3A = arith.addi %mul3A_0, %arg0 : i32
    %mul3A_1 = arith.constant 6400 : i32
    %mul3A_2 = arith.muli %add3A, %mul3A_1 : i32
    %mul3A_3 = arith.constant 128 : i32
    %mul3A_4 = arith.muli %add3A, %mul3A_3 : i32
    "tpu.region"() ({
      %run_scoped3A = tpu.sem_alloc : memref<!tpu.dma_semaphore, #tpu.memory_space<semaphore_mem>>
      %dma_start3A_71 = arith.constant 0 : i32
      %dma_start3A_72 = tpu.memref_slice %arg2[%mul3A_4, %dma_start3A_71] : memref<4096x50xi32, #tpu.memory_space<hbm>> -> memref<128x50xi32, #tpu.memory_space<hbm>>
      %dma_start3A_73 = arith.constant 0 : i32
      %dma_start3A_74 = tpu.memref_slice %arg2[%mul3A_4, %dma_start3A_73] : memref<4096x50xi32, #tpu.memory_space<hbm>> -> memref<128x50xi32, #tpu.memory_space<hbm>>
      tpu.enqueue_dma source(%dma_start3A_74 : memref<128x50xi32, #tpu.memory_space<hbm>>) target(%arg6 : memref<128x50xi32, #tpu.memory_space<vmem>>) target_semaphore(%run_scoped3A : memref<!tpu.dma_semaphore, #tpu.memory_space<semaphore_mem>>)
      %dma_wait3A_75 = arith.constant 0 : i32
      %dma_wait3A_76 = tpu.memref_slice %arg2[%mul3A_4, %dma_wait3A_75] : memref<4096x50xi32, #tpu.memory_space<hbm>> -> memref<128x50xi32, #tpu.memory_space<hbm>>
      %dma_wait3A_77 = arith.constant 0 : i32
      %dma_wait3A_78 = tpu.memref_slice %arg2[%mul3A_4, %dma_wait3A_77] : memref<4096x50xi32, #tpu.memory_space<hbm>> -> memref<128x50xi32, #tpu.memory_space<hbm>>
      tpu.wait_dma2 semaphore(%run_scoped3A : memref<!tpu.dma_semaphore, #tpu.memory_space<semaphore_mem>>) src(%dma_wait3A_78 : memref<128x50xi32, #tpu.memory_space<hbm>>) dst(%arg6 : memref<128x50xi32, #tpu.memory_space<vmem>>)
      tpu.yield
    }) : () -> ()
    "tpu.region"() ({
      %run_scoped3A = tpu.sem_alloc : memref<!tpu.dma_semaphore, #tpu.memory_space<semaphore_mem>>
      tpu.enqueue_dma source(%arg4 : memref<200x128xf32, #tpu.memory_space<hbm>>) target(%arg7 : memref<200x128xf32, #tpu.memory_space<vmem>>) target_semaphore(%run_scoped3A : memref<!tpu.dma_semaphore, #tpu.memory_space<semaphore_mem>>)
      tpu.wait_dma2 semaphore(%run_scoped3A : memref<!tpu.dma_semaphore, #tpu.memory_space<semaphore_mem>>) src(%arg4 : memref<200x128xf32, #tpu.memory_space<hbm>>) dst(%arg7 : memref<200x128xf32, #tpu.memory_space<vmem>>)
      tpu.yield
    }) : () -> ()
    %dma_start3A = arith.constant 0 : i32
    %dma_start3A_5 = arith.constant 0 : i32
    %dma_start3A_6 = tpu.memref_slice %arg6[%dma_start3A, %dma_start3A_5] : memref<128x50xi32, #tpu.memory_space<vmem>> -> memref<1x50xi32, #tpu.memory_space<vmem>>
    %dma_start3A_7 = tpu.memref_squeeze %dma_start3A_6 : memref<1x50xi32, #tpu.memory_space<vmem>> -> memref<50xi32, #tpu.memory_space<vmem>>
    %dma_start3A_8 = arith.constant 0 : i32
    %dma_start3A_9 = arith.constant 0 : i32
    %dma_start3A_10 = tpu.memref_slice %arg3[%dma_start3A_8, %dma_start3A_9] : memref<100000x128xf32, #tpu.memory_space<hbm>> -> memref<100000x128xf32, #tpu.memory_space<hbm>>
    tpu.enqueue_indirect_dma source(%dma_start3A_10 : memref<100000x128xf32, #tpu.memory_space<hbm>>) target(%arg8 : memref<50x128xf32, #tpu.memory_space<vmem>>) offsets(%dma_start3A_7 : memref<50xi32, #tpu.memory_space<vmem>>) semaphore(%arg16 : memref<!tpu.dma_semaphore, #tpu.memory_space<semaphore_mem>>)
    %dma_start3A_11 = arith.constant 1 : i32
    %dma_start3A_12 = arith.constant 0 : i32
    %dma_start3A_13 = tpu.memref_slice %arg6[%dma_start3A_11, %dma_start3A_12] : memref<128x50xi32, #tpu.memory_space<vmem>> -> memref<1x50xi32, #tpu.memory_space<vmem>>
    %dma_start3A_14 = tpu.memref_squeeze %dma_start3A_13 : memref<1x50xi32, #tpu.memory_space<vmem>> -> memref<50xi32, #tpu.memory_space<vmem>>
    %dma_start3A_15 = arith.constant 0 : i32
    %dma_start3A_16 = arith.constant 0 : i32
    %dma_start3A_17 = tpu.memref_slice %arg3[%dma_start3A_15, %dma_start3A_16] : memref<100000x128xf32, #tpu.memory_space<hbm>> -> memref<100000x128xf32, #tpu.memory_space<hbm>>
    tpu.enqueue_indirect_dma source(%dma_start3A_17 : memref<100000x128xf32, #tpu.memory_space<hbm>>) target(%arg9 : memref<50x128xf32, #tpu.memory_space<vmem>>) offsets(%dma_start3A_14 : memref<50xi32, #tpu.memory_space<vmem>>) semaphore(%arg17 : memref<!tpu.dma_semaphore, #tpu.memory_space<semaphore_mem>>)
    %dma_start3A_18 = arith.constant 2 : i32
    %dma_start3A_19 = arith.constant 0 : i32
    %dma_start3A_20 = tpu.memref_slice %arg6[%dma_start3A_18, %dma_start3A_19] : memref<128x50xi32, #tpu.memory_space<vmem>> -> memref<1x50xi32, #tpu.memory_space<vmem>>
    %dma_start3A_21 = tpu.memref_squeeze %dma_start3A_20 : memref<1x50xi32, #tpu.memory_space<vmem>> -> memref<50xi32, #tpu.memory_space<vmem>>
    %dma_start3A_22 = arith.constant 0 : i32
    %dma_start3A_23 = arith.constant 0 : i32
    %dma_start3A_24 = tpu.memref_slice %arg3[%dma_start3A_22, %dma_start3A_23] : memref<100000x128xf32, #tpu.memory_space<hbm>> -> memref<100000x128xf32, #tpu.memory_space<hbm>>
    tpu.enqueue_indirect_dma source(%dma_start3A_24 : memref<100000x128xf32, #tpu.memory_space<hbm>>) target(%arg10 : memref<50x128xf32, #tpu.memory_space<vmem>>) offsets(%dma_start3A_21 : memref<50xi32, #tpu.memory_space<vmem>>) semaphore(%arg18 : memref<!tpu.dma_semaphore, #tpu.memory_space<semaphore_mem>>)
    %scan3A = arith.constant 0 : i32
    %scan3A_25 = arith.constant 0 : i32
    %scan3A_26 = arith.constant 16 : i32
    %scan3A_27 = arith.addi %scan3A_25, %scan3A_26 : i32
    %scan3A_28 = arith.constant 1 : i32
    scf.for %scan3A_71 = %scan3A_25 to %scan3A_27 step %scan3A_28  : i32 {
      %mul3A_72 = arith.constant 8 : i32
      %mul3A_73 = arith.muli %mul3A_72, %scan3A_71 : i32
      %add3A_74 = arith.constant 0 : i32
      %add3A_75 = arith.addi %mul3A_73, %add3A_74 : i32
      %dma_wait3A_76 = arith.constant 0 : i32
      %dma_wait3A_77 = tpu.memref_slice %arg6[%add3A_75, %dma_wait3A_76] : memref<128x50xi32, #tpu.memory_space<vmem>> -> memref<1x50xi32, #tpu.memory_space<vmem>>
      %dma_wait3A_78 = tpu.memref_squeeze %dma_wait3A_77 : memref<1x50xi32, #tpu.memory_space<vmem>> -> memref<50xi32, #tpu.memory_space<vmem>>
      %dma_wait3A_79 = arith.constant 0 : i32
      %dma_wait3A_80 = arith.constant 0 : i32
      %dma_wait3A_81 = tpu.memref_slice %arg3[%dma_wait3A_79, %dma_wait3A_80] : memref<100000x128xf32, #tpu.memory_space<hbm>> -> memref<100000x128xf32, #tpu.memory_space<hbm>>
      tpu.wait_indirect_dma semaphore(%arg16 : memref<!tpu.dma_semaphore, #tpu.memory_space<semaphore_mem>>) src(%dma_wait3A_81 : memref<100000x128xf32, #tpu.memory_space<hbm>>) dst(%arg8 : memref<50x128xf32, #tpu.memory_space<vmem>>)
      %ge3A = arith.constant 2 : i32
      %ge3A_82 = arith.cmpi sge, %add3A_75, %ge3A : i32
      %convert_element_type3A = arith.extui %ge3A_82 : i1 to i32
      %cond3A = arith.constant 0 : i32
      %cond3A_83 = arith.cmpi ne, %convert_element_type3A, %cond3A : i32
      scf.if %cond3A_83 {
        %sub3A_338 = arith.constant 2 : i32
        %sub3A_339 = arith.subi %add3A_75, %sub3A_338 : i32
        %mul3A_340 = arith.constant 50 : i32
        %mul3A_341 = arith.muli %sub3A_339, %mul3A_340 : i32
        %add3A_342 = arith.addi %mul3A_2, %mul3A_341 : i32
        %dma_start3A_343 = arith.constant 0 : i32
        %dma_start3A_344 = tpu.memref_slice %arg5[%add3A_342, %dma_start3A_343] : memref<204800x128xf32, #tpu.memory_space<hbm>> -> memref<50x128xf32, #tpu.memory_space<hbm>>
        %dma_start3A_345 = arith.constant 0 : i32
        %dma_start3A_346 = tpu.memref_slice %arg5[%add3A_342, %dma_start3A_345] : memref<204800x128xf32, #tpu.memory_space<hbm>> -> memref<50x128xf32, #tpu.memory_space<hbm>>
        tpu.enqueue_dma source(%arg14 : memref<50x128xf32, #tpu.memory_space<vmem>>) target(%dma_start3A_346 : memref<50x128xf32, #tpu.memory_space<hbm>>) target_semaphore(%arg30 : memref<!tpu.dma_semaphore, #tpu.memory_space<semaphore_mem>>)
      } else {
      }
      %add3A_84 = arith.constant 3 : i32
      %add3A_85 = arith.addi %add3A_75, %add3A_84 : i32
      %sub3A = arith.constant 8 : i32
      %sub3A_86 = arith.subi %add3A_85, %sub3A : i32
      %ge3A_87 = arith.constant 0 : i32
      %ge3A_88 = arith.cmpi sge, %sub3A_86, %ge3A_87 : i32
      %convert_element_type3A_89 = arith.extui %ge3A_88 : i1 to i32
      %cond3A_90 = arith.constant 0 : i32
      %cond3A_91 = arith.cmpi ne, %convert_element_type3A_89, %cond3A_90 : i32
      scf.if %cond3A_91 {
        %add3A_338 = arith.constant 3 : i32
        %add3A_339 = arith.addi %add3A_75, %add3A_338 : i32
        %sub3A_340 = arith.constant 8 : i32
        %sub3A_341 = arith.subi %add3A_339, %sub3A_340 : i32
        %mul3A_342 = arith.constant 50 : i32
        %mul3A_343 = arith.muli %sub3A_341, %mul3A_342 : i32
        %add3A_344 = arith.addi %mul3A_2, %mul3A_343 : i32
        %dma_wait3A_345 = arith.constant 0 : i32
        %dma_wait3A_346 = tpu.memref_slice %arg5[%add3A_344, %dma_wait3A_345] : memref<204800x128xf32, #tpu.memory_space<hbm>> -> memref<50x128xf32, #tpu.memory_space<hbm>>
        %dma_wait3A_347 = arith.constant 0 : i32
        %dma_wait3A_348 = tpu.memref_slice %arg5[%add3A_344, %dma_wait3A_347] : memref<204800x128xf32, #tpu.memory_space<hbm>> -> memref<50x128xf32, #tpu.memory_space<hbm>>
        tpu.wait_dma2 semaphore(%arg27 : memref<!tpu.dma_semaphore, #tpu.memory_space<semaphore_mem>>) src(%arg11 : memref<50x128xf32, #tpu.memory_space<vmem>>) dst(%dma_wait3A_348 : memref<50x128xf32, #tpu.memory_space<hbm>>)
      } else {
      }
      %add3A_92 = arith.constant 3 : i32
      %add3A_93 = arith.addi %add3A_75, %add3A_92 : i32
      %lt3A = arith.constant 128 : i32
      %lt3A_94 = arith.cmpi slt, %add3A_93, %lt3A : i32
      %convert_element_type3A_95 = arith.extui %lt3A_94 : i1 to i32
      %cond3A_96 = arith.constant 0 : i32
      %cond3A_97 = arith.cmpi ne, %convert_element_type3A_95, %cond3A_96 : i32
      scf.if %cond3A_97 {
        %add3A_338 = arith.constant 3 : i32
        %add3A_339 = arith.addi %add3A_75, %add3A_338 : i32
        %dma_start3A_340 = arith.constant 0 : i32
        %dma_start3A_341 = tpu.memref_slice %arg6[%add3A_339, %dma_start3A_340] : memref<128x50xi32, #tpu.memory_space<vmem>> -> memref<1x50xi32, #tpu.memory_space<vmem>>
        %dma_start3A_342 = tpu.memref_squeeze %dma_start3A_341 : memref<1x50xi32, #tpu.memory_space<vmem>> -> memref<50xi32, #tpu.memory_space<vmem>>
        %dma_start3A_343 = arith.constant 0 : i32
        %dma_start3A_344 = arith.constant 0 : i32
        %dma_start3A_345 = tpu.memref_slice %arg3[%dma_start3A_343, %dma_start3A_344] : memref<100000x128xf32, #tpu.memory_space<hbm>> -> memref<100000x128xf32, #tpu.memory_space<hbm>>
        tpu.enqueue_indirect_dma source(%dma_start3A_345 : memref<100000x128xf32, #tpu.memory_space<hbm>>) target(%arg11 : memref<50x128xf32, #tpu.memory_space<vmem>>) offsets(%dma_start3A_342 : memref<50xi32, #tpu.memory_space<vmem>>) semaphore(%arg19 : memref<!tpu.dma_semaphore, #tpu.memory_space<semaphore_mem>>)
      } else {
      }
      %parallel_loop3A = arith.constant 0 : i32
      %parallel_loop3A_98 = arith.constant 50 : i32
      %parallel_loop3A_99 = arith.constant 1 : i32
      scf.for %parallel_loop3A_338 = %parallel_loop3A to %parallel_loop3A_98 step %parallel_loop3A_99  : i32 {
        %parallel_loop3A_339 = arith.index_cast %parallel_loop3A_338 : i32 to index
        %parallel_loop3A_340 = arith.constant 0 : index
        %parallel_loop3A_341 = tpu.vector_load %arg8[%parallel_loop3A_339, %parallel_loop3A_340] {strides = array<i32>} : memref<50x128xf32, #tpu.memory_space<vmem>>, vector<1x16xf32>,
        %parallel_loop3A_342 = vector.shape_cast %parallel_loop3A_341 : vector<1x16xf32> to vector<16xf32>
        %parallel_loop3A_343 = arith.constant 11.3137083 : f32
        %parallel_loop3A_344 = vector.broadcast %parallel_loop3A_343 : f32 to vector<16xf32>
        %parallel_loop3A_345 = arith.mulf %parallel_loop3A_342, %parallel_loop3A_344 : vector<16xf32>
        %parallel_loop3A_346 = arith.constant 0 : i32
        %parallel_loop3A_347 = arith.addi %parallel_loop3A_346, %parallel_loop3A_338 : i32
        %parallel_loop3A_348 = arith.index_cast %parallel_loop3A_347 : i32 to index
        %parallel_loop3A_349 = arith.constant 0 : index
        %parallel_loop3A_350 = tpu.vector_load %arg7[%parallel_loop3A_348, %parallel_loop3A_349] {strides = array<i32>} : memref<200x128xf32, #tpu.memory_space<vmem>>, vector<1x16xf32>,
        %parallel_loop3A_351 = vector.shape_cast %parallel_loop3A_350 : vector<1x16xf32> to vector<16xf32>
        %parallel_loop3A_352 = arith.addf %parallel_loop3A_345, %parallel_loop3A_351 : vector<16xf32>
        %parallel_loop3A_353 = arith.index_cast %parallel_loop3A_338 : i32 to index
        %parallel_loop3A_354 = arith.constant 0 : index
        %parallel_loop3A_355 = tpu.vector_load %arg8[%parallel_loop3A_353, %parallel_loop3A_354] {strides = array<i32>} : memref<50x128xf32, #tpu.memory_space<vmem>>, vector<1x16xf32>,
        %parallel_loop3A_356 = vector.shape_cast %parallel_loop3A_355 : vector<1x16xf32> to vector<16xf32>
        %parallel_loop3A_357 = vector.shape_cast %parallel_loop3A_352 : vector<16xf32> to vector<1x16xf32>
        tpu.vector_store %arg8[%parallel_loop3A_353, %parallel_loop3A_354], %parallel_loop3A_357 {strides = array<i32>} : memref<50x128xf32, #tpu.memory_space<vmem>>, vector<1x16xf32>,
        %parallel_loop3A_358 = arith.index_cast %parallel_loop3A_338 : i32 to index
        %parallel_loop3A_359 = arith.constant 16 : index
        %parallel_loop3A_360 = tpu.vector_load %arg8[%parallel_loop3A_358, %parallel_loop3A_359] {strides = array<i32>} : memref<50x128xf32, #tpu.memory_space<vmem>>, vector<1x16xf32>,
        %parallel_loop3A_361 = vector.shape_cast %parallel_loop3A_360 : vector<1x16xf32> to vector<16xf32>
        %parallel_loop3A_362 = arith.constant 11.3137083 : f32
        %parallel_loop3A_363 = vector.broadcast %parallel_loop3A_362 : f32 to vector<16xf32>
        %parallel_loop3A_364 = arith.mulf %parallel_loop3A_361, %parallel_loop3A_363 : vector<16xf32>
        %parallel_loop3A_365 = arith.constant 0 : i32
        %parallel_loop3A_366 = arith.addi %parallel_loop3A_365, %parallel_loop3A_338 : i32
        %parallel_loop3A_367 = arith.index_cast %parallel_loop3A_366 : i32 to index
        %parallel_loop3A_368 = arith.constant 16 : index
        %parallel_loop3A_369 = tpu.vector_load %arg7[%parallel_loop3A_367, %parallel_loop3A_368] {strides = array<i32>} : memref<200x128xf32, #tpu.memory_space<vmem>>, vector<1x16xf32>,
        %parallel_loop3A_370 = vector.shape_cast %parallel_loop3A_369 : vector<1x16xf32> to vector<16xf32>
        %parallel_loop3A_371 = arith.addf %parallel_loop3A_364, %parallel_loop3A_370 : vector<16xf32>
        %parallel_loop3A_372 = arith.index_cast %parallel_loop3A_338 : i32 to index
        %parallel_loop3A_373 = arith.constant 16 : index
        %parallel_loop3A_374 = tpu.vector_load %arg8[%parallel_loop3A_372, %parallel_loop3A_373] {strides = array<i32>} : memref<50x128xf32, #tpu.memory_space<vmem>>, vector<1x16xf32>,
        %parallel_loop3A_375 = vector.shape_cast %parallel_loop3A_374 : vector<1x16xf32> to vector<16xf32>
        %parallel_loop3A_376 = vector.shape_cast %parallel_loop3A_371 : vector<16xf32> to vector<1x16xf32>
        tpu.vector_store %arg8[%parallel_loop3A_372, %parallel_loop3A_373], %parallel_loop3A_376 {strides = array<i32>} : memref<50x128xf32, #tpu.memory_space<vmem>>, vector<1x16xf32>,
        %parallel_loop3A_377 = arith.index_cast %parallel_loop3A_338 : i32 to index
        %parallel_loop3A_378 = arith.constant 32 : index
        %parallel_loop3A_379 = tpu.vector_load %arg8[%parallel_loop3A_377, %parallel_loop3A_378] {strides = array<i32>} : memref<50x128xf32, #tpu.memory_space<vmem>>, vector<1x16xf32>,
        %parallel_loop3A_380 = vector.shape_cast %parallel_loop3A_379 : vector<1x16xf32> to vector<16xf32>
        %parallel_loop3A_381 = arith.constant 11.3137083 : f32
        %parallel_loop3A_382 = vector.broadcast %parallel_loop3A_381 : f32 to vector<16xf32>
        %parallel_loop3A_383 = arith.mulf %parallel_loop3A_380, %parallel_loop3A_382 : vector<16xf32>
        %parallel_loop3A_384 = arith.constant 0 : i32
        %parallel_loop3A_385 = arith.addi %parallel_loop3A_384, %parallel_loop3A_338 : i32
        %parallel_loop3A_386 = arith.index_cast %parallel_loop3A_385 : i32 to index
        %parallel_loop3A_387 = arith.constant 32 : index
        %parallel_loop3A_388 = tpu.vector_load %arg7[%parallel_loop3A_386, %parallel_loop3A_387] {strides = array<i32>} : memref<200x128xf32, #tpu.memory_space<vmem>>, vector<1x16xf32>,
        %parallel_loop3A_389 = vector.shape_cast %parallel_loop3A_388 : vector<1x16xf32> to vector<16xf32>
        %parallel_loop3A_390 = arith.addf %parallel_loop3A_383, %parallel_loop3A_389 : vector<16xf32>
        %parallel_loop3A_391 = arith.index_cast %parallel_loop3A_338 : i32 to index
        %parallel_loop3A_392 = arith.constant 32 : index
        %parallel_loop3A_393 = tpu.vector_load %arg8[%parallel_loop3A_391, %parallel_loop3A_392] {strides = array<i32>} : memref<50x128xf32, #tpu.memory_space<vmem>>, vector<1x16xf32>,
        %parallel_loop3A_394 = vector.shape_cast %parallel_loop3A_393 : vector<1x16xf32> to vector<16xf32>
        %parallel_loop3A_395 = vector.shape_cast %parallel_loop3A_390 : vector<16xf32> to vector<1x16xf32>
        tpu.vector_store %arg8[%parallel_loop3A_391, %parallel_loop3A_392], %parallel_loop3A_395 {strides = array<i32>} : memref<50x128xf32, #tpu.memory_space<vmem>>, vector<1x16xf32>,
        %parallel_loop3A_396 = arith.index_cast %parallel_loop3A_338 : i32 to index
        %parallel_loop3A_397 = arith.constant 48 : index
        %parallel_loop3A_398 = tpu.vector_load %arg8[%parallel_loop3A_396, %parallel_loop3A_397] {strides = array<i32>} : memref<50x128xf32, #tpu.memory_space<vmem>>, vector<1x16xf32>,
        %parallel_loop3A_399 = vector.shape_cast %parallel_loop3A_398 : vector<1x16xf32> to vector<16xf32>
        %parallel_loop3A_400 = arith.constant 11.3137083 : f32
        %parallel_loop3A_401 = vector.broadcast %parallel_loop3A_400 : f32 to vector<16xf32>
        %parallel_loop3A_402 = arith.mulf %parallel_loop3A_399, %parallel_loop3A_401 : vector<16xf32>
        %parallel_loop3A_403 = arith.constant 0 : i32
        %parallel_loop3A_404 = arith.addi %parallel_loop3A_403, %parallel_loop3A_338 : i32
        %parallel_loop3A_405 = arith.index_cast %parallel_loop3A_404 : i32 to index
        %parallel_loop3A_406 = arith.constant 48 : index
        %parallel_loop3A_407 = tpu.vector_load %arg7[%parallel_loop3A_405, %parallel_loop3A_406] {strides = array<i32>} : memref<200x128xf32, #tpu.memory_space<vmem>>, vector<1x16xf32>,
        %parallel_loop3A_408 = vector.shape_cast %parallel_loop3A_407 : vector<1x16xf32> to vector<16xf32>
        %parallel_loop3A_409 = arith.addf %parallel_loop3A_402, %parallel_loop3A_408 : vector<16xf32>
        %parallel_loop3A_410 = arith.index_cast %parallel_loop3A_338 : i32 to index
        %parallel_loop3A_411 = arith.constant 48 : index
        %parallel_loop3A_412 = tpu.vector_load %arg8[%parallel_loop3A_410, %parallel_loop3A_411] {strides = array<i32>} : memref<50x128xf32, #tpu.memory_space<vmem>>, vector<1x16xf32>,
        %parallel_loop3A_413 = vector.shape_cast %parallel_loop3A_412 : vector<1x16xf32> to vector<16xf32>
        %parallel_loop3A_414 = vector.shape_cast %parallel_loop3A_409 : vector<16xf32> to vector<1x16xf32>
        tpu.vector_store %arg8[%parallel_loop3A_410, %parallel_loop3A_411], %parallel_loop3A_414 {strides = array<i32>} : memref<50x128xf32, #tpu.memory_space<vmem>>, vector<1x16xf32>,
        %parallel_loop3A_415 = arith.index_cast %parallel_loop3A_338 : i32 to index
        %parallel_loop3A_416 = arith.constant 64 : index
        %parallel_loop3A_417 = tpu.vector_load %arg8[%parallel_loop3A_415, %parallel_loop3A_416] {strides = array<i32>} : memref<50x128xf32, #tpu.memory_space<vmem>>, vector<1x16xf32>,
        %parallel_loop3A_418 = vector.shape_cast %parallel_loop3A_417 : vector<1x16xf32> to vector<16xf32>
        %parallel_loop3A_419 = arith.constant 11.3137083 : f32
        %parallel_loop3A_420 = vector.broadcast %parallel_loop3A_419 : f32 to vector<16xf32>
        %parallel_loop3A_421 = arith.mulf %parallel_loop3A_418, %parallel_loop3A_420 : vector<16xf32>
        %parallel_loop3A_422 = arith.constant 0 : i32
        %parallel_loop3A_423 = arith.addi %parallel_loop3A_422, %parallel_loop3A_338 : i32
        %parallel_loop3A_424 = arith.index_cast %parallel_loop3A_423 : i32 to index
        %parallel_loop3A_425 = arith.constant 64 : index
        %parallel_loop3A_426 = tpu.vector_load %arg7[%parallel_loop3A_424, %parallel_loop3A_425] {strides = array<i32>} : memref<200x128xf32, #tpu.memory_space<vmem>>, vector<1x16xf32>,
        %parallel_loop3A_427 = vector.shape_cast %parallel_loop3A_426 : vector<1x16xf32> to vector<16xf32>
        %parallel_loop3A_428 = arith.addf %parallel_loop3A_421, %parallel_loop3A_427 : vector<16xf32>
        %parallel_loop3A_429 = arith.index_cast %parallel_loop3A_338 : i32 to index
        %parallel_loop3A_430 = arith.constant 64 : index
        %parallel_loop3A_431 = tpu.vector_load %arg8[%parallel_loop3A_429, %parallel_loop3A_430] {strides = array<i32>} : memref<50x128xf32, #tpu.memory_space<vmem>>, vector<1x16xf32>,
        %parallel_loop3A_432 = vector.shape_cast %parallel_loop3A_431 : vector<1x16xf32> to vector<16xf32>
        %parallel_loop3A_433 = vector.shape_cast %parallel_loop3A_428 : vector<16xf32> to vector<1x16xf32>
        tpu.vector_store %arg8[%parallel_loop3A_429, %parallel_loop3A_430], %parallel_loop3A_433 {strides = array<i32>} : memref<50x128xf32, #tpu.memory_space<vmem>>, vector<1x16xf32>,
        %parallel_loop3A_434 = arith.index_cast %parallel_loop3A_338 : i32 to index
        %parallel_loop3A_435 = arith.constant 80 : index
        %parallel_loop3A_436 = tpu.vector_load %arg8[%parallel_loop3A_434, %parallel_loop3A_435] {strides = array<i32>} : memref<50x128xf32, #tpu.memory_space<vmem>>, vector<1x16xf32>,
        %parallel_loop3A_437 = vector.shape_cast %parallel_loop3A_436 : vector<1x16xf32> to vector<16xf32>
        %parallel_loop3A_438 = arith.constant 11.3137083 : f32
        %parallel_loop3A_439 = vector.broadcast %parallel_loop3A_438 : f32 to vector<16xf32>
        %parallel_loop3A_440 = arith.mulf %parallel_loop3A_437, %parallel_loop3A_439 : vector<16xf32>
        %parallel_loop3A_441 = arith.constant 0 : i32
        %parallel_loop3A_442 = arith.addi %parallel_loop3A_441, %parallel_loop3A_338 : i32
        %parallel_loop3A_443 = arith.index_cast %parallel_loop3A_442 : i32 to index
        %parallel_loop3A_444 = arith.constant 80 : index
        %parallel_loop3A_445 = tpu.vector_load %arg7[%parallel_loop3A_443, %parallel_loop3A_444] {strides = array<i32>} : memref<200x128xf32, #tpu.memory_space<vmem>>, vector<1x16xf32>,
        %parallel_loop3A_446 = vector.shape_cast %parallel_loop3A_445 : vector<1x16xf32> to vector<16xf32>
        %parallel_loop3A_447 = arith.addf %parallel_loop3A_440, %parallel_loop3A_446 : vector<16xf32>
        %parallel_loop3A_448 = arith.index_cast %parallel_loop3A_338 : i32 to index
        %parallel_loop3A_449 = arith.constant 80 : index
        %parallel_loop3A_450 = tpu.vector_load %arg8[%parallel_loop3A_448, %parallel_loop3A_449] {strides = array<i32>} : memref<50x128xf32, #tpu.memory_space<vmem>>, vector<1x16xf32>,
        %parallel_loop3A_451 = vector.shape_cast %parallel_loop3A_450 : vector<1x16xf32> to vector<16xf32>
        %parallel_loop3A_452 = vector.shape_cast %parallel_loop3A_447 : vector<16xf32> to vector<1x16xf32>
        tpu.vector_store %arg8[%parallel_loop3A_448, %parallel_loop3A_449], %parallel_loop3A_452 {strides = array<i32>} : memref<50x128xf32, #tpu.memory_space<vmem>>, vector<1x16xf32>,
        %parallel_loop3A_453 = arith.index_cast %parallel_loop3A_338 : i32 to index
        %parallel_loop3A_454 = arith.constant 96 : index
        %parallel_loop3A_455 = tpu.vector_load %arg8[%parallel_loop3A_453, %parallel_loop3A_454] {strides = array<i32>} : memref<50x128xf32, #tpu.memory_space<vmem>>, vector<1x16xf32>,
        %parallel_loop3A_456 = vector.shape_cast %parallel_loop3A_455 : vector<1x16xf32> to vector<16xf32>
        %parallel_loop3A_457 = arith.constant 11.3137083 : f32
        %parallel_loop3A_458 = vector.broadcast %parallel_loop3A_457 : f32 to vector<16xf32>
        %parallel_loop3A_459 = arith.mulf %parallel_loop3A_456, %parallel_loop3A_458 : vector<16xf32>
        %parallel_loop3A_460 = arith.constant 0 : i32
        %parallel_loop3A_461 = arith.addi %parallel_loop3A_460, %parallel_loop3A_338 : i32
        %parallel_loop3A_462 = arith.index_cast %parallel_loop3A_461 : i32 to index
        %parallel_loop3A_463 = arith.constant 96 : index
        %parallel_loop3A_464 = tpu.vector_load %arg7[%parallel_loop3A_462, %parallel_loop3A_463] {strides = array<i32>} : memref<200x128xf32, #tpu.memory_space<vmem>>, vector<1x16xf32>,
        %parallel_loop3A_465 = vector.shape_cast %parallel_loop3A_464 : vector<1x16xf32> to vector<16xf32>
        %parallel_loop3A_466 = arith.addf %parallel_loop3A_459, %parallel_loop3A_465 : vector<16xf32>
        %parallel_loop3A_467 = arith.index_cast %parallel_loop3A_338 : i32 to index
        %parallel_loop3A_468 = arith.constant 96 : index
        %parallel_loop3A_469 = tpu.vector_load %arg8[%parallel_loop3A_467, %parallel_loop3A_468] {strides = array<i32>} : memref<50x128xf32, #tpu.memory_space<vmem>>, vector<1x16xf32>,
        %parallel_loop3A_470 = vector.shape_cast %parallel_loop3A_469 : vector<1x16xf32> to vector<16xf32>
        %parallel_loop3A_471 = vector.shape_cast %parallel_loop3A_466 : vector<16xf32> to vector<1x16xf32>
        tpu.vector_store %arg8[%parallel_loop3A_467, %parallel_loop3A_468], %parallel_loop3A_471 {strides = array<i32>} : memref<50x128xf32, #tpu.memory_space<vmem>>, vector<1x16xf32>,
        %parallel_loop3A_472 = arith.index_cast %parallel_loop3A_338 : i32 to index
        %parallel_loop3A_473 = arith.constant 112 : index
        %parallel_loop3A_474 = tpu.vector_load %arg8[%parallel_loop3A_472, %parallel_loop3A_473] {strides = array<i32>} : memref<50x128xf32, #tpu.memory_space<vmem>>, vector<1x16xf32>,
        %parallel_loop3A_475 = vector.shape_cast %parallel_loop3A_474 : vector<1x16xf32> to vector<16xf32>
        %parallel_loop3A_476 = arith.constant 11.3137083 : f32
        %parallel_loop3A_477 = vector.broadcast %parallel_loop3A_476 : f32 to vector<16xf32>
        %parallel_loop3A_478 = arith.mulf %parallel_loop3A_475, %parallel_loop3A_477 : vector<16xf32>
        %parallel_loop3A_479 = arith.constant 0 : i32
        %parallel_loop3A_480 = arith.addi %parallel_loop3A_479, %parallel_loop3A_338 : i32
        %parallel_loop3A_481 = arith.index_cast %parallel_loop3A_480 : i32 to index
        %parallel_loop3A_482 = arith.constant 112 : index
        %parallel_loop3A_483 = tpu.vector_load %arg7[%parallel_loop3A_481, %parallel_loop3A_482] {strides = array<i32>} : memref<200x128xf32, #tpu.memory_space<vmem>>, vector<1x16xf32>,
        %parallel_loop3A_484 = vector.shape_cast %parallel_loop3A_483 : vector<1x16xf32> to vector<16xf32>
        %parallel_loop3A_485 = arith.addf %parallel_loop3A_478, %parallel_loop3A_484 : vector<16xf32>
        %parallel_loop3A_486 = arith.index_cast %parallel_loop3A_338 : i32 to index
        %parallel_loop3A_487 = arith.constant 112 : index
        %parallel_loop3A_488 = tpu.vector_load %arg8[%parallel_loop3A_486, %parallel_loop3A_487] {strides = array<i32>} : memref<50x128xf32, #tpu.memory_space<vmem>>, vector<1x16xf32>,
        %parallel_loop3A_489 = vector.shape_cast %parallel_loop3A_488 : vector<1x16xf32> to vector<16xf32>
        %parallel_loop3A_490 = vector.shape_cast %parallel_loop3A_485 : vector<16xf32> to vector<1x16xf32>
        tpu.vector_store %arg8[%parallel_loop3A_486, %parallel_loop3A_487], %parallel_loop3A_490 {strides = array<i32>} : memref<50x128xf32, #tpu.memory_space<vmem>>, vector<1x16xf32>,
      } {sc.loop_unroll_factor = 4 : i64, sc.parallel_access}
      %mul3A_100 = arith.constant 8 : i32
      %mul3A_101 = arith.muli %mul3A_100, %scan3A_71 : i32
      %add3A_102 = arith.constant 1 : i32
      %add3A_103 = arith.addi %mul3A_101, %add3A_102 : i32
      %dma_wait3A_104 = arith.constant 0 : i32
      %dma_wait3A_105 = tpu.memref_slice %arg6[%add3A_103, %dma_wait3A_104] : memref<128x50xi32, #tpu.memory_space<vmem>> -> memref<1x50xi32, #tpu.memory_space<vmem>>
      %dma_wait3A_106 = tpu.memref_squeeze %dma_wait3A_105 : memref<1x50xi32, #tpu.memory_space<vmem>> -> memref<50xi32, #tpu.memory_space<vmem>>
      %dma_wait3A_107 = arith.constant 0 : i32
      %dma_wait3A_108 = arith.constant 0 : i32
      %dma_wait3A_109 = tpu.memref_slice %arg3[%dma_wait3A_107, %dma_wait3A_108] : memref<100000x128xf32, #tpu.memory_space<hbm>> -> memref<100000x128xf32, #tpu.memory_space<hbm>>
      tpu.wait_indirect_dma semaphore(%arg17 : memref<!tpu.dma_semaphore, #tpu.memory_space<semaphore_mem>>) src(%dma_wait3A_109 : memref<100000x128xf32, #tpu.memory_space<hbm>>) dst(%arg9 : memref<50x128xf32, #tpu.memory_space<vmem>>)
      %ge3A_110 = arith.constant 2 : i32
      %ge3A_111 = arith.cmpi sge, %add3A_103, %ge3A_110 : i32
      %convert_element_type3A_112 = arith.extui %ge3A_111 : i1 to i32
      %cond3A_113 = arith.constant 0 : i32
      %cond3A_114 = arith.cmpi ne, %convert_element_type3A_112, %cond3A_113 : i32
      scf.if %cond3A_114 {
        %sub3A_338 = arith.constant 2 : i32
        %sub3A_339 = arith.subi %add3A_103, %sub3A_338 : i32
        %mul3A_340 = arith.constant 50 : i32
        %mul3A_341 = arith.muli %sub3A_339, %mul3A_340 : i32
        %add3A_342 = arith.addi %mul3A_2, %mul3A_341 : i32
        %dma_start3A_343 = arith.constant 0 : i32
        %dma_start3A_344 = tpu.memref_slice %arg5[%add3A_342, %dma_start3A_343] : memref<204800x128xf32, #tpu.memory_space<hbm>> -> memref<50x128xf32, #tpu.memory_space<hbm>>
        %dma_start3A_345 = arith.constant 0 : i32
        %dma_start3A_346 = tpu.memref_slice %arg5[%add3A_342, %dma_start3A_345] : memref<204800x128xf32, #tpu.memory_space<hbm>> -> memref<50x128xf32, #tpu.memory_space<hbm>>
        tpu.enqueue_dma source(%arg15 : memref<50x128xf32, #tpu.memory_space<vmem>>) target(%dma_start3A_346 : memref<50x128xf32, #tpu.memory_space<hbm>>) target_semaphore(%arg31 : memref<!tpu.dma_semaphore, #tpu.memory_space<semaphore_mem>>)
      } else {
      }
      %add3A_115 = arith.constant 3 : i32
      %add3A_116 = arith.addi %add3A_103, %add3A_115 : i32
      %sub3A_117 = arith.constant 8 : i32
      %sub3A_118 = arith.subi %add3A_116, %sub3A_117 : i32
      %ge3A_119 = arith.constant 0 : i32
      %ge3A_120 = arith.cmpi sge, %sub3A_118, %ge3A_119 : i32
      %convert_element_type3A_121 = arith.extui %ge3A_120 : i1 to i32
      %cond3A_122 = arith.constant 0 : i32
      %cond3A_123 = arith.cmpi ne, %convert_element_type3A_121, %cond3A_122 : i32
      scf.if %cond3A_123 {
        %add3A_338 = arith.constant 3 : i32
        %add3A_339 = arith.addi %add3A_103, %add3A_338 : i32
        %sub3A_340 = arith.constant 8 : i32
        %sub3A_341 = arith.subi %add3A_339, %sub3A_340 : i32
        %mul3A_342 = arith.constant 50 : i32
        %mul3A_343 = arith.muli %sub3A_341, %mul3A_342 : i32
        %add3A_344 = arith.addi %mul3A_2, %mul3A_343 : i32
        %dma_wait3A_345 = arith.constant 0 : i32
        %dma_wait3A_346 = tpu.memref_slice %arg5[%add3A_344, %dma_wait3A_345] : memref<204800x128xf32, #tpu.memory_space<hbm>> -> memref<50x128xf32, #tpu.memory_space<hbm>>
        %dma_wait3A_347 = arith.constant 0 : i32
        %dma_wait3A_348 = tpu.memref_slice %arg5[%add3A_344, %dma_wait3A_347] : memref<204800x128xf32, #tpu.memory_space<hbm>> -> memref<50x128xf32, #tpu.memory_space<hbm>>
        tpu.wait_dma2 semaphore(%arg28 : memref<!tpu.dma_semaphore, #tpu.memory_space<semaphore_mem>>) src(%arg12 : memref<50x128xf32, #tpu.memory_space<vmem>>) dst(%dma_wait3A_348 : memref<50x128xf32, #tpu.memory_space<hbm>>)
      } else {
      }
      %add3A_124 = arith.constant 3 : i32
      %add3A_125 = arith.addi %add3A_103, %add3A_124 : i32
      %lt3A_126 = arith.constant 128 : i32
      %lt3A_127 = arith.cmpi slt, %add3A_125, %lt3A_126 : i32
      %convert_element_type3A_128 = arith.extui %lt3A_127 : i1 to i32
      %cond3A_129 = arith.constant 0 : i32
      %cond3A_130 = arith.cmpi ne, %convert_element_type3A_128, %cond3A_129 : i32
      scf.if %cond3A_130 {
        %add3A_338 = arith.constant 3 : i32
        %add3A_339 = arith.addi %add3A_103, %add3A_338 : i32
        %dma_start3A_340 = arith.constant 0 : i32
        %dma_start3A_341 = tpu.memref_slice %arg6[%add3A_339, %dma_start3A_340] : memref<128x50xi32, #tpu.memory_space<vmem>> -> memref<1x50xi32, #tpu.memory_space<vmem>>
        %dma_start3A_342 = tpu.memref_squeeze %dma_start3A_341 : memref<1x50xi32, #tpu.memory_space<vmem>> -> memref<50xi32, #tpu.memory_space<vmem>>
        %dma_start3A_343 = arith.constant 0 : i32
        %dma_start3A_344 = arith.constant 0 : i32
        %dma_start3A_345 = tpu.memref_slice %arg3[%dma_start3A_343, %dma_start3A_344] : memref<100000x128xf32, #tpu.memory_space<hbm>> -> memref<100000x128xf32, #tpu.memory_space<hbm>>
        tpu.enqueue_indirect_dma source(%dma_start3A_345 : memref<100000x128xf32, #tpu.memory_space<hbm>>) target(%arg12 : memref<50x128xf32, #tpu.memory_space<vmem>>) offsets(%dma_start3A_342 : memref<50xi32, #tpu.memory_space<vmem>>) semaphore(%arg20 : memref<!tpu.dma_semaphore, #tpu.memory_space<semaphore_mem>>)
      } else {
      }
      %parallel_loop3A_131 = arith.constant 0 : i32
      %parallel_loop3A_132 = arith.constant 50 : i32
      %parallel_loop3A_133 = arith.constant 1 : i32
      scf.for %parallel_loop3A_338 = %parallel_loop3A_131 to %parallel_loop3A_132 step %parallel_loop3A_133  : i32 {
        %parallel_loop3A_339 = arith.index_cast %parallel_loop3A_338 : i32 to index
        %parallel_loop3A_340 = arith.constant 0 : index
        %parallel_loop3A_341 = tpu.vector_load %arg9[%parallel_loop3A_339, %parallel_loop3A_340] {strides = array<i32>} : memref<50x128xf32, #tpu.memory_space<vmem>>, vector<1x16xf32>,
        %parallel_loop3A_342 = vector.shape_cast %parallel_loop3A_341 : vector<1x16xf32> to vector<16xf32>
        %parallel_loop3A_343 = arith.constant 11.3137083 : f32
        %parallel_loop3A_344 = vector.broadcast %parallel_loop3A_343 : f32 to vector<16xf32>
        %parallel_loop3A_345 = arith.mulf %parallel_loop3A_342, %parallel_loop3A_344 : vector<16xf32>
        %parallel_loop3A_346 = arith.constant 50 : i32
        %parallel_loop3A_347 = arith.addi %parallel_loop3A_346, %parallel_loop3A_338 : i32
        %parallel_loop3A_348 = arith.index_cast %parallel_loop3A_347 : i32 to index
        %parallel_loop3A_349 = arith.constant 0 : index
        %parallel_loop3A_350 = tpu.vector_load %arg7[%parallel_loop3A_348, %parallel_loop3A_349] {strides = array<i32>} : memref<200x128xf32, #tpu.memory_space<vmem>>, vector<1x16xf32>,
        %parallel_loop3A_351 = vector.shape_cast %parallel_loop3A_350 : vector<1x16xf32> to vector<16xf32>
        %parallel_loop3A_352 = arith.addf %parallel_loop3A_345, %parallel_loop3A_351 : vector<16xf32>
        %parallel_loop3A_353 = arith.index_cast %parallel_loop3A_338 : i32 to index
        %parallel_loop3A_354 = arith.constant 0 : index
        %parallel_loop3A_355 = tpu.vector_load %arg9[%parallel_loop3A_353, %parallel_loop3A_354] {strides = array<i32>} : memref<50x128xf32, #tpu.memory_space<vmem>>, vector<1x16xf32>,
        %parallel_loop3A_356 = vector.shape_cast %parallel_loop3A_355 : vector<1x16xf32> to vector<16xf32>
        %parallel_loop3A_357 = vector.shape_cast %parallel_loop3A_352 : vector<16xf32> to vector<1x16xf32>
        tpu.vector_store %arg9[%parallel_loop3A_353, %parallel_loop3A_354], %parallel_loop3A_357 {strides = array<i32>} : memref<50x128xf32, #tpu.memory_space<vmem>>, vector<1x16xf32>,
        %parallel_loop3A_358 = arith.index_cast %parallel_loop3A_338 : i32 to index
        %parallel_loop3A_359 = arith.constant 16 : index
        %parallel_loop3A_360 = tpu.vector_load %arg9[%parallel_loop3A_358, %parallel_loop3A_359] {strides = array<i32>} : memref<50x128xf32, #tpu.memory_space<vmem>>, vector<1x16xf32>,
        %parallel_loop3A_361 = vector.shape_cast %parallel_loop3A_360 : vector<1x16xf32> to vector<16xf32>
        %parallel_loop3A_362 = arith.constant 11.3137083 : f32
        %parallel_loop3A_363 = vector.broadcast %parallel_loop3A_362 : f32 to vector<16xf32>
        %parallel_loop3A_364 = arith.mulf %parallel_loop3A_361, %parallel_loop3A_363 : vector<16xf32>
        %parallel_loop3A_365 = arith.constant 50 : i32
        %parallel_loop3A_366 = arith.addi %parallel_loop3A_365, %parallel_loop3A_338 : i32
        %parallel_loop3A_367 = arith.index_cast %parallel_loop3A_366 : i32 to index
        %parallel_loop3A_368 = arith.constant 16 : index
        %parallel_loop3A_369 = tpu.vector_load %arg7[%parallel_loop3A_367, %parallel_loop3A_368] {strides = array<i32>} : memref<200x128xf32, #tpu.memory_space<vmem>>, vector<1x16xf32>,
        %parallel_loop3A_370 = vector.shape_cast %parallel_loop3A_369 : vector<1x16xf32> to vector<16xf32>
        %parallel_loop3A_371 = arith.addf %parallel_loop3A_364, %parallel_loop3A_370 : vector<16xf32>
        %parallel_loop3A_372 = arith.index_cast %parallel_loop3A_338 : i32 to index
        %parallel_loop3A_373 = arith.constant 16 : index
        %parallel_loop3A_374 = tpu.vector_load %arg9[%parallel_loop3A_372, %parallel_loop3A_373] {strides = array<i32>} : memref<50x128xf32, #tpu.memory_space<vmem>>, vector<1x16xf32>,
        %parallel_loop3A_375 = vector.shape_cast %parallel_loop3A_374 : vector<1x16xf32> to vector<16xf32>
        %parallel_loop3A_376 = vector.shape_cast %parallel_loop3A_371 : vector<16xf32> to vector<1x16xf32>
        tpu.vector_store %arg9[%parallel_loop3A_372, %parallel_loop3A_373], %parallel_loop3A_376 {strides = array<i32>} : memref<50x128xf32, #tpu.memory_space<vmem>>, vector<1x16xf32>,
        %parallel_loop3A_377 = arith.index_cast %parallel_loop3A_338 : i32 to index
        %parallel_loop3A_378 = arith.constant 32 : index
        %parallel_loop3A_379 = tpu.vector_load %arg9[%parallel_loop3A_377, %parallel_loop3A_378] {strides = array<i32>} : memref<50x128xf32, #tpu.memory_space<vmem>>, vector<1x16xf32>,
        %parallel_loop3A_380 = vector.shape_cast %parallel_loop3A_379 : vector<1x16xf32> to vector<16xf32>
        %parallel_loop3A_381 = arith.constant 11.3137083 : f32
        %parallel_loop3A_382 = vector.broadcast %parallel_loop3A_381 : f32 to vector<16xf32>
        %parallel_loop3A_383 = arith.mulf %parallel_loop3A_380, %parallel_loop3A_382 : vector<16xf32>
        %parallel_loop3A_384 = arith.constant 50 : i32
        %parallel_loop3A_385 = arith.addi %parallel_loop3A_384, %parallel_loop3A_338 : i32
        %parallel_loop3A_386 = arith.index_cast %parallel_loop3A_385 : i32 to index
        %parallel_loop3A_387 = arith.constant 32 : index
        %parallel_loop3A_388 = tpu.vector_load %arg7[%parallel_loop3A_386, %parallel_loop3A_387] {strides = array<i32>} : memref<200x128xf32, #tpu.memory_space<vmem>>, vector<1x16xf32>,
        %parallel_loop3A_389 = vector.shape_cast %parallel_loop3A_388 : vector<1x16xf32> to vector<16xf32>
        %parallel_loop3A_390 = arith.addf %parallel_loop3A_383, %parallel_loop3A_389 : vector<16xf32>
        %parallel_loop3A_391 = arith.index_cast %parallel_loop3A_338 : i32 to index
        %parallel_loop3A_392 = arith.constant 32 : index
        %parallel_loop3A_393 = tpu.vector_load %arg9[%parallel_loop3A_391, %parallel_loop3A_392] {strides = array<i32>} : memref<50x128xf32, #tpu.memory_space<vmem>>, vector<1x16xf32>,
        %parallel_loop3A_394 = vector.shape_cast %parallel_loop3A_393 : vector<1x16xf32> to vector<16xf32>
        %parallel_loop3A_395 = vector.shape_cast %parallel_loop3A_390 : vector<16xf32> to vector<1x16xf32>
        tpu.vector_store %arg9[%parallel_loop3A_391, %parallel_loop3A_392], %parallel_loop3A_395 {strides = array<i32>} : memref<50x128xf32, #tpu.memory_space<vmem>>, vector<1x16xf32>,
        %parallel_loop3A_396 = arith.index_cast %parallel_loop3A_338 : i32 to index
        %parallel_loop3A_397 = arith.constant 48 : index
        %parallel_loop3A_398 = tpu.vector_load %arg9[%parallel_loop3A_396, %parallel_loop3A_397] {strides = array<i32>} : memref<50x128xf32, #tpu.memory_space<vmem>>, vector<1x16xf32>,
        %parallel_loop3A_399 = vector.shape_cast %parallel_loop3A_398 : vector<1x16xf32> to vector<16xf32>
        %parallel_loop3A_400 = arith.constant 11.3137083 : f32
        %parallel_loop3A_401 = vector.broadcast %parallel_loop3A_400 : f32 to vector<16xf32>
        %parallel_loop3A_402 = arith.mulf %parallel_loop3A_399, %parallel_loop3A_401 : vector<16xf32>
        %parallel_loop3A_403 = arith.constant 50 : i32
        %parallel_loop3A_404 = arith.addi %parallel_loop3A_403, %parallel_loop3A_338 : i32
        %parallel_loop3A_405 = arith.index_cast %parallel_loop3A_404 : i32 to index
        %parallel_loop3A_406 = arith.constant 48 : index
        %parallel_loop3A_407 = tpu.vector_load %arg7[%parallel_loop3A_405, %parallel_loop3A_406] {strides = array<i32>} : memref<200x128xf32, #tpu.memory_space<vmem>>, vector<1x16xf32>,
        %parallel_loop3A_408 = vector.shape_cast %parallel_loop3A_407 : vector<1x16xf32> to vector<16xf32>
        %parallel_loop3A_409 = arith.addf %parallel_loop3A_402, %parallel_loop3A_408 : vector<16xf32>
        %parallel_loop3A_410 = arith.index_cast %parallel_loop3A_338 : i32 to index
        %parallel_loop3A_411 = arith.constant 48 : index
        %parallel_loop3A_412 = tpu.vector_load %arg9[%parallel_loop3A_410, %parallel_loop3A_411] {strides = array<i32>} : memref<50x128xf32, #tpu.memory_space<vmem>>, vector<1x16xf32>,
        %parallel_loop3A_413 = vector.shape_cast %parallel_loop3A_412 : vector<1x16xf32> to vector<16xf32>
        %parallel_loop3A_414 = vector.shape_cast %parallel_loop3A_409 : vector<16xf32> to vector<1x16xf32>
        tpu.vector_store %arg9[%parallel_loop3A_410, %parallel_loop3A_411], %parallel_loop3A_414 {strides = array<i32>} : memref<50x128xf32, #tpu.memory_space<vmem>>, vector<1x16xf32>,
        %parallel_loop3A_415 = arith.index_cast %parallel_loop3A_338 : i32 to index
        %parallel_loop3A_416 = arith.constant 64 : index
        %parallel_loop3A_417 = tpu.vector_load %arg9[%parallel_loop3A_415, %parallel_loop3A_416] {strides = array<i32>} : memref<50x128xf32, #tpu.memory_space<vmem>>, vector<1x16xf32>,
        %parallel_loop3A_418 = vector.shape_cast %parallel_loop3A_417 : vector<1x16xf32> to vector<16xf32>
        %parallel_loop3A_419 = arith.constant 11.3137083 : f32
        %parallel_loop3A_420 = vector.broadcast %parallel_loop3A_419 : f32 to vector<16xf32>
        %parallel_loop3A_421 = arith.mulf %parallel_loop3A_418, %parallel_loop3A_420 : vector<16xf32>
        %parallel_loop3A_422 = arith.constant 50 : i32
        %parallel_loop3A_423 = arith.addi %parallel_loop3A_422, %parallel_loop3A_338 : i32
        %parallel_loop3A_424 = arith.index_cast %parallel_loop3A_423 : i32 to index
        %parallel_loop3A_425 = arith.constant 64 : index
        %parallel_loop3A_426 = tpu.vector_load %arg7[%parallel_loop3A_424, %parallel_loop3A_425] {strides = array<i32>} : memref<200x128xf32, #tpu.memory_space<vmem>>, vector<1x16xf32>,
        %parallel_loop3A_427 = vector.shape_cast %parallel_loop3A_426 : vector<1x16xf32> to vector<16xf32>
        %parallel_loop3A_428 = arith.addf %parallel_loop3A_421, %parallel_loop3A_427 : vector<16xf32>
        %parallel_loop3A_429 = arith.index_cast %parallel_loop3A_338 : i32 to index
        %parallel_loop3A_430 = arith.constant 64 : index
        %parallel_loop3A_431 = tpu.vector_load %arg9[%parallel_loop3A_429, %parallel_loop3A_430] {strides = array<i32>} : memref<50x128xf32, #tpu.memory_space<vmem>>, vector<1x16xf32>,
        %parallel_loop3A_432 = vector.shape_cast %parallel_loop3A_431 : vector<1x16xf32> to vector<16xf32>
        %parallel_loop3A_433 = vector.shape_cast %parallel_loop3A_428 : vector<16xf32> to vector<1x16xf32>
        tpu.vector_store %arg9[%parallel_loop3A_429, %parallel_loop3A_430], %parallel_loop3A_433 {strides = array<i32>} : memref<50x128xf32, #tpu.memory_space<vmem>>, vector<1x16xf32>,
        %parallel_loop3A_434 = arith.index_cast %parallel_loop3A_338 : i32 to index
        %parallel_loop3A_435 = arith.constant 80 : index
        %parallel_loop3A_436 = tpu.vector_load %arg9[%parallel_loop3A_434, %parallel_loop3A_435] {strides = array<i32>} : memref<50x128xf32, #tpu.memory_space<vmem>>, vector<1x16xf32>,
        %parallel_loop3A_437 = vector.shape_cast %parallel_loop3A_436 : vector<1x16xf32> to vector<16xf32>
        %parallel_loop3A_438 = arith.constant 11.3137083 : f32
        %parallel_loop3A_439 = vector.broadcast %parallel_loop3A_438 : f32 to vector<16xf32>
        %parallel_loop3A_440 = arith.mulf %parallel_loop3A_437, %parallel_loop3A_439 : vector<16xf32>
        %parallel_loop3A_441 = arith.constant 50 : i32
        %parallel_loop3A_442 = arith.addi %parallel_loop3A_441, %parallel_loop3A_338 : i32
        %parallel_loop3A_443 = arith.index_cast %parallel_loop3A_442 : i32 to index
        %parallel_loop3A_444 = arith.constant 80 : index
        %parallel_loop3A_445 = tpu.vector_load %arg7[%parallel_loop3A_443, %parallel_loop3A_444] {strides = array<i32>} : memref<200x128xf32, #tpu.memory_space<vmem>>, vector<1x16xf32>,
        %parallel_loop3A_446 = vector.shape_cast %parallel_loop3A_445 : vector<1x16xf32> to vector<16xf32>
        %parallel_loop3A_447 = arith.addf %parallel_loop3A_440, %parallel_loop3A_446 : vector<16xf32>
        %parallel_loop3A_448 = arith.index_cast %parallel_loop3A_338 : i32 to index
        %parallel_loop3A_449 = arith.constant 80 : index
        %parallel_loop3A_450 = tpu.vector_load %arg9[%parallel_loop3A_448, %parallel_loop3A_449] {strides = array<i32>} : memref<50x128xf32, #tpu.memory_space<vmem>>, vector<1x16xf32>,
        %parallel_loop3A_451 = vector.shape_cast %parallel_loop3A_450 : vector<1x16xf32> to vector<16xf32>
        %parallel_loop3A_452 = vector.shape_cast %parallel_loop3A_447 : vector<16xf32> to vector<1x16xf32>
        tpu.vector_store %arg9[%parallel_loop3A_448, %parallel_loop3A_449], %parallel_loop3A_452 {strides = array<i32>} : memref<50x128xf32, #tpu.memory_space<vmem>>, vector<1x16xf32>,
        %parallel_loop3A_453 = arith.index_cast %parallel_loop3A_338 : i32 to index
        %parallel_loop3A_454 = arith.constant 96 : index
        %parallel_loop3A_455 = tpu.vector_load %arg9[%parallel_loop3A_453, %parallel_loop3A_454] {strides = array<i32>} : memref<50x128xf32, #tpu.memory_space<vmem>>, vector<1x16xf32>,
        %parallel_loop3A_456 = vector.shape_cast %parallel_loop3A_455 : vector<1x16xf32> to vector<16xf32>
        %parallel_loop3A_457 = arith.constant 11.3137083 : f32
        %parallel_loop3A_458 = vector.broadcast %parallel_loop3A_457 : f32 to vector<16xf32>
        %parallel_loop3A_459 = arith.mulf %parallel_loop3A_456, %parallel_loop3A_458 : vector<16xf32>
        %parallel_loop3A_460 = arith.constant 50 : i32
        %parallel_loop3A_461 = arith.addi %parallel_loop3A_460, %parallel_loop3A_338 : i32
        %parallel_loop3A_462 = arith.index_cast %parallel_loop3A_461 : i32 to index
        %parallel_loop3A_463 = arith.constant 96 : index
        %parallel_loop3A_464 = tpu.vector_load %arg7[%parallel_loop3A_462, %parallel_loop3A_463] {strides = array<i32>} : memref<200x128xf32, #tpu.memory_space<vmem>>, vector<1x16xf32>,
        %parallel_loop3A_465 = vector.shape_cast %parallel_loop3A_464 : vector<1x16xf32> to vector<16xf32>
        %parallel_loop3A_466 = arith.addf %parallel_loop3A_459, %parallel_loop3A_465 : vector<16xf32>
        %parallel_loop3A_467 = arith.index_cast %parallel_loop3A_338 : i32 to index
        %parallel_loop3A_468 = arith.constant 96 : index
        %parallel_loop3A_469 = tpu.vector_load %arg9[%parallel_loop3A_467, %parallel_loop3A_468] {strides = array<i32>} : memref<50x128xf32, #tpu.memory_space<vmem>>, vector<1x16xf32>,
        %parallel_loop3A_470 = vector.shape_cast %parallel_loop3A_469 : vector<1x16xf32> to vector<16xf32>
        %parallel_loop3A_471 = vector.shape_cast %parallel_loop3A_466 : vector<16xf32> to vector<1x16xf32>
        tpu.vector_store %arg9[%parallel_loop3A_467, %parallel_loop3A_468], %parallel_loop3A_471 {strides = array<i32>} : memref<50x128xf32, #tpu.memory_space<vmem>>, vector<1x16xf32>,
        %parallel_loop3A_472 = arith.index_cast %parallel_loop3A_338 : i32 to index
        %parallel_loop3A_473 = arith.constant 112 : index
        %parallel_loop3A_474 = tpu.vector_load %arg9[%parallel_loop3A_472, %parallel_loop3A_473] {strides = array<i32>} : memref<50x128xf32, #tpu.memory_space<vmem>>, vector<1x16xf32>,
        %parallel_loop3A_475 = vector.shape_cast %parallel_loop3A_474 : vector<1x16xf32> to vector<16xf32>
        %parallel_loop3A_476 = arith.constant 11.3137083 : f32
        %parallel_loop3A_477 = vector.broadcast %parallel_loop3A_476 : f32 to vector<16xf32>
        %parallel_loop3A_478 = arith.mulf %parallel_loop3A_475, %parallel_loop3A_477 : vector<16xf32>
        %parallel_loop3A_479 = arith.constant 50 : i32
        %parallel_loop3A_480 = arith.addi %parallel_loop3A_479, %parallel_loop3A_338 : i32
        %parallel_loop3A_481 = arith.index_cast %parallel_loop3A_480 : i32 to index
        %parallel_loop3A_482 = arith.constant 112 : index
        %parallel_loop3A_483 = tpu.vector_load %arg7[%parallel_loop3A_481, %parallel_loop3A_482] {strides = array<i32>} : memref<200x128xf32, #tpu.memory_space<vmem>>, vector<1x16xf32>,
        %parallel_loop3A_484 = vector.shape_cast %parallel_loop3A_483 : vector<1x16xf32> to vector<16xf32>
        %parallel_loop3A_485 = arith.addf %parallel_loop3A_478, %parallel_loop3A_484 : vector<16xf32>
        %parallel_loop3A_486 = arith.index_cast %parallel_loop3A_338 : i32 to index
        %parallel_loop3A_487 = arith.constant 112 : index
        %parallel_loop3A_488 = tpu.vector_load %arg9[%parallel_loop3A_486, %parallel_loop3A_487] {strides = array<i32>} : memref<50x128xf32, #tpu.memory_space<vmem>>, vector<1x16xf32>,
        %parallel_loop3A_489 = vector.shape_cast %parallel_loop3A_488 : vector<1x16xf32> to vector<16xf32>
        %parallel_loop3A_490 = vector.shape_cast %parallel_loop3A_485 : vector<16xf32> to vector<1x16xf32>
        tpu.vector_store %arg9[%parallel_loop3A_486, %parallel_loop3A_487], %parallel_loop3A_490 {strides = array<i32>} : memref<50x128xf32, #tpu.memory_space<vmem>>, vector<1x16xf32>,
      } {sc.loop_unroll_factor = 4 : i64, sc.parallel_access}
      %mul3A_134 = arith.constant 8 : i32
      %mul3A_135 = arith.muli %mul3A_134, %scan3A_71 : i32
      %add3A_136 = arith.constant 2 : i32
      %add3A_137 = arith.addi %mul3A_135, %add3A_136 : i32
      %dma_wait3A_138 = arith.constant 0 : i32
      %dma_wait3A_139 = tpu.memref_slice %arg6[%add3A_137, %dma_wait3A_138] : memref<128x50xi32, #tpu.memory_space<vmem>> -> memref<1x50xi32, #tpu.memory_space<vmem>>
      %dma_wait3A_140 = tpu.memref_squeeze %dma_wait3A_139 : memref<1x50xi32, #tpu.memory_space<vmem>> -> memref<50xi32, #tpu.memory_space<vmem>>
      %dma_wait3A_141 = arith.constant 0 : i32
      %dma_wait3A_142 = arith.constant 0 : i32
      %dma_wait3A_143 = tpu.memref_slice %arg3[%dma_wait3A_141, %dma_wait3A_142] : memref<100000x128xf32, #tpu.memory_space<hbm>> -> memref<100000x128xf32, #tpu.memory_space<hbm>>
      tpu.wait_indirect_dma semaphore(%arg18 : memref<!tpu.dma_semaphore, #tpu.memory_space<semaphore_mem>>) src(%dma_wait3A_143 : memref<100000x128xf32, #tpu.memory_space<hbm>>) dst(%arg10 : memref<50x128xf32, #tpu.memory_space<vmem>>)
      %ge3A_144 = arith.constant 2 : i32
      %ge3A_145 = arith.cmpi sge, %add3A_137, %ge3A_144 : i32
      %convert_element_type3A_146 = arith.extui %ge3A_145 : i1 to i32
      %cond3A_147 = arith.constant 0 : i32
      %cond3A_148 = arith.cmpi ne, %convert_element_type3A_146, %cond3A_147 : i32
      scf.if %cond3A_148 {
        %sub3A_338 = arith.constant 2 : i32
        %sub3A_339 = arith.subi %add3A_137, %sub3A_338 : i32
        %mul3A_340 = arith.constant 50 : i32
        %mul3A_341 = arith.muli %sub3A_339, %mul3A_340 : i32
        %add3A_342 = arith.addi %mul3A_2, %mul3A_341 : i32
        %dma_start3A_343 = arith.constant 0 : i32
        %dma_start3A_344 = tpu.memref_slice %arg5[%add3A_342, %dma_start3A_343] : memref<204800x128xf32, #tpu.memory_space<hbm>> -> memref<50x128xf32, #tpu.memory_space<hbm>>
        %dma_start3A_345 = arith.constant 0 : i32
        %dma_start3A_346 = tpu.memref_slice %arg5[%add3A_342, %dma_start3A_345] : memref<204800x128xf32, #tpu.memory_space<hbm>> -> memref<50x128xf32, #tpu.memory_space<hbm>>
        tpu.enqueue_dma source(%arg8 : memref<50x128xf32, #tpu.memory_space<vmem>>) target(%dma_start3A_346 : memref<50x128xf32, #tpu.memory_space<hbm>>) target_semaphore(%arg24 : memref<!tpu.dma_semaphore, #tpu.memory_space<semaphore_mem>>)
      } else {
      }
      %add3A_149 = arith.constant 3 : i32
      %add3A_150 = arith.addi %add3A_137, %add3A_149 : i32
      %sub3A_151 = arith.constant 8 : i32
      %sub3A_152 = arith.subi %add3A_150, %sub3A_151 : i32
      %ge3A_153 = arith.constant 0 : i32
      %ge3A_154 = arith.cmpi sge, %sub3A_152, %ge3A_153 : i32
      %convert_element_type3A_155 = arith.extui %ge3A_154 : i1 to i32
      %cond3A_156 = arith.constant 0 : i32
      %cond3A_157 = arith.cmpi ne, %convert_element_type3A_155, %cond3A_156 : i32
      scf.if %cond3A_157 {
        %add3A_338 = arith.constant 3 : i32
        %add3A_339 = arith.addi %add3A_137, %add3A_338 : i32
        %sub3A_340 = arith.constant 8 : i32
        %sub3A_341 = arith.subi %add3A_339, %sub3A_340 : i32
        %mul3A_342 = arith.constant 50 : i32
        %mul3A_343 = arith.muli %sub3A_341, %mul3A_342 : i32
        %add3A_344 = arith.addi %mul3A_2, %mul3A_343 : i32
        %dma_wait3A_345 = arith.constant 0 : i32
        %dma_wait3A_346 = tpu.memref_slice %arg5[%add3A_344, %dma_wait3A_345] : memref<204800x128xf32, #tpu.memory_space<hbm>> -> memref<50x128xf32, #tpu.memory_space<hbm>>
        %dma_wait3A_347 = arith.constant 0 : i32
        %dma_wait3A_348 = tpu.memref_slice %arg5[%add3A_344, %dma_wait3A_347] : memref<204800x128xf32, #tpu.memory_space<hbm>> -> memref<50x128xf32, #tpu.memory_space<hbm>>
        tpu.wait_dma2 semaphore(%arg29 : memref<!tpu.dma_semaphore, #tpu.memory_space<semaphore_mem>>) src(%arg13 : memref<50x128xf32, #tpu.memory_space<vmem>>) dst(%dma_wait3A_348 : memref<50x128xf32, #tpu.memory_space<hbm>>)
      } else {
      }
      %add3A_158 = arith.constant 3 : i32
      %add3A_159 = arith.addi %add3A_137, %add3A_158 : i32
      %lt3A_160 = arith.constant 128 : i32
      %lt3A_161 = arith.cmpi slt, %add3A_159, %lt3A_160 : i32
      %convert_element_type3A_162 = arith.extui %lt3A_161 : i1 to i32
      %cond3A_163 = arith.constant 0 : i32
      %cond3A_164 = arith.cmpi ne, %convert_element_type3A_162, %cond3A_163 : i32
      scf.if %cond3A_164 {
        %add3A_338 = arith.constant 3 : i32
        %add3A_339 = arith.addi %add3A_137, %add3A_338 : i32
        %dma_start3A_340 = arith.constant 0 : i32
        %dma_start3A_341 = tpu.memref_slice %arg6[%add3A_339, %dma_start3A_340] : memref<128x50xi32, #tpu.memory_space<vmem>> -> memref<1x50xi32, #tpu.memory_space<vmem>>
        %dma_start3A_342 = tpu.memref_squeeze %dma_start3A_341 : memref<1x50xi32, #tpu.memory_space<vmem>> -> memref<50xi32, #tpu.memory_space<vmem>>
        %dma_start3A_343 = arith.constant 0 : i32
        %dma_start3A_344 = arith.constant 0 : i32
        %dma_start3A_345 = tpu.memref_slice %arg3[%dma_start3A_343, %dma_start3A_344] : memref<100000x128xf32, #tpu.memory_space<hbm>> -> memref<100000x128xf32, #tpu.memory_space<hbm>>
        tpu.enqueue_indirect_dma source(%dma_start3A_345 : memref<100000x128xf32, #tpu.memory_space<hbm>>) target(%arg13 : memref<50x128xf32, #tpu.memory_space<vmem>>) offsets(%dma_start3A_342 : memref<50xi32, #tpu.memory_space<vmem>>) semaphore(%arg21 : memref<!tpu.dma_semaphore, #tpu.memory_space<semaphore_mem>>)
      } else {
      }
      %parallel_loop3A_165 = arith.constant 0 : i32
      %parallel_loop3A_166 = arith.constant 50 : i32
      %parallel_loop3A_167 = arith.constant 1 : i32
      scf.for %parallel_loop3A_338 = %parallel_loop3A_165 to %parallel_loop3A_166 step %parallel_loop3A_167  : i32 {
        %parallel_loop3A_339 = arith.index_cast %parallel_loop3A_338 : i32 to index
        %parallel_loop3A_340 = arith.constant 0 : index
        %parallel_loop3A_341 = tpu.vector_load %arg10[%parallel_loop3A_339, %parallel_loop3A_340] {strides = array<i32>} : memref<50x128xf32, #tpu.memory_space<vmem>>, vector<1x16xf32>,
        %parallel_loop3A_342 = vector.shape_cast %parallel_loop3A_341 : vector<1x16xf32> to vector<16xf32>
        %parallel_loop3A_343 = arith.constant 11.3137083 : f32
        %parallel_loop3A_344 = vector.broadcast %parallel_loop3A_343 : f32 to vector<16xf32>
        %parallel_loop3A_345 = arith.mulf %parallel_loop3A_342, %parallel_loop3A_344 : vector<16xf32>
        %parallel_loop3A_346 = arith.constant 100 : i32
        %parallel_loop3A_347 = arith.addi %parallel_loop3A_346, %parallel_loop3A_338 : i32
        %parallel_loop3A_348 = arith.index_cast %parallel_loop3A_347 : i32 to index
        %parallel_loop3A_349 = arith.constant 0 : index
        %parallel_loop3A_350 = tpu.vector_load %arg7[%parallel_loop3A_348, %parallel_loop3A_349] {strides = array<i32>} : memref<200x128xf32, #tpu.memory_space<vmem>>, vector<1x16xf32>,
        %parallel_loop3A_351 = vector.shape_cast %parallel_loop3A_350 : vector<1x16xf32> to vector<16xf32>
        %parallel_loop3A_352 = arith.addf %parallel_loop3A_345, %parallel_loop3A_351 : vector<16xf32>
        %parallel_loop3A_353 = arith.index_cast %parallel_loop3A_338 : i32 to index
        %parallel_loop3A_354 = arith.constant 0 : index
        %parallel_loop3A_355 = tpu.vector_load %arg10[%parallel_loop3A_353, %parallel_loop3A_354] {strides = array<i32>} : memref<50x128xf32, #tpu.memory_space<vmem>>, vector<1x16xf32>,
        %parallel_loop3A_356 = vector.shape_cast %parallel_loop3A_355 : vector<1x16xf32> to vector<16xf32>
        %parallel_loop3A_357 = vector.shape_cast %parallel_loop3A_352 : vector<16xf32> to vector<1x16xf32>
        tpu.vector_store %arg10[%parallel_loop3A_353, %parallel_loop3A_354], %parallel_loop3A_357 {strides = array<i32>} : memref<50x128xf32, #tpu.memory_space<vmem>>, vector<1x16xf32>,
        %parallel_loop3A_358 = arith.index_cast %parallel_loop3A_338 : i32 to index
        %parallel_loop3A_359 = arith.constant 16 : index
        %parallel_loop3A_360 = tpu.vector_load %arg10[%parallel_loop3A_358, %parallel_loop3A_359] {strides = array<i32>} : memref<50x128xf32, #tpu.memory_space<vmem>>, vector<1x16xf32>,
        %parallel_loop3A_361 = vector.shape_cast %parallel_loop3A_360 : vector<1x16xf32> to vector<16xf32>
        %parallel_loop3A_362 = arith.constant 11.3137083 : f32
        %parallel_loop3A_363 = vector.broadcast %parallel_loop3A_362 : f32 to vector<16xf32>
        %parallel_loop3A_364 = arith.mulf %parallel_loop3A_361, %parallel_loop3A_363 : vector<16xf32>
        %parallel_loop3A_365 = arith.constant 100 : i32
        %parallel_loop3A_366 = arith.addi %parallel_loop3A_365, %parallel_loop3A_338 : i32
        %parallel_loop3A_367 = arith.index_cast %parallel_loop3A_366 : i32 to index
        %parallel_loop3A_368 = arith.constant 16 : index
        %parallel_loop3A_369 = tpu.vector_load %arg7[%parallel_loop3A_367, %parallel_loop3A_368] {strides = array<i32>} : memref<200x128xf32, #tpu.memory_space<vmem>>, vector<1x16xf32>,
        %parallel_loop3A_370 = vector.shape_cast %parallel_loop3A_369 : vector<1x16xf32> to vector<16xf32>
        %parallel_loop3A_371 = arith.addf %parallel_loop3A_364, %parallel_loop3A_370 : vector<16xf32>
        %parallel_loop3A_372 = arith.index_cast %parallel_loop3A_338 : i32 to index
        %parallel_loop3A_373 = arith.constant 16 : index
        %parallel_loop3A_374 = tpu.vector_load %arg10[%parallel_loop3A_372, %parallel_loop3A_373] {strides = array<i32>} : memref<50x128xf32, #tpu.memory_space<vmem>>, vector<1x16xf32>,
        %parallel_loop3A_375 = vector.shape_cast %parallel_loop3A_374 : vector<1x16xf32> to vector<16xf32>
        %parallel_loop3A_376 = vector.shape_cast %parallel_loop3A_371 : vector<16xf32> to vector<1x16xf32>
        tpu.vector_store %arg10[%parallel_loop3A_372, %parallel_loop3A_373], %parallel_loop3A_376 {strides = array<i32>} : memref<50x128xf32, #tpu.memory_space<vmem>>, vector<1x16xf32>,
        %parallel_loop3A_377 = arith.index_cast %parallel_loop3A_338 : i32 to index
        %parallel_loop3A_378 = arith.constant 32 : index
        %parallel_loop3A_379 = tpu.vector_load %arg10[%parallel_loop3A_377, %parallel_loop3A_378] {strides = array<i32>} : memref<50x128xf32, #tpu.memory_space<vmem>>, vector<1x16xf32>,
        %parallel_loop3A_380 = vector.shape_cast %parallel_loop3A_379 : vector<1x16xf32> to vector<16xf32>
        %parallel_loop3A_381 = arith.constant 11.3137083 : f32
        %parallel_loop3A_382 = vector.broadcast %parallel_loop3A_381 : f32 to vector<16xf32>
        %parallel_loop3A_383 = arith.mulf %parallel_loop3A_380, %parallel_loop3A_382 : vector<16xf32>
        %parallel_loop3A_384 = arith.constant 100 : i32
        %parallel_loop3A_385 = arith.addi %parallel_loop3A_384, %parallel_loop3A_338 : i32
        %parallel_loop3A_386 = arith.index_cast %parallel_loop3A_385 : i32 to index
        %parallel_loop3A_387 = arith.constant 32 : index
        %parallel_loop3A_388 = tpu.vector_load %arg7[%parallel_loop3A_386, %parallel_loop3A_387] {strides = array<i32>} : memref<200x128xf32, #tpu.memory_space<vmem>>, vector<1x16xf32>,
        %parallel_loop3A_389 = vector.shape_cast %parallel_loop3A_388 : vector<1x16xf32> to vector<16xf32>
        %parallel_loop3A_390 = arith.addf %parallel_loop3A_383, %parallel_loop3A_389 : vector<16xf32>
        %parallel_loop3A_391 = arith.index_cast %parallel_loop3A_338 : i32 to index
        %parallel_loop3A_392 = arith.constant 32 : index
        %parallel_loop3A_393 = tpu.vector_load %arg10[%parallel_loop3A_391, %parallel_loop3A_392] {strides = array<i32>} : memref<50x128xf32, #tpu.memory_space<vmem>>, vector<1x16xf32>,
        %parallel_loop3A_394 = vector.shape_cast %parallel_loop3A_393 : vector<1x16xf32> to vector<16xf32>
        %parallel_loop3A_395 = vector.shape_cast %parallel_loop3A_390 : vector<16xf32> to vector<1x16xf32>
        tpu.vector_store %arg10[%parallel_loop3A_391, %parallel_loop3A_392], %parallel_loop3A_395 {strides = array<i32>} : memref<50x128xf32, #tpu.memory_space<vmem>>, vector<1x16xf32>,
        %parallel_loop3A_396 = arith.index_cast %parallel_loop3A_338 : i32 to index
        %parallel_loop3A_397 = arith.constant 48 : index
        %parallel_loop3A_398 = tpu.vector_load %arg10[%parallel_loop3A_396, %parallel_loop3A_397] {strides = array<i32>} : memref<50x128xf32, #tpu.memory_space<vmem>>, vector<1x16xf32>,
        %parallel_loop3A_399 = vector.shape_cast %parallel_loop3A_398 : vector<1x16xf32> to vector<16xf32>
        %parallel_loop3A_400 = arith.constant 11.3137083 : f32
        %parallel_loop3A_401 = vector.broadcast %parallel_loop3A_400 : f32 to vector<16xf32>
        %parallel_loop3A_402 = arith.mulf %parallel_loop3A_399, %parallel_loop3A_401 : vector<16xf32>
        %parallel_loop3A_403 = arith.constant 100 : i32
        %parallel_loop3A_404 = arith.addi %parallel_loop3A_403, %parallel_loop3A_338 : i32
        %parallel_loop3A_405 = arith.index_cast %parallel_loop3A_404 : i32 to index
        %parallel_loop3A_406 = arith.constant 48 : index
        %parallel_loop3A_407 = tpu.vector_load %arg7[%parallel_loop3A_405, %parallel_loop3A_406] {strides = array<i32>} : memref<200x128xf32, #tpu.memory_space<vmem>>, vector<1x16xf32>,
        %parallel_loop3A_408 = vector.shape_cast %parallel_loop3A_407 : vector<1x16xf32> to vector<16xf32>
        %parallel_loop3A_409 = arith.addf %parallel_loop3A_402, %parallel_loop3A_408 : vector<16xf32>
        %parallel_loop3A_410 = arith.index_cast %parallel_loop3A_338 : i32 to index
        %parallel_loop3A_411 = arith.constant 48 : index
        %parallel_loop3A_412 = tpu.vector_load %arg10[%parallel_loop3A_410, %parallel_loop3A_411] {strides = array<i32>} : memref<50x128xf32, #tpu.memory_space<vmem>>, vector<1x16xf32>,
        %parallel_loop3A_413 = vector.shape_cast %parallel_loop3A_412 : vector<1x16xf32> to vector<16xf32>
        %parallel_loop3A_414 = vector.shape_cast %parallel_loop3A_409 : vector<16xf32> to vector<1x16xf32>
        tpu.vector_store %arg10[%parallel_loop3A_410, %parallel_loop3A_411], %parallel_loop3A_414 {strides = array<i32>} : memref<50x128xf32, #tpu.memory_space<vmem>>, vector<1x16xf32>,
        %parallel_loop3A_415 = arith.index_cast %parallel_loop3A_338 : i32 to index
        %parallel_loop3A_416 = arith.constant 64 : index
        %parallel_loop3A_417 = tpu.vector_load %arg10[%parallel_loop3A_415, %parallel_loop3A_416] {strides = array<i32>} : memref<50x128xf32, #tpu.memory_space<vmem>>, vector<1x16xf32>,
        %parallel_loop3A_418 = vector.shape_cast %parallel_loop3A_417 : vector<1x16xf32> to vector<16xf32>
        %parallel_loop3A_419 = arith.constant 11.3137083 : f32
        %parallel_loop3A_420 = vector.broadcast %parallel_loop3A_419 : f32 to vector<16xf32>
        %parallel_loop3A_421 = arith.mulf %parallel_loop3A_418, %parallel_loop3A_420 : vector<16xf32>
        %parallel_loop3A_422 = arith.constant 100 : i32
        %parallel_loop3A_423 = arith.addi %parallel_loop3A_422, %parallel_loop3A_338 : i32
        %parallel_loop3A_424 = arith.index_cast %parallel_loop3A_423 : i32 to index
        %parallel_loop3A_425 = arith.constant 64 : index
        %parallel_loop3A_426 = tpu.vector_load %arg7[%parallel_loop3A_424, %parallel_loop3A_425] {strides = array<i32>} : memref<200x128xf32, #tpu.memory_space<vmem>>, vector<1x16xf32>,
        %parallel_loop3A_427 = vector.shape_cast %parallel_loop3A_426 : vector<1x16xf32> to vector<16xf32>
        %parallel_loop3A_428 = arith.addf %parallel_loop3A_421, %parallel_loop3A_427 : vector<16xf32>
        %parallel_loop3A_429 = arith.index_cast %parallel_loop3A_338 : i32 to index
        %parallel_loop3A_430 = arith.constant 64 : index
        %parallel_loop3A_431 = tpu.vector_load %arg10[%parallel_loop3A_429, %parallel_loop3A_430] {strides = array<i32>} : memref<50x128xf32, #tpu.memory_space<vmem>>, vector<1x16xf32>,
        %parallel_loop3A_432 = vector.shape_cast %parallel_loop3A_431 : vector<1x16xf32> to vector<16xf32>
        %parallel_loop3A_433 = vector.shape_cast %parallel_loop3A_428 : vector<16xf32> to vector<1x16xf32>
        tpu.vector_store %arg10[%parallel_loop3A_429, %parallel_loop3A_430], %parallel_loop3A_433 {strides = array<i32>} : memref<50x128xf32, #tpu.memory_space<vmem>>, vector<1x16xf32>,
        %parallel_loop3A_434 = arith.index_cast %parallel_loop3A_338 : i32 to index
        %parallel_loop3A_435 = arith.constant 80 : index
        %parallel_loop3A_436 = tpu.vector_load %arg10[%parallel_loop3A_434, %parallel_loop3A_435] {strides = array<i32>} : memref<50x128xf32, #tpu.memory_space<vmem>>, vector<1x16xf32>,
        %parallel_loop3A_437 = vector.shape_cast %parallel_loop3A_436 : vector<1x16xf32> to vector<16xf32>
        %parallel_loop3A_438 = arith.constant 11.3137083 : f32
        %parallel_loop3A_439 = vector.broadcast %parallel_loop3A_438 : f32 to vector<16xf32>
        %parallel_loop3A_440 = arith.mulf %parallel_loop3A_437, %parallel_loop3A_439 : vector<16xf32>
        %parallel_loop3A_441 = arith.constant 100 : i32
        %parallel_loop3A_442 = arith.addi %parallel_loop3A_441, %parallel_loop3A_338 : i32
        %parallel_loop3A_443 = arith.index_cast %parallel_loop3A_442 : i32 to index
        %parallel_loop3A_444 = arith.constant 80 : index
        %parallel_loop3A_445 = tpu.vector_load %arg7[%parallel_loop3A_443, %parallel_loop3A_444] {strides = array<i32>} : memref<200x128xf32, #tpu.memory_space<vmem>>, vector<1x16xf32>,
        %parallel_loop3A_446 = vector.shape_cast %parallel_loop3A_445 : vector<1x16xf32> to vector<16xf32>
        %parallel_loop3A_447 = arith.addf %parallel_loop3A_440, %parallel_loop3A_446 : vector<16xf32>
        %parallel_loop3A_448 = arith.index_cast %parallel_loop3A_338 : i32 to index
        %parallel_loop3A_449 = arith.constant 80 : index
        %parallel_loop3A_450 = tpu.vector_load %arg10[%parallel_loop3A_448, %parallel_loop3A_449] {strides = array<i32>} : memref<50x128xf32, #tpu.memory_space<vmem>>, vector<1x16xf32>,
        %parallel_loop3A_451 = vector.shape_cast %parallel_loop3A_450 : vector<1x16xf32> to vector<16xf32>
        %parallel_loop3A_452 = vector.shape_cast %parallel_loop3A_447 : vector<16xf32> to vector<1x16xf32>
        tpu.vector_store %arg10[%parallel_loop3A_448, %parallel_loop3A_449], %parallel_loop3A_452 {strides = array<i32>} : memref<50x128xf32, #tpu.memory_space<vmem>>, vector<1x16xf32>,
        %parallel_loop3A_453 = arith.index_cast %parallel_loop3A_338 : i32 to index
        %parallel_loop3A_454 = arith.constant 96 : index
        %parallel_loop3A_455 = tpu.vector_load %arg10[%parallel_loop3A_453, %parallel_loop3A_454] {strides = array<i32>} : memref<50x128xf32, #tpu.memory_space<vmem>>, vector<1x16xf32>,
        %parallel_loop3A_456 = vector.shape_cast %parallel_loop3A_455 : vector<1x16xf32> to vector<16xf32>
        %parallel_loop3A_457 = arith.constant 11.3137083 : f32
        %parallel_loop3A_458 = vector.broadcast %parallel_loop3A_457 : f32 to vector<16xf32>
        %parallel_loop3A_459 = arith.mulf %parallel_loop3A_456, %parallel_loop3A_458 : vector<16xf32>
        %parallel_loop3A_460 = arith.constant 100 : i32
        %parallel_loop3A_461 = arith.addi %parallel_loop3A_460, %parallel_loop3A_338 : i32
        %parallel_loop3A_462 = arith.index_cast %parallel_loop3A_461 : i32 to index
        %parallel_loop3A_463 = arith.constant 96 : index
        %parallel_loop3A_464 = tpu.vector_load %arg7[%parallel_loop3A_462, %parallel_loop3A_463] {strides = array<i32>} : memref<200x128xf32, #tpu.memory_space<vmem>>, vector<1x16xf32>,
        %parallel_loop3A_465 = vector.shape_cast %parallel_loop3A_464 : vector<1x16xf32> to vector<16xf32>
        %parallel_loop3A_466 = arith.addf %parallel_loop3A_459, %parallel_loop3A_465 : vector<16xf32>
        %parallel_loop3A_467 = arith.index_cast %parallel_loop3A_338 : i32 to index
        %parallel_loop3A_468 = arith.constant 96 : index
        %parallel_loop3A_469 = tpu.vector_load %arg10[%parallel_loop3A_467, %parallel_loop3A_468] {strides = array<i32>} : memref<50x128xf32, #tpu.memory_space<vmem>>, vector<1x16xf32>,
        %parallel_loop3A_470 = vector.shape_cast %parallel_loop3A_469 : vector<1x16xf32> to vector<16xf32>
        %parallel_loop3A_471 = vector.shape_cast %parallel_loop3A_466 : vector<16xf32> to vector<1x16xf32>
        tpu.vector_store %arg10[%parallel_loop3A_467, %parallel_loop3A_468], %parallel_loop3A_471 {strides = array<i32>} : memref<50x128xf32, #tpu.memory_space<vmem>>, vector<1x16xf32>,
        %parallel_loop3A_472 = arith.index_cast %parallel_loop3A_338 : i32 to index
        %parallel_loop3A_473 = arith.constant 112 : index
        %parallel_loop3A_474 = tpu.vector_load %arg10[%parallel_loop3A_472, %parallel_loop3A_473] {strides = array<i32>} : memref<50x128xf32, #tpu.memory_space<vmem>>, vector<1x16xf32>,
        %parallel_loop3A_475 = vector.shape_cast %parallel_loop3A_474 : vector<1x16xf32> to vector<16xf32>
        %parallel_loop3A_476 = arith.constant 11.3137083 : f32
        %parallel_loop3A_477 = vector.broadcast %parallel_loop3A_476 : f32 to vector<16xf32>
        %parallel_loop3A_478 = arith.mulf %parallel_loop3A_475, %parallel_loop3A_477 : vector<16xf32>
        %parallel_loop3A_479 = arith.constant 100 : i32
        %parallel_loop3A_480 = arith.addi %parallel_loop3A_479, %parallel_loop3A_338 : i32
        %parallel_loop3A_481 = arith.index_cast %parallel_loop3A_480 : i32 to index
        %parallel_loop3A_482 = arith.constant 112 : index
        %parallel_loop3A_483 = tpu.vector_load %arg7[%parallel_loop3A_481, %parallel_loop3A_482] {strides = array<i32>} : memref<200x128xf32, #tpu.memory_space<vmem>>, vector<1x16xf32>,
        %parallel_loop3A_484 = vector.shape_cast %parallel_loop3A_483 : vector<1x16xf32> to vector<16xf32>
        %parallel_loop3A_485 = arith.addf %parallel_loop3A_478, %parallel_loop3A_484 : vector<16xf32>
        %parallel_loop3A_486 = arith.index_cast %parallel_loop3A_338 : i32 to index
        %parallel_loop3A_487 = arith.constant 112 : index
        %parallel_loop3A_488 = tpu.vector_load %arg10[%parallel_loop3A_486, %parallel_loop3A_487] {strides = array<i32>} : memref<50x128xf32, #tpu.memory_space<vmem>>, vector<1x16xf32>,
        %parallel_loop3A_489 = vector.shape_cast %parallel_loop3A_488 : vector<1x16xf32> to vector<16xf32>
        %parallel_loop3A_490 = vector.shape_cast %parallel_loop3A_485 : vector<16xf32> to vector<1x16xf32>
        tpu.vector_store %arg10[%parallel_loop3A_486, %parallel_loop3A_487], %parallel_loop3A_490 {strides = array<i32>} : memref<50x128xf32, #tpu.memory_space<vmem>>, vector<1x16xf32>,
      } {sc.loop_unroll_factor = 4 : i64, sc.parallel_access}
      %mul3A_168 = arith.constant 8 : i32
      %mul3A_169 = arith.muli %mul3A_168, %scan3A_71 : i32
      %add3A_170 = arith.constant 3 : i32
      %add3A_171 = arith.addi %mul3A_169, %add3A_170 : i32
      %dma_wait3A_172 = arith.constant 0 : i32
      %dma_wait3A_173 = tpu.memref_slice %arg6[%add3A_171, %dma_wait3A_172] : memref<128x50xi32, #tpu.memory_space<vmem>> -> memref<1x50xi32, #tpu.memory_space<vmem>>
      %dma_wait3A_174 = tpu.memref_squeeze %dma_wait3A_173 : memref<1x50xi32, #tpu.memory_space<vmem>> -> memref<50xi32, #tpu.memory_space<vmem>>
      %dma_wait3A_175 = arith.constant 0 : i32
      %dma_wait3A_176 = arith.constant 0 : i32
      %dma_wait3A_177 = tpu.memref_slice %arg3[%dma_wait3A_175, %dma_wait3A_176] : memref<100000x128xf32, #tpu.memory_space<hbm>> -> memref<100000x128xf32, #tpu.memory_space<hbm>>
      tpu.wait_indirect_dma semaphore(%arg19 : memref<!tpu.dma_semaphore, #tpu.memory_space<semaphore_mem>>) src(%dma_wait3A_177 : memref<100000x128xf32, #tpu.memory_space<hbm>>) dst(%arg11 : memref<50x128xf32, #tpu.memory_space<vmem>>)
      %ge3A_178 = arith.constant 2 : i32
      %ge3A_179 = arith.cmpi sge, %add3A_171, %ge3A_178 : i32
      %convert_element_type3A_180 = arith.extui %ge3A_179 : i1 to i32
      %cond3A_181 = arith.constant 0 : i32
      %cond3A_182 = arith.cmpi ne, %convert_element_type3A_180, %cond3A_181 : i32
      scf.if %cond3A_182 {
        %sub3A_338 = arith.constant 2 : i32
        %sub3A_339 = arith.subi %add3A_171, %sub3A_338 : i32
        %mul3A_340 = arith.constant 50 : i32
        %mul3A_341 = arith.muli %sub3A_339, %mul3A_340 : i32
        %add3A_342 = arith.addi %mul3A_2, %mul3A_341 : i32
        %dma_start3A_343 = arith.constant 0 : i32
        %dma_start3A_344 = tpu.memref_slice %arg5[%add3A_342, %dma_start3A_343] : memref<204800x128xf32, #tpu.memory_space<hbm>> -> memref<50x128xf32, #tpu.memory_space<hbm>>
        %dma_start3A_345 = arith.constant 0 : i32
        %dma_start3A_346 = tpu.memref_slice %arg5[%add3A_342, %dma_start3A_345] : memref<204800x128xf32, #tpu.memory_space<hbm>> -> memref<50x128xf32, #tpu.memory_space<hbm>>
        tpu.enqueue_dma source(%arg9 : memref<50x128xf32, #tpu.memory_space<vmem>>) target(%dma_start3A_346 : memref<50x128xf32, #tpu.memory_space<hbm>>) target_semaphore(%arg25 : memref<!tpu.dma_semaphore, #tpu.memory_space<semaphore_mem>>)
      } else {
      }
      %add3A_183 = arith.constant 3 : i32
      %add3A_184 = arith.addi %add3A_171, %add3A_183 : i32
      %sub3A_185 = arith.constant 8 : i32
      %sub3A_186 = arith.subi %add3A_184, %sub3A_185 : i32
      %ge3A_187 = arith.constant 0 : i32
      %ge3A_188 = arith.cmpi sge, %sub3A_186, %ge3A_187 : i32
      %convert_element_type3A_189 = arith.extui %ge3A_188 : i1 to i32
      %cond3A_190 = arith.constant 0 : i32
      %cond3A_191 = arith.cmpi ne, %convert_element_type3A_189, %cond3A_190 : i32
      scf.if %cond3A_191 {
        %add3A_338 = arith.constant 3 : i32
        %add3A_339 = arith.addi %add3A_171, %add3A_338 : i32
        %sub3A_340 = arith.constant 8 : i32
        %sub3A_341 = arith.subi %add3A_339, %sub3A_340 : i32
        %mul3A_342 = arith.constant 50 : i32
        %mul3A_343 = arith.muli %sub3A_341, %mul3A_342 : i32
        %add3A_344 = arith.addi %mul3A_2, %mul3A_343 : i32
        %dma_wait3A_345 = arith.constant 0 : i32
        %dma_wait3A_346 = tpu.memref_slice %arg5[%add3A_344, %dma_wait3A_345] : memref<204800x128xf32, #tpu.memory_space<hbm>> -> memref<50x128xf32, #tpu.memory_space<hbm>>
        %dma_wait3A_347 = arith.constant 0 : i32
        %dma_wait3A_348 = tpu.memref_slice %arg5[%add3A_344, %dma_wait3A_347] : memref<204800x128xf32, #tpu.memory_space<hbm>> -> memref<50x128xf32, #tpu.memory_space<hbm>>
        tpu.wait_dma2 semaphore(%arg30 : memref<!tpu.dma_semaphore, #tpu.memory_space<semaphore_mem>>) src(%arg14 : memref<50x128xf32, #tpu.memory_space<vmem>>) dst(%dma_wait3A_348 : memref<50x128xf32, #tpu.memory_space<hbm>>)
      } else {
      }
      %add3A_192 = arith.constant 3 : i32
      %add3A_193 = arith.addi %add3A_171, %add3A_192 : i32
      %lt3A_194 = arith.constant 128 : i32
      %lt3A_195 = arith.cmpi slt, %add3A_193, %lt3A_194 : i32
      %convert_element_type3A_196 = arith.extui %lt3A_195 : i1 to i32
      %cond3A_197 = arith.constant 0 : i32
      %cond3A_198 = arith.cmpi ne, %convert_element_type3A_196, %cond3A_197 : i32
      scf.if %cond3A_198 {
        %add3A_338 = arith.constant 3 : i32
        %add3A_339 = arith.addi %add3A_171, %add3A_338 : i32
        %dma_start3A_340 = arith.constant 0 : i32
        %dma_start3A_341 = tpu.memref_slice %arg6[%add3A_339, %dma_start3A_340] : memref<128x50xi32, #tpu.memory_space<vmem>> -> memref<1x50xi32, #tpu.memory_space<vmem>>
        %dma_start3A_342 = tpu.memref_squeeze %dma_start3A_341 : memref<1x50xi32, #tpu.memory_space<vmem>> -> memref<50xi32, #tpu.memory_space<vmem>>
        %dma_start3A_343 = arith.constant 0 : i32
        %dma_start3A_344 = arith.constant 0 : i32
        %dma_start3A_345 = tpu.memref_slice %arg3[%dma_start3A_343, %dma_start3A_344] : memref<100000x128xf32, #tpu.memory_space<hbm>> -> memref<100000x128xf32, #tpu.memory_space<hbm>>
        tpu.enqueue_indirect_dma source(%dma_start3A_345 : memref<100000x128xf32, #tpu.memory_space<hbm>>) target(%arg14 : memref<50x128xf32, #tpu.memory_space<vmem>>) offsets(%dma_start3A_342 : memref<50xi32, #tpu.memory_space<vmem>>) semaphore(%arg22 : memref<!tpu.dma_semaphore, #tpu.memory_space<semaphore_mem>>)
      } else {
      }
      %parallel_loop3A_199 = arith.constant 0 : i32
      %parallel_loop3A_200 = arith.constant 50 : i32
      %parallel_loop3A_201 = arith.constant 1 : i32
      scf.for %parallel_loop3A_338 = %parallel_loop3A_199 to %parallel_loop3A_200 step %parallel_loop3A_201  : i32 {
        %parallel_loop3A_339 = arith.index_cast %parallel_loop3A_338 : i32 to index
        %parallel_loop3A_340 = arith.constant 0 : index
        %parallel_loop3A_341 = tpu.vector_load %arg11[%parallel_loop3A_339, %parallel_loop3A_340] {strides = array<i32>} : memref<50x128xf32, #tpu.memory_space<vmem>>, vector<1x16xf32>,
        %parallel_loop3A_342 = vector.shape_cast %parallel_loop3A_341 : vector<1x16xf32> to vector<16xf32>
        %parallel_loop3A_343 = arith.constant 11.3137083 : f32
        %parallel_loop3A_344 = vector.broadcast %parallel_loop3A_343 : f32 to vector<16xf32>
        %parallel_loop3A_345 = arith.mulf %parallel_loop3A_342, %parallel_loop3A_344 : vector<16xf32>
        %parallel_loop3A_346 = arith.constant 150 : i32
        %parallel_loop3A_347 = arith.addi %parallel_loop3A_346, %parallel_loop3A_338 : i32
        %parallel_loop3A_348 = arith.index_cast %parallel_loop3A_347 : i32 to index
        %parallel_loop3A_349 = arith.constant 0 : index
        %parallel_loop3A_350 = tpu.vector_load %arg7[%parallel_loop3A_348, %parallel_loop3A_349] {strides = array<i32>} : memref<200x128xf32, #tpu.memory_space<vmem>>, vector<1x16xf32>,
        %parallel_loop3A_351 = vector.shape_cast %parallel_loop3A_350 : vector<1x16xf32> to vector<16xf32>
        %parallel_loop3A_352 = arith.addf %parallel_loop3A_345, %parallel_loop3A_351 : vector<16xf32>
        %parallel_loop3A_353 = arith.index_cast %parallel_loop3A_338 : i32 to index
        %parallel_loop3A_354 = arith.constant 0 : index
        %parallel_loop3A_355 = tpu.vector_load %arg11[%parallel_loop3A_353, %parallel_loop3A_354] {strides = array<i32>} : memref<50x128xf32, #tpu.memory_space<vmem>>, vector<1x16xf32>,
        %parallel_loop3A_356 = vector.shape_cast %parallel_loop3A_355 : vector<1x16xf32> to vector<16xf32>
        %parallel_loop3A_357 = vector.shape_cast %parallel_loop3A_352 : vector<16xf32> to vector<1x16xf32>
        tpu.vector_store %arg11[%parallel_loop3A_353, %parallel_loop3A_354], %parallel_loop3A_357 {strides = array<i32>} : memref<50x128xf32, #tpu.memory_space<vmem>>, vector<1x16xf32>,
        %parallel_loop3A_358 = arith.index_cast %parallel_loop3A_338 : i32 to index
        %parallel_loop3A_359 = arith.constant 16 : index
        %parallel_loop3A_360 = tpu.vector_load %arg11[%parallel_loop3A_358, %parallel_loop3A_359] {strides = array<i32>} : memref<50x128xf32, #tpu.memory_space<vmem>>, vector<1x16xf32>,
        %parallel_loop3A_361 = vector.shape_cast %parallel_loop3A_360 : vector<1x16xf32> to vector<16xf32>
        %parallel_loop3A_362 = arith.constant 11.3137083 : f32
        %parallel_loop3A_363 = vector.broadcast %parallel_loop3A_362 : f32 to vector<16xf32>
        %parallel_loop3A_364 = arith.mulf %parallel_loop3A_361, %parallel_loop3A_363 : vector<16xf32>
        %parallel_loop3A_365 = arith.constant 150 : i32
        %parallel_loop3A_366 = arith.addi %parallel_loop3A_365, %parallel_loop3A_338 : i32
        %parallel_loop3A_367 = arith.index_cast %parallel_loop3A_366 : i32 to index
        %parallel_loop3A_368 = arith.constant 16 : index
        %parallel_loop3A_369 = tpu.vector_load %arg7[%parallel_loop3A_367, %parallel_loop3A_368] {strides = array<i32>} : memref<200x128xf32, #tpu.memory_space<vmem>>, vector<1x16xf32>,
        %parallel_loop3A_370 = vector.shape_cast %parallel_loop3A_369 : vector<1x16xf32> to vector<16xf32>
        %parallel_loop3A_371 = arith.addf %parallel_loop3A_364, %parallel_loop3A_370 : vector<16xf32>
        %parallel_loop3A_372 = arith.index_cast %parallel_loop3A_338 : i32 to index
        %parallel_loop3A_373 = arith.constant 16 : index
        %parallel_loop3A_374 = tpu.vector_load %arg11[%parallel_loop3A_372, %parallel_loop3A_373] {strides = array<i32>} : memref<50x128xf32, #tpu.memory_space<vmem>>, vector<1x16xf32>,
        %parallel_loop3A_375 = vector.shape_cast %parallel_loop3A_374 : vector<1x16xf32> to vector<16xf32>
        %parallel_loop3A_376 = vector.shape_cast %parallel_loop3A_371 : vector<16xf32> to vector<1x16xf32>
        tpu.vector_store %arg11[%parallel_loop3A_372, %parallel_loop3A_373], %parallel_loop3A_376 {strides = array<i32>} : memref<50x128xf32, #tpu.memory_space<vmem>>, vector<1x16xf32>,
        %parallel_loop3A_377 = arith.index_cast %parallel_loop3A_338 : i32 to index
        %parallel_loop3A_378 = arith.constant 32 : index
        %parallel_loop3A_379 = tpu.vector_load %arg11[%parallel_loop3A_377, %parallel_loop3A_378] {strides = array<i32>} : memref<50x128xf32, #tpu.memory_space<vmem>>, vector<1x16xf32>,
        %parallel_loop3A_380 = vector.shape_cast %parallel_loop3A_379 : vector<1x16xf32> to vector<16xf32>
        %parallel_loop3A_381 = arith.constant 11.3137083 : f32
        %parallel_loop3A_382 = vector.broadcast %parallel_loop3A_381 : f32 to vector<16xf32>
        %parallel_loop3A_383 = arith.mulf %parallel_loop3A_380, %parallel_loop3A_382 : vector<16xf32>
        %parallel_loop3A_384 = arith.constant 150 : i32
        %parallel_loop3A_385 = arith.addi %parallel_loop3A_384, %parallel_loop3A_338 : i32
        %parallel_loop3A_386 = arith.index_cast %parallel_loop3A_385 : i32 to index
        %parallel_loop3A_387 = arith.constant 32 : index
        %parallel_loop3A_388 = tpu.vector_load %arg7[%parallel_loop3A_386, %parallel_loop3A_387] {strides = array<i32>} : memref<200x128xf32, #tpu.memory_space<vmem>>, vector<1x16xf32>,
        %parallel_loop3A_389 = vector.shape_cast %parallel_loop3A_388 : vector<1x16xf32> to vector<16xf32>
        %parallel_loop3A_390 = arith.addf %parallel_loop3A_383, %parallel_loop3A_389 : vector<16xf32>
        %parallel_loop3A_391 = arith.index_cast %parallel_loop3A_338 : i32 to index
        %parallel_loop3A_392 = arith.constant 32 : index
        %parallel_loop3A_393 = tpu.vector_load %arg11[%parallel_loop3A_391, %parallel_loop3A_392] {strides = array<i32>} : memref<50x128xf32, #tpu.memory_space<vmem>>, vector<1x16xf32>,
        %parallel_loop3A_394 = vector.shape_cast %parallel_loop3A_393 : vector<1x16xf32> to vector<16xf32>
        %parallel_loop3A_395 = vector.shape_cast %parallel_loop3A_390 : vector<16xf32> to vector<1x16xf32>
        tpu.vector_store %arg11[%parallel_loop3A_391, %parallel_loop3A_392], %parallel_loop3A_395 {strides = array<i32>} : memref<50x128xf32, #tpu.memory_space<vmem>>, vector<1x16xf32>,
        %parallel_loop3A_396 = arith.index_cast %parallel_loop3A_338 : i32 to index
        %parallel_loop3A_397 = arith.constant 48 : index
        %parallel_loop3A_398 = tpu.vector_load %arg11[%parallel_loop3A_396, %parallel_loop3A_397] {strides = array<i32>} : memref<50x128xf32, #tpu.memory_space<vmem>>, vector<1x16xf32>,
        %parallel_loop3A_399 = vector.shape_cast %parallel_loop3A_398 : vector<1x16xf32> to vector<16xf32>
        %parallel_loop3A_400 = arith.constant 11.3137083 : f32
        %parallel_loop3A_401 = vector.broadcast %parallel_loop3A_400 : f32 to vector<16xf32>
        %parallel_loop3A_402 = arith.mulf %parallel_loop3A_399, %parallel_loop3A_401 : vector<16xf32>
        %parallel_loop3A_403 = arith.constant 150 : i32
        %parallel_loop3A_404 = arith.addi %parallel_loop3A_403, %parallel_loop3A_338 : i32
        %parallel_loop3A_405 = arith.index_cast %parallel_loop3A_404 : i32 to index
        %parallel_loop3A_406 = arith.constant 48 : index
        %parallel_loop3A_407 = tpu.vector_load %arg7[%parallel_loop3A_405, %parallel_loop3A_406] {strides = array<i32>} : memref<200x128xf32, #tpu.memory_space<vmem>>, vector<1x16xf32>,
        %parallel_loop3A_408 = vector.shape_cast %parallel_loop3A_407 : vector<1x16xf32> to vector<16xf32>
        %parallel_loop3A_409 = arith.addf %parallel_loop3A_402, %parallel_loop3A_408 : vector<16xf32>
        %parallel_loop3A_410 = arith.index_cast %parallel_loop3A_338 : i32 to index
        %parallel_loop3A_411 = arith.constant 48 : index
        %parallel_loop3A_412 = tpu.vector_load %arg11[%parallel_loop3A_410, %parallel_loop3A_411] {strides = array<i32>} : memref<50x128xf32, #tpu.memory_space<vmem>>, vector<1x16xf32>,
        %parallel_loop3A_413 = vector.shape_cast %parallel_loop3A_412 : vector<1x16xf32> to vector<16xf32>
        %parallel_loop3A_414 = vector.shape_cast %parallel_loop3A_409 : vector<16xf32> to vector<1x16xf32>
        tpu.vector_store %arg11[%parallel_loop3A_410, %parallel_loop3A_411], %parallel_loop3A_414 {strides = array<i32>} : memref<50x128xf32, #tpu.memory_space<vmem>>, vector<1x16xf32>,
        %parallel_loop3A_415 = arith.index_cast %parallel_loop3A_338 : i32 to index
        %parallel_loop3A_416 = arith.constant 64 : index
        %parallel_loop3A_417 = tpu.vector_load %arg11[%parallel_loop3A_415, %parallel_loop3A_416] {strides = array<i32>} : memref<50x128xf32, #tpu.memory_space<vmem>>, vector<1x16xf32>,
        %parallel_loop3A_418 = vector.shape_cast %parallel_loop3A_417 : vector<1x16xf32> to vector<16xf32>
        %parallel_loop3A_419 = arith.constant 11.3137083 : f32
        %parallel_loop3A_420 = vector.broadcast %parallel_loop3A_419 : f32 to vector<16xf32>
        %parallel_loop3A_421 = arith.mulf %parallel_loop3A_418, %parallel_loop3A_420 : vector<16xf32>
        %parallel_loop3A_422 = arith.constant 150 : i32
        %parallel_loop3A_423 = arith.addi %parallel_loop3A_422, %parallel_loop3A_338 : i32
        %parallel_loop3A_424 = arith.index_cast %parallel_loop3A_423 : i32 to index
        %parallel_loop3A_425 = arith.constant 64 : index
        %parallel_loop3A_426 = tpu.vector_load %arg7[%parallel_loop3A_424, %parallel_loop3A_425] {strides = array<i32>} : memref<200x128xf32, #tpu.memory_space<vmem>>, vector<1x16xf32>,
        %parallel_loop3A_427 = vector.shape_cast %parallel_loop3A_426 : vector<1x16xf32> to vector<16xf32>
        %parallel_loop3A_428 = arith.addf %parallel_loop3A_421, %parallel_loop3A_427 : vector<16xf32>
        %parallel_loop3A_429 = arith.index_cast %parallel_loop3A_338 : i32 to index
        %parallel_loop3A_430 = arith.constant 64 : index
        %parallel_loop3A_431 = tpu.vector_load %arg11[%parallel_loop3A_429, %parallel_loop3A_430] {strides = array<i32>} : memref<50x128xf32, #tpu.memory_space<vmem>>, vector<1x16xf32>,
        %parallel_loop3A_432 = vector.shape_cast %parallel_loop3A_431 : vector<1x16xf32> to vector<16xf32>
        %parallel_loop3A_433 = vector.shape_cast %parallel_loop3A_428 : vector<16xf32> to vector<1x16xf32>
        tpu.vector_store %arg11[%parallel_loop3A_429, %parallel_loop3A_430], %parallel_loop3A_433 {strides = array<i32>} : memref<50x128xf32, #tpu.memory_space<vmem>>, vector<1x16xf32>,
        %parallel_loop3A_434 = arith.index_cast %parallel_loop3A_338 : i32 to index
        %parallel_loop3A_435 = arith.constant 80 : index
        %parallel_loop3A_436 = tpu.vector_load %arg11[%parallel_loop3A_434, %parallel_loop3A_435] {strides = array<i32>} : memref<50x128xf32, #tpu.memory_space<vmem>>, vector<1x16xf32>,
        %parallel_loop3A_437 = vector.shape_cast %parallel_loop3A_436 : vector<1x16xf32> to vector<16xf32>
        %parallel_loop3A_438 = arith.constant 11.3137083 : f32
        %parallel_loop3A_439 = vector.broadcast %parallel_loop3A_438 : f32 to vector<16xf32>
        %parallel_loop3A_440 = arith.mulf %parallel_loop3A_437, %parallel_loop3A_439 : vector<16xf32>
        %parallel_loop3A_441 = arith.constant 150 : i32
        %parallel_loop3A_442 = arith.addi %parallel_loop3A_441, %parallel_loop3A_338 : i32
        %parallel_loop3A_443 = arith.index_cast %parallel_loop3A_442 : i32 to index
        %parallel_loop3A_444 = arith.constant 80 : index
        %parallel_loop3A_445 = tpu.vector_load %arg7[%parallel_loop3A_443, %parallel_loop3A_444] {strides = array<i32>} : memref<200x128xf32, #tpu.memory_space<vmem>>, vector<1x16xf32>,
        %parallel_loop3A_446 = vector.shape_cast %parallel_loop3A_445 : vector<1x16xf32> to vector<16xf32>
        %parallel_loop3A_447 = arith.addf %parallel_loop3A_440, %parallel_loop3A_446 : vector<16xf32>
        %parallel_loop3A_448 = arith.index_cast %parallel_loop3A_338 : i32 to index
        %parallel_loop3A_449 = arith.constant 80 : index
        %parallel_loop3A_450 = tpu.vector_load %arg11[%parallel_loop3A_448, %parallel_loop3A_449] {strides = array<i32>} : memref<50x128xf32, #tpu.memory_space<vmem>>, vector<1x16xf32>,
        %parallel_loop3A_451 = vector.shape_cast %parallel_loop3A_450 : vector<1x16xf32> to vector<16xf32>
        %parallel_loop3A_452 = vector.shape_cast %parallel_loop3A_447 : vector<16xf32> to vector<1x16xf32>
        tpu.vector_store %arg11[%parallel_loop3A_448, %parallel_loop3A_449], %parallel_loop3A_452 {strides = array<i32>} : memref<50x128xf32, #tpu.memory_space<vmem>>, vector<1x16xf32>,
        %parallel_loop3A_453 = arith.index_cast %parallel_loop3A_338 : i32 to index
        %parallel_loop3A_454 = arith.constant 96 : index
        %parallel_loop3A_455 = tpu.vector_load %arg11[%parallel_loop3A_453, %parallel_loop3A_454] {strides = array<i32>} : memref<50x128xf32, #tpu.memory_space<vmem>>, vector<1x16xf32>,
        %parallel_loop3A_456 = vector.shape_cast %parallel_loop3A_455 : vector<1x16xf32> to vector<16xf32>
        %parallel_loop3A_457 = arith.constant 11.3137083 : f32
        %parallel_loop3A_458 = vector.broadcast %parallel_loop3A_457 : f32 to vector<16xf32>
        %parallel_loop3A_459 = arith.mulf %parallel_loop3A_456, %parallel_loop3A_458 : vector<16xf32>
        %parallel_loop3A_460 = arith.constant 150 : i32
        %parallel_loop3A_461 = arith.addi %parallel_loop3A_460, %parallel_loop3A_338 : i32
        %parallel_loop3A_462 = arith.index_cast %parallel_loop3A_461 : i32 to index
        %parallel_loop3A_463 = arith.constant 96 : index
        %parallel_loop3A_464 = tpu.vector_load %arg7[%parallel_loop3A_462, %parallel_loop3A_463] {strides = array<i32>} : memref<200x128xf32, #tpu.memory_space<vmem>>, vector<1x16xf32>,
        %parallel_loop3A_465 = vector.shape_cast %parallel_loop3A_464 : vector<1x16xf32> to vector<16xf32>
        %parallel_loop3A_466 = arith.addf %parallel_loop3A_459, %parallel_loop3A_465 : vector<16xf32>
        %parallel_loop3A_467 = arith.index_cast %parallel_loop3A_338 : i32 to index
        %parallel_loop3A_468 = arith.constant 96 : index
        %parallel_loop3A_469 = tpu.vector_load %arg11[%parallel_loop3A_467, %parallel_loop3A_468] {strides = array<i32>} : memref<50x128xf32, #tpu.memory_space<vmem>>, vector<1x16xf32>,
        %parallel_loop3A_470 = vector.shape_cast %parallel_loop3A_469 : vector<1x16xf32> to vector<16xf32>
        %parallel_loop3A_471 = vector.shape_cast %parallel_loop3A_466 : vector<16xf32> to vector<1x16xf32>
        tpu.vector_store %arg11[%parallel_loop3A_467, %parallel_loop3A_468], %parallel_loop3A_471 {strides = array<i32>} : memref<50x128xf32, #tpu.memory_space<vmem>>, vector<1x16xf32>,
        %parallel_loop3A_472 = arith.index_cast %parallel_loop3A_338 : i32 to index
        %parallel_loop3A_473 = arith.constant 112 : index
        %parallel_loop3A_474 = tpu.vector_load %arg11[%parallel_loop3A_472, %parallel_loop3A_473] {strides = array<i32>} : memref<50x128xf32, #tpu.memory_space<vmem>>, vector<1x16xf32>,
        %parallel_loop3A_475 = vector.shape_cast %parallel_loop3A_474 : vector<1x16xf32> to vector<16xf32>
        %parallel_loop3A_476 = arith.constant 11.3137083 : f32
        %parallel_loop3A_477 = vector.broadcast %parallel_loop3A_476 : f32 to vector<16xf32>
        %parallel_loop3A_478 = arith.mulf %parallel_loop3A_475, %parallel_loop3A_477 : vector<16xf32>
        %parallel_loop3A_479 = arith.constant 150 : i32
        %parallel_loop3A_480 = arith.addi %parallel_loop3A_479, %parallel_loop3A_338 : i32
        %parallel_loop3A_481 = arith.index_cast %parallel_loop3A_480 : i32 to index
        %parallel_loop3A_482 = arith.constant 112 : index
        %parallel_loop3A_483 = tpu.vector_load %arg7[%parallel_loop3A_481, %parallel_loop3A_482] {strides = array<i32>} : memref<200x128xf32, #tpu.memory_space<vmem>>, vector<1x16xf32>,
        %parallel_loop3A_484 = vector.shape_cast %parallel_loop3A_483 : vector<1x16xf32> to vector<16xf32>
        %parallel_loop3A_485 = arith.addf %parallel_loop3A_478, %parallel_loop3A_484 : vector<16xf32>
        %parallel_loop3A_486 = arith.index_cast %parallel_loop3A_338 : i32 to index
        %parallel_loop3A_487 = arith.constant 112 : index
        %parallel_loop3A_488 = tpu.vector_load %arg11[%parallel_loop3A_486, %parallel_loop3A_487] {strides = array<i32>} : memref<50x128xf32, #tpu.memory_space<vmem>>, vector<1x16xf32>,
        %parallel_loop3A_489 = vector.shape_cast %parallel_loop3A_488 : vector<1x16xf32> to vector<16xf32>
        %parallel_loop3A_490 = vector.shape_cast %parallel_loop3A_485 : vector<16xf32> to vector<1x16xf32>
        tpu.vector_store %arg11[%parallel_loop3A_486, %parallel_loop3A_487], %parallel_loop3A_490 {strides = array<i32>} : memref<50x128xf32, #tpu.memory_space<vmem>>, vector<1x16xf32>,
      } {sc.loop_unroll_factor = 4 : i64, sc.parallel_access}
      %mul3A_202 = arith.constant 8 : i32
      %mul3A_203 = arith.muli %mul3A_202, %scan3A_71 : i32
      %add3A_204 = arith.constant 4 : i32
      %add3A_205 = arith.addi %mul3A_203, %add3A_204 : i32
      %dma_wait3A_206 = arith.constant 0 : i32
      %dma_wait3A_207 = tpu.memref_slice %arg6[%add3A_205, %dma_wait3A_206] : memref<128x50xi32, #tpu.memory_space<vmem>> -> memref<1x50xi32, #tpu.memory_space<vmem>>
      %dma_wait3A_208 = tpu.memref_squeeze %dma_wait3A_207 : memref<1x50xi32, #tpu.memory_space<vmem>> -> memref<50xi32, #tpu.memory_space<vmem>>
      %dma_wait3A_209 = arith.constant 0 : i32
      %dma_wait3A_210 = arith.constant 0 : i32
      %dma_wait3A_211 = tpu.memref_slice %arg3[%dma_wait3A_209, %dma_wait3A_210] : memref<100000x128xf32, #tpu.memory_space<hbm>> -> memref<100000x128xf32, #tpu.memory_space<hbm>>
      tpu.wait_indirect_dma semaphore(%arg20 : memref<!tpu.dma_semaphore, #tpu.memory_space<semaphore_mem>>) src(%dma_wait3A_211 : memref<100000x128xf32, #tpu.memory_space<hbm>>) dst(%arg12 : memref<50x128xf32, #tpu.memory_space<vmem>>)
      %ge3A_212 = arith.constant 2 : i32
      %ge3A_213 = arith.cmpi sge, %add3A_205, %ge3A_212 : i32
      %convert_element_type3A_214 = arith.extui %ge3A_213 : i1 to i32
      %cond3A_215 = arith.constant 0 : i32
      %cond3A_216 = arith.cmpi ne, %convert_element_type3A_214, %cond3A_215 : i32
      scf.if %cond3A_216 {
        %sub3A_338 = arith.constant 2 : i32
        %sub3A_339 = arith.subi %add3A_205, %sub3A_338 : i32
        %mul3A_340 = arith.constant 50 : i32
        %mul3A_341 = arith.muli %sub3A_339, %mul3A_340 : i32
        %add3A_342 = arith.addi %mul3A_2, %mul3A_341 : i32
        %dma_start3A_343 = arith.constant 0 : i32
        %dma_start3A_344 = tpu.memref_slice %arg5[%add3A_342, %dma_start3A_343] : memref<204800x128xf32, #tpu.memory_space<hbm>> -> memref<50x128xf32, #tpu.memory_space<hbm>>
        %dma_start3A_345 = arith.constant 0 : i32
        %dma_start3A_346 = tpu.memref_slice %arg5[%add3A_342, %dma_start3A_345] : memref<204800x128xf32, #tpu.memory_space<hbm>> -> memref<50x128xf32, #tpu.memory_space<hbm>>
        tpu.enqueue_dma source(%arg10 : memref<50x128xf32, #tpu.memory_space<vmem>>) target(%dma_start3A_346 : memref<50x128xf32, #tpu.memory_space<hbm>>) target_semaphore(%arg26 : memref<!tpu.dma_semaphore, #tpu.memory_space<semaphore_mem>>)
      } else {
      }
      %add3A_217 = arith.constant 3 : i32
      %add3A_218 = arith.addi %add3A_205, %add3A_217 : i32
      %sub3A_219 = arith.constant 8 : i32
      %sub3A_220 = arith.subi %add3A_218, %sub3A_219 : i32
      %ge3A_221 = arith.constant 0 : i32
      %ge3A_222 = arith.cmpi sge, %sub3A_220, %ge3A_221 : i32
      %convert_element_type3A_223 = arith.extui %ge3A_222 : i1 to i32
      %cond3A_224 = arith.constant 0 : i32
      %cond3A_225 = arith.cmpi ne, %convert_element_type3A_223, %cond3A_224 : i32
      scf.if %cond3A_225 {
        %add3A_338 = arith.constant 3 : i32
        %add3A_339 = arith.addi %add3A_205, %add3A_338 : i32
        %sub3A_340 = arith.constant 8 : i32
        %sub3A_341 = arith.subi %add3A_339, %sub3A_340 : i32
        %mul3A_342 = arith.constant 50 : i32
        %mul3A_343 = arith.muli %sub3A_341, %mul3A_342 : i32
        %add3A_344 = arith.addi %mul3A_2, %mul3A_343 : i32
        %dma_wait3A_345 = arith.constant 0 : i32
        %dma_wait3A_346 = tpu.memref_slice %arg5[%add3A_344, %dma_wait3A_345] : memref<204800x128xf32, #tpu.memory_space<hbm>> -> memref<50x128xf32, #tpu.memory_space<hbm>>
        %dma_wait3A_347 = arith.constant 0 : i32
        %dma_wait3A_348 = tpu.memref_slice %arg5[%add3A_344, %dma_wait3A_347] : memref<204800x128xf32, #tpu.memory_space<hbm>> -> memref<50x128xf32, #tpu.memory_space<hbm>>
        tpu.wait_dma2 semaphore(%arg31 : memref<!tpu.dma_semaphore, #tpu.memory_space<semaphore_mem>>) src(%arg15 : memref<50x128xf32, #tpu.memory_space<vmem>>) dst(%dma_wait3A_348 : memref<50x128xf32, #tpu.memory_space<hbm>>)
      } else {
      }
      %add3A_226 = arith.constant 3 : i32
      %add3A_227 = arith.addi %add3A_205, %add3A_226 : i32
      %lt3A_228 = arith.constant 128 : i32
      %lt3A_229 = arith.cmpi slt, %add3A_227, %lt3A_228 : i32
      %convert_element_type3A_230 = arith.extui %lt3A_229 : i1 to i32
      %cond3A_231 = arith.constant 0 : i32
      %cond3A_232 = arith.cmpi ne, %convert_element_type3A_230, %cond3A_231 : i32
      scf.if %cond3A_232 {
        %add3A_338 = arith.constant 3 : i32
        %add3A_339 = arith.addi %add3A_205, %add3A_338 : i32
        %dma_start3A_340 = arith.constant 0 : i32
        %dma_start3A_341 = tpu.memref_slice %arg6[%add3A_339, %dma_start3A_340] : memref<128x50xi32, #tpu.memory_space<vmem>> -> memref<1x50xi32, #tpu.memory_space<vmem>>
        %dma_start3A_342 = tpu.memref_squeeze %dma_start3A_341 : memref<1x50xi32, #tpu.memory_space<vmem>> -> memref<50xi32, #tpu.memory_space<vmem>>
        %dma_start3A_343 = arith.constant 0 : i32
        %dma_start3A_344 = arith.constant 0 : i32
        %dma_start3A_345 = tpu.memref_slice %arg3[%dma_start3A_343, %dma_start3A_344] : memref<100000x128xf32, #tpu.memory_space<hbm>> -> memref<100000x128xf32, #tpu.memory_space<hbm>>
        tpu.enqueue_indirect_dma source(%dma_start3A_345 : memref<100000x128xf32, #tpu.memory_space<hbm>>) target(%arg15 : memref<50x128xf32, #tpu.memory_space<vmem>>) offsets(%dma_start3A_342 : memref<50xi32, #tpu.memory_space<vmem>>) semaphore(%arg23 : memref<!tpu.dma_semaphore, #tpu.memory_space<semaphore_mem>>)
      } else {
      }
      %parallel_loop3A_233 = arith.constant 0 : i32
      %parallel_loop3A_234 = arith.constant 50 : i32
      %parallel_loop3A_235 = arith.constant 1 : i32
      scf.for %parallel_loop3A_338 = %parallel_loop3A_233 to %parallel_loop3A_234 step %parallel_loop3A_235  : i32 {
        %parallel_loop3A_339 = arith.index_cast %parallel_loop3A_338 : i32 to index
        %parallel_loop3A_340 = arith.constant 0 : index
        %parallel_loop3A_341 = tpu.vector_load %arg12[%parallel_loop3A_339, %parallel_loop3A_340] {strides = array<i32>} : memref<50x128xf32, #tpu.memory_space<vmem>>, vector<1x16xf32>,
        %parallel_loop3A_342 = vector.shape_cast %parallel_loop3A_341 : vector<1x16xf32> to vector<16xf32>
        %parallel_loop3A_343 = arith.constant 11.3137083 : f32
        %parallel_loop3A_344 = vector.broadcast %parallel_loop3A_343 : f32 to vector<16xf32>
        %parallel_loop3A_345 = arith.mulf %parallel_loop3A_342, %parallel_loop3A_344 : vector<16xf32>
        %parallel_loop3A_346 = arith.constant 0 : i32
        %parallel_loop3A_347 = arith.addi %parallel_loop3A_346, %parallel_loop3A_338 : i32
        %parallel_loop3A_348 = arith.index_cast %parallel_loop3A_347 : i32 to index
        %parallel_loop3A_349 = arith.constant 0 : index
        %parallel_loop3A_350 = tpu.vector_load %arg7[%parallel_loop3A_348, %parallel_loop3A_349] {strides = array<i32>} : memref<200x128xf32, #tpu.memory_space<vmem>>, vector<1x16xf32>,
        %parallel_loop3A_351 = vector.shape_cast %parallel_loop3A_350 : vector<1x16xf32> to vector<16xf32>
        %parallel_loop3A_352 = arith.addf %parallel_loop3A_345, %parallel_loop3A_351 : vector<16xf32>
        %parallel_loop3A_353 = arith.index_cast %parallel_loop3A_338 : i32 to index
        %parallel_loop3A_354 = arith.constant 0 : index
        %parallel_loop3A_355 = tpu.vector_load %arg12[%parallel_loop3A_353, %parallel_loop3A_354] {strides = array<i32>} : memref<50x128xf32, #tpu.memory_space<vmem>>, vector<1x16xf32>,
        %parallel_loop3A_356 = vector.shape_cast %parallel_loop3A_355 : vector<1x16xf32> to vector<16xf32>
        %parallel_loop3A_357 = vector.shape_cast %parallel_loop3A_352 : vector<16xf32> to vector<1x16xf32>
        tpu.vector_store %arg12[%parallel_loop3A_353, %parallel_loop3A_354], %parallel_loop3A_357 {strides = array<i32>} : memref<50x128xf32, #tpu.memory_space<vmem>>, vector<1x16xf32>,
        %parallel_loop3A_358 = arith.index_cast %parallel_loop3A_338 : i32 to index
        %parallel_loop3A_359 = arith.constant 16 : index
        %parallel_loop3A_360 = tpu.vector_load %arg12[%parallel_loop3A_358, %parallel_loop3A_359] {strides = array<i32>} : memref<50x128xf32, #tpu.memory_space<vmem>>, vector<1x16xf32>,
        %parallel_loop3A_361 = vector.shape_cast %parallel_loop3A_360 : vector<1x16xf32> to vector<16xf32>
        %parallel_loop3A_362 = arith.constant 11.3137083 : f32
        %parallel_loop3A_363 = vector.broadcast %parallel_loop3A_362 : f32 to vector<16xf32>
        %parallel_loop3A_364 = arith.mulf %parallel_loop3A_361, %parallel_loop3A_363 : vector<16xf32>
        %parallel_loop3A_365 = arith.constant 0 : i32
        %parallel_loop3A_366 = arith.addi %parallel_loop3A_365, %parallel_loop3A_338 : i32
        %parallel_loop3A_367 = arith.index_cast %parallel_loop3A_366 : i32 to index
        %parallel_loop3A_368 = arith.constant 16 : index
        %parallel_loop3A_369 = tpu.vector_load %arg7[%parallel_loop3A_367, %parallel_loop3A_368] {strides = array<i32>} : memref<200x128xf32, #tpu.memory_space<vmem>>, vector<1x16xf32>,
        %parallel_loop3A_370 = vector.shape_cast %parallel_loop3A_369 : vector<1x16xf32> to vector<16xf32>
        %parallel_loop3A_371 = arith.addf %parallel_loop3A_364, %parallel_loop3A_370 : vector<16xf32>
        %parallel_loop3A_372 = arith.index_cast %parallel_loop3A_338 : i32 to index
        %parallel_loop3A_373 = arith.constant 16 : index
        %parallel_loop3A_374 = tpu.vector_load %arg12[%parallel_loop3A_372, %parallel_loop3A_373] {strides = array<i32>} : memref<50x128xf32, #tpu.memory_space<vmem>>, vector<1x16xf32>,
        %parallel_loop3A_375 = vector.shape_cast %parallel_loop3A_374 : vector<1x16xf32> to vector<16xf32>
        %parallel_loop3A_376 = vector.shape_cast %parallel_loop3A_371 : vector<16xf32> to vector<1x16xf32>
        tpu.vector_store %arg12[%parallel_loop3A_372, %parallel_loop3A_373], %parallel_loop3A_376 {strides = array<i32>} : memref<50x128xf32, #tpu.memory_space<vmem>>, vector<1x16xf32>,
        %parallel_loop3A_377 = arith.index_cast %parallel_loop3A_338 : i32 to index
        %parallel_loop3A_378 = arith.constant 32 : index
        %parallel_loop3A_379 = tpu.vector_load %arg12[%parallel_loop3A_377, %parallel_loop3A_378] {strides = array<i32>} : memref<50x128xf32, #tpu.memory_space<vmem>>, vector<1x16xf32>,
        %parallel_loop3A_380 = vector.shape_cast %parallel_loop3A_379 : vector<1x16xf32> to vector<16xf32>
        %parallel_loop3A_381 = arith.constant 11.3137083 : f32
        %parallel_loop3A_382 = vector.broadcast %parallel_loop3A_381 : f32 to vector<16xf32>
        %parallel_loop3A_383 = arith.mulf %parallel_loop3A_380, %parallel_loop3A_382 : vector<16xf32>
        %parallel_loop3A_384 = arith.constant 0 : i32
        %parallel_loop3A_385 = arith.addi %parallel_loop3A_384, %parallel_loop3A_338 : i32
        %parallel_loop3A_386 = arith.index_cast %parallel_loop3A_385 : i32 to index
        %parallel_loop3A_387 = arith.constant 32 : index
        %parallel_loop3A_388 = tpu.vector_load %arg7[%parallel_loop3A_386, %parallel_loop3A_387] {strides = array<i32>} : memref<200x128xf32, #tpu.memory_space<vmem>>, vector<1x16xf32>,
        %parallel_loop3A_389 = vector.shape_cast %parallel_loop3A_388 : vector<1x16xf32> to vector<16xf32>
        %parallel_loop3A_390 = arith.addf %parallel_loop3A_383, %parallel_loop3A_389 : vector<16xf32>
        %parallel_loop3A_391 = arith.index_cast %parallel_loop3A_338 : i32 to index
        %parallel_loop3A_392 = arith.constant 32 : index
        %parallel_loop3A_393 = tpu.vector_load %arg12[%parallel_loop3A_391, %parallel_loop3A_392] {strides = array<i32>} : memref<50x128xf32, #tpu.memory_space<vmem>>, vector<1x16xf32>,
        %parallel_loop3A_394 = vector.shape_cast %parallel_loop3A_393 : vector<1x16xf32> to vector<16xf32>
        %parallel_loop3A_395 = vector.shape_cast %parallel_loop3A_390 : vector<16xf32> to vector<1x16xf32>
        tpu.vector_store %arg12[%parallel_loop3A_391, %parallel_loop3A_392], %parallel_loop3A_395 {strides = array<i32>} : memref<50x128xf32, #tpu.memory_space<vmem>>, vector<1x16xf32>,
        %parallel_loop3A_396 = arith.index_cast %parallel_loop3A_338 : i32 to index
        %parallel_loop3A_397 = arith.constant 48 : index
        %parallel_loop3A_398 = tpu.vector_load %arg12[%parallel_loop3A_396, %parallel_loop3A_397] {strides = array<i32>} : memref<50x128xf32, #tpu.memory_space<vmem>>, vector<1x16xf32>,
        %parallel_loop3A_399 = vector.shape_cast %parallel_loop3A_398 : vector<1x16xf32> to vector<16xf32>
        %parallel_loop3A_400 = arith.constant 11.3137083 : f32
        %parallel_loop3A_401 = vector.broadcast %parallel_loop3A_400 : f32 to vector<16xf32>
        %parallel_loop3A_402 = arith.mulf %parallel_loop3A_399, %parallel_loop3A_401 : vector<16xf32>
        %parallel_loop3A_403 = arith.constant 0 : i32
        %parallel_loop3A_404 = arith.addi %parallel_loop3A_403, %parallel_loop3A_338 : i32
        %parallel_loop3A_405 = arith.index_cast %parallel_loop3A_404 : i32 to index
        %parallel_loop3A_406 = arith.constant 48 : index
        %parallel_loop3A_407 = tpu.vector_load %arg7[%parallel_loop3A_405, %parallel_loop3A_406] {strides = array<i32>} : memref<200x128xf32, #tpu.memory_space<vmem>>, vector<1x16xf32>,
        %parallel_loop3A_408 = vector.shape_cast %parallel_loop3A_407 : vector<1x16xf32> to vector<16xf32>
        %parallel_loop3A_409 = arith.addf %parallel_loop3A_402, %parallel_loop3A_408 : vector<16xf32>
        %parallel_loop3A_410 = arith.index_cast %parallel_loop3A_338 : i32 to index
        %parallel_loop3A_411 = arith.constant 48 : index
        %parallel_loop3A_412 = tpu.vector_load %arg12[%parallel_loop3A_410, %parallel_loop3A_411] {strides = array<i32>} : memref<50x128xf32, #tpu.memory_space<vmem>>, vector<1x16xf32>,
        %parallel_loop3A_413 = vector.shape_cast %parallel_loop3A_412 : vector<1x16xf32> to vector<16xf32>
        %parallel_loop3A_414 = vector.shape_cast %parallel_loop3A_409 : vector<16xf32> to vector<1x16xf32>
        tpu.vector_store %arg12[%parallel_loop3A_410, %parallel_loop3A_411], %parallel_loop3A_414 {strides = array<i32>} : memref<50x128xf32, #tpu.memory_space<vmem>>, vector<1x16xf32>,
        %parallel_loop3A_415 = arith.index_cast %parallel_loop3A_338 : i32 to index
        %parallel_loop3A_416 = arith.constant 64 : index
        %parallel_loop3A_417 = tpu.vector_load %arg12[%parallel_loop3A_415, %parallel_loop3A_416] {strides = array<i32>} : memref<50x128xf32, #tpu.memory_space<vmem>>, vector<1x16xf32>,
        %parallel_loop3A_418 = vector.shape_cast %parallel_loop3A_417 : vector<1x16xf32> to vector<16xf32>
        %parallel_loop3A_419 = arith.constant 11.3137083 : f32
        %parallel_loop3A_420 = vector.broadcast %parallel_loop3A_419 : f32 to vector<16xf32>
        %parallel_loop3A_421 = arith.mulf %parallel_loop3A_418, %parallel_loop3A_420 : vector<16xf32>
        %parallel_loop3A_422 = arith.constant 0 : i32
        %parallel_loop3A_423 = arith.addi %parallel_loop3A_422, %parallel_loop3A_338 : i32
        %parallel_loop3A_424 = arith.index_cast %parallel_loop3A_423 : i32 to index
        %parallel_loop3A_425 = arith.constant 64 : index
        %parallel_loop3A_426 = tpu.vector_load %arg7[%parallel_loop3A_424, %parallel_loop3A_425] {strides = array<i32>} : memref<200x128xf32, #tpu.memory_space<vmem>>, vector<1x16xf32>,
        %parallel_loop3A_427 = vector.shape_cast %parallel_loop3A_426 : vector<1x16xf32> to vector<16xf32>
        %parallel_loop3A_428 = arith.addf %parallel_loop3A_421, %parallel_loop3A_427 : vector<16xf32>
        %parallel_loop3A_429 = arith.index_cast %parallel_loop3A_338 : i32 to index
        %parallel_loop3A_430 = arith.constant 64 : index
        %parallel_loop3A_431 = tpu.vector_load %arg12[%parallel_loop3A_429, %parallel_loop3A_430] {strides = array<i32>} : memref<50x128xf32, #tpu.memory_space<vmem>>, vector<1x16xf32>,
        %parallel_loop3A_432 = vector.shape_cast %parallel_loop3A_431 : vector<1x16xf32> to vector<16xf32>
        %parallel_loop3A_433 = vector.shape_cast %parallel_loop3A_428 : vector<16xf32> to vector<1x16xf32>
        tpu.vector_store %arg12[%parallel_loop3A_429, %parallel_loop3A_430], %parallel_loop3A_433 {strides = array<i32>} : memref<50x128xf32, #tpu.memory_space<vmem>>, vector<1x16xf32>,
        %parallel_loop3A_434 = arith.index_cast %parallel_loop3A_338 : i32 to index
        %parallel_loop3A_435 = arith.constant 80 : index
        %parallel_loop3A_436 = tpu.vector_load %arg12[%parallel_loop3A_434, %parallel_loop3A_435] {strides = array<i32>} : memref<50x128xf32, #tpu.memory_space<vmem>>, vector<1x16xf32>,
        %parallel_loop3A_437 = vector.shape_cast %parallel_loop3A_436 : vector<1x16xf32> to vector<16xf32>
        %parallel_loop3A_438 = arith.constant 11.3137083 : f32
        %parallel_loop3A_439 = vector.broadcast %parallel_loop3A_438 : f32 to vector<16xf32>
        %parallel_loop3A_440 = arith.mulf %parallel_loop3A_437, %parallel_loop3A_439 : vector<16xf32>
        %parallel_loop3A_441 = arith.constant 0 : i32
        %parallel_loop3A_442 = arith.addi %parallel_loop3A_441, %parallel_loop3A_338 : i32
        %parallel_loop3A_443 = arith.index_cast %parallel_loop3A_442 : i32 to index
        %parallel_loop3A_444 = arith.constant 80 : index
        %parallel_loop3A_445 = tpu.vector_load %arg7[%parallel_loop3A_443, %parallel_loop3A_444] {strides = array<i32>} : memref<200x128xf32, #tpu.memory_space<vmem>>, vector<1x16xf32>,
        %parallel_loop3A_446 = vector.shape_cast %parallel_loop3A_445 : vector<1x16xf32> to vector<16xf32>
        %parallel_loop3A_447 = arith.addf %parallel_loop3A_440, %parallel_loop3A_446 : vector<16xf32>
        %parallel_loop3A_448 = arith.index_cast %parallel_loop3A_338 : i32 to index
        %parallel_loop3A_449 = arith.constant 80 : index
        %parallel_loop3A_450 = tpu.vector_load %arg12[%parallel_loop3A_448, %parallel_loop3A_449] {strides = array<i32>} : memref<50x128xf32, #tpu.memory_space<vmem>>, vector<1x16xf32>,
        %parallel_loop3A_451 = vector.shape_cast %parallel_loop3A_450 : vector<1x16xf32> to vector<16xf32>
        %parallel_loop3A_452 = vector.shape_cast %parallel_loop3A_447 : vector<16xf32> to vector<1x16xf32>
        tpu.vector_store %arg12[%parallel_loop3A_448, %parallel_loop3A_449], %parallel_loop3A_452 {strides = array<i32>} : memref<50x128xf32, #tpu.memory_space<vmem>>, vector<1x16xf32>,
        %parallel_loop3A_453 = arith.index_cast %parallel_loop3A_338 : i32 to index
        %parallel_loop3A_454 = arith.constant 96 : index
        %parallel_loop3A_455 = tpu.vector_load %arg12[%parallel_loop3A_453, %parallel_loop3A_454] {strides = array<i32>} : memref<50x128xf32, #tpu.memory_space<vmem>>, vector<1x16xf32>,
        %parallel_loop3A_456 = vector.shape_cast %parallel_loop3A_455 : vector<1x16xf32> to vector<16xf32>
        %parallel_loop3A_457 = arith.constant 11.3137083 : f32
        %parallel_loop3A_458 = vector.broadcast %parallel_loop3A_457 : f32 to vector<16xf32>
        %parallel_loop3A_459 = arith.mulf %parallel_loop3A_456, %parallel_loop3A_458 : vector<16xf32>
        %parallel_loop3A_460 = arith.constant 0 : i32
        %parallel_loop3A_461 = arith.addi %parallel_loop3A_460, %parallel_loop3A_338 : i32
        %parallel_loop3A_462 = arith.index_cast %parallel_loop3A_461 : i32 to index
        %parallel_loop3A_463 = arith.constant 96 : index
        %parallel_loop3A_464 = tpu.vector_load %arg7[%parallel_loop3A_462, %parallel_loop3A_463] {strides = array<i32>} : memref<200x128xf32, #tpu.memory_space<vmem>>, vector<1x16xf32>,
        %parallel_loop3A_465 = vector.shape_cast %parallel_loop3A_464 : vector<1x16xf32> to vector<16xf32>
        %parallel_loop3A_466 = arith.addf %parallel_loop3A_459, %parallel_loop3A_465 : vector<16xf32>
        %parallel_loop3A_467 = arith.index_cast %parallel_loop3A_338 : i32 to index
        %parallel_loop3A_468 = arith.constant 96 : index
        %parallel_loop3A_469 = tpu.vector_load %arg12[%parallel_loop3A_467, %parallel_loop3A_468] {strides = array<i32>} : memref<50x128xf32, #tpu.memory_space<vmem>>, vector<1x16xf32>,
        %parallel_loop3A_470 = vector.shape_cast %parallel_loop3A_469 : vector<1x16xf32> to vector<16xf32>
        %parallel_loop3A_471 = vector.shape_cast %parallel_loop3A_466 : vector<16xf32> to vector<1x16xf32>
        tpu.vector_store %arg12[%parallel_loop3A_467, %parallel_loop3A_468], %parallel_loop3A_471 {strides = array<i32>} : memref<50x128xf32, #tpu.memory_space<vmem>>, vector<1x16xf32>,
        %parallel_loop3A_472 = arith.index_cast %parallel_loop3A_338 : i32 to index
        %parallel_loop3A_473 = arith.constant 112 : index
        %parallel_loop3A_474 = tpu.vector_load %arg12[%parallel_loop3A_472, %parallel_loop3A_473] {strides = array<i32>} : memref<50x128xf32, #tpu.memory_space<vmem>>, vector<1x16xf32>,
        %parallel_loop3A_475 = vector.shape_cast %parallel_loop3A_474 : vector<1x16xf32> to vector<16xf32>
        %parallel_loop3A_476 = arith.constant 11.3137083 : f32
        %parallel_loop3A_477 = vector.broadcast %parallel_loop3A_476 : f32 to vector<16xf32>
        %parallel_loop3A_478 = arith.mulf %parallel_loop3A_475, %parallel_loop3A_477 : vector<16xf32>
        %parallel_loop3A_479 = arith.constant 0 : i32
        %parallel_loop3A_480 = arith.addi %parallel_loop3A_479, %parallel_loop3A_338 : i32
        %parallel_loop3A_481 = arith.index_cast %parallel_loop3A_480 : i32 to index
        %parallel_loop3A_482 = arith.constant 112 : index
        %parallel_loop3A_483 = tpu.vector_load %arg7[%parallel_loop3A_481, %parallel_loop3A_482] {strides = array<i32>} : memref<200x128xf32, #tpu.memory_space<vmem>>, vector<1x16xf32>,
        %parallel_loop3A_484 = vector.shape_cast %parallel_loop3A_483 : vector<1x16xf32> to vector<16xf32>
        %parallel_loop3A_485 = arith.addf %parallel_loop3A_478, %parallel_loop3A_484 : vector<16xf32>
        %parallel_loop3A_486 = arith.index_cast %parallel_loop3A_338 : i32 to index
        %parallel_loop3A_487 = arith.constant 112 : index
        %parallel_loop3A_488 = tpu.vector_load %arg12[%parallel_loop3A_486, %parallel_loop3A_487] {strides = array<i32>} : memref<50x128xf32, #tpu.memory_space<vmem>>, vector<1x16xf32>,
        %parallel_loop3A_489 = vector.shape_cast %parallel_loop3A_488 : vector<1x16xf32> to vector<16xf32>
        %parallel_loop3A_490 = vector.shape_cast %parallel_loop3A_485 : vector<16xf32> to vector<1x16xf32>
        tpu.vector_store %arg12[%parallel_loop3A_486, %parallel_loop3A_487], %parallel_loop3A_490 {strides = array<i32>} : memref<50x128xf32, #tpu.memory_space<vmem>>, vector<1x16xf32>,
      } {sc.loop_unroll_factor = 4 : i64, sc.parallel_access}
      %mul3A_236 = arith.constant 8 : i32
      %mul3A_237 = arith.muli %mul3A_236, %scan3A_71 : i32
      %add3A_238 = arith.constant 5 : i32
      %add3A_239 = arith.addi %mul3A_237, %add3A_238 : i32
      %dma_wait3A_240 = arith.constant 0 : i32
      %dma_wait3A_241 = tpu.memref_slice %arg6[%add3A_239, %dma_wait3A_240] : memref<128x50xi32, #tpu.memory_space<vmem>> -> memref<1x50xi32, #tpu.memory_space<vmem>>
      %dma_wait3A_242 = tpu.memref_squeeze %dma_wait3A_241 : memref<1x50xi32, #tpu.memory_space<vmem>> -> memref<50xi32, #tpu.memory_space<vmem>>
      %dma_wait3A_243 = arith.constant 0 : i32
      %dma_wait3A_244 = arith.constant 0 : i32
      %dma_wait3A_245 = tpu.memref_slice %arg3[%dma_wait3A_243, %dma_wait3A_244] : memref<100000x128xf32, #tpu.memory_space<hbm>> -> memref<100000x128xf32, #tpu.memory_space<hbm>>
      tpu.wait_indirect_dma semaphore(%arg21 : memref<!tpu.dma_semaphore, #tpu.memory_space<semaphore_mem>>) src(%dma_wait3A_245 : memref<100000x128xf32, #tpu.memory_space<hbm>>) dst(%arg13 : memref<50x128xf32, #tpu.memory_space<vmem>>)
      %ge3A_246 = arith.constant 2 : i32
      %ge3A_247 = arith.cmpi sge, %add3A_239, %ge3A_246 : i32
      %convert_element_type3A_248 = arith.extui %ge3A_247 : i1 to i32
      %cond3A_249 = arith.constant 0 : i32
      %cond3A_250 = arith.cmpi ne, %convert_element_type3A_248, %cond3A_249 : i32
      scf.if %cond3A_250 {
        %sub3A_338 = arith.constant 2 : i32
        %sub3A_339 = arith.subi %add3A_239, %sub3A_338 : i32
        %mul3A_340 = arith.constant 50 : i32
        %mul3A_341 = arith.muli %sub3A_339, %mul3A_340 : i32
        %add3A_342 = arith.addi %mul3A_2, %mul3A_341 : i32
        %dma_start3A_343 = arith.constant 0 : i32
        %dma_start3A_344 = tpu.memref_slice %arg5[%add3A_342, %dma_start3A_343] : memref<204800x128xf32, #tpu.memory_space<hbm>> -> memref<50x128xf32, #tpu.memory_space<hbm>>
        %dma_start3A_345 = arith.constant 0 : i32
        %dma_start3A_346 = tpu.memref_slice %arg5[%add3A_342, %dma_start3A_345] : memref<204800x128xf32, #tpu.memory_space<hbm>> -> memref<50x128xf32, #tpu.memory_space<hbm>>
        tpu.enqueue_dma source(%arg11 : memref<50x128xf32, #tpu.memory_space<vmem>>) target(%dma_start3A_346 : memref<50x128xf32, #tpu.memory_space<hbm>>) target_semaphore(%arg27 : memref<!tpu.dma_semaphore, #tpu.memory_space<semaphore_mem>>)
      } else {
      }
      %add3A_251 = arith.constant 3 : i32
      %add3A_252 = arith.addi %add3A_239, %add3A_251 : i32
      %sub3A_253 = arith.constant 8 : i32
      %sub3A_254 = arith.subi %add3A_252, %sub3A_253 : i32
      %ge3A_255 = arith.constant 0 : i32
      %ge3A_256 = arith.cmpi sge, %sub3A_254, %ge3A_255 : i32
      %convert_element_type3A_257 = arith.extui %ge3A_256 : i1 to i32
      %cond3A_258 = arith.constant 0 : i32
      %cond3A_259 = arith.cmpi ne, %convert_element_type3A_257, %cond3A_258 : i32
      scf.if %cond3A_259 {
        %add3A_338 = arith.constant 3 : i32
        %add3A_339 = arith.addi %add3A_239, %add3A_338 : i32
        %sub3A_340 = arith.constant 8 : i32
        %sub3A_341 = arith.subi %add3A_339, %sub3A_340 : i32
        %mul3A_342 = arith.constant 50 : i32
        %mul3A_343 = arith.muli %sub3A_341, %mul3A_342 : i32
        %add3A_344 = arith.addi %mul3A_2, %mul3A_343 : i32
        %dma_wait3A_345 = arith.constant 0 : i32
        %dma_wait3A_346 = tpu.memref_slice %arg5[%add3A_344, %dma_wait3A_345] : memref<204800x128xf32, #tpu.memory_space<hbm>> -> memref<50x128xf32, #tpu.memory_space<hbm>>
        %dma_wait3A_347 = arith.constant 0 : i32
        %dma_wait3A_348 = tpu.memref_slice %arg5[%add3A_344, %dma_wait3A_347] : memref<204800x128xf32, #tpu.memory_space<hbm>> -> memref<50x128xf32, #tpu.memory_space<hbm>>
        tpu.wait_dma2 semaphore(%arg24 : memref<!tpu.dma_semaphore, #tpu.memory_space<semaphore_mem>>) src(%arg8 : memref<50x128xf32, #tpu.memory_space<vmem>>) dst(%dma_wait3A_348 : memref<50x128xf32, #tpu.memory_space<hbm>>)
      } else {
      }
      %add3A_260 = arith.constant 3 : i32
      %add3A_261 = arith.addi %add3A_239, %add3A_260 : i32
      %lt3A_262 = arith.constant 128 : i32
      %lt3A_263 = arith.cmpi slt, %add3A_261, %lt3A_262 : i32
      %convert_element_type3A_264 = arith.extui %lt3A_263 : i1 to i32
      %cond3A_265 = arith.constant 0 : i32
      %cond3A_266 = arith.cmpi ne, %convert_element_type3A_264, %cond3A_265 : i32
      scf.if %cond3A_266 {
        %add3A_338 = arith.constant 3 : i32
        %add3A_339 = arith.addi %add3A_239, %add3A_338 : i32
        %dma_start3A_340 = arith.constant 0 : i32
        %dma_start3A_341 = tpu.memref_slice %arg6[%add3A_339, %dma_start3A_340] : memref<128x50xi32, #tpu.memory_space<vmem>> -> memref<1x50xi32, #tpu.memory_space<vmem>>
        %dma_start3A_342 = tpu.memref_squeeze %dma_start3A_341 : memref<1x50xi32, #tpu.memory_space<vmem>> -> memref<50xi32, #tpu.memory_space<vmem>>
        %dma_start3A_343 = arith.constant 0 : i32
        %dma_start3A_344 = arith.constant 0 : i32
        %dma_start3A_345 = tpu.memref_slice %arg3[%dma_start3A_343, %dma_start3A_344] : memref<100000x128xf32, #tpu.memory_space<hbm>> -> memref<100000x128xf32, #tpu.memory_space<hbm>>
        tpu.enqueue_indirect_dma source(%dma_start3A_345 : memref<100000x128xf32, #tpu.memory_space<hbm>>) target(%arg8 : memref<50x128xf32, #tpu.memory_space<vmem>>) offsets(%dma_start3A_342 : memref<50xi32, #tpu.memory_space<vmem>>) semaphore(%arg16 : memref<!tpu.dma_semaphore, #tpu.memory_space<semaphore_mem>>)
      } else {
      }
      %parallel_loop3A_267 = arith.constant 0 : i32
      %parallel_loop3A_268 = arith.constant 50 : i32
      %parallel_loop3A_269 = arith.constant 1 : i32
      scf.for %parallel_loop3A_338 = %parallel_loop3A_267 to %parallel_loop3A_268 step %parallel_loop3A_269  : i32 {
        %parallel_loop3A_339 = arith.index_cast %parallel_loop3A_338 : i32 to index
        %parallel_loop3A_340 = arith.constant 0 : index
        %parallel_loop3A_341 = tpu.vector_load %arg13[%parallel_loop3A_339, %parallel_loop3A_340] {strides = array<i32>} : memref<50x128xf32, #tpu.memory_space<vmem>>, vector<1x16xf32>,
        %parallel_loop3A_342 = vector.shape_cast %parallel_loop3A_341 : vector<1x16xf32> to vector<16xf32>
        %parallel_loop3A_343 = arith.constant 11.3137083 : f32
        %parallel_loop3A_344 = vector.broadcast %parallel_loop3A_343 : f32 to vector<16xf32>
        %parallel_loop3A_345 = arith.mulf %parallel_loop3A_342, %parallel_loop3A_344 : vector<16xf32>
        %parallel_loop3A_346 = arith.constant 50 : i32
        %parallel_loop3A_347 = arith.addi %parallel_loop3A_346, %parallel_loop3A_338 : i32
        %parallel_loop3A_348 = arith.index_cast %parallel_loop3A_347 : i32 to index
        %parallel_loop3A_349 = arith.constant 0 : index
        %parallel_loop3A_350 = tpu.vector_load %arg7[%parallel_loop3A_348, %parallel_loop3A_349] {strides = array<i32>} : memref<200x128xf32, #tpu.memory_space<vmem>>, vector<1x16xf32>,
        %parallel_loop3A_351 = vector.shape_cast %parallel_loop3A_350 : vector<1x16xf32> to vector<16xf32>
        %parallel_loop3A_352 = arith.addf %parallel_loop3A_345, %parallel_loop3A_351 : vector<16xf32>
        %parallel_loop3A_353 = arith.index_cast %parallel_loop3A_338 : i32 to index
        %parallel_loop3A_354 = arith.constant 0 : index
        %parallel_loop3A_355 = tpu.vector_load %arg13[%parallel_loop3A_353, %parallel_loop3A_354] {strides = array<i32>} : memref<50x128xf32, #tpu.memory_space<vmem>>, vector<1x16xf32>,
        %parallel_loop3A_356 = vector.shape_cast %parallel_loop3A_355 : vector<1x16xf32> to vector<16xf32>
        %parallel_loop3A_357 = vector.shape_cast %parallel_loop3A_352 : vector<16xf32> to vector<1x16xf32>
        tpu.vector_store %arg13[%parallel_loop3A_353, %parallel_loop3A_354], %parallel_loop3A_357 {strides = array<i32>} : memref<50x128xf32, #tpu.memory_space<vmem>>, vector<1x16xf32>,
        %parallel_loop3A_358 = arith.index_cast %parallel_loop3A_338 : i32 to index
        %parallel_loop3A_359 = arith.constant 16 : index
        %parallel_loop3A_360 = tpu.vector_load %arg13[%parallel_loop3A_358, %parallel_loop3A_359] {strides = array<i32>} : memref<50x128xf32, #tpu.memory_space<vmem>>, vector<1x16xf32>,
        %parallel_loop3A_361 = vector.shape_cast %parallel_loop3A_360 : vector<1x16xf32> to vector<16xf32>
        %parallel_loop3A_362 = arith.constant 11.3137083 : f32
        %parallel_loop3A_363 = vector.broadcast %parallel_loop3A_362 : f32 to vector<16xf32>
        %parallel_loop3A_364 = arith.mulf %parallel_loop3A_361, %parallel_loop3A_363 : vector<16xf32>
        %parallel_loop3A_365 = arith.constant 50 : i32
        %parallel_loop3A_366 = arith.addi %parallel_loop3A_365, %parallel_loop3A_338 : i32
        %parallel_loop3A_367 = arith.index_cast %parallel_loop3A_366 : i32 to index
        %parallel_loop3A_368 = arith.constant 16 : index
        %parallel_loop3A_369 = tpu.vector_load %arg7[%parallel_loop3A_367, %parallel_loop3A_368] {strides = array<i32>} : memref<200x128xf32, #tpu.memory_space<vmem>>, vector<1x16xf32>,
        %parallel_loop3A_370 = vector.shape_cast %parallel_loop3A_369 : vector<1x16xf32> to vector<16xf32>
        %parallel_loop3A_371 = arith.addf %parallel_loop3A_364, %parallel_loop3A_370 : vector<16xf32>
        %parallel_loop3A_372 = arith.index_cast %parallel_loop3A_338 : i32 to index
        %parallel_loop3A_373 = arith.constant 16 : index
        %parallel_loop3A_374 = tpu.vector_load %arg13[%parallel_loop3A_372, %parallel_loop3A_373] {strides = array<i32>} : memref<50x128xf32, #tpu.memory_space<vmem>>, vector<1x16xf32>,
        %parallel_loop3A_375 = vector.shape_cast %parallel_loop3A_374 : vector<1x16xf32> to vector<16xf32>
        %parallel_loop3A_376 = vector.shape_cast %parallel_loop3A_371 : vector<16xf32> to vector<1x16xf32>
        tpu.vector_store %arg13[%parallel_loop3A_372, %parallel_loop3A_373], %parallel_loop3A_376 {strides = array<i32>} : memref<50x128xf32, #tpu.memory_space<vmem>>, vector<1x16xf32>,
        %parallel_loop3A_377 = arith.index_cast %parallel_loop3A_338 : i32 to index
        %parallel_loop3A_378 = arith.constant 32 : index
        %parallel_loop3A_379 = tpu.vector_load %arg13[%parallel_loop3A_377, %parallel_loop3A_378] {strides = array<i32>} : memref<50x128xf32, #tpu.memory_space<vmem>>, vector<1x16xf32>,
        %parallel_loop3A_380 = vector.shape_cast %parallel_loop3A_379 : vector<1x16xf32> to vector<16xf32>
        %parallel_loop3A_381 = arith.constant 11.3137083 : f32
        %parallel_loop3A_382 = vector.broadcast %parallel_loop3A_381 : f32 to vector<16xf32>
        %parallel_loop3A_383 = arith.mulf %parallel_loop3A_380, %parallel_loop3A_382 : vector<16xf32>
        %parallel_loop3A_384 = arith.constant 50 : i32
        %parallel_loop3A_385 = arith.addi %parallel_loop3A_384, %parallel_loop3A_338 : i32
        %parallel_loop3A_386 = arith.index_cast %parallel_loop3A_385 : i32 to index
        %parallel_loop3A_387 = arith.constant 32 : index
        %parallel_loop3A_388 = tpu.vector_load %arg7[%parallel_loop3A_386, %parallel_loop3A_387] {strides = array<i32>} : memref<200x128xf32, #tpu.memory_space<vmem>>, vector<1x16xf32>,
        %parallel_loop3A_389 = vector.shape_cast %parallel_loop3A_388 : vector<1x16xf32> to vector<16xf32>
        %parallel_loop3A_390 = arith.addf %parallel_loop3A_383, %parallel_loop3A_389 : vector<16xf32>
        %parallel_loop3A_391 = arith.index_cast %parallel_loop3A_338 : i32 to index
        %parallel_loop3A_392 = arith.constant 32 : index
        %parallel_loop3A_393 = tpu.vector_load %arg13[%parallel_loop3A_391, %parallel_loop3A_392] {strides = array<i32>} : memref<50x128xf32, #tpu.memory_space<vmem>>, vector<1x16xf32>,
        %parallel_loop3A_394 = vector.shape_cast %parallel_loop3A_393 : vector<1x16xf32> to vector<16xf32>
        %parallel_loop3A_395 = vector.shape_cast %parallel_loop3A_390 : vector<16xf32> to vector<1x16xf32>
        tpu.vector_store %arg13[%parallel_loop3A_391, %parallel_loop3A_392], %parallel_loop3A_395 {strides = array<i32>} : memref<50x128xf32, #tpu.memory_space<vmem>>, vector<1x16xf32>,
        %parallel_loop3A_396 = arith.index_cast %parallel_loop3A_338 : i32 to index
        %parallel_loop3A_397 = arith.constant 48 : index
        %parallel_loop3A_398 = tpu.vector_load %arg13[%parallel_loop3A_396, %parallel_loop3A_397] {strides = array<i32>} : memref<50x128xf32, #tpu.memory_space<vmem>>, vector<1x16xf32>,
        %parallel_loop3A_399 = vector.shape_cast %parallel_loop3A_398 : vector<1x16xf32> to vector<16xf32>
        %parallel_loop3A_400 = arith.constant 11.3137083 : f32
        %parallel_loop3A_401 = vector.broadcast %parallel_loop3A_400 : f32 to vector<16xf32>
        %parallel_loop3A_402 = arith.mulf %parallel_loop3A_399, %parallel_loop3A_401 : vector<16xf32>
        %parallel_loop3A_403 = arith.constant 50 : i32
        %parallel_loop3A_404 = arith.addi %parallel_loop3A_403, %parallel_loop3A_338 : i32
        %parallel_loop3A_405 = arith.index_cast %parallel_loop3A_404 : i32 to index
        %parallel_loop3A_406 = arith.constant 48 : index
        %parallel_loop3A_407 = tpu.vector_load %arg7[%parallel_loop3A_405, %parallel_loop3A_406] {strides = array<i32>} : memref<200x128xf32, #tpu.memory_space<vmem>>, vector<1x16xf32>,
        %parallel_loop3A_408 = vector.shape_cast %parallel_loop3A_407 : vector<1x16xf32> to vector<16xf32>
        %parallel_loop3A_409 = arith.addf %parallel_loop3A_402, %parallel_loop3A_408 : vector<16xf32>
        %parallel_loop3A_410 = arith.index_cast %parallel_loop3A_338 : i32 to index
        %parallel_loop3A_411 = arith.constant 48 : index
        %parallel_loop3A_412 = tpu.vector_load %arg13[%parallel_loop3A_410, %parallel_loop3A_411] {strides = array<i32>} : memref<50x128xf32, #tpu.memory_space<vmem>>, vector<1x16xf32>,
        %parallel_loop3A_413 = vector.shape_cast %parallel_loop3A_412 : vector<1x16xf32> to vector<16xf32>
        %parallel_loop3A_414 = vector.shape_cast %parallel_loop3A_409 : vector<16xf32> to vector<1x16xf32>
        tpu.vector_store %arg13[%parallel_loop3A_410, %parallel_loop3A_411], %parallel_loop3A_414 {strides = array<i32>} : memref<50x128xf32, #tpu.memory_space<vmem>>, vector<1x16xf32>,
        %parallel_loop3A_415 = arith.index_cast %parallel_loop3A_338 : i32 to index
        %parallel_loop3A_416 = arith.constant 64 : index
        %parallel_loop3A_417 = tpu.vector_load %arg13[%parallel_loop3A_415, %parallel_loop3A_416] {strides = array<i32>} : memref<50x128xf32, #tpu.memory_space<vmem>>, vector<1x16xf32>,
        %parallel_loop3A_418 = vector.shape_cast %parallel_loop3A_417 : vector<1x16xf32> to vector<16xf32>
        %parallel_loop3A_419 = arith.constant 11.3137083 : f32
        %parallel_loop3A_420 = vector.broadcast %parallel_loop3A_419 : f32 to vector<16xf32>
        %parallel_loop3A_421 = arith.mulf %parallel_loop3A_418, %parallel_loop3A_420 : vector<16xf32>
        %parallel_loop3A_422 = arith.constant 50 : i32
        %parallel_loop3A_423 = arith.addi %parallel_loop3A_422, %parallel_loop3A_338 : i32
        %parallel_loop3A_424 = arith.index_cast %parallel_loop3A_423 : i32 to index
        %parallel_loop3A_425 = arith.constant 64 : index
        %parallel_loop3A_426 = tpu.vector_load %arg7[%parallel_loop3A_424, %parallel_loop3A_425] {strides = array<i32>} : memref<200x128xf32, #tpu.memory_space<vmem>>, vector<1x16xf32>,
        %parallel_loop3A_427 = vector.shape_cast %parallel_loop3A_426 : vector<1x16xf32> to vector<16xf32>
        %parallel_loop3A_428 = arith.addf %parallel_loop3A_421, %parallel_loop3A_427 : vector<16xf32>
        %parallel_loop3A_429 = arith.index_cast %parallel_loop3A_338 : i32 to index
        %parallel_loop3A_430 = arith.constant 64 : index
        %parallel_loop3A_431 = tpu.vector_load %arg13[%parallel_loop3A_429, %parallel_loop3A_430] {strides = array<i32>} : memref<50x128xf32, #tpu.memory_space<vmem>>, vector<1x16xf32>,
        %parallel_loop3A_432 = vector.shape_cast %parallel_loop3A_431 : vector<1x16xf32> to vector<16xf32>
        %parallel_loop3A_433 = vector.shape_cast %parallel_loop3A_428 : vector<16xf32> to vector<1x16xf32>
        tpu.vector_store %arg13[%parallel_loop3A_429, %parallel_loop3A_430], %parallel_loop3A_433 {strides = array<i32>} : memref<50x128xf32, #tpu.memory_space<vmem>>, vector<1x16xf32>,
        %parallel_loop3A_434 = arith.index_cast %parallel_loop3A_338 : i32 to index
        %parallel_loop3A_435 = arith.constant 80 : index
        %parallel_loop3A_436 = tpu.vector_load %arg13[%parallel_loop3A_434, %parallel_loop3A_435] {strides = array<i32>} : memref<50x128xf32, #tpu.memory_space<vmem>>, vector<1x16xf32>,
        %parallel_loop3A_437 = vector.shape_cast %parallel_loop3A_436 : vector<1x16xf32> to vector<16xf32>
        %parallel_loop3A_438 = arith.constant 11.3137083 : f32
        %parallel_loop3A_439 = vector.broadcast %parallel_loop3A_438 : f32 to vector<16xf32>
        %parallel_loop3A_440 = arith.mulf %parallel_loop3A_437, %parallel_loop3A_439 : vector<16xf32>
        %parallel_loop3A_441 = arith.constant 50 : i32
        %parallel_loop3A_442 = arith.addi %parallel_loop3A_441, %parallel_loop3A_338 : i32
        %parallel_loop3A_443 = arith.index_cast %parallel_loop3A_442 : i32 to index
        %parallel_loop3A_444 = arith.constant 80 : index
        %parallel_loop3A_445 = tpu.vector_load %arg7[%parallel_loop3A_443, %parallel_loop3A_444] {strides = array<i32>} : memref<200x128xf32, #tpu.memory_space<vmem>>, vector<1x16xf32>,
        %parallel_loop3A_446 = vector.shape_cast %parallel_loop3A_445 : vector<1x16xf32> to vector<16xf32>
        %parallel_loop3A_447 = arith.addf %parallel_loop3A_440, %parallel_loop3A_446 : vector<16xf32>
        %parallel_loop3A_448 = arith.index_cast %parallel_loop3A_338 : i32 to index
        %parallel_loop3A_449 = arith.constant 80 : index
        %parallel_loop3A_450 = tpu.vector_load %arg13[%parallel_loop3A_448, %parallel_loop3A_449] {strides = array<i32>} : memref<50x128xf32, #tpu.memory_space<vmem>>, vector<1x16xf32>,
        %parallel_loop3A_451 = vector.shape_cast %parallel_loop3A_450 : vector<1x16xf32> to vector<16xf32>
        %parallel_loop3A_452 = vector.shape_cast %parallel_loop3A_447 : vector<16xf32> to vector<1x16xf32>
        tpu.vector_store %arg13[%parallel_loop3A_448, %parallel_loop3A_449], %parallel_loop3A_452 {strides = array<i32>} : memref<50x128xf32, #tpu.memory_space<vmem>>, vector<1x16xf32>,
        %parallel_loop3A_453 = arith.index_cast %parallel_loop3A_338 : i32 to index
        %parallel_loop3A_454 = arith.constant 96 : index
        %parallel_loop3A_455 = tpu.vector_load %arg13[%parallel_loop3A_453, %parallel_loop3A_454] {strides = array<i32>} : memref<50x128xf32, #tpu.memory_space<vmem>>, vector<1x16xf32>,
        %parallel_loop3A_456 = vector.shape_cast %parallel_loop3A_455 : vector<1x16xf32> to vector<16xf32>
        %parallel_loop3A_457 = arith.constant 11.3137083 : f32
        %parallel_loop3A_458 = vector.broadcast %parallel_loop3A_457 : f32 to vector<16xf32>
        %parallel_loop3A_459 = arith.mulf %parallel_loop3A_456, %parallel_loop3A_458 : vector<16xf32>
        %parallel_loop3A_460 = arith.constant 50 : i32
        %parallel_loop3A_461 = arith.addi %parallel_loop3A_460, %parallel_loop3A_338 : i32
        %parallel_loop3A_462 = arith.index_cast %parallel_loop3A_461 : i32 to index
        %parallel_loop3A_463 = arith.constant 96 : index
        %parallel_loop3A_464 = tpu.vector_load %arg7[%parallel_loop3A_462, %parallel_loop3A_463] {strides = array<i32>} : memref<200x128xf32, #tpu.memory_space<vmem>>, vector<1x16xf32>,
        %parallel_loop3A_465 = vector.shape_cast %parallel_loop3A_464 : vector<1x16xf32> to vector<16xf32>
        %parallel_loop3A_466 = arith.addf %parallel_loop3A_459, %parallel_loop3A_465 : vector<16xf32>
        %parallel_loop3A_467 = arith.index_cast %parallel_loop3A_338 : i32 to index
        %parallel_loop3A_468 = arith.constant 96 : index
        %parallel_loop3A_469 = tpu.vector_load %arg13[%parallel_loop3A_467, %parallel_loop3A_468] {strides = array<i32>} : memref<50x128xf32, #tpu.memory_space<vmem>>, vector<1x16xf32>,
        %parallel_loop3A_470 = vector.shape_cast %parallel_loop3A_469 : vector<1x16xf32> to vector<16xf32>
        %parallel_loop3A_471 = vector.shape_cast %parallel_loop3A_466 : vector<16xf32> to vector<1x16xf32>
        tpu.vector_store %arg13[%parallel_loop3A_467, %parallel_loop3A_468], %parallel_loop3A_471 {strides = array<i32>} : memref<50x128xf32, #tpu.memory_space<vmem>>, vector<1x16xf32>,
        %parallel_loop3A_472 = arith.index_cast %parallel_loop3A_338 : i32 to index
        %parallel_loop3A_473 = arith.constant 112 : index
        %parallel_loop3A_474 = tpu.vector_load %arg13[%parallel_loop3A_472, %parallel_loop3A_473] {strides = array<i32>} : memref<50x128xf32, #tpu.memory_space<vmem>>, vector<1x16xf32>,
        %parallel_loop3A_475 = vector.shape_cast %parallel_loop3A_474 : vector<1x16xf32> to vector<16xf32>
        %parallel_loop3A_476 = arith.constant 11.3137083 : f32
        %parallel_loop3A_477 = vector.broadcast %parallel_loop3A_476 : f32 to vector<16xf32>
        %parallel_loop3A_478 = arith.mulf %parallel_loop3A_475, %parallel_loop3A_477 : vector<16xf32>
        %parallel_loop3A_479 = arith.constant 50 : i32
        %parallel_loop3A_480 = arith.addi %parallel_loop3A_479, %parallel_loop3A_338 : i32
        %parallel_loop3A_481 = arith.index_cast %parallel_loop3A_480 : i32 to index
        %parallel_loop3A_482 = arith.constant 112 : index
        %parallel_loop3A_483 = tpu.vector_load %arg7[%parallel_loop3A_481, %parallel_loop3A_482] {strides = array<i32>} : memref<200x128xf32, #tpu.memory_space<vmem>>, vector<1x16xf32>,
        %parallel_loop3A_484 = vector.shape_cast %parallel_loop3A_483 : vector<1x16xf32> to vector<16xf32>
        %parallel_loop3A_485 = arith.addf %parallel_loop3A_478, %parallel_loop3A_484 : vector<16xf32>
        %parallel_loop3A_486 = arith.index_cast %parallel_loop3A_338 : i32 to index
        %parallel_loop3A_487 = arith.constant 112 : index
        %parallel_loop3A_488 = tpu.vector_load %arg13[%parallel_loop3A_486, %parallel_loop3A_487] {strides = array<i32>} : memref<50x128xf32, #tpu.memory_space<vmem>>, vector<1x16xf32>,
        %parallel_loop3A_489 = vector.shape_cast %parallel_loop3A_488 : vector<1x16xf32> to vector<16xf32>
        %parallel_loop3A_490 = vector.shape_cast %parallel_loop3A_485 : vector<16xf32> to vector<1x16xf32>
        tpu.vector_store %arg13[%parallel_loop3A_486, %parallel_loop3A_487], %parallel_loop3A_490 {strides = array<i32>} : memref<50x128xf32, #tpu.memory_space<vmem>>, vector<1x16xf32>,
      } {sc.loop_unroll_factor = 4 : i64, sc.parallel_access}
      %mul3A_270 = arith.constant 8 : i32
      %mul3A_271 = arith.muli %mul3A_270, %scan3A_71 : i32
      %add3A_272 = arith.constant 6 : i32
      %add3A_273 = arith.addi %mul3A_271, %add3A_272 : i32
      %dma_wait3A_274 = arith.constant 0 : i32
      %dma_wait3A_275 = tpu.memref_slice %arg6[%add3A_273, %dma_wait3A_274] : memref<128x50xi32, #tpu.memory_space<vmem>> -> memref<1x50xi32, #tpu.memory_space<vmem>>
      %dma_wait3A_276 = tpu.memref_squeeze %dma_wait3A_275 : memref<1x50xi32, #tpu.memory_space<vmem>> -> memref<50xi32, #tpu.memory_space<vmem>>
      %dma_wait3A_277 = arith.constant 0 : i32
      %dma_wait3A_278 = arith.constant 0 : i32
      %dma_wait3A_279 = tpu.memref_slice %arg3[%dma_wait3A_277, %dma_wait3A_278] : memref<100000x128xf32, #tpu.memory_space<hbm>> -> memref<100000x128xf32, #tpu.memory_space<hbm>>
      tpu.wait_indirect_dma semaphore(%arg22 : memref<!tpu.dma_semaphore, #tpu.memory_space<semaphore_mem>>) src(%dma_wait3A_279 : memref<100000x128xf32, #tpu.memory_space<hbm>>) dst(%arg14 : memref<50x128xf32, #tpu.memory_space<vmem>>)
      %ge3A_280 = arith.constant 2 : i32
      %ge3A_281 = arith.cmpi sge, %add3A_273, %ge3A_280 : i32
      %convert_element_type3A_282 = arith.extui %ge3A_281 : i1 to i32
      %cond3A_283 = arith.constant 0 : i32
      %cond3A_284 = arith.cmpi ne, %convert_element_type3A_282, %cond3A_283 : i32
      scf.if %cond3A_284 {
        %sub3A_338 = arith.constant 2 : i32
        %sub3A_339 = arith.subi %add3A_273, %sub3A_338 : i32
        %mul3A_340 = arith.constant 50 : i32
        %mul3A_341 = arith.muli %sub3A_339, %mul3A_340 : i32
        %add3A_342 = arith.addi %mul3A_2, %mul3A_341 : i32
        %dma_start3A_343 = arith.constant 0 : i32
        %dma_start3A_344 = tpu.memref_slice %arg5[%add3A_342, %dma_start3A_343] : memref<204800x128xf32, #tpu.memory_space<hbm>> -> memref<50x128xf32, #tpu.memory_space<hbm>>
        %dma_start3A_345 = arith.constant 0 : i32
        %dma_start3A_346 = tpu.memref_slice %arg5[%add3A_342, %dma_start3A_345] : memref<204800x128xf32, #tpu.memory_space<hbm>> -> memref<50x128xf32, #tpu.memory_space<hbm>>
        tpu.enqueue_dma source(%arg12 : memref<50x128xf32, #tpu.memory_space<vmem>>) target(%dma_start3A_346 : memref<50x128xf32, #tpu.memory_space<hbm>>) target_semaphore(%arg28 : memref<!tpu.dma_semaphore, #tpu.memory_space<semaphore_mem>>)
      } else {
      }
      %add3A_285 = arith.constant 3 : i32
      %add3A_286 = arith.addi %add3A_273, %add3A_285 : i32
      %sub3A_287 = arith.constant 8 : i32
      %sub3A_288 = arith.subi %add3A_286, %sub3A_287 : i32
      %ge3A_289 = arith.constant 0 : i32
      %ge3A_290 = arith.cmpi sge, %sub3A_288, %ge3A_289 : i32
      %convert_element_type3A_291 = arith.extui %ge3A_290 : i1 to i32
      %cond3A_292 = arith.constant 0 : i32
      %cond3A_293 = arith.cmpi ne, %convert_element_type3A_291, %cond3A_292 : i32
      scf.if %cond3A_293 {
        %add3A_338 = arith.constant 3 : i32
        %add3A_339 = arith.addi %add3A_273, %add3A_338 : i32
        %sub3A_340 = arith.constant 8 : i32
        %sub3A_341 = arith.subi %add3A_339, %sub3A_340 : i32
        %mul3A_342 = arith.constant 50 : i32
        %mul3A_343 = arith.muli %sub3A_341, %mul3A_342 : i32
        %add3A_344 = arith.addi %mul3A_2, %mul3A_343 : i32
        %dma_wait3A_345 = arith.constant 0 : i32
        %dma_wait3A_346 = tpu.memref_slice %arg5[%add3A_344, %dma_wait3A_345] : memref<204800x128xf32, #tpu.memory_space<hbm>> -> memref<50x128xf32, #tpu.memory_space<hbm>>
        %dma_wait3A_347 = arith.constant 0 : i32
        %dma_wait3A_348 = tpu.memref_slice %arg5[%add3A_344, %dma_wait3A_347] : memref<204800x128xf32, #tpu.memory_space<hbm>> -> memref<50x128xf32, #tpu.memory_space<hbm>>
        tpu.wait_dma2 semaphore(%arg25 : memref<!tpu.dma_semaphore, #tpu.memory_space<semaphore_mem>>) src(%arg9 : memref<50x128xf32, #tpu.memory_space<vmem>>) dst(%dma_wait3A_348 : memref<50x128xf32, #tpu.memory_space<hbm>>)
      } else {
      }
      %add3A_294 = arith.constant 3 : i32
      %add3A_295 = arith.addi %add3A_273, %add3A_294 : i32
      %lt3A_296 = arith.constant 128 : i32
      %lt3A_297 = arith.cmpi slt, %add3A_295, %lt3A_296 : i32
      %convert_element_type3A_298 = arith.extui %lt3A_297 : i1 to i32
      %cond3A_299 = arith.constant 0 : i32
      %cond3A_300 = arith.cmpi ne, %convert_element_type3A_298, %cond3A_299 : i32
      scf.if %cond3A_300 {
        %add3A_338 = arith.constant 3 : i32
        %add3A_339 = arith.addi %add3A_273, %add3A_338 : i32
        %dma_start3A_340 = arith.constant 0 : i32
        %dma_start3A_341 = tpu.memref_slice %arg6[%add3A_339, %dma_start3A_340] : memref<128x50xi32, #tpu.memory_space<vmem>> -> memref<1x50xi32, #tpu.memory_space<vmem>>
        %dma_start3A_342 = tpu.memref_squeeze %dma_start3A_341 : memref<1x50xi32, #tpu.memory_space<vmem>> -> memref<50xi32, #tpu.memory_space<vmem>>
        %dma_start3A_343 = arith.constant 0 : i32
        %dma_start3A_344 = arith.constant 0 : i32
        %dma_start3A_345 = tpu.memref_slice %arg3[%dma_start3A_343, %dma_start3A_344] : memref<100000x128xf32, #tpu.memory_space<hbm>> -> memref<100000x128xf32, #tpu.memory_space<hbm>>
        tpu.enqueue_indirect_dma source(%dma_start3A_345 : memref<100000x128xf32, #tpu.memory_space<hbm>>) target(%arg9 : memref<50x128xf32, #tpu.memory_space<vmem>>) offsets(%dma_start3A_342 : memref<50xi32, #tpu.memory_space<vmem>>) semaphore(%arg17 : memref<!tpu.dma_semaphore, #tpu.memory_space<semaphore_mem>>)
      } else {
      }
      %parallel_loop3A_301 = arith.constant 0 : i32
      %parallel_loop3A_302 = arith.constant 50 : i32
      %parallel_loop3A_303 = arith.constant 1 : i32
      scf.for %parallel_loop3A_338 = %parallel_loop3A_301 to %parallel_loop3A_302 step %parallel_loop3A_303  : i32 {
        %parallel_loop3A_339 = arith.index_cast %parallel_loop3A_338 : i32 to index
        %parallel_loop3A_340 = arith.constant 0 : index
        %parallel_loop3A_341 = tpu.vector_load %arg14[%parallel_loop3A_339, %parallel_loop3A_340] {strides = array<i32>} : memref<50x128xf32, #tpu.memory_space<vmem>>, vector<1x16xf32>,
        %parallel_loop3A_342 = vector.shape_cast %parallel_loop3A_341 : vector<1x16xf32> to vector<16xf32>
        %parallel_loop3A_343 = arith.constant 11.3137083 : f32
        %parallel_loop3A_344 = vector.broadcast %parallel_loop3A_343 : f32 to vector<16xf32>
        %parallel_loop3A_345 = arith.mulf %parallel_loop3A_342, %parallel_loop3A_344 : vector<16xf32>
        %parallel_loop3A_346 = arith.constant 100 : i32
        %parallel_loop3A_347 = arith.addi %parallel_loop3A_346, %parallel_loop3A_338 : i32
        %parallel_loop3A_348 = arith.index_cast %parallel_loop3A_347 : i32 to index
        %parallel_loop3A_349 = arith.constant 0 : index
        %parallel_loop3A_350 = tpu.vector_load %arg7[%parallel_loop3A_348, %parallel_loop3A_349] {strides = array<i32>} : memref<200x128xf32, #tpu.memory_space<vmem>>, vector<1x16xf32>,
        %parallel_loop3A_351 = vector.shape_cast %parallel_loop3A_350 : vector<1x16xf32> to vector<16xf32>
        %parallel_loop3A_352 = arith.addf %parallel_loop3A_345, %parallel_loop3A_351 : vector<16xf32>
        %parallel_loop3A_353 = arith.index_cast %parallel_loop3A_338 : i32 to index
        %parallel_loop3A_354 = arith.constant 0 : index
        %parallel_loop3A_355 = tpu.vector_load %arg14[%parallel_loop3A_353, %parallel_loop3A_354] {strides = array<i32>} : memref<50x128xf32, #tpu.memory_space<vmem>>, vector<1x16xf32>,
        %parallel_loop3A_356 = vector.shape_cast %parallel_loop3A_355 : vector<1x16xf32> to vector<16xf32>
        %parallel_loop3A_357 = vector.shape_cast %parallel_loop3A_352 : vector<16xf32> to vector<1x16xf32>
        tpu.vector_store %arg14[%parallel_loop3A_353, %parallel_loop3A_354], %parallel_loop3A_357 {strides = array<i32>} : memref<50x128xf32, #tpu.memory_space<vmem>>, vector<1x16xf32>,
        %parallel_loop3A_358 = arith.index_cast %parallel_loop3A_338 : i32 to index
        %parallel_loop3A_359 = arith.constant 16 : index
        %parallel_loop3A_360 = tpu.vector_load %arg14[%parallel_loop3A_358, %parallel_loop3A_359] {strides = array<i32>} : memref<50x128xf32, #tpu.memory_space<vmem>>, vector<1x16xf32>,
        %parallel_loop3A_361 = vector.shape_cast %parallel_loop3A_360 : vector<1x16xf32> to vector<16xf32>
        %parallel_loop3A_362 = arith.constant 11.3137083 : f32
        %parallel_loop3A_363 = vector.broadcast %parallel_loop3A_362 : f32 to vector<16xf32>
        %parallel_loop3A_364 = arith.mulf %parallel_loop3A_361, %parallel_loop3A_363 : vector<16xf32>
        %parallel_loop3A_365 = arith.constant 100 : i32
        %parallel_loop3A_366 = arith.addi %parallel_loop3A_365, %parallel_loop3A_338 : i32
        %parallel_loop3A_367 = arith.index_cast %parallel_loop3A_366 : i32 to index
        %parallel_loop3A_368 = arith.constant 16 : index
        %parallel_loop3A_369 = tpu.vector_load %arg7[%parallel_loop3A_367, %parallel_loop3A_368] {strides = array<i32>} : memref<200x128xf32, #tpu.memory_space<vmem>>, vector<1x16xf32>,
        %parallel_loop3A_370 = vector.shape_cast %parallel_loop3A_369 : vector<1x16xf32> to vector<16xf32>
        %parallel_loop3A_371 = arith.addf %parallel_loop3A_364, %parallel_loop3A_370 : vector<16xf32>
        %parallel_loop3A_372 = arith.index_cast %parallel_loop3A_338 : i32 to index
        %parallel_loop3A_373 = arith.constant 16 : index
        %parallel_loop3A_374 = tpu.vector_load %arg14[%parallel_loop3A_372, %parallel_loop3A_373] {strides = array<i32>} : memref<50x128xf32, #tpu.memory_space<vmem>>, vector<1x16xf32>,
        %parallel_loop3A_375 = vector.shape_cast %parallel_loop3A_374 : vector<1x16xf32> to vector<16xf32>
        %parallel_loop3A_376 = vector.shape_cast %parallel_loop3A_371 : vector<16xf32> to vector<1x16xf32>
        tpu.vector_store %arg14[%parallel_loop3A_372, %parallel_loop3A_373], %parallel_loop3A_376 {strides = array<i32>} : memref<50x128xf32, #tpu.memory_space<vmem>>, vector<1x16xf32>,
        %parallel_loop3A_377 = arith.index_cast %parallel_loop3A_338 : i32 to index
        %parallel_loop3A_378 = arith.constant 32 : index
        %parallel_loop3A_379 = tpu.vector_load %arg14[%parallel_loop3A_377, %parallel_loop3A_378] {strides = array<i32>} : memref<50x128xf32, #tpu.memory_space<vmem>>, vector<1x16xf32>,
        %parallel_loop3A_380 = vector.shape_cast %parallel_loop3A_379 : vector<1x16xf32> to vector<16xf32>
        %parallel_loop3A_381 = arith.constant 11.3137083 : f32
        %parallel_loop3A_382 = vector.broadcast %parallel_loop3A_381 : f32 to vector<16xf32>
        %parallel_loop3A_383 = arith.mulf %parallel_loop3A_380, %parallel_loop3A_382 : vector<16xf32>
        %parallel_loop3A_384 = arith.constant 100 : i32
        %parallel_loop3A_385 = arith.addi %parallel_loop3A_384, %parallel_loop3A_338 : i32
        %parallel_loop3A_386 = arith.index_cast %parallel_loop3A_385 : i32 to index
        %parallel_loop3A_387 = arith.constant 32 : index
        %parallel_loop3A_388 = tpu.vector_load %arg7[%parallel_loop3A_386, %parallel_loop3A_387] {strides = array<i32>} : memref<200x128xf32, #tpu.memory_space<vmem>>, vector<1x16xf32>,
        %parallel_loop3A_389 = vector.shape_cast %parallel_loop3A_388 : vector<1x16xf32> to vector<16xf32>
        %parallel_loop3A_390 = arith.addf %parallel_loop3A_383, %parallel_loop3A_389 : vector<16xf32>
        %parallel_loop3A_391 = arith.index_cast %parallel_loop3A_338 : i32 to index
        %parallel_loop3A_392 = arith.constant 32 : index
        %parallel_loop3A_393 = tpu.vector_load %arg14[%parallel_loop3A_391, %parallel_loop3A_392] {strides = array<i32>} : memref<50x128xf32, #tpu.memory_space<vmem>>, vector<1x16xf32>,
        %parallel_loop3A_394 = vector.shape_cast %parallel_loop3A_393 : vector<1x16xf32> to vector<16xf32>
        %parallel_loop3A_395 = vector.shape_cast %parallel_loop3A_390 : vector<16xf32> to vector<1x16xf32>
        tpu.vector_store %arg14[%parallel_loop3A_391, %parallel_loop3A_392], %parallel_loop3A_395 {strides = array<i32>} : memref<50x128xf32, #tpu.memory_space<vmem>>, vector<1x16xf32>,
        %parallel_loop3A_396 = arith.index_cast %parallel_loop3A_338 : i32 to index
        %parallel_loop3A_397 = arith.constant 48 : index
        %parallel_loop3A_398 = tpu.vector_load %arg14[%parallel_loop3A_396, %parallel_loop3A_397] {strides = array<i32>} : memref<50x128xf32, #tpu.memory_space<vmem>>, vector<1x16xf32>,
        %parallel_loop3A_399 = vector.shape_cast %parallel_loop3A_398 : vector<1x16xf32> to vector<16xf32>
        %parallel_loop3A_400 = arith.constant 11.3137083 : f32
        %parallel_loop3A_401 = vector.broadcast %parallel_loop3A_400 : f32 to vector<16xf32>
        %parallel_loop3A_402 = arith.mulf %parallel_loop3A_399, %parallel_loop3A_401 : vector<16xf32>
        %parallel_loop3A_403 = arith.constant 100 : i32
        %parallel_loop3A_404 = arith.addi %parallel_loop3A_403, %parallel_loop3A_338 : i32
        %parallel_loop3A_405 = arith.index_cast %parallel_loop3A_404 : i32 to index
        %parallel_loop3A_406 = arith.constant 48 : index
        %parallel_loop3A_407 = tpu.vector_load %arg7[%parallel_loop3A_405, %parallel_loop3A_406] {strides = array<i32>} : memref<200x128xf32, #tpu.memory_space<vmem>>, vector<1x16xf32>,
        %parallel_loop3A_408 = vector.shape_cast %parallel_loop3A_407 : vector<1x16xf32> to vector<16xf32>
        %parallel_loop3A_409 = arith.addf %parallel_loop3A_402, %parallel_loop3A_408 : vector<16xf32>
        %parallel_loop3A_410 = arith.index_cast %parallel_loop3A_338 : i32 to index
        %parallel_loop3A_411 = arith.constant 48 : index
        %parallel_loop3A_412 = tpu.vector_load %arg14[%parallel_loop3A_410, %parallel_loop3A_411] {strides = array<i32>} : memref<50x128xf32, #tpu.memory_space<vmem>>, vector<1x16xf32>,
        %parallel_loop3A_413 = vector.shape_cast %parallel_loop3A_412 : vector<1x16xf32> to vector<16xf32>
        %parallel_loop3A_414 = vector.shape_cast %parallel_loop3A_409 : vector<16xf32> to vector<1x16xf32>
        tpu.vector_store %arg14[%parallel_loop3A_410, %parallel_loop3A_411], %parallel_loop3A_414 {strides = array<i32>} : memref<50x128xf32, #tpu.memory_space<vmem>>, vector<1x16xf32>,
        %parallel_loop3A_415 = arith.index_cast %parallel_loop3A_338 : i32 to index
        %parallel_loop3A_416 = arith.constant 64 : index
        %parallel_loop3A_417 = tpu.vector_load %arg14[%parallel_loop3A_415, %parallel_loop3A_416] {strides = array<i32>} : memref<50x128xf32, #tpu.memory_space<vmem>>, vector<1x16xf32>,
        %parallel_loop3A_418 = vector.shape_cast %parallel_loop3A_417 : vector<1x16xf32> to vector<16xf32>
        %parallel_loop3A_419 = arith.constant 11.3137083 : f32
        %parallel_loop3A_420 = vector.broadcast %parallel_loop3A_419 : f32 to vector<16xf32>
        %parallel_loop3A_421 = arith.mulf %parallel_loop3A_418, %parallel_loop3A_420 : vector<16xf32>
        %parallel_loop3A_422 = arith.constant 100 : i32
        %parallel_loop3A_423 = arith.addi %parallel_loop3A_422, %parallel_loop3A_338 : i32
        %parallel_loop3A_424 = arith.index_cast %parallel_loop3A_423 : i32 to index
        %parallel_loop3A_425 = arith.constant 64 : index
        %parallel_loop3A_426 = tpu.vector_load %arg7[%parallel_loop3A_424, %parallel_loop3A_425] {strides = array<i32>} : memref<200x128xf32, #tpu.memory_space<vmem>>, vector<1x16xf32>,
        %parallel_loop3A_427 = vector.shape_cast %parallel_loop3A_426 : vector<1x16xf32> to vector<16xf32>
        %parallel_loop3A_428 = arith.addf %parallel_loop3A_421, %parallel_loop3A_427 : vector<16xf32>
        %parallel_loop3A_429 = arith.index_cast %parallel_loop3A_338 : i32 to index
        %parallel_loop3A_430 = arith.constant 64 : index
        %parallel_loop3A_431 = tpu.vector_load %arg14[%parallel_loop3A_429, %parallel_loop3A_430] {strides = array<i32>} : memref<50x128xf32, #tpu.memory_space<vmem>>, vector<1x16xf32>,
        %parallel_loop3A_432 = vector.shape_cast %parallel_loop3A_431 : vector<1x16xf32> to vector<16xf32>
        %parallel_loop3A_433 = vector.shape_cast %parallel_loop3A_428 : vector<16xf32> to vector<1x16xf32>
        tpu.vector_store %arg14[%parallel_loop3A_429, %parallel_loop3A_430], %parallel_loop3A_433 {strides = array<i32>} : memref<50x128xf32, #tpu.memory_space<vmem>>, vector<1x16xf32>,
        %parallel_loop3A_434 = arith.index_cast %parallel_loop3A_338 : i32 to index
        %parallel_loop3A_435 = arith.constant 80 : index
        %parallel_loop3A_436 = tpu.vector_load %arg14[%parallel_loop3A_434, %parallel_loop3A_435] {strides = array<i32>} : memref<50x128xf32, #tpu.memory_space<vmem>>, vector<1x16xf32>,
        %parallel_loop3A_437 = vector.shape_cast %parallel_loop3A_436 : vector<1x16xf32> to vector<16xf32>
        %parallel_loop3A_438 = arith.constant 11.3137083 : f32
        %parallel_loop3A_439 = vector.broadcast %parallel_loop3A_438 : f32 to vector<16xf32>
        %parallel_loop3A_440 = arith.mulf %parallel_loop3A_437, %parallel_loop3A_439 : vector<16xf32>
        %parallel_loop3A_441 = arith.constant 100 : i32
        %parallel_loop3A_442 = arith.addi %parallel_loop3A_441, %parallel_loop3A_338 : i32
        %parallel_loop3A_443 = arith.index_cast %parallel_loop3A_442 : i32 to index
        %parallel_loop3A_444 = arith.constant 80 : index
        %parallel_loop3A_445 = tpu.vector_load %arg7[%parallel_loop3A_443, %parallel_loop3A_444] {strides = array<i32>} : memref<200x128xf32, #tpu.memory_space<vmem>>, vector<1x16xf32>,
        %parallel_loop3A_446 = vector.shape_cast %parallel_loop3A_445 : vector<1x16xf32> to vector<16xf32>
        %parallel_loop3A_447 = arith.addf %parallel_loop3A_440, %parallel_loop3A_446 : vector<16xf32>
        %parallel_loop3A_448 = arith.index_cast %parallel_loop3A_338 : i32 to index
        %parallel_loop3A_449 = arith.constant 80 : index
        %parallel_loop3A_450 = tpu.vector_load %arg14[%parallel_loop3A_448, %parallel_loop3A_449] {strides = array<i32>} : memref<50x128xf32, #tpu.memory_space<vmem>>, vector<1x16xf32>,
        %parallel_loop3A_451 = vector.shape_cast %parallel_loop3A_450 : vector<1x16xf32> to vector<16xf32>
        %parallel_loop3A_452 = vector.shape_cast %parallel_loop3A_447 : vector<16xf32> to vector<1x16xf32>
        tpu.vector_store %arg14[%parallel_loop3A_448, %parallel_loop3A_449], %parallel_loop3A_452 {strides = array<i32>} : memref<50x128xf32, #tpu.memory_space<vmem>>, vector<1x16xf32>,
        %parallel_loop3A_453 = arith.index_cast %parallel_loop3A_338 : i32 to index
        %parallel_loop3A_454 = arith.constant 96 : index
        %parallel_loop3A_455 = tpu.vector_load %arg14[%parallel_loop3A_453, %parallel_loop3A_454] {strides = array<i32>} : memref<50x128xf32, #tpu.memory_space<vmem>>, vector<1x16xf32>,
        %parallel_loop3A_456 = vector.shape_cast %parallel_loop3A_455 : vector<1x16xf32> to vector<16xf32>
        %parallel_loop3A_457 = arith.constant 11.3137083 : f32
        %parallel_loop3A_458 = vector.broadcast %parallel_loop3A_457 : f32 to vector<16xf32>
        %parallel_loop3A_459 = arith.mulf %parallel_loop3A_456, %parallel_loop3A_458 : vector<16xf32>
        %parallel_loop3A_460 = arith.constant 100 : i32
        %parallel_loop3A_461 = arith.addi %parallel_loop3A_460, %parallel_loop3A_338 : i32
        %parallel_loop3A_462 = arith.index_cast %parallel_loop3A_461 : i32 to index
        %parallel_loop3A_463 = arith.constant 96 : index
        %parallel_loop3A_464 = tpu.vector_load %arg7[%parallel_loop3A_462, %parallel_loop3A_463] {strides = array<i32>} : memref<200x128xf32, #tpu.memory_space<vmem>>, vector<1x16xf32>,
        %parallel_loop3A_465 = vector.shape_cast %parallel_loop3A_464 : vector<1x16xf32> to vector<16xf32>
        %parallel_loop3A_466 = arith.addf %parallel_loop3A_459, %parallel_loop3A_465 : vector<16xf32>
        %parallel_loop3A_467 = arith.index_cast %parallel_loop3A_338 : i32 to index
        %parallel_loop3A_468 = arith.constant 96 : index
        %parallel_loop3A_469 = tpu.vector_load %arg14[%parallel_loop3A_467, %parallel_loop3A_468] {strides = array<i32>} : memref<50x128xf32, #tpu.memory_space<vmem>>, vector<1x16xf32>,
        %parallel_loop3A_470 = vector.shape_cast %parallel_loop3A_469 : vector<1x16xf32> to vector<16xf32>
        %parallel_loop3A_471 = vector.shape_cast %parallel_loop3A_466 : vector<16xf32> to vector<1x16xf32>
        tpu.vector_store %arg14[%parallel_loop3A_467, %parallel_loop3A_468], %parallel_loop3A_471 {strides = array<i32>} : memref<50x128xf32, #tpu.memory_space<vmem>>, vector<1x16xf32>,
        %parallel_loop3A_472 = arith.index_cast %parallel_loop3A_338 : i32 to index
        %parallel_loop3A_473 = arith.constant 112 : index
        %parallel_loop3A_474 = tpu.vector_load %arg14[%parallel_loop3A_472, %parallel_loop3A_473] {strides = array<i32>} : memref<50x128xf32, #tpu.memory_space<vmem>>, vector<1x16xf32>,
        %parallel_loop3A_475 = vector.shape_cast %parallel_loop3A_474 : vector<1x16xf32> to vector<16xf32>
        %parallel_loop3A_476 = arith.constant 11.3137083 : f32
        %parallel_loop3A_477 = vector.broadcast %parallel_loop3A_476 : f32 to vector<16xf32>
        %parallel_loop3A_478 = arith.mulf %parallel_loop3A_475, %parallel_loop3A_477 : vector<16xf32>
        %parallel_loop3A_479 = arith.constant 100 : i32
        %parallel_loop3A_480 = arith.addi %parallel_loop3A_479, %parallel_loop3A_338 : i32
        %parallel_loop3A_481 = arith.index_cast %parallel_loop3A_480 : i32 to index
        %parallel_loop3A_482 = arith.constant 112 : index
        %parallel_loop3A_483 = tpu.vector_load %arg7[%parallel_loop3A_481, %parallel_loop3A_482] {strides = array<i32>} : memref<200x128xf32, #tpu.memory_space<vmem>>, vector<1x16xf32>,
        %parallel_loop3A_484 = vector.shape_cast %parallel_loop3A_483 : vector<1x16xf32> to vector<16xf32>
        %parallel_loop3A_485 = arith.addf %parallel_loop3A_478, %parallel_loop3A_484 : vector<16xf32>
        %parallel_loop3A_486 = arith.index_cast %parallel_loop3A_338 : i32 to index
        %parallel_loop3A_487 = arith.constant 112 : index
        %parallel_loop3A_488 = tpu.vector_load %arg14[%parallel_loop3A_486, %parallel_loop3A_487] {strides = array<i32>} : memref<50x128xf32, #tpu.memory_space<vmem>>, vector<1x16xf32>,
        %parallel_loop3A_489 = vector.shape_cast %parallel_loop3A_488 : vector<1x16xf32> to vector<16xf32>
        %parallel_loop3A_490 = vector.shape_cast %parallel_loop3A_485 : vector<16xf32> to vector<1x16xf32>
        tpu.vector_store %arg14[%parallel_loop3A_486, %parallel_loop3A_487], %parallel_loop3A_490 {strides = array<i32>} : memref<50x128xf32, #tpu.memory_space<vmem>>, vector<1x16xf32>,
      } {sc.loop_unroll_factor = 4 : i64, sc.parallel_access}
      %mul3A_304 = arith.constant 8 : i32
      %mul3A_305 = arith.muli %mul3A_304, %scan3A_71 : i32
      %add3A_306 = arith.constant 7 : i32
      %add3A_307 = arith.addi %mul3A_305, %add3A_306 : i32
      %dma_wait3A_308 = arith.constant 0 : i32
      %dma_wait3A_309 = tpu.memref_slice %arg6[%add3A_307, %dma_wait3A_308] : memref<128x50xi32, #tpu.memory_space<vmem>> -> memref<1x50xi32, #tpu.memory_space<vmem>>
      %dma_wait3A_310 = tpu.memref_squeeze %dma_wait3A_309 : memref<1x50xi32, #tpu.memory_space<vmem>> -> memref<50xi32, #tpu.memory_space<vmem>>
      %dma_wait3A_311 = arith.constant 0 : i32
      %dma_wait3A_312 = arith.constant 0 : i32
      %dma_wait3A_313 = tpu.memref_slice %arg3[%dma_wait3A_311, %dma_wait3A_312] : memref<100000x128xf32, #tpu.memory_space<hbm>> -> memref<100000x128xf32, #tpu.memory_space<hbm>>
      tpu.wait_indirect_dma semaphore(%arg23 : memref<!tpu.dma_semaphore, #tpu.memory_space<semaphore_mem>>) src(%dma_wait3A_313 : memref<100000x128xf32, #tpu.memory_space<hbm>>) dst(%arg15 : memref<50x128xf32, #tpu.memory_space<vmem>>)
      %ge3A_314 = arith.constant 2 : i32
      %ge3A_315 = arith.cmpi sge, %add3A_307, %ge3A_314 : i32
      %convert_element_type3A_316 = arith.extui %ge3A_315 : i1 to i32
      %cond3A_317 = arith.constant 0 : i32
      %cond3A_318 = arith.cmpi ne, %convert_element_type3A_316, %cond3A_317 : i32
      scf.if %cond3A_318 {
        %sub3A_338 = arith.constant 2 : i32
        %sub3A_339 = arith.subi %add3A_307, %sub3A_338 : i32
        %mul3A_340 = arith.constant 50 : i32
        %mul3A_341 = arith.muli %sub3A_339, %mul3A_340 : i32
        %add3A_342 = arith.addi %mul3A_2, %mul3A_341 : i32
        %dma_start3A_343 = arith.constant 0 : i32
        %dma_start3A_344 = tpu.memref_slice %arg5[%add3A_342, %dma_start3A_343] : memref<204800x128xf32, #tpu.memory_space<hbm>> -> memref<50x128xf32, #tpu.memory_space<hbm>>
        %dma_start3A_345 = arith.constant 0 : i32
        %dma_start3A_346 = tpu.memref_slice %arg5[%add3A_342, %dma_start3A_345] : memref<204800x128xf32, #tpu.memory_space<hbm>> -> memref<50x128xf32, #tpu.memory_space<hbm>>
        tpu.enqueue_dma source(%arg13 : memref<50x128xf32, #tpu.memory_space<vmem>>) target(%dma_start3A_346 : memref<50x128xf32, #tpu.memory_space<hbm>>) target_semaphore(%arg29 : memref<!tpu.dma_semaphore, #tpu.memory_space<semaphore_mem>>)
      } else {
      }
      %add3A_319 = arith.constant 3 : i32
      %add3A_320 = arith.addi %add3A_307, %add3A_319 : i32
      %sub3A_321 = arith.constant 8 : i32
      %sub3A_322 = arith.subi %add3A_320, %sub3A_321 : i32
      %ge3A_323 = arith.constant 0 : i32
      %ge3A_324 = arith.cmpi sge, %sub3A_322, %ge3A_323 : i32
      %convert_element_type3A_325 = arith.extui %ge3A_324 : i1 to i32
      %cond3A_326 = arith.constant 0 : i32
      %cond3A_327 = arith.cmpi ne, %convert_element_type3A_325, %cond3A_326 : i32
      scf.if %cond3A_327 {
        %add3A_338 = arith.constant 3 : i32
        %add3A_339 = arith.addi %add3A_307, %add3A_338 : i32
        %sub3A_340 = arith.constant 8 : i32
        %sub3A_341 = arith.subi %add3A_339, %sub3A_340 : i32
        %mul3A_342 = arith.constant 50 : i32
        %mul3A_343 = arith.muli %sub3A_341, %mul3A_342 : i32
        %add3A_344 = arith.addi %mul3A_2, %mul3A_343 : i32
        %dma_wait3A_345 = arith.constant 0 : i32
        %dma_wait3A_346 = tpu.memref_slice %arg5[%add3A_344, %dma_wait3A_345] : memref<204800x128xf32, #tpu.memory_space<hbm>> -> memref<50x128xf32, #tpu.memory_space<hbm>>
        %dma_wait3A_347 = arith.constant 0 : i32
        %dma_wait3A_348 = tpu.memref_slice %arg5[%add3A_344, %dma_wait3A_347] : memref<204800x128xf32, #tpu.memory_space<hbm>> -> memref<50x128xf32, #tpu.memory_space<hbm>>
        tpu.wait_dma2 semaphore(%arg26 : memref<!tpu.dma_semaphore, #tpu.memory_space<semaphore_mem>>) src(%arg10 : memref<50x128xf32, #tpu.memory_space<vmem>>) dst(%dma_wait3A_348 : memref<50x128xf32, #tpu.memory_space<hbm>>)
      } else {
      }
      %add3A_328 = arith.constant 3 : i32
      %add3A_329 = arith.addi %add3A_307, %add3A_328 : i32
      %lt3A_330 = arith.constant 128 : i32
      %lt3A_331 = arith.cmpi slt, %add3A_329, %lt3A_330 : i32
      %convert_element_type3A_332 = arith.extui %lt3A_331 : i1 to i32
      %cond3A_333 = arith.constant 0 : i32
      %cond3A_334 = arith.cmpi ne, %convert_element_type3A_332, %cond3A_333 : i32
      scf.if %cond3A_334 {
        %add3A_338 = arith.constant 3 : i32
        %add3A_339 = arith.addi %add3A_307, %add3A_338 : i32
        %dma_start3A_340 = arith.constant 0 : i32
        %dma_start3A_341 = tpu.memref_slice %arg6[%add3A_339, %dma_start3A_340] : memref<128x50xi32, #tpu.memory_space<vmem>> -> memref<1x50xi32, #tpu.memory_space<vmem>>
        %dma_start3A_342 = tpu.memref_squeeze %dma_start3A_341 : memref<1x50xi32, #tpu.memory_space<vmem>> -> memref<50xi32, #tpu.memory_space<vmem>>
        %dma_start3A_343 = arith.constant 0 : i32
        %dma_start3A_344 = arith.constant 0 : i32
        %dma_start3A_345 = tpu.memref_slice %arg3[%dma_start3A_343, %dma_start3A_344] : memref<100000x128xf32, #tpu.memory_space<hbm>> -> memref<100000x128xf32, #tpu.memory_space<hbm>>
        tpu.enqueue_indirect_dma source(%dma_start3A_345 : memref<100000x128xf32, #tpu.memory_space<hbm>>) target(%arg10 : memref<50x128xf32, #tpu.memory_space<vmem>>) offsets(%dma_start3A_342 : memref<50xi32, #tpu.memory_space<vmem>>) semaphore(%arg18 : memref<!tpu.dma_semaphore, #tpu.memory_space<semaphore_mem>>)
      } else {
      }
      %parallel_loop3A_335 = arith.constant 0 : i32
      %parallel_loop3A_336 = arith.constant 50 : i32
      %parallel_loop3A_337 = arith.constant 1 : i32
      scf.for %parallel_loop3A_338 = %parallel_loop3A_335 to %parallel_loop3A_336 step %parallel_loop3A_337  : i32 {
        %parallel_loop3A_339 = arith.index_cast %parallel_loop3A_338 : i32 to index
        %parallel_loop3A_340 = arith.constant 0 : index
        %parallel_loop3A_341 = tpu.vector_load %arg15[%parallel_loop3A_339, %parallel_loop3A_340] {strides = array<i32>} : memref<50x128xf32, #tpu.memory_space<vmem>>, vector<1x16xf32>,
        %parallel_loop3A_342 = vector.shape_cast %parallel_loop3A_341 : vector<1x16xf32> to vector<16xf32>
        %parallel_loop3A_343 = arith.constant 11.3137083 : f32
        %parallel_loop3A_344 = vector.broadcast %parallel_loop3A_343 : f32 to vector<16xf32>
        %parallel_loop3A_345 = arith.mulf %parallel_loop3A_342, %parallel_loop3A_344 : vector<16xf32>
        %parallel_loop3A_346 = arith.constant 150 : i32
        %parallel_loop3A_347 = arith.addi %parallel_loop3A_346, %parallel_loop3A_338 : i32
        %parallel_loop3A_348 = arith.index_cast %parallel_loop3A_347 : i32 to index
        %parallel_loop3A_349 = arith.constant 0 : index
        %parallel_loop3A_350 = tpu.vector_load %arg7[%parallel_loop3A_348, %parallel_loop3A_349] {strides = array<i32>} : memref<200x128xf32, #tpu.memory_space<vmem>>, vector<1x16xf32>,
        %parallel_loop3A_351 = vector.shape_cast %parallel_loop3A_350 : vector<1x16xf32> to vector<16xf32>
        %parallel_loop3A_352 = arith.addf %parallel_loop3A_345, %parallel_loop3A_351 : vector<16xf32>
        %parallel_loop3A_353 = arith.index_cast %parallel_loop3A_338 : i32 to index
        %parallel_loop3A_354 = arith.constant 0 : index
        %parallel_loop3A_355 = tpu.vector_load %arg15[%parallel_loop3A_353, %parallel_loop3A_354] {strides = array<i32>} : memref<50x128xf32, #tpu.memory_space<vmem>>, vector<1x16xf32>,
        %parallel_loop3A_356 = vector.shape_cast %parallel_loop3A_355 : vector<1x16xf32> to vector<16xf32>
        %parallel_loop3A_357 = vector.shape_cast %parallel_loop3A_352 : vector<16xf32> to vector<1x16xf32>
        tpu.vector_store %arg15[%parallel_loop3A_353, %parallel_loop3A_354], %parallel_loop3A_357 {strides = array<i32>} : memref<50x128xf32, #tpu.memory_space<vmem>>, vector<1x16xf32>,
        %parallel_loop3A_358 = arith.index_cast %parallel_loop3A_338 : i32 to index
        %parallel_loop3A_359 = arith.constant 16 : index
        %parallel_loop3A_360 = tpu.vector_load %arg15[%parallel_loop3A_358, %parallel_loop3A_359] {strides = array<i32>} : memref<50x128xf32, #tpu.memory_space<vmem>>, vector<1x16xf32>,
        %parallel_loop3A_361 = vector.shape_cast %parallel_loop3A_360 : vector<1x16xf32> to vector<16xf32>
        %parallel_loop3A_362 = arith.constant 11.3137083 : f32
        %parallel_loop3A_363 = vector.broadcast %parallel_loop3A_362 : f32 to vector<16xf32>
        %parallel_loop3A_364 = arith.mulf %parallel_loop3A_361, %parallel_loop3A_363 : vector<16xf32>
        %parallel_loop3A_365 = arith.constant 150 : i32
        %parallel_loop3A_366 = arith.addi %parallel_loop3A_365, %parallel_loop3A_338 : i32
        %parallel_loop3A_367 = arith.index_cast %parallel_loop3A_366 : i32 to index
        %parallel_loop3A_368 = arith.constant 16 : index
        %parallel_loop3A_369 = tpu.vector_load %arg7[%parallel_loop3A_367, %parallel_loop3A_368] {strides = array<i32>} : memref<200x128xf32, #tpu.memory_space<vmem>>, vector<1x16xf32>,
        %parallel_loop3A_370 = vector.shape_cast %parallel_loop3A_369 : vector<1x16xf32> to vector<16xf32>
        %parallel_loop3A_371 = arith.addf %parallel_loop3A_364, %parallel_loop3A_370 : vector<16xf32>
        %parallel_loop3A_372 = arith.index_cast %parallel_loop3A_338 : i32 to index
        %parallel_loop3A_373 = arith.constant 16 : index
        %parallel_loop3A_374 = tpu.vector_load %arg15[%parallel_loop3A_372, %parallel_loop3A_373] {strides = array<i32>} : memref<50x128xf32, #tpu.memory_space<vmem>>, vector<1x16xf32>,
        %parallel_loop3A_375 = vector.shape_cast %parallel_loop3A_374 : vector<1x16xf32> to vector<16xf32>
        %parallel_loop3A_376 = vector.shape_cast %parallel_loop3A_371 : vector<16xf32> to vector<1x16xf32>
        tpu.vector_store %arg15[%parallel_loop3A_372, %parallel_loop3A_373], %parallel_loop3A_376 {strides = array<i32>} : memref<50x128xf32, #tpu.memory_space<vmem>>, vector<1x16xf32>,
        %parallel_loop3A_377 = arith.index_cast %parallel_loop3A_338 : i32 to index
        %parallel_loop3A_378 = arith.constant 32 : index
        %parallel_loop3A_379 = tpu.vector_load %arg15[%parallel_loop3A_377, %parallel_loop3A_378] {strides = array<i32>} : memref<50x128xf32, #tpu.memory_space<vmem>>, vector<1x16xf32>,
        %parallel_loop3A_380 = vector.shape_cast %parallel_loop3A_379 : vector<1x16xf32> to vector<16xf32>
        %parallel_loop3A_381 = arith.constant 11.3137083 : f32
        %parallel_loop3A_382 = vector.broadcast %parallel_loop3A_381 : f32 to vector<16xf32>
        %parallel_loop3A_383 = arith.mulf %parallel_loop3A_380, %parallel_loop3A_382 : vector<16xf32>
        %parallel_loop3A_384 = arith.constant 150 : i32
        %parallel_loop3A_385 = arith.addi %parallel_loop3A_384, %parallel_loop3A_338 : i32
        %parallel_loop3A_386 = arith.index_cast %parallel_loop3A_385 : i32 to index
        %parallel_loop3A_387 = arith.constant 32 : index
        %parallel_loop3A_388 = tpu.vector_load %arg7[%parallel_loop3A_386, %parallel_loop3A_387] {strides = array<i32>} : memref<200x128xf32, #tpu.memory_space<vmem>>, vector<1x16xf32>,
        %parallel_loop3A_389 = vector.shape_cast %parallel_loop3A_388 : vector<1x16xf32> to vector<16xf32>
        %parallel_loop3A_390 = arith.addf %parallel_loop3A_383, %parallel_loop3A_389 : vector<16xf32>
        %parallel_loop3A_391 = arith.index_cast %parallel_loop3A_338 : i32 to index
        %parallel_loop3A_392 = arith.constant 32 : index
        %parallel_loop3A_393 = tpu.vector_load %arg15[%parallel_loop3A_391, %parallel_loop3A_392] {strides = array<i32>} : memref<50x128xf32, #tpu.memory_space<vmem>>, vector<1x16xf32>,
        %parallel_loop3A_394 = vector.shape_cast %parallel_loop3A_393 : vector<1x16xf32> to vector<16xf32>
        %parallel_loop3A_395 = vector.shape_cast %parallel_loop3A_390 : vector<16xf32> to vector<1x16xf32>
        tpu.vector_store %arg15[%parallel_loop3A_391, %parallel_loop3A_392], %parallel_loop3A_395 {strides = array<i32>} : memref<50x128xf32, #tpu.memory_space<vmem>>, vector<1x16xf32>,
        %parallel_loop3A_396 = arith.index_cast %parallel_loop3A_338 : i32 to index
        %parallel_loop3A_397 = arith.constant 48 : index
        %parallel_loop3A_398 = tpu.vector_load %arg15[%parallel_loop3A_396, %parallel_loop3A_397] {strides = array<i32>} : memref<50x128xf32, #tpu.memory_space<vmem>>, vector<1x16xf32>,
        %parallel_loop3A_399 = vector.shape_cast %parallel_loop3A_398 : vector<1x16xf32> to vector<16xf32>
        %parallel_loop3A_400 = arith.constant 11.3137083 : f32
        %parallel_loop3A_401 = vector.broadcast %parallel_loop3A_400 : f32 to vector<16xf32>
        %parallel_loop3A_402 = arith.mulf %parallel_loop3A_399, %parallel_loop3A_401 : vector<16xf32>
        %parallel_loop3A_403 = arith.constant 150 : i32
        %parallel_loop3A_404 = arith.addi %parallel_loop3A_403, %parallel_loop3A_338 : i32
        %parallel_loop3A_405 = arith.index_cast %parallel_loop3A_404 : i32 to index
        %parallel_loop3A_406 = arith.constant 48 : index
        %parallel_loop3A_407 = tpu.vector_load %arg7[%parallel_loop3A_405, %parallel_loop3A_406] {strides = array<i32>} : memref<200x128xf32, #tpu.memory_space<vmem>>, vector<1x16xf32>,
        %parallel_loop3A_408 = vector.shape_cast %parallel_loop3A_407 : vector<1x16xf32> to vector<16xf32>
        %parallel_loop3A_409 = arith.addf %parallel_loop3A_402, %parallel_loop3A_408 : vector<16xf32>
        %parallel_loop3A_410 = arith.index_cast %parallel_loop3A_338 : i32 to index
        %parallel_loop3A_411 = arith.constant 48 : index
        %parallel_loop3A_412 = tpu.vector_load %arg15[%parallel_loop3A_410, %parallel_loop3A_411] {strides = array<i32>} : memref<50x128xf32, #tpu.memory_space<vmem>>, vector<1x16xf32>,
        %parallel_loop3A_413 = vector.shape_cast %parallel_loop3A_412 : vector<1x16xf32> to vector<16xf32>
        %parallel_loop3A_414 = vector.shape_cast %parallel_loop3A_409 : vector<16xf32> to vector<1x16xf32>
        tpu.vector_store %arg15[%parallel_loop3A_410, %parallel_loop3A_411], %parallel_loop3A_414 {strides = array<i32>} : memref<50x128xf32, #tpu.memory_space<vmem>>, vector<1x16xf32>,
        %parallel_loop3A_415 = arith.index_cast %parallel_loop3A_338 : i32 to index
        %parallel_loop3A_416 = arith.constant 64 : index
        %parallel_loop3A_417 = tpu.vector_load %arg15[%parallel_loop3A_415, %parallel_loop3A_416] {strides = array<i32>} : memref<50x128xf32, #tpu.memory_space<vmem>>, vector<1x16xf32>,
        %parallel_loop3A_418 = vector.shape_cast %parallel_loop3A_417 : vector<1x16xf32> to vector<16xf32>
        %parallel_loop3A_419 = arith.constant 11.3137083 : f32
        %parallel_loop3A_420 = vector.broadcast %parallel_loop3A_419 : f32 to vector<16xf32>
        %parallel_loop3A_421 = arith.mulf %parallel_loop3A_418, %parallel_loop3A_420 : vector<16xf32>
        %parallel_loop3A_422 = arith.constant 150 : i32
        %parallel_loop3A_423 = arith.addi %parallel_loop3A_422, %parallel_loop3A_338 : i32
        %parallel_loop3A_424 = arith.index_cast %parallel_loop3A_423 : i32 to index
        %parallel_loop3A_425 = arith.constant 64 : index
        %parallel_loop3A_426 = tpu.vector_load %arg7[%parallel_loop3A_424, %parallel_loop3A_425] {strides = array<i32>} : memref<200x128xf32, #tpu.memory_space<vmem>>, vector<1x16xf32>,
        %parallel_loop3A_427 = vector.shape_cast %parallel_loop3A_426 : vector<1x16xf32> to vector<16xf32>
        %parallel_loop3A_428 = arith.addf %parallel_loop3A_421, %parallel_loop3A_427 : vector<16xf32>
        %parallel_loop3A_429 = arith.index_cast %parallel_loop3A_338 : i32 to index
        %parallel_loop3A_430 = arith.constant 64 : index
        %parallel_loop3A_431 = tpu.vector_load %arg15[%parallel_loop3A_429, %parallel_loop3A_430] {strides = array<i32>} : memref<50x128xf32, #tpu.memory_space<vmem>>, vector<1x16xf32>,
        %parallel_loop3A_432 = vector.shape_cast %parallel_loop3A_431 : vector<1x16xf32> to vector<16xf32>
        %parallel_loop3A_433 = vector.shape_cast %parallel_loop3A_428 : vector<16xf32> to vector<1x16xf32>
        tpu.vector_store %arg15[%parallel_loop3A_429, %parallel_loop3A_430], %parallel_loop3A_433 {strides = array<i32>} : memref<50x128xf32, #tpu.memory_space<vmem>>, vector<1x16xf32>,
        %parallel_loop3A_434 = arith.index_cast %parallel_loop3A_338 : i32 to index
        %parallel_loop3A_435 = arith.constant 80 : index
        %parallel_loop3A_436 = tpu.vector_load %arg15[%parallel_loop3A_434, %parallel_loop3A_435] {strides = array<i32>} : memref<50x128xf32, #tpu.memory_space<vmem>>, vector<1x16xf32>,
        %parallel_loop3A_437 = vector.shape_cast %parallel_loop3A_436 : vector<1x16xf32> to vector<16xf32>
        %parallel_loop3A_438 = arith.constant 11.3137083 : f32
        %parallel_loop3A_439 = vector.broadcast %parallel_loop3A_438 : f32 to vector<16xf32>
        %parallel_loop3A_440 = arith.mulf %parallel_loop3A_437, %parallel_loop3A_439 : vector<16xf32>
        %parallel_loop3A_441 = arith.constant 150 : i32
        %parallel_loop3A_442 = arith.addi %parallel_loop3A_441, %parallel_loop3A_338 : i32
        %parallel_loop3A_443 = arith.index_cast %parallel_loop3A_442 : i32 to index
        %parallel_loop3A_444 = arith.constant 80 : index
        %parallel_loop3A_445 = tpu.vector_load %arg7[%parallel_loop3A_443, %parallel_loop3A_444] {strides = array<i32>} : memref<200x128xf32, #tpu.memory_space<vmem>>, vector<1x16xf32>,
        %parallel_loop3A_446 = vector.shape_cast %parallel_loop3A_445 : vector<1x16xf32> to vector<16xf32>
        %parallel_loop3A_447 = arith.addf %parallel_loop3A_440, %parallel_loop3A_446 : vector<16xf32>
        %parallel_loop3A_448 = arith.index_cast %parallel_loop3A_338 : i32 to index
        %parallel_loop3A_449 = arith.constant 80 : index
        %parallel_loop3A_450 = tpu.vector_load %arg15[%parallel_loop3A_448, %parallel_loop3A_449] {strides = array<i32>} : memref<50x128xf32, #tpu.memory_space<vmem>>, vector<1x16xf32>,
        %parallel_loop3A_451 = vector.shape_cast %parallel_loop3A_450 : vector<1x16xf32> to vector<16xf32>
        %parallel_loop3A_452 = vector.shape_cast %parallel_loop3A_447 : vector<16xf32> to vector<1x16xf32>
        tpu.vector_store %arg15[%parallel_loop3A_448, %parallel_loop3A_449], %parallel_loop3A_452 {strides = array<i32>} : memref<50x128xf32, #tpu.memory_space<vmem>>, vector<1x16xf32>,
        %parallel_loop3A_453 = arith.index_cast %parallel_loop3A_338 : i32 to index
        %parallel_loop3A_454 = arith.constant 96 : index
        %parallel_loop3A_455 = tpu.vector_load %arg15[%parallel_loop3A_453, %parallel_loop3A_454] {strides = array<i32>} : memref<50x128xf32, #tpu.memory_space<vmem>>, vector<1x16xf32>,
        %parallel_loop3A_456 = vector.shape_cast %parallel_loop3A_455 : vector<1x16xf32> to vector<16xf32>
        %parallel_loop3A_457 = arith.constant 11.3137083 : f32
        %parallel_loop3A_458 = vector.broadcast %parallel_loop3A_457 : f32 to vector<16xf32>
        %parallel_loop3A_459 = arith.mulf %parallel_loop3A_456, %parallel_loop3A_458 : vector<16xf32>
        %parallel_loop3A_460 = arith.constant 150 : i32
        %parallel_loop3A_461 = arith.addi %parallel_loop3A_460, %parallel_loop3A_338 : i32
        %parallel_loop3A_462 = arith.index_cast %parallel_loop3A_461 : i32 to index
        %parallel_loop3A_463 = arith.constant 96 : index
        %parallel_loop3A_464 = tpu.vector_load %arg7[%parallel_loop3A_462, %parallel_loop3A_463] {strides = array<i32>} : memref<200x128xf32, #tpu.memory_space<vmem>>, vector<1x16xf32>,
        %parallel_loop3A_465 = vector.shape_cast %parallel_loop3A_464 : vector<1x16xf32> to vector<16xf32>
        %parallel_loop3A_466 = arith.addf %parallel_loop3A_459, %parallel_loop3A_465 : vector<16xf32>
        %parallel_loop3A_467 = arith.index_cast %parallel_loop3A_338 : i32 to index
        %parallel_loop3A_468 = arith.constant 96 : index
        %parallel_loop3A_469 = tpu.vector_load %arg15[%parallel_loop3A_467, %parallel_loop3A_468] {strides = array<i32>} : memref<50x128xf32, #tpu.memory_space<vmem>>, vector<1x16xf32>,
        %parallel_loop3A_470 = vector.shape_cast %parallel_loop3A_469 : vector<1x16xf32> to vector<16xf32>
        %parallel_loop3A_471 = vector.shape_cast %parallel_loop3A_466 : vector<16xf32> to vector<1x16xf32>
        tpu.vector_store %arg15[%parallel_loop3A_467, %parallel_loop3A_468], %parallel_loop3A_471 {strides = array<i32>} : memref<50x128xf32, #tpu.memory_space<vmem>>, vector<1x16xf32>,
        %parallel_loop3A_472 = arith.index_cast %parallel_loop3A_338 : i32 to index
        %parallel_loop3A_473 = arith.constant 112 : index
        %parallel_loop3A_474 = tpu.vector_load %arg15[%parallel_loop3A_472, %parallel_loop3A_473] {strides = array<i32>} : memref<50x128xf32, #tpu.memory_space<vmem>>, vector<1x16xf32>,
        %parallel_loop3A_475 = vector.shape_cast %parallel_loop3A_474 : vector<1x16xf32> to vector<16xf32>
        %parallel_loop3A_476 = arith.constant 11.3137083 : f32
        %parallel_loop3A_477 = vector.broadcast %parallel_loop3A_476 : f32 to vector<16xf32>
        %parallel_loop3A_478 = arith.mulf %parallel_loop3A_475, %parallel_loop3A_477 : vector<16xf32>
        %parallel_loop3A_479 = arith.constant 150 : i32
        %parallel_loop3A_480 = arith.addi %parallel_loop3A_479, %parallel_loop3A_338 : i32
        %parallel_loop3A_481 = arith.index_cast %parallel_loop3A_480 : i32 to index
        %parallel_loop3A_482 = arith.constant 112 : index
        %parallel_loop3A_483 = tpu.vector_load %arg7[%parallel_loop3A_481, %parallel_loop3A_482] {strides = array<i32>} : memref<200x128xf32, #tpu.memory_space<vmem>>, vector<1x16xf32>,
        %parallel_loop3A_484 = vector.shape_cast %parallel_loop3A_483 : vector<1x16xf32> to vector<16xf32>
        %parallel_loop3A_485 = arith.addf %parallel_loop3A_478, %parallel_loop3A_484 : vector<16xf32>
        %parallel_loop3A_486 = arith.index_cast %parallel_loop3A_338 : i32 to index
        %parallel_loop3A_487 = arith.constant 112 : index
        %parallel_loop3A_488 = tpu.vector_load %arg15[%parallel_loop3A_486, %parallel_loop3A_487] {strides = array<i32>} : memref<50x128xf32, #tpu.memory_space<vmem>>, vector<1x16xf32>,
        %parallel_loop3A_489 = vector.shape_cast %parallel_loop3A_488 : vector<1x16xf32> to vector<16xf32>
        %parallel_loop3A_490 = vector.shape_cast %parallel_loop3A_485 : vector<16xf32> to vector<1x16xf32>
        tpu.vector_store %arg15[%parallel_loop3A_486, %parallel_loop3A_487], %parallel_loop3A_490 {strides = array<i32>} : memref<50x128xf32, #tpu.memory_space<vmem>>, vector<1x16xf32>,
      } {sc.loop_unroll_factor = 4 : i64, sc.parallel_access}
    }
    %scan3A_29 = arith.constant 16 : i32
    %add3A_30 = arith.constant 6300 : i32
    %add3A_31 = arith.addi %mul3A_2, %add3A_30 : i32
    %dma_start3A_32 = arith.constant 0 : i32
    %dma_start3A_33 = tpu.memref_slice %arg5[%add3A_31, %dma_start3A_32] : memref<204800x128xf32, #tpu.memory_space<hbm>> -> memref<50x128xf32, #tpu.memory_space<hbm>>
    %dma_start3A_34 = arith.constant 0 : i32
    %dma_start3A_35 = tpu.memref_slice %arg5[%add3A_31, %dma_start3A_34] : memref<204800x128xf32, #tpu.memory_space<hbm>> -> memref<50x128xf32, #tpu.memory_space<hbm>>
    tpu.enqueue_dma source(%arg14 : memref<50x128xf32, #tpu.memory_space<vmem>>) target(%dma_start3A_35 : memref<50x128xf32, #tpu.memory_space<hbm>>) target_semaphore(%arg30 : memref<!tpu.dma_semaphore, #tpu.memory_space<semaphore_mem>>)
    %add3A_36 = arith.constant 6150 : i32
    %add3A_37 = arith.addi %mul3A_2, %add3A_36 : i32
    %dma_wait3A = arith.constant 0 : i32
    %dma_wait3A_38 = tpu.memref_slice %arg5[%add3A_37, %dma_wait3A] : memref<204800x128xf32, #tpu.memory_space<hbm>> -> memref<50x128xf32, #tpu.memory_space<hbm>>
    %dma_wait3A_39 = arith.constant 0 : i32
    %dma_wait3A_40 = tpu.memref_slice %arg5[%add3A_37, %dma_wait3A_39] : memref<204800x128xf32, #tpu.memory_space<hbm>> -> memref<50x128xf32, #tpu.memory_space<hbm>>
    tpu.wait_dma2 semaphore(%arg27 : memref<!tpu.dma_semaphore, #tpu.memory_space<semaphore_mem>>) src(%arg11 : memref<50x128xf32, #tpu.memory_space<vmem>>) dst(%dma_wait3A_40 : memref<50x128xf32, #tpu.memory_space<hbm>>)
    %add3A_41 = arith.constant 6200 : i32
    %add3A_42 = arith.addi %mul3A_2, %add3A_41 : i32
    %dma_wait3A_43 = arith.constant 0 : i32
    %dma_wait3A_44 = tpu.memref_slice %arg5[%add3A_42, %dma_wait3A_43] : memref<204800x128xf32, #tpu.memory_space<hbm>> -> memref<50x128xf32, #tpu.memory_space<hbm>>
    %dma_wait3A_45 = arith.constant 0 : i32
    %dma_wait3A_46 = tpu.memref_slice %arg5[%add3A_42, %dma_wait3A_45] : memref<204800x128xf32, #tpu.memory_space<hbm>> -> memref<50x128xf32, #tpu.memory_space<hbm>>
    tpu.wait_dma2 semaphore(%arg28 : memref<!tpu.dma_semaphore, #tpu.memory_space<semaphore_mem>>) src(%arg12 : memref<50x128xf32, #tpu.memory_space<vmem>>) dst(%dma_wait3A_46 : memref<50x128xf32, #tpu.memory_space<hbm>>)
    %add3A_47 = arith.constant 6250 : i32
    %add3A_48 = arith.addi %mul3A_2, %add3A_47 : i32
    %dma_wait3A_49 = arith.constant 0 : i32
    %dma_wait3A_50 = tpu.memref_slice %arg5[%add3A_48, %dma_wait3A_49] : memref<204800x128xf32, #tpu.memory_space<hbm>> -> memref<50x128xf32, #tpu.memory_space<hbm>>
    %dma_wait3A_51 = arith.constant 0 : i32
    %dma_wait3A_52 = tpu.memref_slice %arg5[%add3A_48, %dma_wait3A_51] : memref<204800x128xf32, #tpu.memory_space<hbm>> -> memref<50x128xf32, #tpu.memory_space<hbm>>
    tpu.wait_dma2 semaphore(%arg29 : memref<!tpu.dma_semaphore, #tpu.memory_space<semaphore_mem>>) src(%arg13 : memref<50x128xf32, #tpu.memory_space<vmem>>) dst(%dma_wait3A_52 : memref<50x128xf32, #tpu.memory_space<hbm>>)
    %add3A_53 = arith.constant 6350 : i32
    %add3A_54 = arith.addi %mul3A_2, %add3A_53 : i32
    %dma_start3A_55 = arith.constant 0 : i32
    %dma_start3A_56 = tpu.memref_slice %arg5[%add3A_54, %dma_start3A_55] : memref<204800x128xf32, #tpu.memory_space<hbm>> -> memref<50x128xf32, #tpu.memory_space<hbm>>
    %dma_start3A_57 = arith.constant 0 : i32
    %dma_start3A_58 = tpu.memref_slice %arg5[%add3A_54, %dma_start3A_57] : memref<204800x128xf32, #tpu.memory_space<hbm>> -> memref<50x128xf32, #tpu.memory_space<hbm>>
    tpu.enqueue_dma source(%arg15 : memref<50x128xf32, #tpu.memory_space<vmem>>) target(%dma_start3A_58 : memref<50x128xf32, #tpu.memory_space<hbm>>) target_semaphore(%arg31 : memref<!tpu.dma_semaphore, #tpu.memory_space<semaphore_mem>>)
    %add3A_59 = arith.constant 6300 : i32
    %add3A_60 = arith.addi %mul3A_2, %add3A_59 : i32
    %dma_wait3A_61 = arith.constant 0 : i32
    %dma_wait3A_62 = tpu.memref_slice %arg5[%add3A_60, %dma_wait3A_61] : memref<204800x128xf32, #tpu.memory_space<hbm>> -> memref<50x128xf32, #tpu.memory_space<hbm>>
    %dma_wait3A_63 = arith.constant 0 : i32
    %dma_wait3A_64 = tpu.memref_slice %arg5[%add3A_60, %dma_wait3A_63] : memref<204800x128xf32, #tpu.memory_space<hbm>> -> memref<50x128xf32, #tpu.memory_space<hbm>>
    tpu.wait_dma2 semaphore(%arg30 : memref<!tpu.dma_semaphore, #tpu.memory_space<semaphore_mem>>) src(%arg14 : memref<50x128xf32, #tpu.memory_space<vmem>>) dst(%dma_wait3A_64 : memref<50x128xf32, #tpu.memory_space<hbm>>)
    %add3A_65 = arith.constant 6350 : i32
    %add3A_66 = arith.addi %mul3A_2, %add3A_65 : i32
    %dma_wait3A_67 = arith.constant 0 : i32
    %dma_wait3A_68 = tpu.memref_slice %arg5[%add3A_66, %dma_wait3A_67] : memref<204800x128xf32, #tpu.memory_space<hbm>> -> memref<50x128xf32, #tpu.memory_space<hbm>>
    %dma_wait3A_69 = arith.constant 0 : i32
    %dma_wait3A_70 = tpu.memref_slice %arg5[%add3A_66, %dma_wait3A_69] : memref<204800x128xf32, #tpu.memory_space<hbm>> -> memref<50x128xf32, #tpu.memory_space<hbm>>
    tpu.wait_dma2 semaphore(%arg31 : memref<!tpu.dma_semaphore, #tpu.memory_space<semaphore_mem>>) src(%arg15 : memref<50x128xf32, #tpu.memory_space<vmem>>) dst(%dma_wait3A_70 : memref<50x128xf32, #tpu.memory_space<hbm>>)
    return
  }
}

</mosaic_0001>

<sc_bundles>
// kernel: kernel.3.cloned.1.call-start
scs
__scs_entry_jumppad:
0x0: {  	(pc) =	sbr.rel $0x88, $3  }
0x1: {  	(tag) =	ssettag $0x0;
	lr =	simm.s32 $0x1  }
0x2: {  	[smem:$0x3F9E] =	sst lr;
	_ =	strace $0xD0000000  }
0x3: {  	_ = 	snop  }
0x4: {  	_ = 	snop  }
0x5: {  	_ = 	snop  }
0x6: {  	_ = 	snop  }
0x7: {  	_ = 	snop  }
__scs_overlays_trampoline_lowered:
0x8: {  	[smem:$0x3FAD] =	sst s0  }
0x9: {  	[smem:$0x3FAE] =	sst s1  }
0xa: {  	[smem:$0x3FAF] =	sst s2  }
0xb: {  	[smem:$0x3FB0] =	sst s3  }
0xc: {  	[smem:$0x3FB1] =	sst s4  }
0xd: {  	[smem:$0x3FB2] =	sst s5  }
0xe: {  	[smem:$0x3FB3] =	sst s6  }
0xf: {  	[smem:$0x3FB4] =	sst s7  }
0x10: {  	[smem:$0x3FB5] =	sst s8  }
0x11: {  	[smem:$0x3FB6] =	sst s9;
	s0 =	simm.s32 @!p0 $0x0  }
0x12: {  	s1 =	sld [smem:$0x3F9C];
	s0 =	simm.s32 @p0 $0x1  }
0x13: {  	[smem:$0x3FB7] =	sst s0;
	s0 =	simm.s32 @!p1 $0x0  }
0x14: {  	s2 =	sld [smem:$0x3F9B];
	s0 =	simm.s32 @p1 $0x1  }
0x15: {  	[smem:$0x3FB8] =	sst s0;
	s0 =	simm.s32 @!p2 $0x0  }
0x16: {  	s3 =	sld [smem:$0x3FDB];
	s0 =	simm.s32 @p2 $0x1  }
0x17: {  	s4 =	simm.s32 $0x1BF5;
	[smem:$0x3FBA] =	sst s0  }
0x18: {  	s0 =	sld [smem:$0x3F9D];
	_ =	swait.ge [sflag:s4], $0x0  }
0x19: {  	s7 =	sld [smem:$0x3F9E]  }
0x1a: {  	s8 =	sadd.s32 $0xFFFFE003, lr  }
0x1b: {  	s9 =	sadd.s32 $0xFFFFFEF7, lr;
	s5 =	simm.s32 $0xFFFFFFFF;
	p2 =	slt.u32 s8, $0xFFFFF086  }
0x1c: {  	p1 =	slt.u32 s9, $0xF7A;
	s5 =	simm.s32 @!p2 $0x0  }
0x1d: {  	s5 =	simm.s32 @p1 $0x1;
	p0 =	seq.s32 s7, s2  }
0x1e: {  	s7 =	smul.u32 @!p0 $0xF7A, s2;
	p2 =	seq.s32 @!p0 s5, $0x0  }
0x1f: {  	s9 =	smul.u32 $0xF7A, s1;
	s8 =	simm.s32 @!p0 $0x1BF5;
	p2 =	por !p2, p0  }
0x20: {  	[sflag:s8] =	ssyncset.s32 @!p0 $0xFFFFF086;
	s6 =	sadd.s32 @!p0 s3, s7;
	s7 =	simm.s32 @!p0 $0x108  }
0x21: {  	s3 =	sadd.s32 s3, s9;
	s6 =	sadd.s32 @!p0 $0x88, s6;
	s7 =	simm.s32 @p2 $0x1082  }
0x22: {  	[simem:s7], [sflag:s8] =	dma.local @!p0 [hbm:s6], $0xF7A  }
0x23: {  	s9 =	sor.u32 $0xD0000000, s2;
	s6 =	simm.s32 $0x108;
	_ =	swait.ge @!p0 [sflag:s8], $0x0  }
0x24: {  	s3 =	sadd.s32 $0x88, s3;
	s6 =	simm.s32 @!p1 $0x1082;
	[sflag:s4] =	ssyncset.s32 $0xFFFFF086  }
0x25: {  	[simem:s6], [sflag:s4] =	dma.local [hbm:s3], $0xF7A  }
0x26: {  	[smem:$0x3F9E] =	sst s1;
	(tag) =	ssettag s2;
	_ =	strace s9  }
0x27: {  	s1 =	sld [smem:$0x3FAE]  }
0x28: {  	s2 =	sld [smem:$0x3FAF]  }
0x29: {  	s4 =	sld [smem:$0x3FB1]  }
0x2a: {  	p0 =	seq.s32 s5, $0x0;
	s5 =	sld [smem:$0x3FB2]  }
0x2b: {  	s6 =	sld [smem:$0x3FB3]  }
0x2c: {  	s7 =	sld [smem:$0x3FB4]  }
0x2d: {  	s3 =	simm.s32 $0x108;
	s8 =	sld [smem:$0x3FB5]  }
0x2e: {  	s3 =	simm.s32 @!p0 $0x1082;
	s9 =	sld [smem:$0x3FB6]  }
0x2f: {  	lr =	sadd.s32 s0, s3;
	s0 =	sld [smem:$0x3FAD]  }
0x30: {  	s3 =	sld [smem:$0x3FB0]  }
0x31: {  	[smem:$0x3FB9] =	sst s10  }
0x32: {  	s10 =	sld [smem:$0x3FB7];
	_ =	sdelay $0x3  }
0x33: {  	p0 =	seq.s32 s10, $0x1;
	s10 =	sld [smem:$0x3FB9];
	_ =	sdelay $0x3  }
0x34: {  	[smem:$0x3FB9] =	sst s10  }
0x35: {  	s10 =	sld [smem:$0x3FB8];
	_ =	sdelay $0x3  }
0x36: {  	p1 =	seq.s32 s10, $0x1;
	s10 =	sld [smem:$0x3FB9];
	_ =	sdelay $0x3  }
0x37: {  	[smem:$0x3FB9] =	sst s10  }
0x38: {  	s10 =	sld [smem:$0x3FBA]  }
0x39: {  	_ = 	snop;
	(pc) =	sbr.ind lr, $3  }
0x3a: {  	_ = 	snop  }
0x3b: {  	_ = 	snop  }
0x3c: {  	p2 =	seq.s32 s10, $0x1;
	s10 =	sld [smem:$0x3FB9]  }
0x3d: {  	_ =	shalt  }
0x3e: {  	_ =	shalt  }
0x3f: {  	_ =	shalt  }
0x40: {  	_ =	shalt  }
0x41: {  	_ =	shalt  }
0x42: {  	_ =	shalt  }
0x43: {  	_ =	shalt  }
0x44: {  	_ =	shalt  }
0x45: {  	_ =	shalt  }
0x46: {  	_ =	shalt  }
0x47: {  	_ =	shalt  }
0x48: {  	_ =	shalt  }
0x49: {  	_ =	shalt  }
0x4a: {  	_ =	shalt  }
0x4b: {  	_ =	shalt  }
0x4c: {  	_ =	shalt  }
0x4d: {  	_ =	shalt  }
0x4e: {  	_ =	shalt  }
0x4f: {  	_ =	shalt  }
0x50: {  	_ =	shalt  }
0x51: {  	_ =	shalt  }
0x52: {  	_ =	shalt  }
0x53: {  	_ =	shalt  }
0x54: {  	_ =	shalt  }
0x55: {  	_ =	shalt  }
0x56: {  	_ =	shalt  }
0x57: {  	_ =	shalt  }
0x58: {  	_ =	shalt  }
0x59: {  	_ =	shalt  }
0x5a: {  	_ =	shalt  }
0x5b: {  	_ =	shalt  }
0x5c: {  	_ =	shalt  }
0x5d: {  	_ =	shalt  }
0x5e: {  	_ =	shalt  }
0x5f: {  	_ =	shalt  }
0x60: {  	_ =	shalt  }
0x61: {  	_ =	shalt  }
0x62: {  	_ =	shalt  }
0x63: {  	_ =	shalt  }
0x64: {  	_ =	shalt  }
0x65: {  	_ =	shalt  }
0x66: {  	_ =	shalt  }
0x67: {  	_ =	shalt  }
0x68: {  	_ =	shalt  }
0x69: {  	_ =	shalt  }
0x6a: {  	_ =	shalt  }
0x6b: {  	_ =	shalt  }
0x6c: {  	_ =	shalt  }
0x6d: {  	_ =	shalt  }
0x6e: {  	_ =	shalt  }
0x6f: {  	_ =	shalt  }
0x70: {  	_ =	shalt  }
0x71: {  	_ =	shalt  }
0x72: {  	_ =	shalt  }
0x73: {  	_ =	shalt  }
0x74: {  	_ =	shalt  }
0x75: {  	_ =	shalt  }
0x76: {  	_ =	shalt  }
0x77: {  	_ =	shalt  }
0x78: {  	_ =	shalt  }
0x79: {  	_ =	shalt  }
0x7a: {  	_ =	shalt  }
0x7b: {  	_ =	shalt  }
0x7c: {  	_ =	shalt  }
0x7d: {  	_ =	shalt  }
0x7e: {  	_ =	shalt  }
0x7f: {  	_ =	shalt  }
0x80: {  	_ =	shalt  }
0x81: {  	_ =	shalt  }
0x82: {  	_ =	shalt  }
0x83: {  	_ =	shalt  }
0x84: {  	_ =	shalt  }
0x85: {  	_ =	shalt  }
0x86: {  	_ =	shalt  }
0x87: {  	_ =	shalt  }
.Lfunc_end0:
.L_simem_size_0:
called_computation_lowered:
.L_overlay_start_0:
0x88: {  	s2 =	sld [smem:$0x3FD9]  }
0x89: {  	s3 =	sld [smem:$0x3FFE];
	_ =	sdelay $0x1  }
0x8a: {  	s1 =	srdreg.scid  }
0x8b: {  	s0 =	sand.u32 $0x1, s1  }
0x8c: {  	s17 =	sshll.u32 s0, $0xA;
	s2 =	sadd.s32 s3, s2  }
0x8d: {  	s2 =	sadd.s32 s2, s17  }
0x8e: {  	[smem:$0x3FC5] =	sst s2  }
0x8f: {  	_ = 	snop  }
0x90: {  	s2 =	sld [smem:$0x3FC8]  }
0x91: {  	s18 =	sld [smem:$0x3FC7]  }
0x92: {  	s4 =	sld [smem:$0x3FD0];
	(tm) =	ssettm $0x1  }
0x93: {  	s5 =	sld [smem:$0x3FFB];
	_ =	sdelay $0x3  }
0x94: {  	_ =	strace s5  }
0x95: {  	s5 =	sld [smem:$0x3FFC];
	_ =	sdelay $0x3  }
0x96: {  	_ =	strace s5  }
0x97: {  	s5 =	sld [smem:$0x3FFD];
	_ =	sdelay $0x3  }
0x98: {  	_ =	strace s5  }
0x99: {  	_ =	strace $0x8FFFFFFF  }
0x9a: {  	s19 =	sld [smem:$0x3FDB];
	_ =	sdelay $0x1  }
0x9b: {  	s6 =	simm.s32 $_scs_section_size  }
0x9c: {  	s7 =	simm.s32 $_size__tile_overlayer_lowered;
	s8 =	simm.s32 $_tile_overlayer_lowered  }
0x9d: {  	s22 =	simm.s32 $0x1BFF;
	s21 =	sshll.u32 s8, $0x1;
	s5 =	sadd.s32 s6, s19  }
0x9e: {  	s9 =	simm.s32 $0x0;
	s20 =	sshll.u32 s7, $0x1;
	s7 =	sadd.s32 s21, s5  }
0x9f: {  	[timem:s9], [sflag:s22] =	dma.local [hbm:s7], s20  }
0xa0: {  	_ =	swait.ge [sflag:s22], s20  }
0xa1: {  	s6 =	ssub.s32 $0x0, s20;
	[sflag:s22] =	ssyncset.done $0x0  }
0xa2: {  	[sflag:s22] =	ssyncadd.s32 s6;
	_ =	sdelay $0x1  }
0xa3: {  	s23 =	simm.s32 $0x1B8B  }
0xa4: {  	_ =	swait.ge [sflag:s23], $0x1  }
0xa5: {  	[sflag:s23] =	ssyncset.done $0x0  }
0xa6: {  	s25 =	simm.s32 $0x1B8E;
	s24 =	sld [smem:$0x3FFE];
	[sflag:s23] =	ssyncadd.s32 $0xFFFFFFFF  }
0xa7: {  	s26 =	simm.s32 $execute0_lowered;
	[smem:$0x3FD2] =	sst s25  }
0xa8: {  	s7 =	sshll.u32 s26, $0x1;
	_ =	strace $0x80000046;
	[dreg:$0x1] =	wrdreg $0xFFFFFFFF  }
0xa9: {  	s28 =	simm.s32 $_size_execute0_lowered;
	s5 =	sadd.s32 s5, s7;
	[dreg:$0x0] =	wrdreg $0x0  }
0xaa: {  	s7 =	sshll.u32 s28, $0x1;
	[dreg:$0x2] =	wrdreg s5  }
0xab: {  	[dreg:$0x3] =	wrdreg s7  }
0xac: {  	[dreg:$0x4] =	wrdreg $0xC0  }
0xad: {  	_ =	task [dreg:s9], $0x5FFFF  }
0xae: {  	[dreg:$0x1] =	wrdreg $0xFFFFFFFF  }
0xaf: {  	[dreg:$0x0] =	wrdreg $0x60  }
0xb0: {  	[dreg:$0x2] =	wrdreg s24  }
0xb1: {  	[dreg:$0x3] =	wrdreg s2  }
0xb2: {  	[dreg:$0x4] =	wrdreg s18  }
0xb3: {  	[dreg:$0x5] =	wrdreg s4  }
0xb4: {  	[dreg:$0x6] =	wrdreg $0x9  }
0xb5: {  	_ =	task.clear_ibuf [dreg:s9], $0x7FFFF;
	_ =	strace $0x90000046  }
0xb6: {  	s29 =	simm.s32 $0x9;
	_ =	strace $0x80000048  }
0xb7: {  	_ =	swait.ge [sflag:s29], $0x1  }
0xb8: {  	[sflag:s29] =	ssyncadd.s32 $0xFFFFFFFF  }
0xb9: {  	_ =	strace $0x90000048  }
0xba: {  	_ =	sfence  }
0xbb: {  	s30 =	sld [smem:$0x0];
	_ =	sdelay $0x2  }
0xbc: {  	s31 =	sshll.u32 s1, $0xD;
	s1 =	sshrl.u32 s1, $0x2  }
0xbd: {  	s3 =	sand.u32 $0x4000, s31;
	s1 =	sadd.s32 s1, s30  }
0xbe: {  	s0 =	sor.u32 s3, s0;
	s1 =	sshll.u32 s1, $0x11  }
0xbf: {  	s0 =	sor.u32 s1, s0  }
0xc0: {  	s0 =	sadd.s32 $0x8F2B, s0  }
0xc1: {  	[sflag:s0] =	ssyncadd.remote.s32 $0x1  }
0xc2: {  	_ =	sfence.sel $0xFFFF  }
0xc3: {  	[dreg:$0x0] =	wrdreg $0xFFFFFFFF;
	(pc) =	sbr.abs _section_cstart, $3  }
0xc4: {  	[dreg:$0x1] =	wrdreg $0xFFFFFFFF  }
0xc5: {  	_ =	task.clear_ibuf [dreg:s9], $0x2FFFF;
	_ =	strace $0x9FFFFFFF  }
0xc6: {  	(tm) =	ssettm $0x7FFFFFFF  }
0xc7: {  	_ =	shalt  }
tec
execute0_lowered:
.L_overlay_start_1:
0x0: {  	(tag) =	ssettag $0x1  }
0x1: {  	s0 =	rddreg [dreg:$0x0]  }
0x2: {  	s1 =	rddreg [dreg:$0x1];
	s2 =	srdreg.scid  }
0x3: {  	s3 =	stileid.u32;
	s4 =	rddreg [dreg:$0x3];
	s5 =	simm.s32 $0x0  }
0x4: {  	s17 =	simm.s32 $0x32;
	s28 =	simm.s32 $0x3;
	s29 =	simm.s32 $0xFD00  }
0x5: {  	s30 =	simm.s32 $0x4;
	s2 =	sand.u32 $0x1, s2;
	s3 =	sshll.u32 s3, $0x1  }
0x6: {  	s16 =	simm.s32 $0x9;
	s19 =	simm.s32 $0x7;
	s3 =	sor.u32 s2, s3  }
0x7: {  	s12 =	simm.s32 $0xB;
	s9 =	simm.s32 $0x0;
	s7 =	smul.u32 $0x380, s3  }
0x8: {  	[smem:$0x7FF] =	sst s5;
	s2 =	ssub.s32 $0x2, s2;
	s6 =	smul.u32 $0x1900, s3  }
0x9: {  	_ =	strace $0x80000047;
	s21 =	sshrl.u32 s2, $0x1;
	s3 =	smul.u32 $0xC8000, s3  }
0xa: {  	s2 =	ssub.s32 s2, s21;
	s21 =	simm.s32 $0xA;
	s0 =	sadd.s32 s7, s0  }
0xb: {  	s22 =	sadd.s32 $0x1FFFF9C, s6;
	s23 =	sadd.s32 $0x1FFFFCE, s6;
	s24 =	sshrl.u32 s3, $0x3  }
0xc: {  	s25 =	sor.u32 $0x32, s6;
	s11 =	sor.u32 $0x64, s6;
	[dreg:$0x6] =	wrdreg s22  }
0xd: {  	s31 =	smax.u32 s2, $0x1;
	s2 =	simm.s32 $0x5;
	[dreg:$0x7] =	wrdreg s23  }
0xe: {  	s3 =	simm.s32 $0x6;
	s0 =	sadd.s32 $0x400, s0;
	[dreg:$0x8] =	wrdreg s25  }
0xf: {  	s7 =	simm.s32 $0x8;
	[dreg:$0x5] =	wrdreg s0;
	s0 =	sadd.s32 s4, s24  }
0x10: {  	[dreg:$0xb] =	wrdreg s31;
	s23 =	simm.s32 $0x1;
	s26 =	sadd.s32 $0x189C0, s0  }
0x11: {  	s25 =	simm.s32 $0x2;
	s0 =	sadd.s32 $0x18CE0, s0;
	[dreg:$0x9] =	wrdreg s26  }
0x12: {  	s24 =	simm.s32 $0xCB00;
	[dreg:$0xa] =	wrdreg s0;
	s26 =	simm.s32 $0xE400  }
.LBB2_1:
0x13: {  	[dreg:$0xc] =	wrdreg s9  }
0x14: {  	s0 =	rddreg [dreg:$0x5];
	s8 =	simm.s32 $0x11  }
0x15: {  	[tilespmem:s5], [sflag:$0x11] =	stream.linear.gather [hbm4b:s0+s5], $0x1C00, $0x38;
	[tilespmem:$0x14800] =	vst v63  }
0x16: {  	_ =	swait.ge [sflag:s8], $0x1C00  }
0x17: {  	[sflag:s8] =	ssyncset.done $0x0  }
0x18: {  	[sflag:s8] =	ssyncadd.s32 $0xFFFFE400  }
0x19: {  	s14 =	simm.s32 $0x1C00;
	s13 =	rddreg [dreg:$0x2]  }
0x1a: {  	[tilespmem:s14], [sflag:$0x11] =	stream.linear.gather [hbm4b:s13+s5], $0x6400, $0x38;
	[tilespmem:$0x14800] =	vst v63  }
0x1b: {  	_ =	swait.ge [sflag:s8], $0x6400  }
0x1c: {  	[sflag:s8] =	ssyncset.done $0x0  }
0x1d: {  	s15 =	simm.s32 $0x8000;
	[sflag:s8] =	ssyncadd.s32 $0xFFFF9C00  }
0x1e: {  	[tilespmem:s15], [sflag:$0x1] =	stream.indirect.gather [hbm4b:s1+s17], $0x80, s5, s17, $0xb8;
	[tilespmem:$0x14800] =	vst v63  }
0x1f: {  	s18 =	simm.s32 $0x38;
	s20 =	simm.s32 $0x9900  }
0x20: {  	[tilespmem:s20], [sflag:$0x2] =	stream.indirect.gather [hbm4b:s1+s17], $0x80, s18, s17, $0xb8;
	[tilespmem:$0x14800] =	vst v63  }
0x21: {  	s22 =	simm.s32 $0x70;
	s31 =	simm.s32 $0xB200;
	s13 =	simm.s32 $0x0  }
0x22: {  	[tilespmem:s31], [sflag:$0x3] =	stream.indirect.gather [hbm4b:s1+s17], $0x80, s22, s17, $0xb8;
	[tilespmem:$0x14800] =	vst v63  }
.LBB2_2:
0x23: {  	p0 =	seq.s32 s13, $0x0  }
0x24: {  	_ =	swait.ge [sflag:s23], $0x1900;
	s14 =	smul.u32 @!p0 $0x190, s13  }
0x25: {  	s0 =	rddreg [dreg:$0x6]  }
0x26: {  	s0 =	sadd.s32 @!p0 s14, s0  }
0x27: {  	s18 =	sshll.u32 s13, $0x3;
	s0 =	sshll.u32 @!p0 s0, $0x4  }
0x28: {  	[sflag:s23] =	ssyncset.done $0x0;
	s8 =	simm.s32 @!p0 $0x0;
	s0 =	sand.u32 @!p0 $0x1FFFFFC0, s0  }
0x29: {  	s9 =	simm.s32 @!p0 $0x11600;
	[sflag:s23] =	ssyncadd.s32 $0xFFFFE700;
	s0 =	sadd.s32 @!p0 s4, s0  }
0x2a: {  	[hbm4b:s0+s8] =	stream.linear.scatter @!p0 [tilespmem:s9], [sflag:$0xF], $0x1900, $0x38;
	[tilespmem:$0x14800] =	vst v63  }
0x2b: {  	s15 =	sor.u32 $0x3, s18;
	s0 =	simm.s32 @!p0 $0xC  }
0x2c: {  	s22 =	smul.u32 $0xE0, s15;
	_ =	swait.ge @!p0 [sflag:s0], $0x1900  }
0x2d: {  	[sflag:s0] =	ssyncset.done @!p0 $0x0  }
0x2e: {  	s20 =	simm.s32 $0x8100;
	s9 =	sshra.s32 s22, $0x2;
	[sflag:s0] =	ssyncadd.s32 @!p0 $0xFFFFE700  }
0x2f: {  	[tilespmem:s24], [sflag:$0x4] =	stream.indirect.gather [hbm4b:s1+s17], $0x80, s9, s17, $0xb8;
	[tilespmem:$0x14800] =	vst v63  }
0x30: {  	v0 =	vld [tilespmem:s20+$0x80]  }
0x31: {  	s10 =	simm.s32 $0x1D00;
	v1 =	vld [tilespmem:s20+$0xFFFFFF80]  }
0x32: {  	v2 =	vld [tilespmem:s10+$0x80]  }
0x33: {  	v3 =	vld [tilespmem:s20+$0xFFFFFF00]  }
0x34: {  	v4 =	vld [tilespmem:s20+$0x0]  }
0x35: {  	v5 =	vld [tilespmem:s10+$0xFFFFFF00]  }
0x36: {  	v6 =	vld [tilespmem:s10+$0xFFFFFF80]  }
0x37: {  	v7 =	vld [tilespmem:s10+$0x0]  }
0x38: {  	s22 =	simm.s32 $0x8300;
	v8 =	vld [tilespmem:s20+$0xFFFFFF10]  }
0x39: {  	s31 =	simm.s32 $0x1F00;
	v10 =	vld [tilespmem:s22+$0xFFFFFF80];
	v0 =	vmul.f32 $1.131370830e+01, v0  }
0x3a: {  	v11 =	vld [tilespmem:s31+$0x80]  }
0x3b: {  	v12 =	vld [tilespmem:s22+$0xFFFFFF00];
	v3 =	vmul.f32 $1.131370830e+01, v3;
	v0 =	vadd.f32 v2, v0  }
0x3c: {  	v2 =	vld [tilespmem:s20+$0x90]  }
0x3d: {  	v13 =	vld [tilespmem:s22+$0x0];
	v1 =	vmul.f32 $1.131370830e+01, v1;
	v3 =	vadd.f32 v5, v3;
	[tilespmem:s20+$0x80] =	vst v0  }
0x3e: {  	v0 =	vld [tilespmem:s10+$0x90]  }
0x3f: {  	v4 =	vmul.f32 $1.131370830e+01, v4;
	v1 =	vadd.f32 v6, v1;
	v5 =	vld [tilespmem:s20+$0xFFFFFF90];
	[tilespmem:s20+$0xFFFFFF00] =	vst v3  }
0x40: {  	v3 =	vld [tilespmem:s10+$0xFFFFFF10]  }
0x41: {  	v6 =	vld [tilespmem:s20+$0x10];
	[tilespmem:s20+$0xFFFFFF80] =	vst v1;
	v1 =	vadd.f32 v7, v4;
	v2 =	vmul.f32 $1.131370830e+01, v2  }
0x42: {  	v4 =	vld [tilespmem:s10+$0xFFFFFF90]  }
0x43: {  	[tilespmem:s20+$0x0] =	vst v1;
	v1 =	vld [tilespmem:s20+$0xA0];
	v0 =	vadd.f32 v0, v2;
	v2 =	vmul.f32 $1.131370830e+01, v8  }
0x44: {  	v8 =	vld [tilespmem:s10+$0x10]  }
0x45: {  	v7 =	vld [tilespmem:s20+$0xFFFFFF20];
	v5 =	vmul.f32 $1.131370830e+01, v5;
	[tilespmem:s20+$0x90] =	vst v0;
	v2 =	vadd.f32 v3, v2  }
0x46: {  	v0 =	vld [tilespmem:s10+$0xA0]  }
0x47: {  	v4 =	vadd.f32 v4, v5;
	v5 =	vmul.f32 $1.131370830e+01, v6;
	v3 =	vld [tilespmem:s20+$0xFFFFFFA0];
	[tilespmem:s20+$0xFFFFFF10] =	vst v2  }
0x48: {  	v2 =	vld [tilespmem:s10+$0xFFFFFF20]  }
0x49: {  	v6 =	vld [tilespmem:s20+$0x20];
	v1 =	vmul.f32 $1.131370830e+01, v1;
	[tilespmem:s20+$0xFFFFFF90] =	vst v4;
	v4 =	vadd.f32 v8, v5  }
0x4a: {  	v5 =	vld [tilespmem:s10+$0xFFFFFFA0]  }
0x4b: {  	[tilespmem:s20+$0x10] =	vst v4;
	v4 =	vld [tilespmem:s20+$0xB0];
	v0 =	vadd.f32 v0, v1;
	v1 =	vmul.f32 $1.131370830e+01, v7  }
0x4c: {  	v7 =	vld [tilespmem:s10+$0x20]  }
0x4d: {  	v8 =	vld [tilespmem:s20+$0xFFFFFF30];
	v3 =	vmul.f32 $1.131370830e+01, v3;
	[tilespmem:s20+$0xA0] =	vst v0;
	v1 =	vadd.f32 v2, v1  }
0x4e: {  	v0 =	vld [tilespmem:s10+$0xB0]  }
0x4f: {  	v2 =	vld [tilespmem:s20+$0xFFFFFFB0];
	v3 =	vadd.f32 v5, v3;
	v5 =	vmul.f32 $1.131370830e+01, v6;
	[tilespmem:s20+$0xFFFFFF20] =	vst v1  }
0x50: {  	v1 =	vmul.f32 $1.131370830e+01, v4;
	v4 =	vld [tilespmem:s10+$0xFFFFFF30]  }
0x51: {  	v6 =	vld [tilespmem:s20+$0x30];
	[tilespmem:s20+$0xFFFFFFA0] =	vst v3;
	v3 =	vadd.f32 v7, v5  }
0x52: {  	v5 =	vld [tilespmem:s10+$0xFFFFFFB0]  }
0x53: {  	[tilespmem:s20+$0x20] =	vst v3;
	v3 =	vld [tilespmem:s20+$0xC0];
	v0 =	vadd.f32 v0, v1;
	v1 =	vmul.f32 $1.131370830e+01, v8  }
0x54: {  	v8 =	vld [tilespmem:s10+$0x30]  }
0x55: {  	v7 =	vld [tilespmem:s20+$0xFFFFFF40];
	v2 =	vmul.f32 $1.131370830e+01, v2;
	[tilespmem:s20+$0xB0] =	vst v0;
	v1 =	vadd.f32 v4, v1  }
0x56: {  	v0 =	vld [tilespmem:s10+$0xC0]  }
0x57: {  	v4 =	vld [tilespmem:s20+$0xFFFFFFC0];
	v2 =	vadd.f32 v5, v2;
	v5 =	vmul.f32 $1.131370830e+01, v6;
	[tilespmem:s20+$0xFFFFFF30] =	vst v1  }
0x58: {  	v1 =	vmul.f32 $1.131370830e+01, v3;
	v3 =	vld [tilespmem:s10+$0xFFFFFF40]  }
0x59: {  	v6 =	vld [tilespmem:s20+$0x40];
	[tilespmem:s20+$0xFFFFFFB0] =	vst v2;
	v2 =	vadd.f32 v8, v5  }
0x5a: {  	v5 =	vld [tilespmem:s10+$0xFFFFFFC0]  }
0x5b: {  	[tilespmem:s20+$0x30] =	vst v2;
	v2 =	vld [tilespmem:s20+$0xD0];
	v0 =	vadd.f32 v0, v1;
	v1 =	vmul.f32 $1.131370830e+01, v7  }
0x5c: {  	v8 =	vld [tilespmem:s20+$0xFFFFFF50]  }
0x5d: {  	v7 =	vld [tilespmem:s10+$0x40];
	[tilespmem:s20+$0xC0] =	vst v0;
	v1 =	vadd.f32 v3, v1  }
0x5e: {  	v4 =	vmul.f32 $1.131370830e+01, v4;
	v0 =	vld [tilespmem:s10+$0xD0]  }
0x5f: {  	v14 =	vld [tilespmem:s31+$0xFFFFFF00];
	[tilespmem:s20+$0xFFFFFF40] =	vst v1  }
0x60: {  	v4 =	vadd.f32 v5, v4;
	v5 =	vmul.f32 $1.131370830e+01, v6;
	v1 =	vmul.f32 $1.131370830e+01, v2;
	v2 =	vld [tilespmem:s10+$0xFFFFFF50]  }
0x61: {  	v15 =	vld [tilespmem:s31+$0xFFFFFF80]  }
0x62: {  	v16 =	vld [tilespmem:s31+$0x0];
	[tilespmem:s20+$0xFFFFFFC0] =	vst v4;
	v4 =	vadd.f32 v7, v5  }
0x63: {  	v17 =	vld [tilespmem:s22+$0xFFFFFF10];
	v0 =	vadd.f32 v0, v1;
	v1 =	vmul.f32 $1.131370830e+01, v8  }
0x64: {  	[tilespmem:s20+$0x40] =	vst v4;
	v4 =	vld [tilespmem:s20+$0xE0]  }
0x65: {  	v7 =	vld [tilespmem:s20+$0xFFFFFF60];
	[tilespmem:s20+$0xD0] =	vst v0;
	v1 =	vadd.f32 v2, v1  }
0x66: {  	v0 =	vld [tilespmem:s10+$0xE0]  }
0x67: {  	v26 =	vld [tilespmem:s22+$0xFFFFFF90];
	[tilespmem:s20+$0xFFFFFF50] =	vst v1  }
0x68: {  	v9 =	vld [tilespmem:s10+$0xFFFFFF60]  }
0x69: {  	v27 =	vld [tilespmem:s22+$0x10];
	v1 =	vmul.f32 $1.131370830e+01, v4  }
0x6a: {  	v28 =	vld [tilespmem:s22+$0xFFFFFF20]  }
0x6b: {  	v29 =	vld [tilespmem:s22+$0xA0];
	v0 =	vadd.f32 v0, v1;
	v1 =	vmul.f32 $1.131370830e+01, v7  }
0x6c: {  	v32 =	vld [tilespmem:s22+$0xFFFFFFA0]  }
0x6d: {  	v36 =	vld [tilespmem:s22+$0xB0];
	v9 =	vadd.f32 v9, v1  }
0x6e: {  	v39 =	vld [tilespmem:s22+$0xFFFFFFB0]  }
0x6f: {  	[tilespmem:s20+$0xFFFFFF60] =	vst v9;
	v9 =	vld [tilespmem:s22+$0x80]  }
0x70: {  	v40 =	vld [tilespmem:s22+$0x30]  }
0x71: {  	v47 =	vld [tilespmem:s22+$0xFFFFFFC0]  }
0x72: {  	v48 =	vld [tilespmem:s22+$0x40]  }
0x73: {  	v49 =	vld [tilespmem:s22+$0xFFFFFF50]  }
0x74: {  	v51 =	vld [tilespmem:s22+$0xD0];
	v9 =	vmul.f32 $1.131370830e+01, v9  }
0x75: {  	v54 =	vld [tilespmem:s22+$0x50]  }
0x76: {  	v57 =	vld [tilespmem:s22+$0xE0];
	v9 =	vadd.f32 v11, v9  }
0x77: {  	v12 =	vmul.f32 $1.131370830e+01, v12;
	v11 =	vld [tilespmem:s22+$0x90]  }
0x78: {  	v59 =	vld [tilespmem:s22+$0xFFFFFFE0];
	v13 =	vmul.f32 $1.131370830e+01, v13;
	[tilespmem:s22+$0x80] =	vst v9  }
0x79: {  	v12 =	vadd.f32 v14, v12;
	v9 =	vmul.f32 $1.131370830e+01, v10;
	v10 =	vld [tilespmem:s31+$0x90]  }
0x7a: {  	v60 =	vld [tilespmem:s22+$0x60];
	v13 =	vadd.f32 v16, v13  }
0x7b: {  	v61 =	vld [tilespmem:s22+$0xFFFFFF70];
	[tilespmem:s22+$0xFFFFFF00] =	vst v12;
	v9 =	vadd.f32 v15, v9  }
0x7c: {  	[tilespmem:s22+$0x0] =	vst v13;
	v12 =	vld [tilespmem:s31+$0xFFFFFF10];
	v11 =	vmul.f32 $1.131370830e+01, v11  }
0x7d: {  	v30 =	vld [tilespmem:s31+$0x10];
	[tilespmem:s22+$0xFFFFFF80] =	vst v9  }
0x7e: {  	v9 =	vld [tilespmem:s31+$0xFFFFFF90];
	v10 =	vadd.f32 v10, v11  }
0x7f: {  	v3 =	vld [tilespmem:s20+$0xFFFFFFD0]  }
0x80: {  	v6 =	vld [tilespmem:s20+$0x50];
	v11 =	vmul.f32 $1.131370830e+01, v17;
	[tilespmem:s22+$0x90] =	vst v10  }
0x81: {  	v10 =	vmul.f32 $1.131370830e+01, v26;
	v31 =	vld [tilespmem:s31+$0xA0]  }
0x82: {  	v5 =	vld [tilespmem:s10+$0xFFFFFFD0];
	v11 =	vadd.f32 v12, v11  }
0x83: {  	v8 =	vld [tilespmem:s10+$0x50];
	v15 =	vmul.f32 $1.131370830e+01, v27;
	v9 =	vadd.f32 v9, v10  }
0x84: {  	v10 =	vld [tilespmem:s22+$0x20];
	[tilespmem:s22+$0xFFFFFF10] =	vst v11;
	v11 =	vmul.f32 $1.131370830e+01, v29  }
0x85: {  	v15 =	vadd.f32 v30, v15;
	v33 =	vld [tilespmem:s31+$0xFFFFFF20];
	[tilespmem:s22+$0xFFFFFF90] =	vst v9  }
0x86: {  	v34 =	vld [tilespmem:s31+$0xFFFFFFA0];
	v11 =	vadd.f32 v31, v11  }
0x87: {  	v2 =	vld [tilespmem:s20+$0xFFFFFFE0];
	[tilespmem:s22+$0x10] =	vst v15  }
0x88: {  	v35 =	vmul.f32 $1.131370830e+01, v28;
	v3 =	vmul.f32 $1.131370830e+01, v3;
	v37 =	vld [tilespmem:s31+$0x20];
	[tilespmem:s22+$0xA0] =	vst v11  }
0x89: {  	v11 =	vmul.f32 $1.131370830e+01, v32;
	v38 =	vld [tilespmem:s31+$0xB0]  }
0x8a: {  	v5 =	vadd.f32 v5, v3;
	v3 =	vld [tilespmem:s20+$0x60];
	v13 =	vadd.f32 v33, v35  }
0x8b: {  	v9 =	vld [tilespmem:s22+$0xFFFFFF30];
	v10 =	vmul.f32 $1.131370830e+01, v10;
	v11 =	vadd.f32 v34, v11  }
0x8c: {  	v41 =	vmul.f32 $1.131370830e+01, v36;
	v4 =	vld [tilespmem:s20+$0xFFFFFF70];
	[tilespmem:s22+$0xFFFFFF20] =	vst v13  }
0x8d: {  	v10 =	vadd.f32 v37, v10;
	v42 =	vld [tilespmem:s31+$0xFFFFFF30];
	[tilespmem:s22+$0xFFFFFFA0] =	vst v11  }
0x8e: {  	v43 =	vld [tilespmem:s31+$0xFFFFFFB0];
	v12 =	vadd.f32 v38, v41  }
0x8f: {  	[tilespmem:s22+$0x20] =	vst v10;
	v10 =	vld [tilespmem:s22+$0xC0]  }
0x90: {  	v6 =	vmul.f32 $1.131370830e+01, v6;
	v9 =	vmul.f32 $1.131370830e+01, v9;
	v44 =	vld [tilespmem:s31+$0x30];
	[tilespmem:s22+$0xB0] =	vst v12  }
0x91: {  	v45 =	vmul.f32 $1.131370830e+01, v39;
	[tilespmem:s20+$0xFFFFFFD0] =	vst v5;
	v46 =	vld [tilespmem:s31+$0xC0]  }
0x92: {  	v5 =	vadd.f32 v8, v6;
	v6 =	vld [tilespmem:s10+$0xFFFFFFE0];
	v9 =	vadd.f32 v42, v9  }
0x93: {  	v17 =	vmul.f32 $1.131370830e+01, v40;
	v11 =	vld [tilespmem:s22+$0xFFFFFF40];
	v12 =	vadd.f32 v43, v45  }
0x94: {  	v8 =	vld [tilespmem:s20+$0xF0];
	[tilespmem:s22+$0xFFFFFF30] =	vst v9;
	v9 =	vmul.f32 $1.131370830e+01, v10  }
0x95: {  	v13 =	vadd.f32 v44, v17;
	v10 =	vld [tilespmem:s31+$0xFFFFFF40];
	[tilespmem:s22+$0xFFFFFFB0] =	vst v12  }
0x96: {  	[tilespmem:s20+$0x50] =	vst v5;
	v50 =	vld [tilespmem:s31+$0xFFFFFFC0];
	v9 =	vadd.f32 v46, v9  }
0x97: {  	v7 =	vld [tilespmem:s10+$0x60];
	[tilespmem:s22+$0x30] =	vst v13  }
0x98: {  	v11 =	vmul.f32 $1.131370830e+01, v11;
	v52 =	vld [tilespmem:s31+$0x40];
	[tilespmem:s22+$0xC0] =	vst v9  }
0x99: {  	v9 =	vmul.f32 $1.131370830e+01, v47;
	v53 =	vld [tilespmem:s31+$0xD0]  }
0x9a: {  	v1 =	vld [tilespmem:s20+$0xFFFFFFF0];
	v10 =	vadd.f32 v10, v11  }
0x9b: {  	v16 =	vmul.f32 $1.131370830e+01, v48;
	[tilespmem:s20+$0xE0] =	vst v0;
	v0 =	vld [tilespmem:s20+$0x70];
	v9 =	vadd.f32 v50, v9  }
0x9c: {  	v11 =	vld [tilespmem:s22+$0xFFFFFFD0];
	[tilespmem:s22+$0xFFFFFF40] =	vst v10;
	v10 =	vmul.f32 $1.131370830e+01, v51  }
0x9d: {  	v14 =	vadd.f32 v52, v16;
	v55 =	vld [tilespmem:s31+$0xFFFFFF50];
	[tilespmem:s22+$0xFFFFFFC0] =	vst v9  }
0x9e: {  	v56 =	vld [tilespmem:s31+$0xFFFFFFD0];
	v10 =	vadd.f32 v53, v10  }
0x9f: {  	v2 =	vmul.f32 $1.131370830e+01, v2;
	v5 =	vld [tilespmem:s10+$0xF0];
	[tilespmem:s22+$0x40] =	vst v14  }
0xa0: {  	v12 =	vmul.f32 $1.131370830e+01, v49;
	v58 =	vld [tilespmem:s31+$0x50];
	[tilespmem:s22+$0xD0] =	vst v10  }
0xa1: {  	v2 =	vadd.f32 v6, v2;
	v10 =	vmul.f32 $1.131370830e+01, v11;
	v11 =	vld [tilespmem:s31+$0xE0]  }
0xa2: {  	v6 =	vld [tilespmem:s10+$0xFFFFFF70];
	v12 =	vadd.f32 v55, v12  }
0xa3: {  	[tilespmem:s20+$0xFFFFFFE0] =	vst v2;
	v17 =	vmul.f32 $1.131370830e+01, v54;
	v9 =	vld [tilespmem:s22+$0xFFFFFF60];
	v10 =	vadd.f32 v56, v10  }
0xa4: {  	v2 =	vld [tilespmem:s10+$0xFFFFFFF0];
	v14 =	vmul.f32 $1.131370830e+01, v57;
	[tilespmem:s22+$0xFFFFFF50] =	vst v12  }
0xa5: {  	v3 =	vmul.f32 $1.131370830e+01, v3;
	v62 =	vld [tilespmem:s31+$0xFFFFFF60];
	[tilespmem:s22+$0xFFFFFFD0] =	vst v10;
	v10 =	vadd.f32 v58, v17  }
0xa6: {  	v8 =	vmul.f32 $1.131370830e+01, v8;
	v63 =	vld [tilespmem:s31+$0xFFFFFFE0];
	v11 =	vadd.f32 v11, v14  }
0xa7: {  	v4 =	vmul.f32 $1.131370830e+01, v4;
	v3 =	vadd.f32 v7, v3;
	v7 =	vld [tilespmem:s22+$0xF0];
	[tilespmem:s22+$0x50] =	vst v10  }
0xa8: {  	v5 =	vadd.f32 v5, v8;
	v8 =	vmul.f32 $1.131370830e+01, v9;
	v9 =	vld [tilespmem:s31+$0x60];
	[tilespmem:s22+$0xE0] =	vst v11  }
0xa9: {  	[tilespmem:s20+$0x60] =	vst v3;
	v3 =	vadd.f32 v6, v4;
	v6 =	vmul.f32 $1.131370830e+01, v59;
	v10 =	vld [tilespmem:s31+$0xF0]  }
0xaa: {  	v1 =	vmul.f32 $1.131370830e+01, v1;
	[tilespmem:s20+$0xF0] =	vst v5;
	v4 =	vld [tilespmem:s22+$0xFFFFFFF0];
	v5 =	vadd.f32 v62, v8  }
0xab: {  	[tilespmem:s20+$0xFFFFFF70] =	vst v3;
	v3 =	vld [tilespmem:s22+$0x70];
	v8 =	vmul.f32 $1.131370830e+01, v60;
	v6 =	vadd.f32 v63, v6  }
0xac: {  	v1 =	vadd.f32 v2, v1;
	v7 =	vmul.f32 $1.131370830e+01, v7;
	v2 =	vld [tilespmem:s10+$0x70];
	[tilespmem:s22+$0xFFFFFF60] =	vst v5  }
0xad: {  	v5 =	vld [tilespmem:s31+$0xFFFFFF70];
	[tilespmem:s22+$0xFFFFFFE0] =	vst v6;
	v8 =	vadd.f32 v9, v8  }
0xae: {  	s8 =	simm.s32 $0x1F00;
	s0 =	simm.s32 $0x4;
	s9 =	simm.s32 $0x8500;
	v0 =	vmul.f32 $1.131370830e+01, v0;
	[tilespmem:s20+$0xFFFFFFF0] =	vst v1;
	v1 =	vmul.f32 $1.131370830e+01, v61;
	v6 =	vld [tilespmem:s31+$0xFFFFFFF0];
	v7 =	vadd.f32 v10, v7  }
.LBB2_3:
0xaf: {  	v9 =	vld [tilespmem:s9+$0x80];
	s0 =	sadd.s32 $0x4, s0;
	v4 =	vmul.f32 $1.131370830e+01, v4;
	[tilespmem:s22+$0x60] =	vst v8  }
0xb0: {  	s31 =	sadd.s32 $0x200, s31;
	v8 =	vld [tilespmem:s9+$0xFFFFFF80];
	p1 =	slt.u32 s0, $0x2C;
	v3 =	vmul.f32 $1.131370830e+01, v3;
	[tilespmem:s22+$0xF0] =	vst v7  }
0xb1: {  	v7 =	vld [tilespmem:s31+$0x80];
	v2 =	vadd.f32 v2, v0  }
0xb2: {  	v10 =	vld [tilespmem:s9+$0x0];
	v1 =	vadd.f32 v5, v1;
	v0 =	vmov v3  }
0xb3: {  	v3 =	vld [tilespmem:s9+$0xFFFFFF00];
	v4 =	vadd.f32 v6, v4;
	[tilespmem:s20+$0x70] =	vst v2;
	s20 =	smov.u32 s22;
	s22 =	smov.u32 s9  }
0xb4: {  	v2 =	vld [tilespmem:s31+$0xFFFFFF00];
	v5 =	vmul.f32 $1.131370830e+01, v9;
	[tilespmem:s20+$0xFFFFFF70] =	vst v1  }
0xb5: {  	v1 =	vmul.f32 $1.131370830e+01, v8;
	v6 =	vld [tilespmem:s31+$0xFFFFFF80];
	[tilespmem:s20+$0xFFFFFFF0] =	vst v4  }
0xb6: {  	v4 =	vld [tilespmem:s31+$0x0];
	v5 =	vadd.f32 v7, v5  }
0xb7: {  	v7 =	vmul.f32 $1.131370830e+01, v10;
	v8 =	vld [tilespmem:s9+$0x90]  }
0xb8: {  	v3 =	vmul.f32 $1.131370830e+01, v3;
	v9 =	vld [tilespmem:s9+$0xFFFFFF10];
	[tilespmem:s9+$0x80] =	vst v5  }
0xb9: {  	v5 =	vld [tilespmem:s31+$0x90]  }
0xba: {  	v2 =	vadd.f32 v2, v3;
	v1 =	vadd.f32 v6, v1;
	v3 =	vld [tilespmem:s9+$0xFFFFFF90]  }
0xbb: {  	v4 =	vadd.f32 v4, v7;
	v6 =	vld [tilespmem:s9+$0x10]  }
0xbc: {  	[tilespmem:s9+$0xFFFFFF00] =	vst v2;
	v2 =	vld [tilespmem:s9+$0xFFFFFF20];
	v7 =	vmul.f32 $1.131370830e+01, v8  }
0xbd: {  	v8 =	vmul.f32 $1.131370830e+01, v9;
	v9 =	vld [tilespmem:s31+$0xFFFFFF10];
	[tilespmem:s9+$0xFFFFFF80] =	vst v1  }
0xbe: {  	v1 =	vld [tilespmem:s31+$0xFFFFFF90];
	[tilespmem:s9+$0x0] =	vst v4;
	v4 =	vadd.f32 v5, v7  }
0xbf: {  	v3 =	vmul.f32 $1.131370830e+01, v3;
	v5 =	vld [tilespmem:s9+$0xA0]  }
0xc0: {  	v6 =	vmul.f32 $1.131370830e+01, v6;
	v7 =	vld [tilespmem:s31+$0x10];
	[tilespmem:s9+$0x90] =	vst v4  }
0xc1: {  	v2 =	vmul.f32 $1.131370830e+01, v2;
	v4 =	vld [tilespmem:s31+$0xA0]  }
0xc2: {  	v8 =	vadd.f32 v9, v8;
	v9 =	vld [tilespmem:s9+$0xFFFFFFA0]  }
0xc3: {  	v1 =	vadd.f32 v1, v3;
	v3 =	vld [tilespmem:s9+$0x20]  }
0xc4: {  	[tilespmem:s9+$0xFFFFFF10] =	vst v8;
	v8 =	vld [tilespmem:s9+$0xFFFFFF30];
	v5 =	vmul.f32 $1.131370830e+01, v5  }
0xc5: {  	v10 =	vld [tilespmem:s31+$0xFFFFFF20];
	[tilespmem:s9+$0xFFFFFF90] =	vst v1;
	v1 =	vadd.f32 v7, v6  }
0xc6: {  	v6 =	vld [tilespmem:s31+$0xFFFFFFA0];
	v4 =	vadd.f32 v4, v5  }
0xc7: {  	v5 =	vmul.f32 $1.131370830e+01, v9;
	[tilespmem:s9+$0x10] =	vst v1;
	v1 =	vld [tilespmem:s9+$0xB0]  }
0xc8: {  	v3 =	vmul.f32 $1.131370830e+01, v3;
	v7 =	vld [tilespmem:s31+$0x20];
	[tilespmem:s9+$0xA0] =	vst v4  }
0xc9: {  	v4 =	vmul.f32 $1.131370830e+01, v8;
	v8 =	vld [tilespmem:s31+$0xB0]  }
0xca: {  	v2 =	vadd.f32 v10, v2;
	v9 =	vld [tilespmem:s9+$0xFFFFFFB0]  }
0xcb: {  	v5 =	vadd.f32 v6, v5;
	v6 =	vld [tilespmem:s9+$0x30]  }
0xcc: {  	[tilespmem:s9+$0xFFFFFF20] =	vst v2;
	v2 =	vld [tilespmem:s9+$0xFFFFFF40];
	v1 =	vmul.f32 $1.131370830e+01, v1  }
0xcd: {  	v10 =	vld [tilespmem:s31+$0xFFFFFF30];
	[tilespmem:s9+$0xFFFFFFA0] =	vst v5;
	v3 =	vadd.f32 v7, v3  }
0xce: {  	v5 =	vld [tilespmem:s31+$0xFFFFFFB0];
	v1 =	vadd.f32 v8, v1  }
0xcf: {  	v7 =	vmul.f32 $1.131370830e+01, v9;
	[tilespmem:s9+$0x20] =	vst v3;
	v3 =	vld [tilespmem:s9+$0xC0]  }
0xd0: {  	v6 =	vmul.f32 $1.131370830e+01, v6;
	v8 =	vld [tilespmem:s31+$0x30];
	[tilespmem:s9+$0xB0] =	vst v1  }
0xd1: {  	v1 =	vmul.f32 $1.131370830e+01, v2;
	v2 =	vld [tilespmem:s31+$0xC0]  }
0xd2: {  	v4 =	vadd.f32 v10, v4;
	v9 =	vld [tilespmem:s9+$0xFFFFFFC0]  }
0xd3: {  	v5 =	vadd.f32 v5, v7;
	v7 =	vld [tilespmem:s9+$0x40]  }
0xd4: {  	[tilespmem:s9+$0xFFFFFF30] =	vst v4;
	v4 =	vld [tilespmem:s9+$0xFFFFFF50];
	v3 =	vmul.f32 $1.131370830e+01, v3  }
0xd5: {  	v10 =	vld [tilespmem:s31+$0xFFFFFF40];
	[tilespmem:s9+$0xFFFFFFB0] =	vst v5;
	v5 =	vadd.f32 v8, v6  }
0xd6: {  	v6 =	vld [tilespmem:s31+$0xFFFFFFC0];
	v2 =	vadd.f32 v2, v3  }
0xd7: {  	v3 =	vmul.f32 $1.131370830e+01, v9;
	[tilespmem:s9+$0x30] =	vst v5;
	v5 =	vld [tilespmem:s9+$0xD0]  }
0xd8: {  	v7 =	vmul.f32 $1.131370830e+01, v7;
	v8 =	vld [tilespmem:s31+$0x40];
	[tilespmem:s9+$0xC0] =	vst v2  }
0xd9: {  	v2 =	vmul.f32 $1.131370830e+01, v4;
	v4 =	vld [tilespmem:s31+$0xD0]  }
0xda: {  	v1 =	vadd.f32 v10, v1;
	v9 =	vld [tilespmem:s9+$0xFFFFFFD0]  }
0xdb: {  	v3 =	vadd.f32 v6, v3;
	v6 =	vld [tilespmem:s9+$0x50]  }
0xdc: {  	[tilespmem:s9+$0xFFFFFF40] =	vst v1;
	v1 =	vld [tilespmem:s9+$0xFFFFFF60];
	v5 =	vmul.f32 $1.131370830e+01, v5  }
0xdd: {  	v10 =	vld [tilespmem:s31+$0xFFFFFF50];
	[tilespmem:s9+$0xFFFFFFC0] =	vst v3;
	v3 =	vadd.f32 v8, v7  }
0xde: {  	v7 =	vld [tilespmem:s31+$0xFFFFFFD0];
	v4 =	vadd.f32 v4, v5  }
0xdf: {  	v5 =	vmul.f32 $1.131370830e+01, v9;
	[tilespmem:s9+$0x40] =	vst v3;
	v3 =	vld [tilespmem:s9+$0xE0]  }
0xe0: {  	v6 =	vmul.f32 $1.131370830e+01, v6;
	v8 =	vld [tilespmem:s31+$0x50];
	[tilespmem:s9+$0xD0] =	vst v4  }
0xe1: {  	v4 =	vmul.f32 $1.131370830e+01, v1;
	v1 =	vld [tilespmem:s31+$0xE0]  }
0xe2: {  	v2 =	vadd.f32 v10, v2;
	v9 =	vld [tilespmem:s9+$0xFFFFFFE0]  }
0xe3: {  	v5 =	vadd.f32 v7, v5;
	v7 =	vld [tilespmem:s9+$0x60]  }
0xe4: {  	[tilespmem:s9+$0xFFFFFF50] =	vst v2;
	v2 =	vld [tilespmem:s9+$0xFFFFFF70];
	v3 =	vmul.f32 $1.131370830e+01, v3  }
0xe5: {  	v10 =	vld [tilespmem:s31+$0xFFFFFF60];
	[tilespmem:s9+$0xFFFFFFD0] =	vst v5;
	v5 =	vadd.f32 v8, v6  }
0xe6: {  	v6 =	vld [tilespmem:s31+$0xFFFFFFE0];
	v1 =	vadd.f32 v1, v3  }
0xe7: {  	v3 =	vmul.f32 $1.131370830e+01, v9;
	[tilespmem:s9+$0x50] =	vst v5;
	v5 =	vld [tilespmem:s9+$0xF0]  }
0xe8: {  	v7 =	vmul.f32 $1.131370830e+01, v7;
	v8 =	vld [tilespmem:s31+$0x60];
	[tilespmem:s9+$0xE0] =	vst v1  }
0xe9: {  	v1 =	vmul.f32 $1.131370830e+01, v2;
	v9 =	vld [tilespmem:s31+$0xF0]  }
.Ltmp0:
0xea: {  	v2 =	vadd.f32 v10, v4;
	v4 =	vld [tilespmem:s9+$0xFFFFFFF0];
	(pc) =	sbr.rel @p1 .LBB2_3-.Ltmp0, $4  }
0xeb: {  	v6 =	vadd.f32 v6, v3;
	v3 =	vld [tilespmem:s9+$0x70]  }
0xec: {  	[tilespmem:s9+$0xFFFFFF60] =	vst v2;
	v10 =	vmul.f32 $1.131370830e+01, v5;
	v2 =	vld [tilespmem:s8+$0x70];
	s8 =	smov.u32 s31  }
0xed: {  	v5 =	vld [tilespmem:s31+$0xFFFFFF70];
	[tilespmem:s9+$0xFFFFFFE0] =	vst v6;
	v8 =	vadd.f32 v8, v7  }
0xee: {  	s9 =	sadd.s32 $0x200, s9;
	v6 =	vld [tilespmem:s31+$0xFFFFFFF0];
	v7 =	vadd.f32 v9, v10  }
0xef: {  	[tilespmem:s22+$0x60] =	vst v8  }
0xf0: {  	v8 =	vld [tilespmem:s8+$0x70];
	_ =	sdelay $0x1  }
0xf1: {  	v4 =	vmul.f32 $1.131370830e+01, v4;
	v0 =	vadd.f32 v2, v0  }
0xf2: {  	v61 =	vmul.f32 $1.131370830e+01, v3;
	[tilespmem:s22+$0xF0] =	vst v7;
	v1 =	vadd.f32 v5, v1  }
0xf3: {  	v62 =	vadd.f32 v6, v4;
	[tilespmem:s20+$0x70] =	vst v0  }
0xf4: {  	[tilespmem:s22+$0xFFFFFF70] =	vst v1;
	v63 =	vadd.f32 v8, v61  }
0xf5: {  	[tilespmem:s22+$0xFFFFFFF0] =	vst v62  }
0xf6: {  	s0 =	simm.s32 $0x0;
	[tilespmem:s22+$0x70] =	vst v63  }
.LBB2_5:
0xf7: {  	s8 =	sshra.s32 s0, $0x2  }
0xf8: {  	v0 =	vld [tilespmem:s8+$0x9800]  }
0xf9: {  	v1 =	vld [tilespmem:s8+$0x3400]  }
0xfa: {  	v2 =	vld [tilespmem:s8+$0x9810]  }
0xfb: {  	v3 =	vld [tilespmem:s8+$0x3410]  }
0xfc: {  	v4 =	vld [tilespmem:s8+$0x9820]  }
0xfd: {  	v5 =	vld [tilespmem:s8+$0x3420]  }
0xfe: {  	v6 =	vld [tilespmem:s8+$0x9830]  }
0xff: {  	v7 =	vld [tilespmem:s8+$0x3430]  }
0x100: {  	v8 =	vld [tilespmem:s8+$0x9840]  }
0x101: {  	v9 =	vld [tilespmem:s8+$0x3440]  }
0x102: {  	v10 =	vld [tilespmem:s8+$0x9850]  }
0x103: {  	v11 =	vld [tilespmem:s8+$0x3450];
	v0 =	vmul.f32 $1.131370830e+01, v0  }
0x104: {  	v12 =	vld [tilespmem:s8+$0x9860];
	v2 =	vmul.f32 $1.131370830e+01, v2  }
0x105: {  	v50 =	vld [tilespmem:s8+$0x9870];
	v49 =	vmul.f32 $1.131370830e+01, v4;
	v0 =	vadd.f32 v1, v0  }
0x106: {  	v52 =	vld [tilespmem:s8+$0x3460];
	v51 =	vmul.f32 $1.131370830e+01, v6;
	v2 =	vadd.f32 v3, v2  }
0x107: {  	v55 =	vld [tilespmem:s8+$0x3470];
	v54 =	vmul.f32 $1.131370830e+01, v8;
	v53 =	vadd.f32 v5, v49;
	[tilespmem:s8+$0x9800] =	vst v0  }
0x108: {  	v57 =	vmul.f32 $1.131370830e+01, v10;
	v56 =	vadd.f32 v7, v51;
	[tilespmem:s8+$0x9810] =	vst v2  }
0x109: {  	p1 =	sne.s32 s0, $0x200;
	v59 =	vmul.f32 $1.131370830e+01, v12;
	v58 =	vadd.f32 v9, v54;
	[tilespmem:s8+$0x9820] =	vst v53  }
.Ltmp1:
0x10a: {  	v61 =	vmul.f32 $1.131370830e+01, v50;
	v60 =	vadd.f32 v11, v57;
	[tilespmem:s8+$0x9830] =	vst v56;
	(pc) =	sbr.rel @p1 .LBB2_5-.Ltmp1, $4  }
0x10b: {  	v62 =	vadd.f32 v52, v59;
	[tilespmem:s8+$0x9840] =	vst v58  }
0x10c: {  	v63 =	vadd.f32 v55, v61;
	[tilespmem:s8+$0x9850] =	vst v60  }
0x10d: {  	[tilespmem:s8+$0x9860] =	vst v62  }
0x10e: {  	s0 =	sadd.s32 $0x200, s0;
	[tilespmem:s8+$0x9870] =	vst v63  }
0x10f: {  	_ =	swait.ge [sflag:s25], $0x1900  }
0x110: {  	s0 =	rddreg [dreg:$0x7]  }
0x111: {  	s0 =	sadd.s32 @!p0 s14, s0  }
0x112: {  	s0 =	sshll.u32 @!p0 s0, $0x4  }
0x113: {  	s8 =	simm.s32 @!p0 $0x0;
	[sflag:s25] =	ssyncset.done $0x0;
	s0 =	sand.u32 @!p0 $0x1FFFFFE0, s0  }
0x114: {  	s9 =	simm.s32 @!p0 $0x12F00;
	[sflag:s25] =	ssyncadd.s32 $0xFFFFE700;
	s0 =	sadd.s32 @!p0 s4, s0  }
0x115: {  	[hbm4b:s0+s8] =	stream.linear.scatter @!p0 [tilespmem:s9], [sflag:$0x10], $0x1900, $0x38;
	[tilespmem:$0x14800] =	vst v63  }
0x116: {  	s14 =	sor.u32 $0x4, s18;
	s0 =	simm.s32 @!p0 $0xD  }
0x117: {  	s22 =	smul.u32 $0xE0, s14;
	_ =	swait.ge @!p0 [sflag:s0], $0x1900  }
0x118: {  	[sflag:s0] =	ssyncset.done @!p0 $0x0  }
0x119: {  	s20 =	simm.s32 $0x9A00;
	s9 =	sshra.s32 s22, $0x2;
	[sflag:s0] =	ssyncadd.s32 @!p0 $0xFFFFE700  }
0x11a: {  	[tilespmem:s26], [sflag:$0x5] =	stream.indirect.gather [hbm4b:s1+s17], $0x80, s9, s17, $0xb8;
	[tilespmem:$0x14800] =	vst v63  }
0x11b: {  	v0 =	vld [tilespmem:s20+$0x80]  }
0x11c: {  	s10 =	simm.s32 $0x36F0;
	v1 =	vld [tilespmem:s20+$0xFFFFFF80]  }
0x11d: {  	v2 =	vld [tilespmem:s10+$0xFFFFFF90]  }
0x11e: {  	v3 =	vld [tilespmem:s20+$0xFFFFFF00]  }
0x11f: {  	v4 =	vld [tilespmem:s20+$0x0]  }
0x120: {  	v5 =	vld [tilespmem:s10+$0xFFFFFE10]  }
0x121: {  	v6 =	vld [tilespmem:s10+$0xFFFFFE90]  }
0x122: {  	v7 =	vld [tilespmem:s10+$0xFFFFFF10]  }
0x123: {  	s22 =	simm.s32 $0x9C00;
	v8 =	vld [tilespmem:s20+$0xFFFFFF10]  }
0x124: {  	s31 =	simm.s32 $0x38F0;
	v10 =	vld [tilespmem:s22+$0xFFFFFF80];
	v0 =	vmul.f32 $1.131370830e+01, v0  }
0x125: {  	v11 =	vld [tilespmem:s31+$0xFFFFFF90]  }
0x126: {  	v12 =	vld [tilespmem:s22+$0xFFFFFF00];
	v3 =	vmul.f32 $1.131370830e+01, v3;
	v0 =	vadd.f32 v2, v0  }
0x127: {  	v2 =	vld [tilespmem:s20+$0x90]  }
0x128: {  	v13 =	vld [tilespmem:s22+$0x0];
	v1 =	vmul.f32 $1.131370830e+01, v1;
	v3 =	vadd.f32 v5, v3;
	[tilespmem:s20+$0x80] =	vst v0  }
0x129: {  	v0 =	vld [tilespmem:s10+$0xFFFFFFA0]  }
0x12a: {  	v4 =	vmul.f32 $1.131370830e+01, v4;
	v1 =	vadd.f32 v6, v1;
	v5 =	vld [tilespmem:s20+$0xFFFFFF90];
	[tilespmem:s20+$0xFFFFFF00] =	vst v3  }
0x12b: {  	v3 =	vld [tilespmem:s10+$0xFFFFFE20]  }
0x12c: {  	v6 =	vld [tilespmem:s20+$0x10];
	[tilespmem:s20+$0xFFFFFF80] =	vst v1;
	v1 =	vadd.f32 v7, v4;
	v2 =	vmul.f32 $1.131370830e+01, v2  }
0x12d: {  	v4 =	vld [tilespmem:s10+$0xFFFFFEA0]  }
0x12e: {  	[tilespmem:s20+$0x0] =	vst v1;
	v1 =	vld [tilespmem:s20+$0xA0];
	v0 =	vadd.f32 v0, v2;
	v2 =	vmul.f32 $1.131370830e+01, v8  }
0x12f: {  	v8 =	vld [tilespmem:s10+$0xFFFFFF20]  }
0x130: {  	v7 =	vld [tilespmem:s20+$0xFFFFFF20];
	v5 =	vmul.f32 $1.131370830e+01, v5;
	[tilespmem:s20+$0x90] =	vst v0;
	v2 =	vadd.f32 v3, v2  }
0x131: {  	v0 =	vld [tilespmem:s10+$0xFFFFFFB0]  }
0x132: {  	v4 =	vadd.f32 v4, v5;
	v5 =	vmul.f32 $1.131370830e+01, v6;
	v3 =	vld [tilespmem:s20+$0xFFFFFFA0];
	[tilespmem:s20+$0xFFFFFF10] =	vst v2  }
0x133: {  	v2 =	vld [tilespmem:s10+$0xFFFFFE30]  }
0x134: {  	v6 =	vld [tilespmem:s20+$0x20];
	v1 =	vmul.f32 $1.131370830e+01, v1;
	[tilespmem:s20+$0xFFFFFF90] =	vst v4;
	v4 =	vadd.f32 v8, v5  }
0x135: {  	v5 =	vld [tilespmem:s10+$0xFFFFFEB0]  }
0x136: {  	[tilespmem:s20+$0x10] =	vst v4;
	v4 =	vld [tilespmem:s20+$0xB0];
	v0 =	vadd.f32 v0, v1;
	v1 =	vmul.f32 $1.131370830e+01, v7  }
0x137: {  	v7 =	vld [tilespmem:s10+$0xFFFFFF30]  }
0x138: {  	v8 =	vld [tilespmem:s20+$0xFFFFFF30];
	v3 =	vmul.f32 $1.131370830e+01, v3;
	[tilespmem:s20+$0xA0] =	vst v0;
	v1 =	vadd.f32 v2, v1  }
0x139: {  	v0 =	vld [tilespmem:s10+$0xFFFFFFC0]  }
0x13a: {  	v2 =	vld [tilespmem:s20+$0xFFFFFFB0];
	v3 =	vadd.f32 v5, v3;
	v5 =	vmul.f32 $1.131370830e+01, v6;
	[tilespmem:s20+$0xFFFFFF20] =	vst v1  }
0x13b: {  	v1 =	vmul.f32 $1.131370830e+01, v4;
	v4 =	vld [tilespmem:s10+$0xFFFFFE40]  }
0x13c: {  	v6 =	vld [tilespmem:s20+$0x30];
	[tilespmem:s20+$0xFFFFFFA0] =	vst v3;
	v3 =	vadd.f32 v7, v5  }
0x13d: {  	v5 =	vld [tilespmem:s10+$0xFFFFFEC0]  }
0x13e: {  	[tilespmem:s20+$0x20] =	vst v3;
	v3 =	vld [tilespmem:s20+$0xC0];
	v0 =	vadd.f32 v0, v1;
	v1 =	vmul.f32 $1.131370830e+01, v8  }
0x13f: {  	v8 =	vld [tilespmem:s10+$0xFFFFFF40]  }
0x140: {  	v7 =	vld [tilespmem:s20+$0xFFFFFF40];
	v2 =	vmul.f32 $1.131370830e+01, v2;
	[tilespmem:s20+$0xB0] =	vst v0;
	v1 =	vadd.f32 v4, v1  }
0x141: {  	v0 =	vld [tilespmem:s10+$0xFFFFFFD0]  }
0x142: {  	v4 =	vld [tilespmem:s20+$0xFFFFFFC0];
	v2 =	vadd.f32 v5, v2;
	v5 =	vmul.f32 $1.131370830e+01, v6;
	[tilespmem:s20+$0xFFFFFF30] =	vst v1  }
0x143: {  	v1 =	vmul.f32 $1.131370830e+01, v3;
	v3 =	vld [tilespmem:s10+$0xFFFFFE50]  }
0x144: {  	v6 =	vld [tilespmem:s20+$0x40];
	[tilespmem:s20+$0xFFFFFFB0] =	vst v2;
	v2 =	vadd.f32 v8, v5  }
0x145: {  	v5 =	vld [tilespmem:s10+$0xFFFFFED0]  }
0x146: {  	[tilespmem:s20+$0x30] =	vst v2;
	v2 =	vld [tilespmem:s20+$0xD0];
	v0 =	vadd.f32 v0, v1;
	v1 =	vmul.f32 $1.131370830e+01, v7  }
0x147: {  	v8 =	vld [tilespmem:s20+$0xFFFFFF50]  }
0x148: {  	v7 =	vld [tilespmem:s10+$0xFFFFFF50];
	[tilespmem:s20+$0xC0] =	vst v0;
	v1 =	vadd.f32 v3, v1  }
0x149: {  	v4 =	vmul.f32 $1.131370830e+01, v4;
	v0 =	vld [tilespmem:s10+$0xFFFFFFE0]  }
0x14a: {  	v14 =	vld [tilespmem:s31+$0xFFFFFE10];
	[tilespmem:s20+$0xFFFFFF40] =	vst v1  }
0x14b: {  	v4 =	vadd.f32 v5, v4;
	v5 =	vmul.f32 $1.131370830e+01, v6;
	v1 =	vmul.f32 $1.131370830e+01, v2;
	v2 =	vld [tilespmem:s10+$0xFFFFFE60]  }
0x14c: {  	v15 =	vld [tilespmem:s31+$0xFFFFFE90]  }
0x14d: {  	v16 =	vld [tilespmem:s31+$0xFFFFFF10];
	[tilespmem:s20+$0xFFFFFFC0] =	vst v4;
	v4 =	vadd.f32 v7, v5  }
0x14e: {  	v17 =	vld [tilespmem:s22+$0xFFFFFF10];
	v0 =	vadd.f32 v0, v1;
	v1 =	vmul.f32 $1.131370830e+01, v8  }
0x14f: {  	[tilespmem:s20+$0x40] =	vst v4;
	v4 =	vld [tilespmem:s20+$0xE0]  }
0x150: {  	v7 =	vld [tilespmem:s20+$0xFFFFFF60];
	[tilespmem:s20+$0xD0] =	vst v0;
	v1 =	vadd.f32 v2, v1  }
0x151: {  	v0 =	vld [tilespmem:s10+$0xFFFFFFF0]  }
0x152: {  	v26 =	vld [tilespmem:s22+$0xFFFFFF90];
	[tilespmem:s20+$0xFFFFFF50] =	vst v1  }
0x153: {  	v9 =	vld [tilespmem:s10+$0xFFFFFE70]  }
0x154: {  	v27 =	vld [tilespmem:s22+$0x10];
	v1 =	vmul.f32 $1.131370830e+01, v4  }
0x155: {  	v28 =	vld [tilespmem:s22+$0xFFFFFF20]  }
0x156: {  	v29 =	vld [tilespmem:s22+$0xA0];
	v0 =	vadd.f32 v0, v1;
	v1 =	vmul.f32 $1.131370830e+01, v7  }
0x157: {  	v32 =	vld [tilespmem:s22+$0xFFFFFFA0]  }
0x158: {  	v36 =	vld [tilespmem:s22+$0xB0];
	v9 =	vadd.f32 v9, v1  }
0x159: {  	v39 =	vld [tilespmem:s22+$0xFFFFFFB0]  }
0x15a: {  	[tilespmem:s20+$0xFFFFFF60] =	vst v9;
	v9 =	vld [tilespmem:s22+$0x80]  }
0x15b: {  	v40 =	vld [tilespmem:s22+$0x30]  }
0x15c: {  	v47 =	vld [tilespmem:s22+$0xFFFFFFC0]  }
0x15d: {  	v48 =	vld [tilespmem:s22+$0x40]  }
0x15e: {  	v49 =	vld [tilespmem:s22+$0xFFFFFF50]  }
0x15f: {  	v51 =	vld [tilespmem:s22+$0xD0];
	v9 =	vmul.f32 $1.131370830e+01, v9  }
0x160: {  	v54 =	vld [tilespmem:s22+$0x50]  }
0x161: {  	v57 =	vld [tilespmem:s22+$0xE0];
	v9 =	vadd.f32 v11, v9  }
0x162: {  	v12 =	vmul.f32 $1.131370830e+01, v12;
	v11 =	vld [tilespmem:s22+$0x90]  }
0x163: {  	v59 =	vld [tilespmem:s22+$0xFFFFFFE0];
	v13 =	vmul.f32 $1.131370830e+01, v13;
	[tilespmem:s22+$0x80] =	vst v9  }
0x164: {  	v12 =	vadd.f32 v14, v12;
	v9 =	vmul.f32 $1.131370830e+01, v10;
	v10 =	vld [tilespmem:s31+$0xFFFFFFA0]  }
0x165: {  	v60 =	vld [tilespmem:s22+$0x60];
	v13 =	vadd.f32 v16, v13  }
0x166: {  	v61 =	vld [tilespmem:s22+$0xFFFFFF70];
	[tilespmem:s22+$0xFFFFFF00] =	vst v12;
	v9 =	vadd.f32 v15, v9  }
0x167: {  	[tilespmem:s22+$0x0] =	vst v13;
	v12 =	vld [tilespmem:s31+$0xFFFFFE20];
	v11 =	vmul.f32 $1.131370830e+01, v11  }
0x168: {  	v30 =	vld [tilespmem:s31+$0xFFFFFF20];
	[tilespmem:s22+$0xFFFFFF80] =	vst v9  }
0x169: {  	v9 =	vld [tilespmem:s31+$0xFFFFFEA0];
	v10 =	vadd.f32 v10, v11  }
0x16a: {  	v3 =	vld [tilespmem:s20+$0xFFFFFFD0]  }
0x16b: {  	v6 =	vld [tilespmem:s20+$0x50];
	v11 =	vmul.f32 $1.131370830e+01, v17;
	[tilespmem:s22+$0x90] =	vst v10  }
0x16c: {  	v10 =	vmul.f32 $1.131370830e+01, v26;
	v31 =	vld [tilespmem:s31+$0xFFFFFFB0]  }
0x16d: {  	v5 =	vld [tilespmem:s10+$0xFFFFFEE0];
	v11 =	vadd.f32 v12, v11  }
0x16e: {  	v8 =	vld [tilespmem:s10+$0xFFFFFF60];
	v15 =	vmul.f32 $1.131370830e+01, v27;
	v9 =	vadd.f32 v9, v10  }
0x16f: {  	v10 =	vld [tilespmem:s22+$0x20];
	[tilespmem:s22+$0xFFFFFF10] =	vst v11;
	v11 =	vmul.f32 $1.131370830e+01, v29  }
0x170: {  	v15 =	vadd.f32 v30, v15;
	v33 =	vld [tilespmem:s31+$0xFFFFFE30];
	[tilespmem:s22+$0xFFFFFF90] =	vst v9  }
0x171: {  	v34 =	vld [tilespmem:s31+$0xFFFFFEB0];
	v11 =	vadd.f32 v31, v11  }
0x172: {  	v2 =	vld [tilespmem:s20+$0xFFFFFFE0];
	[tilespmem:s22+$0x10] =	vst v15  }
0x173: {  	v35 =	vmul.f32 $1.131370830e+01, v28;
	v3 =	vmul.f32 $1.131370830e+01, v3;
	v37 =	vld [tilespmem:s31+$0xFFFFFF30];
	[tilespmem:s22+$0xA0] =	vst v11  }
0x174: {  	v11 =	vmul.f32 $1.131370830e+01, v32;
	v38 =	vld [tilespmem:s31+$0xFFFFFFC0]  }
0x175: {  	v5 =	vadd.f32 v5, v3;
	v3 =	vld [tilespmem:s20+$0x60];
	v13 =	vadd.f32 v33, v35  }
0x176: {  	v9 =	vld [tilespmem:s22+$0xFFFFFF30];
	v10 =	vmul.f32 $1.131370830e+01, v10;
	v11 =	vadd.f32 v34, v11  }
0x177: {  	v41 =	vmul.f32 $1.131370830e+01, v36;
	v4 =	vld [tilespmem:s20+$0xFFFFFF70];
	[tilespmem:s22+$0xFFFFFF20] =	vst v13  }
0x178: {  	v10 =	vadd.f32 v37, v10;
	v42 =	vld [tilespmem:s31+$0xFFFFFE40];
	[tilespmem:s22+$0xFFFFFFA0] =	vst v11  }
0x179: {  	v43 =	vld [tilespmem:s31+$0xFFFFFEC0];
	v12 =	vadd.f32 v38, v41  }
0x17a: {  	[tilespmem:s22+$0x20] =	vst v10;
	v10 =	vld [tilespmem:s22+$0xC0]  }
0x17b: {  	v6 =	vmul.f32 $1.131370830e+01, v6;
	v9 =	vmul.f32 $1.131370830e+01, v9;
	v44 =	vld [tilespmem:s31+$0xFFFFFF40];
	[tilespmem:s22+$0xB0] =	vst v12  }
0x17c: {  	v45 =	vmul.f32 $1.131370830e+01, v39;
	[tilespmem:s20+$0xFFFFFFD0] =	vst v5;
	v46 =	vld [tilespmem:s31+$0xFFFFFFD0]  }
0x17d: {  	v5 =	vadd.f32 v8, v6;
	v6 =	vld [tilespmem:s10+$0xFFFFFEF0];
	v9 =	vadd.f32 v42, v9  }
0x17e: {  	v17 =	vmul.f32 $1.131370830e+01, v40;
	v11 =	vld [tilespmem:s22+$0xFFFFFF40];
	v12 =	vadd.f32 v43, v45  }
0x17f: {  	v8 =	vld [tilespmem:s20+$0xF0];
	[tilespmem:s22+$0xFFFFFF30] =	vst v9;
	v9 =	vmul.f32 $1.131370830e+01, v10  }
0x180: {  	v13 =	vadd.f32 v44, v17;
	v10 =	vld [tilespmem:s31+$0xFFFFFE50];
	[tilespmem:s22+$0xFFFFFFB0] =	vst v12  }
0x181: {  	[tilespmem:s20+$0x50] =	vst v5;
	v50 =	vld [tilespmem:s31+$0xFFFFFED0];
	v9 =	vadd.f32 v46, v9  }
0x182: {  	v7 =	vld [tilespmem:s10+$0xFFFFFF70];
	[tilespmem:s22+$0x30] =	vst v13  }
0x183: {  	v11 =	vmul.f32 $1.131370830e+01, v11;
	v52 =	vld [tilespmem:s31+$0xFFFFFF50];
	[tilespmem:s22+$0xC0] =	vst v9  }
0x184: {  	v9 =	vmul.f32 $1.131370830e+01, v47;
	v53 =	vld [tilespmem:s31+$0xFFFFFFE0]  }
0x185: {  	v1 =	vld [tilespmem:s20+$0xFFFFFFF0];
	v10 =	vadd.f32 v10, v11  }
0x186: {  	v16 =	vmul.f32 $1.131370830e+01, v48;
	[tilespmem:s20+$0xE0] =	vst v0;
	v0 =	vld [tilespmem:s20+$0x70];
	v9 =	vadd.f32 v50, v9  }
0x187: {  	v11 =	vld [tilespmem:s22+$0xFFFFFFD0];
	[tilespmem:s22+$0xFFFFFF40] =	vst v10;
	v10 =	vmul.f32 $1.131370830e+01, v51  }
0x188: {  	v14 =	vadd.f32 v52, v16;
	v55 =	vld [tilespmem:s31+$0xFFFFFE60];
	[tilespmem:s22+$0xFFFFFFC0] =	vst v9  }
0x189: {  	v56 =	vld [tilespmem:s31+$0xFFFFFEE0];
	v10 =	vadd.f32 v53, v10  }
0x18a: {  	v2 =	vmul.f32 $1.131370830e+01, v2;
	v5 =	vld [tilespmem:s10+$0x0];
	[tilespmem:s22+$0x40] =	vst v14  }
0x18b: {  	v12 =	vmul.f32 $1.131370830e+01, v49;
	v58 =	vld [tilespmem:s31+$0xFFFFFF60];
	[tilespmem:s22+$0xD0] =	vst v10  }
0x18c: {  	v2 =	vadd.f32 v6, v2;
	v10 =	vmul.f32 $1.131370830e+01, v11;
	v11 =	vld [tilespmem:s31+$0xFFFFFFF0]  }
0x18d: {  	v6 =	vld [tilespmem:s10+$0xFFFFFE80];
	v12 =	vadd.f32 v55, v12  }
0x18e: {  	[tilespmem:s20+$0xFFFFFFE0] =	vst v2;
	v17 =	vmul.f32 $1.131370830e+01, v54;
	v9 =	vld [tilespmem:s22+$0xFFFFFF60];
	v10 =	vadd.f32 v56, v10  }
0x18f: {  	v2 =	vld [tilespmem:s10+$0xFFFFFF00];
	v14 =	vmul.f32 $1.131370830e+01, v57;
	[tilespmem:s22+$0xFFFFFF50] =	vst v12  }
0x190: {  	v3 =	vmul.f32 $1.131370830e+01, v3;
	v62 =	vld [tilespmem:s31+$0xFFFFFE70];
	[tilespmem:s22+$0xFFFFFFD0] =	vst v10;
	v10 =	vadd.f32 v58, v17  }
0x191: {  	v8 =	vmul.f32 $1.131370830e+01, v8;
	v63 =	vld [tilespmem:s31+$0xFFFFFEF0];
	v11 =	vadd.f32 v11, v14  }
0x192: {  	v4 =	vmul.f32 $1.131370830e+01, v4;
	v3 =	vadd.f32 v7, v3;
	v7 =	vld [tilespmem:s22+$0xF0];
	[tilespmem:s22+$0x50] =	vst v10  }
0x193: {  	v5 =	vadd.f32 v5, v8;
	v8 =	vmul.f32 $1.131370830e+01, v9;
	v9 =	vld [tilespmem:s31+$0xFFFFFF70];
	[tilespmem:s22+$0xE0] =	vst v11  }
0x194: {  	[tilespmem:s20+$0x60] =	vst v3;
	v3 =	vadd.f32 v6, v4;
	v6 =	vmul.f32 $1.131370830e+01, v59;
	v10 =	vld [tilespmem:s31+$0x0]  }
0x195: {  	v1 =	vmul.f32 $1.131370830e+01, v1;
	[tilespmem:s20+$0xF0] =	vst v5;
	v4 =	vld [tilespmem:s22+$0xFFFFFFF0];
	v5 =	vadd.f32 v62, v8  }
0x196: {  	[tilespmem:s20+$0xFFFFFF70] =	vst v3;
	v3 =	vld [tilespmem:s22+$0x70];
	v8 =	vmul.f32 $1.131370830e+01, v60;
	v6 =	vadd.f32 v63, v6  }
0x197: {  	v1 =	vadd.f32 v2, v1;
	v7 =	vmul.f32 $1.131370830e+01, v7;
	v2 =	vld [tilespmem:s10+$0xFFFFFF80];
	[tilespmem:s22+$0xFFFFFF60] =	vst v5  }
0x198: {  	v5 =	vld [tilespmem:s31+$0xFFFFFE80];
	[tilespmem:s22+$0xFFFFFFE0] =	vst v6;
	v8 =	vadd.f32 v9, v8  }
0x199: {  	s8 =	simm.s32 $0x38F0;
	s0 =	simm.s32 $0x4;
	s9 =	simm.s32 $0x9E00;
	v0 =	vmul.f32 $1.131370830e+01, v0;
	[tilespmem:s20+$0xFFFFFFF0] =	vst v1;
	v1 =	vmul.f32 $1.131370830e+01, v61;
	v6 =	vld [tilespmem:s31+$0xFFFFFF00];
	v7 =	vadd.f32 v10, v7  }
.LBB2_7:
0x19a: {  	v9 =	vld [tilespmem:s9+$0x80];
	s0 =	sadd.s32 $0x4, s0;
	v4 =	vmul.f32 $1.131370830e+01, v4;
	[tilespmem:s22+$0x60] =	vst v8  }
0x19b: {  	s31 =	sadd.s32 $0x200, s31;
	v8 =	vld [tilespmem:s9+$0xFFFFFF80];
	p1 =	slt.u32 s0, $0x2C;
	v3 =	vmul.f32 $1.131370830e+01, v3;
	[tilespmem:s22+$0xF0] =	vst v7  }
0x19c: {  	v7 =	vld [tilespmem:s31+$0xFFFFFF90];
	v2 =	vadd.f32 v2, v0  }
0x19d: {  	v10 =	vld [tilespmem:s9+$0x0];
	v1 =	vadd.f32 v5, v1;
	v0 =	vmov v3  }
0x19e: {  	v3 =	vld [tilespmem:s9+$0xFFFFFF00];
	v4 =	vadd.f32 v6, v4;
	[tilespmem:s20+$0x70] =	vst v2;
	s20 =	smov.u32 s22;
	s22 =	smov.u32 s9  }
0x19f: {  	v2 =	vld [tilespmem:s31+$0xFFFFFE10];
	v5 =	vmul.f32 $1.131370830e+01, v9;
	[tilespmem:s20+$0xFFFFFF70] =	vst v1  }
0x1a0: {  	v1 =	vmul.f32 $1.131370830e+01, v8;
	v6 =	vld [tilespmem:s31+$0xFFFFFE90];
	[tilespmem:s20+$0xFFFFFFF0] =	vst v4  }
0x1a1: {  	v4 =	vld [tilespmem:s31+$0xFFFFFF10];
	v5 =	vadd.f32 v7, v5  }
0x1a2: {  	v7 =	vmul.f32 $1.131370830e+01, v10;
	v8 =	vld [tilespmem:s9+$0x90]  }
0x1a3: {  	v3 =	vmul.f32 $1.131370830e+01, v3;
	v9 =	vld [tilespmem:s9+$0xFFFFFF10];
	[tilespmem:s9+$0x80] =	vst v5  }
0x1a4: {  	v5 =	vld [tilespmem:s31+$0xFFFFFFA0]  }
0x1a5: {  	v2 =	vadd.f32 v2, v3;
	v1 =	vadd.f32 v6, v1;
	v3 =	vld [tilespmem:s9+$0xFFFFFF90]  }
0x1a6: {  	v4 =	vadd.f32 v4, v7;
	v6 =	vld [tilespmem:s9+$0x10]  }
0x1a7: {  	[tilespmem:s9+$0xFFFFFF00] =	vst v2;
	v2 =	vld [tilespmem:s9+$0xFFFFFF20];
	v7 =	vmul.f32 $1.131370830e+01, v8  }
0x1a8: {  	v8 =	vmul.f32 $1.131370830e+01, v9;
	v9 =	vld [tilespmem:s31+$0xFFFFFE20];
	[tilespmem:s9+$0xFFFFFF80] =	vst v1  }
0x1a9: {  	v1 =	vld [tilespmem:s31+$0xFFFFFEA0];
	[tilespmem:s9+$0x0] =	vst v4;
	v4 =	vadd.f32 v5, v7  }
0x1aa: {  	v3 =	vmul.f32 $1.131370830e+01, v3;
	v5 =	vld [tilespmem:s9+$0xA0]  }
0x1ab: {  	v6 =	vmul.f32 $1.131370830e+01, v6;
	v7 =	vld [tilespmem:s31+$0xFFFFFF20];
	[tilespmem:s9+$0x90] =	vst v4  }
0x1ac: {  	v2 =	vmul.f32 $1.131370830e+01, v2;
	v4 =	vld [tilespmem:s31+$0xFFFFFFB0]  }
0x1ad: {  	v8 =	vadd.f32 v9, v8;
	v9 =	vld [tilespmem:s9+$0xFFFFFFA0]  }
0x1ae: {  	v1 =	vadd.f32 v1, v3;
	v3 =	vld [tilespmem:s9+$0x20]  }
0x1af: {  	[tilespmem:s9+$0xFFFFFF10] =	vst v8;
	v8 =	vld [tilespmem:s9+$0xFFFFFF30];
	v5 =	vmul.f32 $1.131370830e+01, v5  }
0x1b0: {  	v10 =	vld [tilespmem:s31+$0xFFFFFE30];
	[tilespmem:s9+$0xFFFFFF90] =	vst v1;
	v1 =	vadd.f32 v7, v6  }
0x1b1: {  	v6 =	vld [tilespmem:s31+$0xFFFFFEB0];
	v4 =	vadd.f32 v4, v5  }
0x1b2: {  	v5 =	vmul.f32 $1.131370830e+01, v9;
	[tilespmem:s9+$0x10] =	vst v1;
	v1 =	vld [tilespmem:s9+$0xB0]  }
0x1b3: {  	v3 =	vmul.f32 $1.131370830e+01, v3;
	v7 =	vld [tilespmem:s31+$0xFFFFFF30];
	[tilespmem:s9+$0xA0] =	vst v4  }
0x1b4: {  	v4 =	vmul.f32 $1.131370830e+01, v8;
	v8 =	vld [tilespmem:s31+$0xFFFFFFC0]  }
0x1b5: {  	v2 =	vadd.f32 v10, v2;
	v9 =	vld [tilespmem:s9+$0xFFFFFFB0]  }
0x1b6: {  	v5 =	vadd.f32 v6, v5;
	v6 =	vld [tilespmem:s9+$0x30]  }
0x1b7: {  	[tilespmem:s9+$0xFFFFFF20] =	vst v2;
	v2 =	vld [tilespmem:s9+$0xFFFFFF40];
	v1 =	vmul.f32 $1.131370830e+01, v1  }
0x1b8: {  	v10 =	vld [tilespmem:s31+$0xFFFFFE40];
	[tilespmem:s9+$0xFFFFFFA0] =	vst v5;
	v3 =	vadd.f32 v7, v3  }
0x1b9: {  	v5 =	vld [tilespmem:s31+$0xFFFFFEC0];
	v1 =	vadd.f32 v8, v1  }
0x1ba: {  	v7 =	vmul.f32 $1.131370830e+01, v9;
	[tilespmem:s9+$0x20] =	vst v3;
	v3 =	vld [tilespmem:s9+$0xC0]  }
0x1bb: {  	v6 =	vmul.f32 $1.131370830e+01, v6;
	v8 =	vld [tilespmem:s31+$0xFFFFFF40];
	[tilespmem:s9+$0xB0] =	vst v1  }
0x1bc: {  	v1 =	vmul.f32 $1.131370830e+01, v2;
	v2 =	vld [tilespmem:s31+$0xFFFFFFD0]  }
0x1bd: {  	v4 =	vadd.f32 v10, v4;
	v9 =	vld [tilespmem:s9+$0xFFFFFFC0]  }
0x1be: {  	v5 =	vadd.f32 v5, v7;
	v7 =	vld [tilespmem:s9+$0x40]  }
0x1bf: {  	[tilespmem:s9+$0xFFFFFF30] =	vst v4;
	v4 =	vld [tilespmem:s9+$0xFFFFFF50];
	v3 =	vmul.f32 $1.131370830e+01, v3  }
0x1c0: {  	v10 =	vld [tilespmem:s31+$0xFFFFFE50];
	[tilespmem:s9+$0xFFFFFFB0] =	vst v5;
	v5 =	vadd.f32 v8, v6  }
0x1c1: {  	v6 =	vld [tilespmem:s31+$0xFFFFFED0];
	v2 =	vadd.f32 v2, v3  }
0x1c2: {  	v3 =	vmul.f32 $1.131370830e+01, v9;
	[tilespmem:s9+$0x30] =	vst v5;
	v5 =	vld [tilespmem:s9+$0xD0]  }
0x1c3: {  	v7 =	vmul.f32 $1.131370830e+01, v7;
	v8 =	vld [tilespmem:s31+$0xFFFFFF50];
	[tilespmem:s9+$0xC0] =	vst v2  }
0x1c4: {  	v2 =	vmul.f32 $1.131370830e+01, v4;
	v4 =	vld [tilespmem:s31+$0xFFFFFFE0]  }
0x1c5: {  	v1 =	vadd.f32 v10, v1;
	v9 =	vld [tilespmem:s9+$0xFFFFFFD0]  }
0x1c6: {  	v3 =	vadd.f32 v6, v3;
	v6 =	vld [tilespmem:s9+$0x50]  }
0x1c7: {  	[tilespmem:s9+$0xFFFFFF40] =	vst v1;
	v1 =	vld [tilespmem:s9+$0xFFFFFF60];
	v5 =	vmul.f32 $1.131370830e+01, v5  }
0x1c8: {  	v10 =	vld [tilespmem:s31+$0xFFFFFE60];
	[tilespmem:s9+$0xFFFFFFC0] =	vst v3;
	v3 =	vadd.f32 v8, v7  }
0x1c9: {  	v7 =	vld [tilespmem:s31+$0xFFFFFEE0];
	v4 =	vadd.f32 v4, v5  }
0x1ca: {  	v5 =	vmul.f32 $1.131370830e+01, v9;
	[tilespmem:s9+$0x40] =	vst v3;
	v3 =	vld [tilespmem:s9+$0xE0]  }
0x1cb: {  	v6 =	vmul.f32 $1.131370830e+01, v6;
	v8 =	vld [tilespmem:s31+$0xFFFFFF60];
	[tilespmem:s9+$0xD0] =	vst v4  }
0x1cc: {  	v4 =	vmul.f32 $1.131370830e+01, v1;
	v1 =	vld [tilespmem:s31+$0xFFFFFFF0]  }
0x1cd: {  	v2 =	vadd.f32 v10, v2;
	v9 =	vld [tilespmem:s9+$0xFFFFFFE0]  }
0x1ce: {  	v5 =	vadd.f32 v7, v5;
	v7 =	vld [tilespmem:s9+$0x60]  }
0x1cf: {  	[tilespmem:s9+$0xFFFFFF50] =	vst v2;
	v2 =	vld [tilespmem:s9+$0xFFFFFF70];
	v3 =	vmul.f32 $1.131370830e+01, v3  }
0x1d0: {  	v10 =	vld [tilespmem:s31+$0xFFFFFE70];
	[tilespmem:s9+$0xFFFFFFD0] =	vst v5;
	v5 =	vadd.f32 v8, v6  }
0x1d1: {  	v6 =	vld [tilespmem:s31+$0xFFFFFEF0];
	v1 =	vadd.f32 v1, v3  }
0x1d2: {  	v3 =	vmul.f32 $1.131370830e+01, v9;
	[tilespmem:s9+$0x50] =	vst v5;
	v5 =	vld [tilespmem:s9+$0xF0]  }
0x1d3: {  	v7 =	vmul.f32 $1.131370830e+01, v7;
	v8 =	vld [tilespmem:s31+$0xFFFFFF70];
	[tilespmem:s9+$0xE0] =	vst v1  }
0x1d4: {  	v1 =	vmul.f32 $1.131370830e+01, v2;
	v9 =	vld [tilespmem:s31+$0x0]  }
.Ltmp2:
0x1d5: {  	v2 =	vadd.f32 v10, v4;
	v4 =	vld [tilespmem:s9+$0xFFFFFFF0];
	(pc) =	sbr.rel @p1 .LBB2_7-.Ltmp2, $4  }
0x1d6: {  	v6 =	vadd.f32 v6, v3;
	v3 =	vld [tilespmem:s9+$0x70]  }
0x1d7: {  	[tilespmem:s9+$0xFFFFFF60] =	vst v2;
	v10 =	vmul.f32 $1.131370830e+01, v5;
	v2 =	vld [tilespmem:s8+$0xFFFFFF80];
	s8 =	smov.u32 s31  }
0x1d8: {  	v5 =	vld [tilespmem:s31+$0xFFFFFE80];
	[tilespmem:s9+$0xFFFFFFE0] =	vst v6;
	v8 =	vadd.f32 v8, v7  }
0x1d9: {  	s9 =	sadd.s32 $0x200, s9;
	v6 =	vld [tilespmem:s31+$0xFFFFFF00];
	v7 =	vadd.f32 v9, v10  }
0x1da: {  	[tilespmem:s22+$0x60] =	vst v8  }
0x1db: {  	v8 =	vld [tilespmem:s8+$0xFFFFFF80];
	_ =	sdelay $0x1  }
0x1dc: {  	v4 =	vmul.f32 $1.131370830e+01, v4;
	v0 =	vadd.f32 v2, v0  }
0x1dd: {  	v61 =	vmul.f32 $1.131370830e+01, v3;
	[tilespmem:s22+$0xF0] =	vst v7;
	v1 =	vadd.f32 v5, v1  }
0x1de: {  	v62 =	vadd.f32 v6, v4;
	[tilespmem:s20+$0x70] =	vst v0  }
0x1df: {  	[tilespmem:s22+$0xFFFFFF70] =	vst v1;
	v63 =	vadd.f32 v8, v61  }
0x1e0: {  	[tilespmem:s22+$0xFFFFFFF0] =	vst v62  }
0x1e1: {  	s0 =	simm.s32 $0x0;
	[tilespmem:s22+$0x70] =	vst v63  }
.LBB2_9:
0x1e2: {  	s8 =	sshra.s32 s0, $0x2  }
0x1e3: {  	v0 =	vld [tilespmem:s8+$0xB100]  }
0x1e4: {  	v1 =	vld [tilespmem:s8+$0x4D00]  }
0x1e5: {  	v2 =	vld [tilespmem:s8+$0xB110]  }
0x1e6: {  	v3 =	vld [tilespmem:s8+$0x4D10]  }
0x1e7: {  	v4 =	vld [tilespmem:s8+$0xB120]  }
0x1e8: {  	v5 =	vld [tilespmem:s8+$0x4D20]  }
0x1e9: {  	v6 =	vld [tilespmem:s8+$0xB130]  }
0x1ea: {  	v7 =	vld [tilespmem:s8+$0x4D30]  }
0x1eb: {  	v8 =	vld [tilespmem:s8+$0xB140]  }
0x1ec: {  	v9 =	vld [tilespmem:s8+$0x4D40]  }
0x1ed: {  	v10 =	vld [tilespmem:s8+$0xB150]  }
0x1ee: {  	v11 =	vld [tilespmem:s8+$0x4D50];
	v0 =	vmul.f32 $1.131370830e+01, v0  }
0x1ef: {  	v12 =	vld [tilespmem:s8+$0xB160];
	v2 =	vmul.f32 $1.131370830e+01, v2  }
0x1f0: {  	v50 =	vld [tilespmem:s8+$0xB170];
	v49 =	vmul.f32 $1.131370830e+01, v4;
	v0 =	vadd.f32 v1, v0  }
0x1f1: {  	v52 =	vld [tilespmem:s8+$0x4D60];
	v51 =	vmul.f32 $1.131370830e+01, v6;
	v2 =	vadd.f32 v3, v2  }
0x1f2: {  	v55 =	vld [tilespmem:s8+$0x4D70];
	v54 =	vmul.f32 $1.131370830e+01, v8;
	v53 =	vadd.f32 v5, v49;
	[tilespmem:s8+$0xB100] =	vst v0  }
0x1f3: {  	v57 =	vmul.f32 $1.131370830e+01, v10;
	v56 =	vadd.f32 v7, v51;
	[tilespmem:s8+$0xB110] =	vst v2  }
0x1f4: {  	p1 =	sne.s32 s0, $0x200;
	v59 =	vmul.f32 $1.131370830e+01, v12;
	v58 =	vadd.f32 v9, v54;
	[tilespmem:s8+$0xB120] =	vst v53  }
.Ltmp3:
0x1f5: {  	v61 =	vmul.f32 $1.131370830e+01, v50;
	v60 =	vadd.f32 v11, v57;
	[tilespmem:s8+$0xB130] =	vst v56;
	(pc) =	sbr.rel @p1 .LBB2_9-.Ltmp3, $4  }
0x1f6: {  	v62 =	vadd.f32 v52, v59;
	[tilespmem:s8+$0xB140] =	vst v58  }
0x1f7: {  	v63 =	vadd.f32 v55, v61;
	[tilespmem:s8+$0xB150] =	vst v60  }
0x1f8: {  	[tilespmem:s8+$0xB160] =	vst v62  }
0x1f9: {  	s0 =	sadd.s32 $0x200, s0;
	[tilespmem:s8+$0xB170] =	vst v63  }
0x1fa: {  	s22 =	smul.u32 $0x190, s13;
	_ =	sdelay $0x1  }
0x1fb: {  	_ =	swait.ge [sflag:s28], $0x1900;
	s0 =	sadd.s32 s6, s22  }
0x1fc: {  	[sflag:s28] =	ssyncset.done $0x0;
	s0 =	sshll.u32 s0, $0x4  }
0x1fd: {  	s8 =	simm.s32 $0x8000;
	[sflag:s28] =	ssyncadd.s32 $0xFFFFE700;
	s0 =	sadd.s32 s4, s0  }
0x1fe: {  	[hbm4b:s0+s5] =	stream.linear.scatter [tilespmem:s8], [sflag:$0x9], $0x1900, $0x38;
	[tilespmem:$0x14800] =	vst v63  }
0x1ff: {  	s18 =	sor.u32 $0x5, s18;
	s0 =	simm.s32 @!p0 $0xE  }
0x200: {  	s20 =	smul.u32 $0xE0, s18;
	_ =	swait.ge @!p0 [sflag:s0], $0x1900  }
0x201: {  	[sflag:s0] =	ssyncset.done @!p0 $0x0  }
0x202: {  	s9 =	sshra.s32 s20, $0x2;
	s20 =	simm.s32 $0xB300;
	[sflag:s0] =	ssyncadd.s32 @!p0 $0xFFFFE700  }
0x203: {  	[tilespmem:s29], [sflag:$0x6] =	stream.indirect.gather [hbm4b:s1+s17], $0x80, s9, s17, $0xb8;
	[tilespmem:$0x14800] =	vst v63  }
0x204: {  	v0 =	vld [tilespmem:s20+$0x80]  }
0x205: {  	s10 =	simm.s32 $0x4FF0;
	v1 =	vld [tilespmem:s20+$0xFFFFFF80]  }
0x206: {  	v2 =	vld [tilespmem:s10+$0xFFFFFF90]  }
0x207: {  	v3 =	vld [tilespmem:s20+$0xFFFFFF00]  }
0x208: {  	v4 =	vld [tilespmem:s20+$0x0]  }
0x209: {  	v5 =	vld [tilespmem:s10+$0xFFFFFE10]  }
0x20a: {  	v6 =	vld [tilespmem:s10+$0xFFFFFE90]  }
0x20b: {  	v7 =	vld [tilespmem:s10+$0xFFFFFF10]  }
0x20c: {  	s31 =	simm.s32 $0xB500;
	v8 =	vld [tilespmem:s20+$0xFFFFFF10]  }
0x20d: {  	s0 =	simm.s32 $0x51F0;
	v10 =	vld [tilespmem:s31+$0xFFFFFF80];
	v0 =	vmul.f32 $1.131370830e+01, v0  }
0x20e: {  	v11 =	vld [tilespmem:s0+$0xFFFFFF90]  }
0x20f: {  	v12 =	vld [tilespmem:s31+$0xFFFFFF00];
	v3 =	vmul.f32 $1.131370830e+01, v3;
	v0 =	vadd.f32 v2, v0  }
0x210: {  	v2 =	vld [tilespmem:s20+$0x90]  }
0x211: {  	v13 =	vld [tilespmem:s31+$0x0];
	v1 =	vmul.f32 $1.131370830e+01, v1;
	v3 =	vadd.f32 v5, v3;
	[tilespmem:s20+$0x80] =	vst v0  }
0x212: {  	v0 =	vld [tilespmem:s10+$0xFFFFFFA0]  }
0x213: {  	v4 =	vmul.f32 $1.131370830e+01, v4;
	v1 =	vadd.f32 v6, v1;
	v5 =	vld [tilespmem:s20+$0xFFFFFF90];
	[tilespmem:s20+$0xFFFFFF00] =	vst v3  }
0x214: {  	v3 =	vld [tilespmem:s10+$0xFFFFFE20]  }
0x215: {  	v6 =	vld [tilespmem:s20+$0x10];
	[tilespmem:s20+$0xFFFFFF80] =	vst v1;
	v1 =	vadd.f32 v7, v4;
	v2 =	vmul.f32 $1.131370830e+01, v2  }
0x216: {  	v4 =	vld [tilespmem:s10+$0xFFFFFEA0]  }
0x217: {  	[tilespmem:s20+$0x0] =	vst v1;
	v1 =	vld [tilespmem:s20+$0xA0];
	v0 =	vadd.f32 v0, v2;
	v2 =	vmul.f32 $1.131370830e+01, v8  }
0x218: {  	v8 =	vld [tilespmem:s10+$0xFFFFFF20]  }
0x219: {  	v7 =	vld [tilespmem:s20+$0xFFFFFF20];
	v5 =	vmul.f32 $1.131370830e+01, v5;
	[tilespmem:s20+$0x90] =	vst v0;
	v2 =	vadd.f32 v3, v2  }
0x21a: {  	v0 =	vld [tilespmem:s10+$0xFFFFFFB0]  }
0x21b: {  	v4 =	vadd.f32 v4, v5;
	v5 =	vmul.f32 $1.131370830e+01, v6;
	v3 =	vld [tilespmem:s20+$0xFFFFFFA0];
	[tilespmem:s20+$0xFFFFFF10] =	vst v2  }
0x21c: {  	v2 =	vld [tilespmem:s10+$0xFFFFFE30]  }
0x21d: {  	v6 =	vld [tilespmem:s20+$0x20];
	v1 =	vmul.f32 $1.131370830e+01, v1;
	[tilespmem:s20+$0xFFFFFF90] =	vst v4;
	v4 =	vadd.f32 v8, v5  }
0x21e: {  	v5 =	vld [tilespmem:s10+$0xFFFFFEB0]  }
0x21f: {  	[tilespmem:s20+$0x10] =	vst v4;
	v4 =	vld [tilespmem:s20+$0xB0];
	v0 =	vadd.f32 v0, v1;
	v1 =	vmul.f32 $1.131370830e+01, v7  }
0x220: {  	v7 =	vld [tilespmem:s10+$0xFFFFFF30]  }
0x221: {  	v8 =	vld [tilespmem:s20+$0xFFFFFF30];
	v3 =	vmul.f32 $1.131370830e+01, v3;
	[tilespmem:s20+$0xA0] =	vst v0;
	v1 =	vadd.f32 v2, v1  }
0x222: {  	v0 =	vld [tilespmem:s10+$0xFFFFFFC0]  }
0x223: {  	v2 =	vld [tilespmem:s20+$0xFFFFFFB0];
	v3 =	vadd.f32 v5, v3;
	v5 =	vmul.f32 $1.131370830e+01, v6;
	[tilespmem:s20+$0xFFFFFF20] =	vst v1  }
0x224: {  	v1 =	vmul.f32 $1.131370830e+01, v4;
	v4 =	vld [tilespmem:s10+$0xFFFFFE40]  }
0x225: {  	v6 =	vld [tilespmem:s20+$0x30];
	[tilespmem:s20+$0xFFFFFFA0] =	vst v3;
	v3 =	vadd.f32 v7, v5  }
0x226: {  	v5 =	vld [tilespmem:s10+$0xFFFFFEC0]  }
0x227: {  	[tilespmem:s20+$0x20] =	vst v3;
	v3 =	vld [tilespmem:s20+$0xC0];
	v0 =	vadd.f32 v0, v1;
	v1 =	vmul.f32 $1.131370830e+01, v8  }
0x228: {  	v8 =	vld [tilespmem:s10+$0xFFFFFF40]  }
0x229: {  	v7 =	vld [tilespmem:s20+$0xFFFFFF40];
	v2 =	vmul.f32 $1.131370830e+01, v2;
	[tilespmem:s20+$0xB0] =	vst v0;
	v1 =	vadd.f32 v4, v1  }
0x22a: {  	v0 =	vld [tilespmem:s10+$0xFFFFFFD0]  }
0x22b: {  	v4 =	vld [tilespmem:s20+$0xFFFFFFC0];
	v2 =	vadd.f32 v5, v2;
	v5 =	vmul.f32 $1.131370830e+01, v6;
	[tilespmem:s20+$0xFFFFFF30] =	vst v1  }
0x22c: {  	v1 =	vmul.f32 $1.131370830e+01, v3;
	v3 =	vld [tilespmem:s10+$0xFFFFFE50]  }
0x22d: {  	v6 =	vld [tilespmem:s20+$0x40];
	[tilespmem:s20+$0xFFFFFFB0] =	vst v2;
	v2 =	vadd.f32 v8, v5  }
0x22e: {  	v5 =	vld [tilespmem:s10+$0xFFFFFED0]  }
0x22f: {  	[tilespmem:s20+$0x30] =	vst v2;
	v2 =	vld [tilespmem:s20+$0xD0];
	v0 =	vadd.f32 v0, v1;
	v1 =	vmul.f32 $1.131370830e+01, v7  }
0x230: {  	v8 =	vld [tilespmem:s20+$0xFFFFFF50]  }
0x231: {  	v7 =	vld [tilespmem:s10+$0xFFFFFF50];
	[tilespmem:s20+$0xC0] =	vst v0;
	v1 =	vadd.f32 v3, v1  }
0x232: {  	v4 =	vmul.f32 $1.131370830e+01, v4;
	v0 =	vld [tilespmem:s10+$0xFFFFFFE0]  }
0x233: {  	v14 =	vld [tilespmem:s0+$0xFFFFFE10];
	[tilespmem:s20+$0xFFFFFF40] =	vst v1  }
0x234: {  	v4 =	vadd.f32 v5, v4;
	v5 =	vmul.f32 $1.131370830e+01, v6;
	v1 =	vmul.f32 $1.131370830e+01, v2;
	v2 =	vld [tilespmem:s10+$0xFFFFFE60]  }
0x235: {  	v15 =	vld [tilespmem:s0+$0xFFFFFE90]  }
0x236: {  	v16 =	vld [tilespmem:s0+$0xFFFFFF10];
	[tilespmem:s20+$0xFFFFFFC0] =	vst v4;
	v4 =	vadd.f32 v7, v5  }
0x237: {  	v17 =	vld [tilespmem:s31+$0xFFFFFF10];
	v0 =	vadd.f32 v0, v1;
	v1 =	vmul.f32 $1.131370830e+01, v8  }
0x238: {  	[tilespmem:s20+$0x40] =	vst v4;
	v4 =	vld [tilespmem:s20+$0xE0]  }
0x239: {  	v7 =	vld [tilespmem:s20+$0xFFFFFF60];
	[tilespmem:s20+$0xD0] =	vst v0;
	v1 =	vadd.f32 v2, v1  }
0x23a: {  	v0 =	vld [tilespmem:s10+$0xFFFFFFF0]  }
0x23b: {  	v26 =	vld [tilespmem:s31+$0xFFFFFF90];
	[tilespmem:s20+$0xFFFFFF50] =	vst v1  }
0x23c: {  	v9 =	vld [tilespmem:s10+$0xFFFFFE70]  }
0x23d: {  	v27 =	vld [tilespmem:s31+$0x10];
	v1 =	vmul.f32 $1.131370830e+01, v4  }
0x23e: {  	v28 =	vld [tilespmem:s31+$0xFFFFFF20]  }
0x23f: {  	v29 =	vld [tilespmem:s31+$0xA0];
	v0 =	vadd.f32 v0, v1;
	v1 =	vmul.f32 $1.131370830e+01, v7  }
0x240: {  	v32 =	vld [tilespmem:s31+$0xFFFFFFA0]  }
0x241: {  	v36 =	vld [tilespmem:s31+$0xB0];
	v9 =	vadd.f32 v9, v1  }
0x242: {  	v39 =	vld [tilespmem:s31+$0xFFFFFFB0]  }
0x243: {  	[tilespmem:s20+$0xFFFFFF60] =	vst v9;
	v9 =	vld [tilespmem:s31+$0x80]  }
0x244: {  	v40 =	vld [tilespmem:s31+$0x30]  }
0x245: {  	v47 =	vld [tilespmem:s31+$0xFFFFFFC0]  }
0x246: {  	v48 =	vld [tilespmem:s31+$0x40]  }
0x247: {  	v49 =	vld [tilespmem:s31+$0xFFFFFF50]  }
0x248: {  	v51 =	vld [tilespmem:s31+$0xD0];
	v9 =	vmul.f32 $1.131370830e+01, v9  }
0x249: {  	v54 =	vld [tilespmem:s31+$0x50]  }
0x24a: {  	v57 =	vld [tilespmem:s31+$0xE0];
	v9 =	vadd.f32 v11, v9  }
0x24b: {  	v12 =	vmul.f32 $1.131370830e+01, v12;
	v11 =	vld [tilespmem:s31+$0x90]  }
0x24c: {  	v59 =	vld [tilespmem:s31+$0xFFFFFFE0];
	v13 =	vmul.f32 $1.131370830e+01, v13;
	[tilespmem:s31+$0x80] =	vst v9  }
0x24d: {  	v12 =	vadd.f32 v14, v12;
	v9 =	vmul.f32 $1.131370830e+01, v10;
	v10 =	vld [tilespmem:s0+$0xFFFFFFA0]  }
0x24e: {  	v60 =	vld [tilespmem:s31+$0x60];
	v13 =	vadd.f32 v16, v13  }
0x24f: {  	v61 =	vld [tilespmem:s31+$0xFFFFFF70];
	[tilespmem:s31+$0xFFFFFF00] =	vst v12;
	v9 =	vadd.f32 v15, v9  }
0x250: {  	[tilespmem:s31+$0x0] =	vst v13;
	v12 =	vld [tilespmem:s0+$0xFFFFFE20];
	v11 =	vmul.f32 $1.131370830e+01, v11  }
0x251: {  	v30 =	vld [tilespmem:s0+$0xFFFFFF20];
	[tilespmem:s31+$0xFFFFFF80] =	vst v9  }
0x252: {  	v9 =	vld [tilespmem:s0+$0xFFFFFEA0];
	v10 =	vadd.f32 v10, v11  }
0x253: {  	v3 =	vld [tilespmem:s20+$0xFFFFFFD0]  }
0x254: {  	v6 =	vld [tilespmem:s20+$0x50];
	v11 =	vmul.f32 $1.131370830e+01, v17;
	[tilespmem:s31+$0x90] =	vst v10  }
0x255: {  	v10 =	vmul.f32 $1.131370830e+01, v26;
	v31 =	vld [tilespmem:s0+$0xFFFFFFB0]  }
0x256: {  	v5 =	vld [tilespmem:s10+$0xFFFFFEE0];
	v11 =	vadd.f32 v12, v11  }
0x257: {  	v8 =	vld [tilespmem:s10+$0xFFFFFF60];
	v15 =	vmul.f32 $1.131370830e+01, v27;
	v9 =	vadd.f32 v9, v10  }
0x258: {  	v10 =	vld [tilespmem:s31+$0x20];
	[tilespmem:s31+$0xFFFFFF10] =	vst v11;
	v11 =	vmul.f32 $1.131370830e+01, v29  }
0x259: {  	v15 =	vadd.f32 v30, v15;
	v33 =	vld [tilespmem:s0+$0xFFFFFE30];
	[tilespmem:s31+$0xFFFFFF90] =	vst v9  }
0x25a: {  	v34 =	vld [tilespmem:s0+$0xFFFFFEB0];
	v11 =	vadd.f32 v31, v11  }
0x25b: {  	v2 =	vld [tilespmem:s20+$0xFFFFFFE0];
	[tilespmem:s31+$0x10] =	vst v15  }
0x25c: {  	v35 =	vmul.f32 $1.131370830e+01, v28;
	v3 =	vmul.f32 $1.131370830e+01, v3;
	v37 =	vld [tilespmem:s0+$0xFFFFFF30];
	[tilespmem:s31+$0xA0] =	vst v11  }
0x25d: {  	v11 =	vmul.f32 $1.131370830e+01, v32;
	v38 =	vld [tilespmem:s0+$0xFFFFFFC0]  }
0x25e: {  	v5 =	vadd.f32 v5, v3;
	v3 =	vld [tilespmem:s20+$0x60];
	v13 =	vadd.f32 v33, v35  }
0x25f: {  	v9 =	vld [tilespmem:s31+$0xFFFFFF30];
	v10 =	vmul.f32 $1.131370830e+01, v10;
	v11 =	vadd.f32 v34, v11  }
0x260: {  	v41 =	vmul.f32 $1.131370830e+01, v36;
	v4 =	vld [tilespmem:s20+$0xFFFFFF70];
	[tilespmem:s31+$0xFFFFFF20] =	vst v13  }
0x261: {  	v10 =	vadd.f32 v37, v10;
	v42 =	vld [tilespmem:s0+$0xFFFFFE40];
	[tilespmem:s31+$0xFFFFFFA0] =	vst v11  }
0x262: {  	v43 =	vld [tilespmem:s0+$0xFFFFFEC0];
	v12 =	vadd.f32 v38, v41  }
0x263: {  	[tilespmem:s31+$0x20] =	vst v10;
	v10 =	vld [tilespmem:s31+$0xC0]  }
0x264: {  	v6 =	vmul.f32 $1.131370830e+01, v6;
	v9 =	vmul.f32 $1.131370830e+01, v9;
	v44 =	vld [tilespmem:s0+$0xFFFFFF40];
	[tilespmem:s31+$0xB0] =	vst v12  }
0x265: {  	v45 =	vmul.f32 $1.131370830e+01, v39;
	[tilespmem:s20+$0xFFFFFFD0] =	vst v5;
	v46 =	vld [tilespmem:s0+$0xFFFFFFD0]  }
0x266: {  	v5 =	vadd.f32 v8, v6;
	v6 =	vld [tilespmem:s10+$0xFFFFFEF0];
	v9 =	vadd.f32 v42, v9  }
0x267: {  	v17 =	vmul.f32 $1.131370830e+01, v40;
	v11 =	vld [tilespmem:s31+$0xFFFFFF40];
	v12 =	vadd.f32 v43, v45  }
0x268: {  	v8 =	vld [tilespmem:s20+$0xF0];
	[tilespmem:s31+$0xFFFFFF30] =	vst v9;
	v9 =	vmul.f32 $1.131370830e+01, v10  }
0x269: {  	v13 =	vadd.f32 v44, v17;
	v10 =	vld [tilespmem:s0+$0xFFFFFE50];
	[tilespmem:s31+$0xFFFFFFB0] =	vst v12  }
0x26a: {  	[tilespmem:s20+$0x50] =	vst v5;
	v50 =	vld [tilespmem:s0+$0xFFFFFED0];
	v9 =	vadd.f32 v46, v9  }
0x26b: {  	v7 =	vld [tilespmem:s10+$0xFFFFFF70];
	[tilespmem:s31+$0x30] =	vst v13  }
0x26c: {  	v11 =	vmul.f32 $1.131370830e+01, v11;
	v52 =	vld [tilespmem:s0+$0xFFFFFF50];
	[tilespmem:s31+$0xC0] =	vst v9  }
0x26d: {  	v9 =	vmul.f32 $1.131370830e+01, v47;
	v53 =	vld [tilespmem:s0+$0xFFFFFFE0]  }
0x26e: {  	v1 =	vld [tilespmem:s20+$0xFFFFFFF0];
	v10 =	vadd.f32 v10, v11  }
0x26f: {  	v16 =	vmul.f32 $1.131370830e+01, v48;
	[tilespmem:s20+$0xE0] =	vst v0;
	v0 =	vld [tilespmem:s20+$0x70];
	v9 =	vadd.f32 v50, v9  }
0x270: {  	v11 =	vld [tilespmem:s31+$0xFFFFFFD0];
	[tilespmem:s31+$0xFFFFFF40] =	vst v10;
	v10 =	vmul.f32 $1.131370830e+01, v51  }
0x271: {  	v14 =	vadd.f32 v52, v16;
	v55 =	vld [tilespmem:s0+$0xFFFFFE60];
	[tilespmem:s31+$0xFFFFFFC0] =	vst v9  }
0x272: {  	v56 =	vld [tilespmem:s0+$0xFFFFFEE0];
	v10 =	vadd.f32 v53, v10  }
0x273: {  	v2 =	vmul.f32 $1.131370830e+01, v2;
	v5 =	vld [tilespmem:s10+$0x0];
	[tilespmem:s31+$0x40] =	vst v14  }
0x274: {  	v12 =	vmul.f32 $1.131370830e+01, v49;
	v58 =	vld [tilespmem:s0+$0xFFFFFF60];
	[tilespmem:s31+$0xD0] =	vst v10  }
0x275: {  	v2 =	vadd.f32 v6, v2;
	v10 =	vmul.f32 $1.131370830e+01, v11;
	v11 =	vld [tilespmem:s0+$0xFFFFFFF0]  }
0x276: {  	v6 =	vld [tilespmem:s10+$0xFFFFFE80];
	v12 =	vadd.f32 v55, v12  }
0x277: {  	[tilespmem:s20+$0xFFFFFFE0] =	vst v2;
	v17 =	vmul.f32 $1.131370830e+01, v54;
	v9 =	vld [tilespmem:s31+$0xFFFFFF60];
	v10 =	vadd.f32 v56, v10  }
0x278: {  	v2 =	vld [tilespmem:s10+$0xFFFFFF00];
	v14 =	vmul.f32 $1.131370830e+01, v57;
	[tilespmem:s31+$0xFFFFFF50] =	vst v12  }
0x279: {  	v3 =	vmul.f32 $1.131370830e+01, v3;
	v62 =	vld [tilespmem:s0+$0xFFFFFE70];
	[tilespmem:s31+$0xFFFFFFD0] =	vst v10;
	v10 =	vadd.f32 v58, v17  }
0x27a: {  	v8 =	vmul.f32 $1.131370830e+01, v8;
	v63 =	vld [tilespmem:s0+$0xFFFFFEF0];
	v11 =	vadd.f32 v11, v14  }
0x27b: {  	v4 =	vmul.f32 $1.131370830e+01, v4;
	v3 =	vadd.f32 v7, v3;
	v7 =	vld [tilespmem:s31+$0xF0];
	[tilespmem:s31+$0x50] =	vst v10  }
0x27c: {  	v5 =	vadd.f32 v5, v8;
	v8 =	vmul.f32 $1.131370830e+01, v9;
	v9 =	vld [tilespmem:s0+$0xFFFFFF70];
	[tilespmem:s31+$0xE0] =	vst v11  }
0x27d: {  	[tilespmem:s20+$0x60] =	vst v3;
	v3 =	vadd.f32 v6, v4;
	v6 =	vmul.f32 $1.131370830e+01, v59;
	v10 =	vld [tilespmem:s0+$0x0]  }
0x27e: {  	v1 =	vmul.f32 $1.131370830e+01, v1;
	[tilespmem:s20+$0xF0] =	vst v5;
	v4 =	vld [tilespmem:s31+$0xFFFFFFF0];
	v5 =	vadd.f32 v62, v8  }
0x27f: {  	[tilespmem:s20+$0xFFFFFF70] =	vst v3;
	v3 =	vld [tilespmem:s31+$0x70];
	v8 =	vmul.f32 $1.131370830e+01, v60;
	v6 =	vadd.f32 v63, v6  }
0x280: {  	v1 =	vadd.f32 v2, v1;
	v7 =	vmul.f32 $1.131370830e+01, v7;
	v2 =	vld [tilespmem:s10+$0xFFFFFF80];
	[tilespmem:s31+$0xFFFFFF60] =	vst v5  }
0x281: {  	v5 =	vld [tilespmem:s0+$0xFFFFFE80];
	[tilespmem:s31+$0xFFFFFFE0] =	vst v6;
	v8 =	vadd.f32 v9, v8  }
0x282: {  	s8 =	simm.s32 $0x4;
	s9 =	simm.s32 $0x51F0;
	v0 =	vmul.f32 $1.131370830e+01, v0;
	s10 =	simm.s32 $0xB700;
	[tilespmem:s20+$0xFFFFFFF0] =	vst v1;
	v1 =	vmul.f32 $1.131370830e+01, v61;
	v6 =	vld [tilespmem:s0+$0xFFFFFF00];
	v7 =	vadd.f32 v10, v7  }
.LBB2_11:
0x283: {  	v9 =	vld [tilespmem:s10+$0x80];
	s8 =	sadd.s32 $0x4, s8;
	v4 =	vmul.f32 $1.131370830e+01, v4;
	[tilespmem:s31+$0x60] =	vst v8  }
0x284: {  	s0 =	sadd.s32 $0x200, s0;
	v8 =	vld [tilespmem:s10+$0xFFFFFF80];
	p1 =	slt.u32 s8, $0x2C;
	v3 =	vmul.f32 $1.131370830e+01, v3;
	[tilespmem:s31+$0xF0] =	vst v7  }
0x285: {  	v7 =	vld [tilespmem:s0+$0xFFFFFF90];
	v2 =	vadd.f32 v2, v0  }
0x286: {  	v10 =	vld [tilespmem:s10+$0x0];
	v1 =	vadd.f32 v5, v1;
	v0 =	vmov v3  }
0x287: {  	v3 =	vld [tilespmem:s10+$0xFFFFFF00];
	v4 =	vadd.f32 v6, v4;
	[tilespmem:s20+$0x70] =	vst v2;
	s20 =	smov.u32 s31;
	s31 =	smov.u32 s10  }
0x288: {  	v2 =	vld [tilespmem:s0+$0xFFFFFE10];
	v5 =	vmul.f32 $1.131370830e+01, v9;
	[tilespmem:s20+$0xFFFFFF70] =	vst v1  }
0x289: {  	v1 =	vmul.f32 $1.131370830e+01, v8;
	v6 =	vld [tilespmem:s0+$0xFFFFFE90];
	[tilespmem:s20+$0xFFFFFFF0] =	vst v4  }
0x28a: {  	v4 =	vld [tilespmem:s0+$0xFFFFFF10];
	v5 =	vadd.f32 v7, v5  }
0x28b: {  	v7 =	vmul.f32 $1.131370830e+01, v10;
	v8 =	vld [tilespmem:s10+$0x90]  }
0x28c: {  	v3 =	vmul.f32 $1.131370830e+01, v3;
	v9 =	vld [tilespmem:s10+$0xFFFFFF10];
	[tilespmem:s10+$0x80] =	vst v5  }
0x28d: {  	v5 =	vld [tilespmem:s0+$0xFFFFFFA0]  }
0x28e: {  	v2 =	vadd.f32 v2, v3;
	v1 =	vadd.f32 v6, v1;
	v3 =	vld [tilespmem:s10+$0xFFFFFF90]  }
0x28f: {  	v4 =	vadd.f32 v4, v7;
	v6 =	vld [tilespmem:s10+$0x10]  }
0x290: {  	[tilespmem:s10+$0xFFFFFF00] =	vst v2;
	v2 =	vld [tilespmem:s10+$0xFFFFFF20];
	v7 =	vmul.f32 $1.131370830e+01, v8  }
0x291: {  	v8 =	vmul.f32 $1.131370830e+01, v9;
	v9 =	vld [tilespmem:s0+$0xFFFFFE20];
	[tilespmem:s10+$0xFFFFFF80] =	vst v1  }
0x292: {  	v1 =	vld [tilespmem:s0+$0xFFFFFEA0];
	[tilespmem:s10+$0x0] =	vst v4;
	v4 =	vadd.f32 v5, v7  }
0x293: {  	v3 =	vmul.f32 $1.131370830e+01, v3;
	v5 =	vld [tilespmem:s10+$0xA0]  }
0x294: {  	v6 =	vmul.f32 $1.131370830e+01, v6;
	v7 =	vld [tilespmem:s0+$0xFFFFFF20];
	[tilespmem:s10+$0x90] =	vst v4  }
0x295: {  	v2 =	vmul.f32 $1.131370830e+01, v2;
	v4 =	vld [tilespmem:s0+$0xFFFFFFB0]  }
0x296: {  	v8 =	vadd.f32 v9, v8;
	v9 =	vld [tilespmem:s10+$0xFFFFFFA0]  }
0x297: {  	v1 =	vadd.f32 v1, v3;
	v3 =	vld [tilespmem:s10+$0x20]  }
0x298: {  	[tilespmem:s10+$0xFFFFFF10] =	vst v8;
	v8 =	vld [tilespmem:s10+$0xFFFFFF30];
	v5 =	vmul.f32 $1.131370830e+01, v5  }
0x299: {  	v10 =	vld [tilespmem:s0+$0xFFFFFE30];
	[tilespmem:s10+$0xFFFFFF90] =	vst v1;
	v1 =	vadd.f32 v7, v6  }
0x29a: {  	v6 =	vld [tilespmem:s0+$0xFFFFFEB0];
	v4 =	vadd.f32 v4, v5  }
0x29b: {  	v5 =	vmul.f32 $1.131370830e+01, v9;
	[tilespmem:s10+$0x10] =	vst v1;
	v1 =	vld [tilespmem:s10+$0xB0]  }
0x29c: {  	v3 =	vmul.f32 $1.131370830e+01, v3;
	v7 =	vld [tilespmem:s0+$0xFFFFFF30];
	[tilespmem:s10+$0xA0] =	vst v4  }
0x29d: {  	v4 =	vmul.f32 $1.131370830e+01, v8;
	v8 =	vld [tilespmem:s0+$0xFFFFFFC0]  }
0x29e: {  	v2 =	vadd.f32 v10, v2;
	v9 =	vld [tilespmem:s10+$0xFFFFFFB0]  }
0x29f: {  	v5 =	vadd.f32 v6, v5;
	v6 =	vld [tilespmem:s10+$0x30]  }
0x2a0: {  	[tilespmem:s10+$0xFFFFFF20] =	vst v2;
	v2 =	vld [tilespmem:s10+$0xFFFFFF40];
	v1 =	vmul.f32 $1.131370830e+01, v1  }
0x2a1: {  	v10 =	vld [tilespmem:s0+$0xFFFFFE40];
	[tilespmem:s10+$0xFFFFFFA0] =	vst v5;
	v3 =	vadd.f32 v7, v3  }
0x2a2: {  	v5 =	vld [tilespmem:s0+$0xFFFFFEC0];
	v1 =	vadd.f32 v8, v1  }
0x2a3: {  	v7 =	vmul.f32 $1.131370830e+01, v9;
	[tilespmem:s10+$0x20] =	vst v3;
	v3 =	vld [tilespmem:s10+$0xC0]  }
0x2a4: {  	v6 =	vmul.f32 $1.131370830e+01, v6;
	v8 =	vld [tilespmem:s0+$0xFFFFFF40];
	[tilespmem:s10+$0xB0] =	vst v1  }
0x2a5: {  	v1 =	vmul.f32 $1.131370830e+01, v2;
	v2 =	vld [tilespmem:s0+$0xFFFFFFD0]  }
0x2a6: {  	v4 =	vadd.f32 v10, v4;
	v9 =	vld [tilespmem:s10+$0xFFFFFFC0]  }
0x2a7: {  	v5 =	vadd.f32 v5, v7;
	v7 =	vld [tilespmem:s10+$0x40]  }
0x2a8: {  	[tilespmem:s10+$0xFFFFFF30] =	vst v4;
	v4 =	vld [tilespmem:s10+$0xFFFFFF50];
	v3 =	vmul.f32 $1.131370830e+01, v3  }
0x2a9: {  	v10 =	vld [tilespmem:s0+$0xFFFFFE50];
	[tilespmem:s10+$0xFFFFFFB0] =	vst v5;
	v5 =	vadd.f32 v8, v6  }
0x2aa: {  	v6 =	vld [tilespmem:s0+$0xFFFFFED0];
	v2 =	vadd.f32 v2, v3  }
0x2ab: {  	v3 =	vmul.f32 $1.131370830e+01, v9;
	[tilespmem:s10+$0x30] =	vst v5;
	v5 =	vld [tilespmem:s10+$0xD0]  }
0x2ac: {  	v7 =	vmul.f32 $1.131370830e+01, v7;
	v8 =	vld [tilespmem:s0+$0xFFFFFF50];
	[tilespmem:s10+$0xC0] =	vst v2  }
0x2ad: {  	v2 =	vmul.f32 $1.131370830e+01, v4;
	v4 =	vld [tilespmem:s0+$0xFFFFFFE0]  }
0x2ae: {  	v1 =	vadd.f32 v10, v1;
	v9 =	vld [tilespmem:s10+$0xFFFFFFD0]  }
0x2af: {  	v3 =	vadd.f32 v6, v3;
	v6 =	vld [tilespmem:s10+$0x50]  }
0x2b0: {  	[tilespmem:s10+$0xFFFFFF40] =	vst v1;
	v1 =	vld [tilespmem:s10+$0xFFFFFF60];
	v5 =	vmul.f32 $1.131370830e+01, v5  }
0x2b1: {  	v10 =	vld [tilespmem:s0+$0xFFFFFE60];
	[tilespmem:s10+$0xFFFFFFC0] =	vst v3;
	v3 =	vadd.f32 v8, v7  }
0x2b2: {  	v7 =	vld [tilespmem:s0+$0xFFFFFEE0];
	v4 =	vadd.f32 v4, v5  }
0x2b3: {  	v5 =	vmul.f32 $1.131370830e+01, v9;
	[tilespmem:s10+$0x40] =	vst v3;
	v3 =	vld [tilespmem:s10+$0xE0]  }
0x2b4: {  	v6 =	vmul.f32 $1.131370830e+01, v6;
	v8 =	vld [tilespmem:s0+$0xFFFFFF60];
	[tilespmem:s10+$0xD0] =	vst v4  }
0x2b5: {  	v4 =	vmul.f32 $1.131370830e+01, v1;
	v1 =	vld [tilespmem:s0+$0xFFFFFFF0]  }
0x2b6: {  	v2 =	vadd.f32 v10, v2;
	v9 =	vld [tilespmem:s10+$0xFFFFFFE0]  }
0x2b7: {  	v5 =	vadd.f32 v7, v5;
	v7 =	vld [tilespmem:s10+$0x60]  }
0x2b8: {  	[tilespmem:s10+$0xFFFFFF50] =	vst v2;
	v2 =	vld [tilespmem:s10+$0xFFFFFF70];
	v3 =	vmul.f32 $1.131370830e+01, v3  }
0x2b9: {  	v10 =	vld [tilespmem:s0+$0xFFFFFE70];
	[tilespmem:s10+$0xFFFFFFD0] =	vst v5;
	v5 =	vadd.f32 v8, v6  }
0x2ba: {  	v6 =	vld [tilespmem:s0+$0xFFFFFEF0];
	v1 =	vadd.f32 v1, v3  }
0x2bb: {  	v3 =	vmul.f32 $1.131370830e+01, v9;
	[tilespmem:s10+$0x50] =	vst v5;
	v5 =	vld [tilespmem:s10+$0xF0]  }
0x2bc: {  	v7 =	vmul.f32 $1.131370830e+01, v7;
	v8 =	vld [tilespmem:s0+$0xFFFFFF70];
	[tilespmem:s10+$0xE0] =	vst v1  }
0x2bd: {  	v1 =	vmul.f32 $1.131370830e+01, v2;
	v9 =	vld [tilespmem:s0+$0x0]  }
.Ltmp4:
0x2be: {  	v2 =	vadd.f32 v10, v4;
	v4 =	vld [tilespmem:s10+$0xFFFFFFF0];
	(pc) =	sbr.rel @p1 .LBB2_11-.Ltmp4, $4  }
0x2bf: {  	v6 =	vadd.f32 v6, v3;
	v3 =	vld [tilespmem:s10+$0x70]  }
0x2c0: {  	[tilespmem:s10+$0xFFFFFF60] =	vst v2;
	v10 =	vmul.f32 $1.131370830e+01, v5;
	v2 =	vld [tilespmem:s9+$0xFFFFFF80];
	s9 =	smov.u32 s0  }
0x2c1: {  	v5 =	vld [tilespmem:s0+$0xFFFFFE80];
	[tilespmem:s10+$0xFFFFFFE0] =	vst v6;
	v8 =	vadd.f32 v8, v7  }
0x2c2: {  	s10 =	sadd.s32 $0x200, s10;
	v6 =	vld [tilespmem:s0+$0xFFFFFF00];
	v7 =	vadd.f32 v9, v10  }
0x2c3: {  	[tilespmem:s31+$0x60] =	vst v8  }
0x2c4: {  	v8 =	vld [tilespmem:s9+$0xFFFFFF80];
	_ =	sdelay $0x1  }
0x2c5: {  	v4 =	vmul.f32 $1.131370830e+01, v4;
	v0 =	vadd.f32 v2, v0  }
0x2c6: {  	v61 =	vmul.f32 $1.131370830e+01, v3;
	[tilespmem:s31+$0xF0] =	vst v7;
	v1 =	vadd.f32 v5, v1  }
0x2c7: {  	v62 =	vadd.f32 v6, v4;
	[tilespmem:s20+$0x70] =	vst v0  }
0x2c8: {  	[tilespmem:s31+$0xFFFFFF70] =	vst v1;
	v63 =	vadd.f32 v8, v61  }
0x2c9: {  	[tilespmem:s31+$0xFFFFFFF0] =	vst v62  }
0x2ca: {  	s0 =	simm.s32 $0x0;
	[tilespmem:s31+$0x70] =	vst v63  }
.LBB2_13:
0x2cb: {  	s8 =	sshra.s32 s0, $0x2  }
0x2cc: {  	v0 =	vld [tilespmem:s8+$0xCA00]  }
0x2cd: {  	v1 =	vld [tilespmem:s8+$0x6600]  }
0x2ce: {  	v2 =	vld [tilespmem:s8+$0xCA10]  }
0x2cf: {  	v3 =	vld [tilespmem:s8+$0x6610]  }
0x2d0: {  	v4 =	vld [tilespmem:s8+$0xCA20]  }
0x2d1: {  	v5 =	vld [tilespmem:s8+$0x6620]  }
0x2d2: {  	v6 =	vld [tilespmem:s8+$0xCA30]  }
0x2d3: {  	v7 =	vld [tilespmem:s8+$0x6630]  }
0x2d4: {  	v8 =	vld [tilespmem:s8+$0xCA40]  }
0x2d5: {  	v9 =	vld [tilespmem:s8+$0x6640]  }
0x2d6: {  	v10 =	vld [tilespmem:s8+$0xCA50]  }
0x2d7: {  	v11 =	vld [tilespmem:s8+$0x6650];
	v0 =	vmul.f32 $1.131370830e+01, v0  }
0x2d8: {  	v12 =	vld [tilespmem:s8+$0xCA60];
	v2 =	vmul.f32 $1.131370830e+01, v2  }
0x2d9: {  	v50 =	vld [tilespmem:s8+$0xCA70];
	v49 =	vmul.f32 $1.131370830e+01, v4;
	v0 =	vadd.f32 v1, v0  }
0x2da: {  	v52 =	vld [tilespmem:s8+$0x6660];
	v51 =	vmul.f32 $1.131370830e+01, v6;
	v2 =	vadd.f32 v3, v2  }
0x2db: {  	v55 =	vld [tilespmem:s8+$0x6670];
	v54 =	vmul.f32 $1.131370830e+01, v8;
	v53 =	vadd.f32 v5, v49;
	[tilespmem:s8+$0xCA00] =	vst v0  }
0x2dc: {  	v57 =	vmul.f32 $1.131370830e+01, v10;
	v56 =	vadd.f32 v7, v51;
	[tilespmem:s8+$0xCA10] =	vst v2  }
0x2dd: {  	p1 =	sne.s32 s0, $0x200;
	v59 =	vmul.f32 $1.131370830e+01, v12;
	v58 =	vadd.f32 v9, v54;
	[tilespmem:s8+$0xCA20] =	vst v53  }
.Ltmp5:
0x2de: {  	v61 =	vmul.f32 $1.131370830e+01, v50;
	v60 =	vadd.f32 v11, v57;
	[tilespmem:s8+$0xCA30] =	vst v56;
	(pc) =	sbr.rel @p1 .LBB2_13-.Ltmp5, $4  }
0x2df: {  	v62 =	vadd.f32 v52, v59;
	[tilespmem:s8+$0xCA40] =	vst v58  }
0x2e0: {  	v63 =	vadd.f32 v55, v61;
	[tilespmem:s8+$0xCA50] =	vst v60  }
0x2e1: {  	[tilespmem:s8+$0xCA60] =	vst v62  }
0x2e2: {  	s0 =	sadd.s32 $0x200, s0;
	[tilespmem:s8+$0xCA70] =	vst v63  }
0x2e3: {  	s0 =	rddreg [dreg:$0x8]  }
0x2e4: {  	s0 =	sadd.s32 s22, s0  }
0x2e5: {  	_ =	swait.ge [sflag:s30], $0x1900;
	s0 =	sshll.u32 s0, $0x4  }
0x2e6: {  	[sflag:s30] =	ssyncset.done $0x0;
	s0 =	sand.u32 $0x1FFFFF20, s0  }
0x2e7: {  	s8 =	simm.s32 $0x9900;
	[sflag:s30] =	ssyncadd.s32 $0xFFFFE700;
	s0 =	sadd.s32 s4, s0  }
0x2e8: {  	[hbm4b:s0+s5] =	stream.linear.scatter [tilespmem:s8], [sflag:$0xA], $0x1900, $0x38;
	[tilespmem:$0x14800] =	vst v63  }
0x2e9: {  	s20 =	smul.u32 $0x700, s13;
	s0 =	simm.s32 @!p0 $0xF  }
0x2ea: {  	_ =	swait.ge @!p0 [sflag:s0], $0x1900  }
0x2eb: {  	s10 =	simm.s32 $0x11600;
	s20 =	sshra.s32 s20, $0x2;
	[sflag:s0] =	ssyncset.done @!p0 $0x0  }
0x2ec: {  	s9 =	sadd.s32 $0x150, s20;
	[sflag:s0] =	ssyncadd.s32 @!p0 $0xFFFFE700;
	s0 =	simm.s32 $0x0  }
0x2ed: {  	[tilespmem:s10], [sflag:$0x7] =	stream.indirect.gather [hbm4b:s1+s17], $0x80, s9, s17, $0xb8;
	[tilespmem:$0x14800] =	vst v63  }
0x2ee: {  	v0 =	vld [tilespmem:s0+$0xCCF0]  }
0x2ef: {  	v1 =	vld [tilespmem:s0+$0xCB00]  }
0x2f0: {  	v2 =	vld [tilespmem:s0+$0x68F0]  }
0x2f1: {  	v3 =	vld [tilespmem:s0+$0xCB10]  }
0x2f2: {  	v4 =	vld [tilespmem:s0+$0xCB20]  }
0x2f3: {  	v5 =	vld [tilespmem:s0+$0xCB30]  }
0x2f4: {  	v6 =	vld [tilespmem:s0+$0xCB40]  }
0x2f5: {  	v7 =	vld [tilespmem:s0+$0xCB50]  }
0x2f6: {  	v8 =	vld [tilespmem:s0+$0xCB60]  }
0x2f7: {  	v9 =	vld [tilespmem:s0+$0xCB70]  }
0x2f8: {  	v10 =	vld [tilespmem:s0+$0xCB80]  }
0x2f9: {  	v11 =	vld [tilespmem:s0+$0xCB90]  }
0x2fa: {  	v12 =	vld [tilespmem:s0+$0xCBA0]  }
0x2fb: {  	v13 =	vld [tilespmem:s0+$0xCBB0]  }
0x2fc: {  	v14 =	vld [tilespmem:s0+$0xCBC0]  }
0x2fd: {  	v15 =	vld [tilespmem:s0+$0xCBD0]  }
0x2fe: {  	v16 =	vld [tilespmem:s0+$0xCBE0]  }
0x2ff: {  	v17 =	vld [tilespmem:s0+$0xCBF0]  }
0x300: {  	v18 =	vld [tilespmem:s0+$0xCC00]  }
0x301: {  	v19 =	vld [tilespmem:s0+$0xCC10]  }
0x302: {  	v20 =	vld [tilespmem:s0+$0xCC20]  }
0x303: {  	v21 =	vld [tilespmem:s0+$0xCC30]  }
0x304: {  	v22 =	vld [tilespmem:s0+$0xCC40]  }
0x305: {  	v23 =	vld [tilespmem:s0+$0xCC60]  }
0x306: {  	v24 =	vld [tilespmem:s0+$0xCC80]  }
0x307: {  	v25 =	vld [tilespmem:s0+$0xCC90]  }
0x308: {  	v26 =	vld [tilespmem:s0+$0xCCA0]  }
0x309: {  	v27 =	vld [tilespmem:s0+$0xCCB0]  }
0x30a: {  	v28 =	vld [tilespmem:s0+$0x6700]  }
0x30b: {  	v29 =	vld [tilespmem:s0+$0x6710]  }
0x30c: {  	v30 =	vld [tilespmem:s0+$0x6720]  }
0x30d: {  	v31 =	vld [tilespmem:s0+$0x6730]  }
0x30e: {  	v32 =	vld [tilespmem:s0+$0x6740]  }
0x30f: {  	v60 =	vld [tilespmem:s0+$0x6750]  }
0x310: {  	v33 =	vld [tilespmem:s0+$0x6760]  }
0x311: {  	v34 =	vld [tilespmem:s0+$0xCCC0];
	v1 =	vmul.f32 $1.131370830e+01, v1  }
0x312: {  	v61 =	vld [tilespmem:s0+$0x6780];
	v0 =	vmul.f32 $1.131370830e+01, v0  }
0x313: {  	v62 =	vld [tilespmem:s0+$0x6790];
	v3 =	vmul.f32 $1.131370830e+01, v3;
	v1 =	vadd.f32 v28, v1  }
0x314: {  	v63 =	vld [tilespmem:s0+$0xCCD0];
	v8 =	vmul.f32 $1.131370830e+01, v8;
	v0 =	vadd.f32 v2, v0  }
0x315: {  	v2 =	vld [tilespmem:s0+$0xCC50];
	v3 =	vadd.f32 v29, v3;
	[tilespmem:s0+$0xCB00] =	vst v1;
	v1 =	vmul.f32 $1.131370830e+01, v4  }
0x316: {  	v5 =	vmul.f32 $1.131370830e+01, v5;
	v8 =	vadd.f32 v33, v8;
	[tilespmem:s0+$0xCCF0] =	vst v0;
	v0 =	vld [tilespmem:s0+$0xCC70]  }
0x317: {  	v6 =	vmul.f32 $1.131370830e+01, v6;
	v11 =	vmul.f32 $1.131370830e+01, v11;
	v4 =	vld [tilespmem:s0+$0x6770];
	[tilespmem:s0+$0xCB10] =	vst v3;
	v1 =	vadd.f32 v30, v1  }
0x318: {  	v7 =	vmul.f32 $1.131370830e+01, v7;
	v10 =	vmul.f32 $1.131370830e+01, v10;
	v3 =	vadd.f32 v31, v5;
	v5 =	vld [tilespmem:s0+$0x67A0];
	[tilespmem:s0+$0xCB60] =	vst v8  }
0x319: {  	v8 =	vadd.f32 v62, v11;
	v11 =	vmul.f32 $1.131370830e+01, v14;
	v14 =	vld [tilespmem:s0+$0x6870];
	[tilespmem:s0+$0xCB20] =	vst v1;
	v1 =	vadd.f32 v32, v6  }
0x31a: {  	v9 =	vmul.f32 $1.131370830e+01, v9;
	[tilespmem:s0+$0xCB30] =	vst v3;
	v3 =	vadd.f32 v60, v7;
	v6 =	vld [tilespmem:s0+$0x67B0]  }
0x31b: {  	v7 =	vld [tilespmem:s0+$0x67C0];
	[tilespmem:s0+$0xCB40] =	vst v1;
	v1 =	vadd.f32 v61, v10  }
0x31c: {  	v12 =	vmul.f32 $1.131370830e+01, v12;
	[tilespmem:s0+$0xCB50] =	vst v3;
	v4 =	vadd.f32 v4, v9;
	v10 =	vld [tilespmem:s0+$0x67D0]  }
0x31d: {  	v3 =	vld [tilespmem:s0+$0x67E0];
	[tilespmem:s0+$0xCB80] =	vst v1;
	v1 =	vmul.f32 $1.131370830e+01, v13  }
0x31e: {  	[tilespmem:s0+$0xCB70] =	vst v4;
	v4 =	vadd.f32 v5, v12;
	v5 =	vld [tilespmem:s0+$0x6800]  }
0x31f: {  	[tilespmem:s0+$0xCB90] =	vst v8;
	v9 =	vld [tilespmem:s0+$0x67F0];
	v12 =	vmul.f32 $1.131370830e+01, v15;
	v1 =	vadd.f32 v6, v1  }
0x320: {  	v8 =	vmul.f32 $1.131370830e+01, v16;
	[tilespmem:s0+$0xCBA0] =	vst v4;
	v4 =	vadd.f32 v7, v11;
	v6 =	vld [tilespmem:s0+$0x6810]  }
0x321: {  	v7 =	vld [tilespmem:s0+$0x6820];
	v11 =	vmul.f32 $1.131370830e+01, v18;
	[tilespmem:s0+$0xCBB0] =	vst v1;
	v1 =	vadd.f32 v10, v12  }
0x322: {  	v3 =	vadd.f32 v3, v8;
	[tilespmem:s0+$0xCBC0] =	vst v4;
	v10 =	vld [tilespmem:s0+$0x6830];
	v12 =	vmul.f32 $1.131370830e+01, v17  }
0x323: {  	v8 =	vmul.f32 $1.131370830e+01, v19;
	v4 =	vld [tilespmem:s0+$0x6840];
	[tilespmem:s0+$0xCBD0] =	vst v1;
	v1 =	vadd.f32 v5, v11  }
0x324: {  	[tilespmem:s0+$0xCBE0] =	vst v3;
	v11 =	vld [tilespmem:s0+$0x6850];
	v5 =	vmul.f32 $1.131370830e+01, v20;
	v9 =	vadd.f32 v9, v12  }
0x325: {  	v3 =	vld [tilespmem:s0+$0x6860];
	v12 =	vmul.f32 $1.131370830e+01, v21;
	v6 =	vadd.f32 v6, v8;
	[tilespmem:s0+$0xCC00] =	vst v1  }
0x326: {  	v13 =	vld [tilespmem:s0+$0xCCE0];
	v1 =	vmul.f32 $1.131370830e+01, v22;
	[tilespmem:s0+$0xCBF0] =	vst v9;
	v5 =	vadd.f32 v7, v5  }
0x327: {  	v2 =	vmul.f32 $1.131370830e+01, v2;
	[tilespmem:s0+$0xCC10] =	vst v6;
	v7 =	vadd.f32 v10, v12;
	v10 =	vld [tilespmem:s0+$0x6880]  }
0x328: {  	v8 =	vmul.f32 $1.131370830e+01, v23;
	v12 =	vmul.f32 $1.131370830e+01, v0;
	v6 =	vld [tilespmem:s0+$0x6890];
	[tilespmem:s0+$0xCC20] =	vst v5;
	v0 =	vadd.f32 v4, v1  }
0x329: {  	v15 =	vmul.f32 $1.131370830e+01, v24;
	[tilespmem:s0+$0xCC30] =	vst v7;
	v9 =	vadd.f32 v11, v2;
	v7 =	vld [tilespmem:s0+$0x68A0]  }
0x32a: {  	v5 =	vmul.f32 $1.131370830e+01, v25;
	v4 =	vmul.f32 $1.131370830e+01, v26;
	v11 =	vadd.f32 v3, v8;
	v8 =	vld [tilespmem:s0+$0x68B0];
	[tilespmem:s0+$0xCC40] =	vst v0  }
0x32b: {  	v1 =	vmul.f32 $1.131370830e+01, v27;
	v2 =	vmul.f32 $1.131370830e+01, v34;
	v12 =	vadd.f32 v14, v12;
	[tilespmem:s0+$0xCC50] =	vst v9;
	v9 =	vld [tilespmem:s0+$0x68C0]  }
0x32c: {  	s31 =	simm.s32 $0x0;
	s8 =	simm.s32 $0x0;
	s9 =	simm.s32 $0x800;
	v3 =	vmul.f32 $1.131370830e+01, v13;
	v0 =	vmul.f32 $1.131370830e+01, v63;
	[tilespmem:s0+$0xCC60] =	vst v11;
	v11 =	vadd.f32 v10, v15;
	v10 =	vld [tilespmem:s0+$0x68D0]  }
.LBB2_15:
0x32d: {  	s10 =	sshra.s32 s9, $0x2;
	s8 =	sadd.s32 $0x4, s8;
	[tilespmem:s0+$0xCC70] =	vst v12;
	v5 =	vadd.f32 v6, v5;
	v6 =	vld [tilespmem:s0+$0x68E0]  }
0x32e: {  	v12 =	vld [tilespmem:s10+$0xCCF0];
	p1 =	slt.u32 s8, $0x2C;
	[tilespmem:s0+$0xCC80] =	vst v11;
	v4 =	vadd.f32 v7, v4  }
0x32f: {  	v7 =	vld [tilespmem:s10+$0xCB00];
	[tilespmem:s0+$0xCC90] =	vst v5;
	v1 =	vadd.f32 v8, v1  }
0x330: {  	v5 =	vld [tilespmem:s10+$0x68F0];
	[tilespmem:s0+$0xCCA0] =	vst v4;
	v2 =	vadd.f32 v9, v2  }
0x331: {  	v4 =	vld [tilespmem:s10+$0xCB10];
	[tilespmem:s0+$0xCCB0] =	vst v1;
	v0 =	vadd.f32 v10, v0  }
0x332: {  	v1 =	vld [tilespmem:s10+$0xCB20];
	[tilespmem:s0+$0xCCC0] =	vst v2;
	v2 =	vadd.f32 v6, v3  }
0x333: {  	v3 =	vld [tilespmem:s10+$0xCB30];
	v6 =	vmul.f32 $1.131370830e+01, v12;
	[tilespmem:s0+$0xCCD0] =	vst v0  }
0x334: {  	v7 =	vmul.f32 $1.131370830e+01, v7;
	v0 =	vld [tilespmem:s10+$0xCB40];
	[tilespmem:s0+$0xCCE0] =	vst v2;
	s0 =	smov.u32 s10  }
0x335: {  	v2 =	vld [tilespmem:s0+$0xCB50];
	v5 =	vadd.f32 v5, v6  }
0x336: {  	v6 =	vmul.f32 $1.131370830e+01, v4;
	v4 =	vld [tilespmem:s0+$0xCB60]  }
0x337: {  	v8 =	vmul.f32 $1.131370830e+01, v1;
	v1 =	vld [tilespmem:s0+$0xCB70];
	[tilespmem:s0+$0xCCF0] =	vst v5  }
0x338: {  	v9 =	vmul.f32 $1.131370830e+01, v3;
	v3 =	vld [tilespmem:s0+$0xCB80]  }
0x339: {  	v10 =	vmul.f32 $1.131370830e+01, v0;
	v0 =	vld [tilespmem:s0+$0xCB90]  }
0x33a: {  	v11 =	vmul.f32 $1.131370830e+01, v2;
	v2 =	vld [tilespmem:s0+$0xCBA0]  }
0x33b: {  	v12 =	vmul.f32 $1.131370830e+01, v4;
	v4 =	vld [tilespmem:s0+$0xCBB0]  }
0x33c: {  	v13 =	vmul.f32 $1.131370830e+01, v1;
	v1 =	vld [tilespmem:s0+$0xCBC0]  }
0x33d: {  	v14 =	vmul.f32 $1.131370830e+01, v3;
	v3 =	vld [tilespmem:s0+$0xCBD0]  }
0x33e: {  	v15 =	vmul.f32 $1.131370830e+01, v0;
	v0 =	vld [tilespmem:s0+$0xCBE0]  }
0x33f: {  	v16 =	vmul.f32 $1.131370830e+01, v2;
	v2 =	vld [tilespmem:s0+$0xCBF0]  }
0x340: {  	v17 =	vmul.f32 $1.131370830e+01, v4;
	v4 =	vld [tilespmem:s0+$0xCC00]  }
0x341: {  	v18 =	vmul.f32 $1.131370830e+01, v1;
	v1 =	vld [tilespmem:s0+$0xCC10]  }
0x342: {  	v19 =	vmul.f32 $1.131370830e+01, v3;
	v3 =	vld [tilespmem:s0+$0xCC20]  }
0x343: {  	v20 =	vmul.f32 $1.131370830e+01, v0;
	v0 =	vld [tilespmem:s0+$0xCC30]  }
0x344: {  	v21 =	vmul.f32 $1.131370830e+01, v2;
	v2 =	vld [tilespmem:s0+$0xCC40]  }
0x345: {  	v22 =	vmul.f32 $1.131370830e+01, v4;
	v4 =	vld [tilespmem:s0+$0xCC50]  }
0x346: {  	v23 =	vmul.f32 $1.131370830e+01, v1;
	v1 =	vld [tilespmem:s0+$0xCC60]  }
0x347: {  	v24 =	vmul.f32 $1.131370830e+01, v3;
	v3 =	vld [tilespmem:s0+$0xCC70]  }
0x348: {  	v25 =	vmul.f32 $1.131370830e+01, v0;
	v0 =	vld [tilespmem:s0+$0xCC80]  }
0x349: {  	v26 =	vmul.f32 $1.131370830e+01, v2;
	v2 =	vld [tilespmem:s0+$0xCC90]  }
0x34a: {  	v27 =	vmul.f32 $1.131370830e+01, v4;
	v4 =	vld [tilespmem:s0+$0xCCA0]  }
0x34b: {  	v28 =	vmul.f32 $1.131370830e+01, v1;
	v1 =	vld [tilespmem:s0+$0xCCB0]  }
0x34c: {  	v29 =	vmul.f32 $1.131370830e+01, v3;
	v3 =	vld [tilespmem:s0+$0xCCC0]  }
0x34d: {  	v30 =	vmul.f32 $1.131370830e+01, v0;
	v0 =	vld [tilespmem:s0+$0xCCD0]  }
0x34e: {  	v5 =	vmul.f32 $1.131370830e+01, v2;
	v31 =	vld [tilespmem:s0+$0xCCE0]  }
0x34f: {  	v32 =	vld [tilespmem:s0+$0x6700];
	v4 =	vmul.f32 $1.131370830e+01, v4  }
0x350: {  	v33 =	vld [tilespmem:s0+$0x6710];
	v1 =	vmul.f32 $1.131370830e+01, v1  }
0x351: {  	v34 =	vld [tilespmem:s0+$0x6720];
	v2 =	vmul.f32 $1.131370830e+01, v3  }
0x352: {  	v35 =	vld [tilespmem:s0+$0x6730];
	v0 =	vmul.f32 $1.131370830e+01, v0  }
0x353: {  	v36 =	vld [tilespmem:s0+$0x6740];
	v3 =	vmul.f32 $1.131370830e+01, v31  }
0x354: {  	v7 =	vadd.f32 v32, v7;
	v31 =	vld [tilespmem:s0+$0x6750]  }
0x355: {  	v6 =	vadd.f32 v33, v6;
	v32 =	vld [tilespmem:s0+$0x6760]  }
0x356: {  	[tilespmem:s0+$0xCB00] =	vst v7;
	v7 =	vadd.f32 v34, v8;
	v8 =	vld [tilespmem:s0+$0x6770]  }
0x357: {  	[tilespmem:s0+$0xCB10] =	vst v6;
	v6 =	vadd.f32 v35, v9;
	v9 =	vld [tilespmem:s0+$0x6780]  }
0x358: {  	[tilespmem:s0+$0xCB20] =	vst v7;
	v7 =	vadd.f32 v36, v10;
	v10 =	vld [tilespmem:s0+$0x6790]  }
0x359: {  	[tilespmem:s0+$0xCB30] =	vst v6;
	v6 =	vadd.f32 v31, v11;
	v11 =	vld [tilespmem:s0+$0x67A0]  }
0x35a: {  	[tilespmem:s0+$0xCB40] =	vst v7;
	v7 =	vadd.f32 v32, v12;
	v12 =	vld [tilespmem:s0+$0x67B0]  }
0x35b: {  	[tilespmem:s0+$0xCB50] =	vst v6;
	v6 =	vadd.f32 v8, v13;
	v8 =	vld [tilespmem:s0+$0x67C0]  }
0x35c: {  	[tilespmem:s0+$0xCB60] =	vst v7;
	v7 =	vadd.f32 v9, v14;
	v9 =	vld [tilespmem:s0+$0x67D0]  }
0x35d: {  	[tilespmem:s0+$0xCB70] =	vst v6;
	v6 =	vadd.f32 v10, v15;
	v10 =	vld [tilespmem:s0+$0x67E0]  }
0x35e: {  	[tilespmem:s0+$0xCB80] =	vst v7;
	v7 =	vadd.f32 v11, v16;
	v11 =	vld [tilespmem:s0+$0x67F0]  }
0x35f: {  	[tilespmem:s0+$0xCB90] =	vst v6;
	v6 =	vadd.f32 v12, v17;
	v12 =	vld [tilespmem:s0+$0x6800]  }
0x360: {  	[tilespmem:s0+$0xCBA0] =	vst v7;
	v7 =	vadd.f32 v8, v18;
	v8 =	vld [tilespmem:s0+$0x6810]  }
0x361: {  	[tilespmem:s0+$0xCBB0] =	vst v6;
	v6 =	vadd.f32 v9, v19;
	v9 =	vld [tilespmem:s0+$0x6820]  }
0x362: {  	[tilespmem:s0+$0xCBC0] =	vst v7;
	v7 =	vadd.f32 v10, v20;
	v10 =	vld [tilespmem:s0+$0x6830]  }
0x363: {  	[tilespmem:s0+$0xCBD0] =	vst v6;
	v6 =	vadd.f32 v11, v21;
	v11 =	vld [tilespmem:s0+$0x6840]  }
0x364: {  	[tilespmem:s0+$0xCBE0] =	vst v7;
	v7 =	vadd.f32 v12, v22;
	v12 =	vld [tilespmem:s0+$0x6850]  }
0x365: {  	[tilespmem:s0+$0xCBF0] =	vst v6;
	v6 =	vadd.f32 v8, v23;
	v8 =	vld [tilespmem:s0+$0x6860]  }
0x366: {  	[tilespmem:s0+$0xCC00] =	vst v7;
	v7 =	vadd.f32 v9, v24;
	v9 =	vld [tilespmem:s0+$0x6870]  }
0x367: {  	[tilespmem:s0+$0xCC10] =	vst v6;
	v10 =	vadd.f32 v10, v25;
	v13 =	vld [tilespmem:s0+$0x6880]  }
.Ltmp6:
0x368: {  	[tilespmem:s0+$0xCC20] =	vst v7;
	v11 =	vadd.f32 v11, v26;
	v6 =	vld [tilespmem:s0+$0x6890];
	(pc) =	sbr.rel @p1 .LBB2_15-.Ltmp6, $4  }
0x369: {  	[tilespmem:s0+$0xCC30] =	vst v10;
	v10 =	vadd.f32 v12, v27;
	v7 =	vld [tilespmem:s0+$0x68A0]  }
0x36a: {  	[tilespmem:s0+$0xCC40] =	vst v11;
	v11 =	vadd.f32 v8, v28;
	v8 =	vld [tilespmem:s0+$0x68B0]  }
0x36b: {  	[tilespmem:s0+$0xCC50] =	vst v10;
	v12 =	vadd.f32 v9, v29;
	v9 =	vld [tilespmem:s0+$0x68C0]  }
0x36c: {  	s9 =	sadd.s32 $0x800, s9;
	[tilespmem:s0+$0xCC60] =	vst v11;
	v11 =	vadd.f32 v13, v30;
	v10 =	vld [tilespmem:s0+$0x68D0]  }
0x36d: {  	[tilespmem:s0+$0xCC70] =	vst v12;
	v5 =	vadd.f32 v6, v5;
	v62 =	vld [tilespmem:s0+$0x68E0]  }
0x36e: {  	[tilespmem:s0+$0xCC80] =	vst v11;
	v4 =	vadd.f32 v7, v4  }
0x36f: {  	[tilespmem:s0+$0xCC90] =	vst v5;
	v1 =	vadd.f32 v8, v1  }
0x370: {  	[tilespmem:s0+$0xCCA0] =	vst v4;
	v2 =	vadd.f32 v9, v2  }
0x371: {  	[tilespmem:s0+$0xCCB0] =	vst v1;
	v0 =	vadd.f32 v10, v0  }
0x372: {  	[tilespmem:s0+$0xCCC0] =	vst v2;
	v63 =	vadd.f32 v62, v3  }
0x373: {  	[tilespmem:s0+$0xCCD0] =	vst v0  }
0x374: {  	[tilespmem:s0+$0xCCE0] =	vst v63  }
.LBB2_17:
0x375: {  	s0 =	sshra.s32 s31, $0x2  }
0x376: {  	v0 =	vld [tilespmem:s0+$0xE300]  }
0x377: {  	v1 =	vld [tilespmem:s0+$0x7F00]  }
0x378: {  	v2 =	vld [tilespmem:s0+$0xE310]  }
0x379: {  	v3 =	vld [tilespmem:s0+$0x7F10]  }
0x37a: {  	v4 =	vld [tilespmem:s0+$0xE320]  }
0x37b: {  	v5 =	vld [tilespmem:s0+$0x7F20]  }
0x37c: {  	v6 =	vld [tilespmem:s0+$0xE330]  }
0x37d: {  	v7 =	vld [tilespmem:s0+$0x7F30]  }
0x37e: {  	v8 =	vld [tilespmem:s0+$0xE340]  }
0x37f: {  	v9 =	vld [tilespmem:s0+$0x7F40]  }
0x380: {  	v10 =	vld [tilespmem:s0+$0xE350]  }
0x381: {  	v11 =	vld [tilespmem:s0+$0x7F50];
	v0 =	vmul.f32 $1.131370830e+01, v0  }
0x382: {  	v12 =	vld [tilespmem:s0+$0xE360];
	v2 =	vmul.f32 $1.131370830e+01, v2  }
0x383: {  	v50 =	vld [tilespmem:s0+$0xE370];
	v49 =	vmul.f32 $1.131370830e+01, v4;
	v0 =	vadd.f32 v1, v0  }
0x384: {  	v52 =	vld [tilespmem:s0+$0x7F60];
	v51 =	vmul.f32 $1.131370830e+01, v6;
	v2 =	vadd.f32 v3, v2  }
0x385: {  	v55 =	vld [tilespmem:s0+$0x7F70];
	v54 =	vmul.f32 $1.131370830e+01, v8;
	v53 =	vadd.f32 v5, v49;
	[tilespmem:s0+$0xE300] =	vst v0  }
0x386: {  	v57 =	vmul.f32 $1.131370830e+01, v10;
	v56 =	vadd.f32 v7, v51;
	[tilespmem:s0+$0xE310] =	vst v2  }
0x387: {  	p1 =	sne.s32 s31, $0x200;
	v59 =	vmul.f32 $1.131370830e+01, v12;
	v58 =	vadd.f32 v9, v54;
	[tilespmem:s0+$0xE320] =	vst v53  }
.Ltmp7:
0x388: {  	v61 =	vmul.f32 $1.131370830e+01, v50;
	v60 =	vadd.f32 v11, v57;
	[tilespmem:s0+$0xE330] =	vst v56;
	(pc) =	sbr.rel @p1 .LBB2_17-.Ltmp7, $4  }
0x389: {  	v62 =	vadd.f32 v52, v59;
	[tilespmem:s0+$0xE340] =	vst v58  }
0x38a: {  	v63 =	vadd.f32 v55, v61;
	[tilespmem:s0+$0xE350] =	vst v60  }
0x38b: {  	[tilespmem:s0+$0xE360] =	vst v62  }
0x38c: {  	s31 =	sadd.s32 $0x200, s31;
	[tilespmem:s0+$0xE370] =	vst v63  }
0x38d: {  	s0 =	sadd.s32 s22, s11  }
0x38e: {  	_ =	swait.ge [sflag:s2], $0x1900;
	s0 =	sshll.u32 s0, $0x4  }
0x38f: {  	[sflag:s2] =	ssyncset.done $0x0;
	s0 =	sand.u32 $0x1FFFFF40, s0  }
0x390: {  	s8 =	simm.s32 $0xB200;
	[sflag:s2] =	ssyncadd.s32 $0xFFFFE700;
	s0 =	sadd.s32 s4, s0  }
0x391: {  	[hbm4b:s0+s5] =	stream.linear.scatter [tilespmem:s8], [sflag:$0xB], $0x1900, $0x38;
	[tilespmem:$0x14800] =	vst v63  }
0x392: {  	s0 =	simm.s32 @!p0 $0x10  }
0x393: {  	_ =	swait.ge @!p0 [sflag:s0], $0x1900  }
0x394: {  	s9 =	simm.s32 $0x12F00;
	[sflag:s0] =	ssyncset.done @!p0 $0x0  }
0x395: {  	s22 =	simm.s32 $0xE500;
	s8 =	sadd.s32 $0x188, s20;
	[sflag:s0] =	ssyncadd.s32 @!p0 $0xFFFFE700  }
0x396: {  	[tilespmem:s9], [sflag:$0x8] =	stream.indirect.gather [hbm4b:s1+s17], $0x80, s8, s17, $0xb8;
	[tilespmem:$0x14800] =	vst v63  }
0x397: {  	v0 =	vld [tilespmem:s22+$0x80]  }
0x398: {  	s10 =	simm.s32 $0x1D00;
	v1 =	vld [tilespmem:s22+$0xFFFFFF80]  }
0x399: {  	v2 =	vld [tilespmem:s10+$0x80]  }
0x39a: {  	v3 =	vld [tilespmem:s22+$0xFFFFFF00]  }
0x39b: {  	v4 =	vld [tilespmem:s22+$0x0]  }
0x39c: {  	v5 =	vld [tilespmem:s10+$0xFFFFFF00]  }
0x39d: {  	v6 =	vld [tilespmem:s10+$0xFFFFFF80]  }
0x39e: {  	v7 =	vld [tilespmem:s10+$0x0]  }
0x39f: {  	s31 =	simm.s32 $0xE700;
	v8 =	vld [tilespmem:s22+$0xFFFFFF10]  }
0x3a0: {  	s0 =	simm.s32 $0x1F00;
	v10 =	vld [tilespmem:s31+$0xFFFFFF80];
	v0 =	vmul.f32 $1.131370830e+01, v0  }
0x3a1: {  	v11 =	vld [tilespmem:s0+$0x80]  }
0x3a2: {  	v12 =	vld [tilespmem:s31+$0xFFFFFF00];
	v3 =	vmul.f32 $1.131370830e+01, v3;
	v0 =	vadd.f32 v2, v0  }
0x3a3: {  	v2 =	vld [tilespmem:s22+$0x90]  }
0x3a4: {  	v13 =	vld [tilespmem:s31+$0x0];
	v1 =	vmul.f32 $1.131370830e+01, v1;
	v3 =	vadd.f32 v5, v3;
	[tilespmem:s22+$0x80] =	vst v0  }
0x3a5: {  	v0 =	vld [tilespmem:s10+$0x90]  }
0x3a6: {  	v4 =	vmul.f32 $1.131370830e+01, v4;
	v1 =	vadd.f32 v6, v1;
	v5 =	vld [tilespmem:s22+$0xFFFFFF90];
	[tilespmem:s22+$0xFFFFFF00] =	vst v3  }
0x3a7: {  	v3 =	vld [tilespmem:s10+$0xFFFFFF10]  }
0x3a8: {  	v6 =	vld [tilespmem:s22+$0x10];
	[tilespmem:s22+$0xFFFFFF80] =	vst v1;
	v1 =	vadd.f32 v7, v4;
	v2 =	vmul.f32 $1.131370830e+01, v2  }
0x3a9: {  	v4 =	vld [tilespmem:s10+$0xFFFFFF90]  }
0x3aa: {  	[tilespmem:s22+$0x0] =	vst v1;
	v1 =	vld [tilespmem:s22+$0xA0];
	v0 =	vadd.f32 v0, v2;
	v2 =	vmul.f32 $1.131370830e+01, v8  }
0x3ab: {  	v8 =	vld [tilespmem:s10+$0x10]  }
0x3ac: {  	v7 =	vld [tilespmem:s22+$0xFFFFFF20];
	v5 =	vmul.f32 $1.131370830e+01, v5;
	[tilespmem:s22+$0x90] =	vst v0;
	v2 =	vadd.f32 v3, v2  }
0x3ad: {  	v0 =	vld [tilespmem:s10+$0xA0]  }
0x3ae: {  	v4 =	vadd.f32 v4, v5;
	v5 =	vmul.f32 $1.131370830e+01, v6;
	v3 =	vld [tilespmem:s22+$0xFFFFFFA0];
	[tilespmem:s22+$0xFFFFFF10] =	vst v2  }
0x3af: {  	v2 =	vld [tilespmem:s10+$0xFFFFFF20]  }
0x3b0: {  	v6 =	vld [tilespmem:s22+$0x20];
	v1 =	vmul.f32 $1.131370830e+01, v1;
	[tilespmem:s22+$0xFFFFFF90] =	vst v4;
	v4 =	vadd.f32 v8, v5  }
0x3b1: {  	v5 =	vld [tilespmem:s10+$0xFFFFFFA0]  }
0x3b2: {  	[tilespmem:s22+$0x10] =	vst v4;
	v4 =	vld [tilespmem:s22+$0xB0];
	v0 =	vadd.f32 v0, v1;
	v1 =	vmul.f32 $1.131370830e+01, v7  }
0x3b3: {  	v7 =	vld [tilespmem:s10+$0x20]  }
0x3b4: {  	v8 =	vld [tilespmem:s22+$0xFFFFFF30];
	v3 =	vmul.f32 $1.131370830e+01, v3;
	[tilespmem:s22+$0xA0] =	vst v0;
	v1 =	vadd.f32 v2, v1  }
0x3b5: {  	v0 =	vld [tilespmem:s10+$0xB0]  }
0x3b6: {  	v2 =	vld [tilespmem:s22+$0xFFFFFFB0];
	v3 =	vadd.f32 v5, v3;
	v5 =	vmul.f32 $1.131370830e+01, v6;
	[tilespmem:s22+$0xFFFFFF20] =	vst v1  }
0x3b7: {  	v1 =	vmul.f32 $1.131370830e+01, v4;
	v4 =	vld [tilespmem:s10+$0xFFFFFF30]  }
0x3b8: {  	v6 =	vld [tilespmem:s22+$0x30];
	[tilespmem:s22+$0xFFFFFFA0] =	vst v3;
	v3 =	vadd.f32 v7, v5  }
0x3b9: {  	v5 =	vld [tilespmem:s10+$0xFFFFFFB0]  }
0x3ba: {  	[tilespmem:s22+$0x20] =	vst v3;
	v3 =	vld [tilespmem:s22+$0xC0];
	v0 =	vadd.f32 v0, v1;
	v1 =	vmul.f32 $1.131370830e+01, v8  }
0x3bb: {  	v8 =	vld [tilespmem:s10+$0x30]  }
0x3bc: {  	v7 =	vld [tilespmem:s22+$0xFFFFFF40];
	v2 =	vmul.f32 $1.131370830e+01, v2;
	[tilespmem:s22+$0xB0] =	vst v0;
	v1 =	vadd.f32 v4, v1  }
0x3bd: {  	v0 =	vld [tilespmem:s10+$0xC0]  }
0x3be: {  	v4 =	vld [tilespmem:s22+$0xFFFFFFC0];
	v2 =	vadd.f32 v5, v2;
	v5 =	vmul.f32 $1.131370830e+01, v6;
	[tilespmem:s22+$0xFFFFFF30] =	vst v1  }
0x3bf: {  	v1 =	vmul.f32 $1.131370830e+01, v3;
	v3 =	vld [tilespmem:s10+$0xFFFFFF40]  }
0x3c0: {  	v6 =	vld [tilespmem:s22+$0x40];
	[tilespmem:s22+$0xFFFFFFB0] =	vst v2;
	v2 =	vadd.f32 v8, v5  }
0x3c1: {  	v5 =	vld [tilespmem:s10+$0xFFFFFFC0]  }
0x3c2: {  	[tilespmem:s22+$0x30] =	vst v2;
	v2 =	vld [tilespmem:s22+$0xD0];
	v0 =	vadd.f32 v0, v1;
	v1 =	vmul.f32 $1.131370830e+01, v7  }
0x3c3: {  	v8 =	vld [tilespmem:s22+$0xFFFFFF50]  }
0x3c4: {  	v7 =	vld [tilespmem:s10+$0x40];
	[tilespmem:s22+$0xC0] =	vst v0;
	v1 =	vadd.f32 v3, v1  }
0x3c5: {  	v4 =	vmul.f32 $1.131370830e+01, v4;
	v0 =	vld [tilespmem:s10+$0xD0]  }
0x3c6: {  	v14 =	vld [tilespmem:s0+$0xFFFFFF00];
	[tilespmem:s22+$0xFFFFFF40] =	vst v1  }
0x3c7: {  	v4 =	vadd.f32 v5, v4;
	v5 =	vmul.f32 $1.131370830e+01, v6;
	v1 =	vmul.f32 $1.131370830e+01, v2;
	v2 =	vld [tilespmem:s10+$0xFFFFFF50]  }
0x3c8: {  	v15 =	vld [tilespmem:s0+$0xFFFFFF80]  }
0x3c9: {  	v16 =	vld [tilespmem:s0+$0x0];
	[tilespmem:s22+$0xFFFFFFC0] =	vst v4;
	v4 =	vadd.f32 v7, v5  }
0x3ca: {  	v17 =	vld [tilespmem:s31+$0xFFFFFF10];
	v0 =	vadd.f32 v0, v1;
	v1 =	vmul.f32 $1.131370830e+01, v8  }
0x3cb: {  	[tilespmem:s22+$0x40] =	vst v4;
	v4 =	vld [tilespmem:s22+$0xE0]  }
0x3cc: {  	v7 =	vld [tilespmem:s22+$0xFFFFFF60];
	[tilespmem:s22+$0xD0] =	vst v0;
	v1 =	vadd.f32 v2, v1  }
0x3cd: {  	v0 =	vld [tilespmem:s10+$0xE0]  }
0x3ce: {  	v26 =	vld [tilespmem:s31+$0xFFFFFF90];
	[tilespmem:s22+$0xFFFFFF50] =	vst v1  }
0x3cf: {  	v9 =	vld [tilespmem:s10+$0xFFFFFF60]  }
0x3d0: {  	v27 =	vld [tilespmem:s31+$0x10];
	v1 =	vmul.f32 $1.131370830e+01, v4  }
0x3d1: {  	v28 =	vld [tilespmem:s31+$0xFFFFFF20]  }
0x3d2: {  	v29 =	vld [tilespmem:s31+$0xA0];
	v0 =	vadd.f32 v0, v1;
	v1 =	vmul.f32 $1.131370830e+01, v7  }
0x3d3: {  	v32 =	vld [tilespmem:s31+$0xFFFFFFA0]  }
0x3d4: {  	v36 =	vld [tilespmem:s31+$0xB0];
	v9 =	vadd.f32 v9, v1  }
0x3d5: {  	v39 =	vld [tilespmem:s31+$0xFFFFFFB0]  }
0x3d6: {  	[tilespmem:s22+$0xFFFFFF60] =	vst v9;
	v9 =	vld [tilespmem:s31+$0x80]  }
0x3d7: {  	v40 =	vld [tilespmem:s31+$0x30]  }
0x3d8: {  	v47 =	vld [tilespmem:s31+$0xFFFFFFC0]  }
0x3d9: {  	v48 =	vld [tilespmem:s31+$0x40]  }
0x3da: {  	v49 =	vld [tilespmem:s31+$0xFFFFFF50]  }
0x3db: {  	v51 =	vld [tilespmem:s31+$0xD0];
	v9 =	vmul.f32 $1.131370830e+01, v9  }
0x3dc: {  	v54 =	vld [tilespmem:s31+$0x50]  }
0x3dd: {  	v57 =	vld [tilespmem:s31+$0xE0];
	v9 =	vadd.f32 v11, v9  }
0x3de: {  	v12 =	vmul.f32 $1.131370830e+01, v12;
	v11 =	vld [tilespmem:s31+$0x90]  }
0x3df: {  	v59 =	vld [tilespmem:s31+$0xFFFFFFE0];
	v13 =	vmul.f32 $1.131370830e+01, v13;
	[tilespmem:s31+$0x80] =	vst v9  }
0x3e0: {  	v12 =	vadd.f32 v14, v12;
	v9 =	vmul.f32 $1.131370830e+01, v10;
	v10 =	vld [tilespmem:s0+$0x90]  }
0x3e1: {  	v60 =	vld [tilespmem:s31+$0x60];
	v13 =	vadd.f32 v16, v13  }
0x3e2: {  	v61 =	vld [tilespmem:s31+$0xFFFFFF70];
	[tilespmem:s31+$0xFFFFFF00] =	vst v12;
	v9 =	vadd.f32 v15, v9  }
0x3e3: {  	[tilespmem:s31+$0x0] =	vst v13;
	v12 =	vld [tilespmem:s0+$0xFFFFFF10];
	v11 =	vmul.f32 $1.131370830e+01, v11  }
0x3e4: {  	v30 =	vld [tilespmem:s0+$0x10];
	[tilespmem:s31+$0xFFFFFF80] =	vst v9  }
0x3e5: {  	v9 =	vld [tilespmem:s0+$0xFFFFFF90];
	v10 =	vadd.f32 v10, v11  }
0x3e6: {  	v3 =	vld [tilespmem:s22+$0xFFFFFFD0]  }
0x3e7: {  	v6 =	vld [tilespmem:s22+$0x50];
	v11 =	vmul.f32 $1.131370830e+01, v17;
	[tilespmem:s31+$0x90] =	vst v10  }
0x3e8: {  	v10 =	vmul.f32 $1.131370830e+01, v26;
	v31 =	vld [tilespmem:s0+$0xA0]  }
0x3e9: {  	v5 =	vld [tilespmem:s10+$0xFFFFFFD0];
	v11 =	vadd.f32 v12, v11  }
0x3ea: {  	v8 =	vld [tilespmem:s10+$0x50];
	v15 =	vmul.f32 $1.131370830e+01, v27;
	v9 =	vadd.f32 v9, v10  }
0x3eb: {  	v10 =	vld [tilespmem:s31+$0x20];
	[tilespmem:s31+$0xFFFFFF10] =	vst v11;
	v11 =	vmul.f32 $1.131370830e+01, v29  }
0x3ec: {  	v15 =	vadd.f32 v30, v15;
	v33 =	vld [tilespmem:s0+$0xFFFFFF20];
	[tilespmem:s31+$0xFFFFFF90] =	vst v9  }
0x3ed: {  	v34 =	vld [tilespmem:s0+$0xFFFFFFA0];
	v11 =	vadd.f32 v31, v11  }
0x3ee: {  	v2 =	vld [tilespmem:s22+$0xFFFFFFE0];
	[tilespmem:s31+$0x10] =	vst v15  }
0x3ef: {  	v35 =	vmul.f32 $1.131370830e+01, v28;
	v3 =	vmul.f32 $1.131370830e+01, v3;
	v37 =	vld [tilespmem:s0+$0x20];
	[tilespmem:s31+$0xA0] =	vst v11  }
0x3f0: {  	v11 =	vmul.f32 $1.131370830e+01, v32;
	v38 =	vld [tilespmem:s0+$0xB0]  }
0x3f1: {  	v5 =	vadd.f32 v5, v3;
	v3 =	vld [tilespmem:s22+$0x60];
	v13 =	vadd.f32 v33, v35  }
0x3f2: {  	v9 =	vld [tilespmem:s31+$0xFFFFFF30];
	v10 =	vmul.f32 $1.131370830e+01, v10;
	v11 =	vadd.f32 v34, v11  }
0x3f3: {  	v41 =	vmul.f32 $1.131370830e+01, v36;
	v4 =	vld [tilespmem:s22+$0xFFFFFF70];
	[tilespmem:s31+$0xFFFFFF20] =	vst v13  }
0x3f4: {  	v10 =	vadd.f32 v37, v10;
	v42 =	vld [tilespmem:s0+$0xFFFFFF30];
	[tilespmem:s31+$0xFFFFFFA0] =	vst v11  }
0x3f5: {  	v43 =	vld [tilespmem:s0+$0xFFFFFFB0];
	v12 =	vadd.f32 v38, v41  }
0x3f6: {  	[tilespmem:s31+$0x20] =	vst v10;
	v10 =	vld [tilespmem:s31+$0xC0]  }
0x3f7: {  	v6 =	vmul.f32 $1.131370830e+01, v6;
	v9 =	vmul.f32 $1.131370830e+01, v9;
	v44 =	vld [tilespmem:s0+$0x30];
	[tilespmem:s31+$0xB0] =	vst v12  }
0x3f8: {  	v45 =	vmul.f32 $1.131370830e+01, v39;
	[tilespmem:s22+$0xFFFFFFD0] =	vst v5;
	v46 =	vld [tilespmem:s0+$0xC0]  }
0x3f9: {  	v5 =	vadd.f32 v8, v6;
	v6 =	vld [tilespmem:s10+$0xFFFFFFE0];
	v9 =	vadd.f32 v42, v9  }
0x3fa: {  	v17 =	vmul.f32 $1.131370830e+01, v40;
	v11 =	vld [tilespmem:s31+$0xFFFFFF40];
	v12 =	vadd.f32 v43, v45  }
0x3fb: {  	v8 =	vld [tilespmem:s22+$0xF0];
	[tilespmem:s31+$0xFFFFFF30] =	vst v9;
	v9 =	vmul.f32 $1.131370830e+01, v10  }
0x3fc: {  	v13 =	vadd.f32 v44, v17;
	v10 =	vld [tilespmem:s0+$0xFFFFFF40];
	[tilespmem:s31+$0xFFFFFFB0] =	vst v12  }
0x3fd: {  	[tilespmem:s22+$0x50] =	vst v5;
	v50 =	vld [tilespmem:s0+$0xFFFFFFC0];
	v9 =	vadd.f32 v46, v9  }
0x3fe: {  	v7 =	vld [tilespmem:s10+$0x60];
	[tilespmem:s31+$0x30] =	vst v13  }
0x3ff: {  	v11 =	vmul.f32 $1.131370830e+01, v11;
	v52 =	vld [tilespmem:s0+$0x40];
	[tilespmem:s31+$0xC0] =	vst v9  }
0x400: {  	v9 =	vmul.f32 $1.131370830e+01, v47;
	v53 =	vld [tilespmem:s0+$0xD0]  }
0x401: {  	v1 =	vld [tilespmem:s22+$0xFFFFFFF0];
	v10 =	vadd.f32 v10, v11  }
0x402: {  	v16 =	vmul.f32 $1.131370830e+01, v48;
	[tilespmem:s22+$0xE0] =	vst v0;
	v0 =	vld [tilespmem:s22+$0x70];
	v9 =	vadd.f32 v50, v9  }
0x403: {  	v11 =	vld [tilespmem:s31+$0xFFFFFFD0];
	[tilespmem:s31+$0xFFFFFF40] =	vst v10;
	v10 =	vmul.f32 $1.131370830e+01, v51  }
0x404: {  	v14 =	vadd.f32 v52, v16;
	v55 =	vld [tilespmem:s0+$0xFFFFFF50];
	[tilespmem:s31+$0xFFFFFFC0] =	vst v9  }
0x405: {  	v56 =	vld [tilespmem:s0+$0xFFFFFFD0];
	v10 =	vadd.f32 v53, v10  }
0x406: {  	v2 =	vmul.f32 $1.131370830e+01, v2;
	v5 =	vld [tilespmem:s10+$0xF0];
	[tilespmem:s31+$0x40] =	vst v14  }
0x407: {  	v12 =	vmul.f32 $1.131370830e+01, v49;
	v58 =	vld [tilespmem:s0+$0x50];
	[tilespmem:s31+$0xD0] =	vst v10  }
0x408: {  	v2 =	vadd.f32 v6, v2;
	v10 =	vmul.f32 $1.131370830e+01, v11;
	v11 =	vld [tilespmem:s0+$0xE0]  }
0x409: {  	v6 =	vld [tilespmem:s10+$0xFFFFFF70];
	v12 =	vadd.f32 v55, v12  }
0x40a: {  	[tilespmem:s22+$0xFFFFFFE0] =	vst v2;
	v17 =	vmul.f32 $1.131370830e+01, v54;
	v9 =	vld [tilespmem:s31+$0xFFFFFF60];
	v10 =	vadd.f32 v56, v10  }
0x40b: {  	v2 =	vld [tilespmem:s10+$0xFFFFFFF0];
	v14 =	vmul.f32 $1.131370830e+01, v57;
	[tilespmem:s31+$0xFFFFFF50] =	vst v12  }
0x40c: {  	v3 =	vmul.f32 $1.131370830e+01, v3;
	v62 =	vld [tilespmem:s0+$0xFFFFFF60];
	[tilespmem:s31+$0xFFFFFFD0] =	vst v10;
	v10 =	vadd.f32 v58, v17  }
0x40d: {  	v8 =	vmul.f32 $1.131370830e+01, v8;
	v63 =	vld [tilespmem:s0+$0xFFFFFFE0];
	v11 =	vadd.f32 v11, v14  }
0x40e: {  	v4 =	vmul.f32 $1.131370830e+01, v4;
	v3 =	vadd.f32 v7, v3;
	v7 =	vld [tilespmem:s31+$0xF0];
	[tilespmem:s31+$0x50] =	vst v10  }
0x40f: {  	v5 =	vadd.f32 v5, v8;
	v8 =	vmul.f32 $1.131370830e+01, v9;
	v9 =	vld [tilespmem:s0+$0x60];
	[tilespmem:s31+$0xE0] =	vst v11  }
0x410: {  	[tilespmem:s22+$0x60] =	vst v3;
	v3 =	vadd.f32 v6, v4;
	v6 =	vmul.f32 $1.131370830e+01, v59;
	v10 =	vld [tilespmem:s0+$0xF0]  }
0x411: {  	v1 =	vmul.f32 $1.131370830e+01, v1;
	[tilespmem:s22+$0xF0] =	vst v5;
	v4 =	vld [tilespmem:s31+$0xFFFFFFF0];
	v5 =	vadd.f32 v62, v8  }
0x412: {  	[tilespmem:s22+$0xFFFFFF70] =	vst v3;
	v3 =	vld [tilespmem:s31+$0x70];
	v8 =	vmul.f32 $1.131370830e+01, v60;
	v6 =	vadd.f32 v63, v6  }
0x413: {  	v1 =	vadd.f32 v2, v1;
	v7 =	vmul.f32 $1.131370830e+01, v7;
	v2 =	vld [tilespmem:s10+$0x70];
	[tilespmem:s31+$0xFFFFFF60] =	vst v5  }
0x414: {  	v5 =	vld [tilespmem:s0+$0xFFFFFF70];
	[tilespmem:s31+$0xFFFFFFE0] =	vst v6;
	v8 =	vadd.f32 v9, v8  }
0x415: {  	s8 =	simm.s32 $0x4;
	s9 =	simm.s32 $0x1F00;
	v0 =	vmul.f32 $1.131370830e+01, v0;
	s10 =	simm.s32 $0xE900;
	[tilespmem:s22+$0xFFFFFFF0] =	vst v1;
	v1 =	vmul.f32 $1.131370830e+01, v61;
	v6 =	vld [tilespmem:s0+$0xFFFFFFF0];
	v7 =	vadd.f32 v10, v7  }
.LBB2_19:
0x416: {  	v9 =	vld [tilespmem:s10+$0x80];
	s8 =	sadd.s32 $0x4, s8;
	v4 =	vmul.f32 $1.131370830e+01, v4;
	[tilespmem:s31+$0x60] =	vst v8  }
0x417: {  	s0 =	sadd.s32 $0x200, s0;
	v8 =	vld [tilespmem:s10+$0xFFFFFF80];
	p0 =	slt.u32 s8, $0x2C;
	v3 =	vmul.f32 $1.131370830e+01, v3;
	[tilespmem:s31+$0xF0] =	vst v7  }
0x418: {  	v7 =	vld [tilespmem:s0+$0x80];
	v2 =	vadd.f32 v2, v0  }
0x419: {  	v10 =	vld [tilespmem:s10+$0x0];
	v1 =	vadd.f32 v5, v1;
	v0 =	vmov v3  }
0x41a: {  	v3 =	vld [tilespmem:s10+$0xFFFFFF00];
	v4 =	vadd.f32 v6, v4;
	[tilespmem:s22+$0x70] =	vst v2;
	s22 =	smov.u32 s31;
	s31 =	smov.u32 s10  }
0x41b: {  	v2 =	vld [tilespmem:s0+$0xFFFFFF00];
	v5 =	vmul.f32 $1.131370830e+01, v9;
	[tilespmem:s22+$0xFFFFFF70] =	vst v1  }
0x41c: {  	v1 =	vmul.f32 $1.131370830e+01, v8;
	v6 =	vld [tilespmem:s0+$0xFFFFFF80];
	[tilespmem:s22+$0xFFFFFFF0] =	vst v4  }
0x41d: {  	v4 =	vld [tilespmem:s0+$0x0];
	v5 =	vadd.f32 v7, v5  }
0x41e: {  	v7 =	vmul.f32 $1.131370830e+01, v10;
	v8 =	vld [tilespmem:s10+$0x90]  }
0x41f: {  	v3 =	vmul.f32 $1.131370830e+01, v3;
	v9 =	vld [tilespmem:s10+$0xFFFFFF10];
	[tilespmem:s10+$0x80] =	vst v5  }
0x420: {  	v5 =	vld [tilespmem:s0+$0x90]  }
0x421: {  	v2 =	vadd.f32 v2, v3;
	v1 =	vadd.f32 v6, v1;
	v3 =	vld [tilespmem:s10+$0xFFFFFF90]  }
0x422: {  	v4 =	vadd.f32 v4, v7;
	v6 =	vld [tilespmem:s10+$0x10]  }
0x423: {  	[tilespmem:s10+$0xFFFFFF00] =	vst v2;
	v2 =	vld [tilespmem:s10+$0xFFFFFF20];
	v7 =	vmul.f32 $1.131370830e+01, v8  }
0x424: {  	v8 =	vmul.f32 $1.131370830e+01, v9;
	v9 =	vld [tilespmem:s0+$0xFFFFFF10];
	[tilespmem:s10+$0xFFFFFF80] =	vst v1  }
0x425: {  	v1 =	vld [tilespmem:s0+$0xFFFFFF90];
	[tilespmem:s10+$0x0] =	vst v4;
	v4 =	vadd.f32 v5, v7  }
0x426: {  	v3 =	vmul.f32 $1.131370830e+01, v3;
	v5 =	vld [tilespmem:s10+$0xA0]  }
0x427: {  	v6 =	vmul.f32 $1.131370830e+01, v6;
	v7 =	vld [tilespmem:s0+$0x10];
	[tilespmem:s10+$0x90] =	vst v4  }
0x428: {  	v2 =	vmul.f32 $1.131370830e+01, v2;
	v4 =	vld [tilespmem:s0+$0xA0]  }
0x429: {  	v8 =	vadd.f32 v9, v8;
	v9 =	vld [tilespmem:s10+$0xFFFFFFA0]  }
0x42a: {  	v1 =	vadd.f32 v1, v3;
	v3 =	vld [tilespmem:s10+$0x20]  }
0x42b: {  	[tilespmem:s10+$0xFFFFFF10] =	vst v8;
	v8 =	vld [tilespmem:s10+$0xFFFFFF30];
	v5 =	vmul.f32 $1.131370830e+01, v5  }
0x42c: {  	v10 =	vld [tilespmem:s0+$0xFFFFFF20];
	[tilespmem:s10+$0xFFFFFF90] =	vst v1;
	v1 =	vadd.f32 v7, v6  }
0x42d: {  	v6 =	vld [tilespmem:s0+$0xFFFFFFA0];
	v4 =	vadd.f32 v4, v5  }
0x42e: {  	v5 =	vmul.f32 $1.131370830e+01, v9;
	[tilespmem:s10+$0x10] =	vst v1;
	v1 =	vld [tilespmem:s10+$0xB0]  }
0x42f: {  	v3 =	vmul.f32 $1.131370830e+01, v3;
	v7 =	vld [tilespmem:s0+$0x20];
	[tilespmem:s10+$0xA0] =	vst v4  }
0x430: {  	v4 =	vmul.f32 $1.131370830e+01, v8;
	v8 =	vld [tilespmem:s0+$0xB0]  }
0x431: {  	v2 =	vadd.f32 v10, v2;
	v9 =	vld [tilespmem:s10+$0xFFFFFFB0]  }
0x432: {  	v5 =	vadd.f32 v6, v5;
	v6 =	vld [tilespmem:s10+$0x30]  }
0x433: {  	[tilespmem:s10+$0xFFFFFF20] =	vst v2;
	v2 =	vld [tilespmem:s10+$0xFFFFFF40];
	v1 =	vmul.f32 $1.131370830e+01, v1  }
0x434: {  	v10 =	vld [tilespmem:s0+$0xFFFFFF30];
	[tilespmem:s10+$0xFFFFFFA0] =	vst v5;
	v3 =	vadd.f32 v7, v3  }
0x435: {  	v5 =	vld [tilespmem:s0+$0xFFFFFFB0];
	v1 =	vadd.f32 v8, v1  }
0x436: {  	v7 =	vmul.f32 $1.131370830e+01, v9;
	[tilespmem:s10+$0x20] =	vst v3;
	v3 =	vld [tilespmem:s10+$0xC0]  }
0x437: {  	v6 =	vmul.f32 $1.131370830e+01, v6;
	v8 =	vld [tilespmem:s0+$0x30];
	[tilespmem:s10+$0xB0] =	vst v1  }
0x438: {  	v1 =	vmul.f32 $1.131370830e+01, v2;
	v2 =	vld [tilespmem:s0+$0xC0]  }
0x439: {  	v4 =	vadd.f32 v10, v4;
	v9 =	vld [tilespmem:s10+$0xFFFFFFC0]  }
0x43a: {  	v5 =	vadd.f32 v5, v7;
	v7 =	vld [tilespmem:s10+$0x40]  }
0x43b: {  	[tilespmem:s10+$0xFFFFFF30] =	vst v4;
	v4 =	vld [tilespmem:s10+$0xFFFFFF50];
	v3 =	vmul.f32 $1.131370830e+01, v3  }
0x43c: {  	v10 =	vld [tilespmem:s0+$0xFFFFFF40];
	[tilespmem:s10+$0xFFFFFFB0] =	vst v5;
	v5 =	vadd.f32 v8, v6  }
0x43d: {  	v6 =	vld [tilespmem:s0+$0xFFFFFFC0];
	v2 =	vadd.f32 v2, v3  }
0x43e: {  	v3 =	vmul.f32 $1.131370830e+01, v9;
	[tilespmem:s10+$0x30] =	vst v5;
	v5 =	vld [tilespmem:s10+$0xD0]  }
0x43f: {  	v7 =	vmul.f32 $1.131370830e+01, v7;
	v8 =	vld [tilespmem:s0+$0x40];
	[tilespmem:s10+$0xC0] =	vst v2  }
0x440: {  	v2 =	vmul.f32 $1.131370830e+01, v4;
	v4 =	vld [tilespmem:s0+$0xD0]  }
0x441: {  	v1 =	vadd.f32 v10, v1;
	v9 =	vld [tilespmem:s10+$0xFFFFFFD0]  }
0x442: {  	v3 =	vadd.f32 v6, v3;
	v6 =	vld [tilespmem:s10+$0x50]  }
0x443: {  	[tilespmem:s10+$0xFFFFFF40] =	vst v1;
	v1 =	vld [tilespmem:s10+$0xFFFFFF60];
	v5 =	vmul.f32 $1.131370830e+01, v5  }
0x444: {  	v10 =	vld [tilespmem:s0+$0xFFFFFF50];
	[tilespmem:s10+$0xFFFFFFC0] =	vst v3;
	v3 =	vadd.f32 v8, v7  }
0x445: {  	v7 =	vld [tilespmem:s0+$0xFFFFFFD0];
	v4 =	vadd.f32 v4, v5  }
0x446: {  	v5 =	vmul.f32 $1.131370830e+01, v9;
	[tilespmem:s10+$0x40] =	vst v3;
	v3 =	vld [tilespmem:s10+$0xE0]  }
0x447: {  	v6 =	vmul.f32 $1.131370830e+01, v6;
	v8 =	vld [tilespmem:s0+$0x50];
	[tilespmem:s10+$0xD0] =	vst v4  }
0x448: {  	v4 =	vmul.f32 $1.131370830e+01, v1;
	v1 =	vld [tilespmem:s0+$0xE0]  }
0x449: {  	v2 =	vadd.f32 v10, v2;
	v9 =	vld [tilespmem:s10+$0xFFFFFFE0]  }
0x44a: {  	v5 =	vadd.f32 v7, v5;
	v7 =	vld [tilespmem:s10+$0x60]  }
0x44b: {  	[tilespmem:s10+$0xFFFFFF50] =	vst v2;
	v2 =	vld [tilespmem:s10+$0xFFFFFF70];
	v3 =	vmul.f32 $1.131370830e+01, v3  }
0x44c: {  	v10 =	vld [tilespmem:s0+$0xFFFFFF60];
	[tilespmem:s10+$0xFFFFFFD0] =	vst v5;
	v5 =	vadd.f32 v8, v6  }
0x44d: {  	v6 =	vld [tilespmem:s0+$0xFFFFFFE0];
	v1 =	vadd.f32 v1, v3  }
0x44e: {  	v3 =	vmul.f32 $1.131370830e+01, v9;
	[tilespmem:s10+$0x50] =	vst v5;
	v5 =	vld [tilespmem:s10+$0xF0]  }
0x44f: {  	v7 =	vmul.f32 $1.131370830e+01, v7;
	v8 =	vld [tilespmem:s0+$0x60];
	[tilespmem:s10+$0xE0] =	vst v1  }
0x450: {  	v1 =	vmul.f32 $1.131370830e+01, v2;
	v9 =	vld [tilespmem:s0+$0xF0]  }
.Ltmp8:
0x451: {  	v2 =	vadd.f32 v10, v4;
	v4 =	vld [tilespmem:s10+$0xFFFFFFF0];
	(pc) =	sbr.rel @p0 .LBB2_19-.Ltmp8, $4  }
0x452: {  	v6 =	vadd.f32 v6, v3;
	v3 =	vld [tilespmem:s10+$0x70]  }
0x453: {  	[tilespmem:s10+$0xFFFFFF60] =	vst v2;
	v10 =	vmul.f32 $1.131370830e+01, v5;
	v2 =	vld [tilespmem:s9+$0x70];
	s9 =	smov.u32 s0  }
0x454: {  	v5 =	vld [tilespmem:s0+$0xFFFFFF70];
	[tilespmem:s10+$0xFFFFFFE0] =	vst v6;
	v8 =	vadd.f32 v8, v7  }
0x455: {  	s10 =	sadd.s32 $0x200, s10;
	v6 =	vld [tilespmem:s0+$0xFFFFFFF0];
	v7 =	vadd.f32 v9, v10  }
0x456: {  	[tilespmem:s31+$0x60] =	vst v8  }
0x457: {  	v8 =	vld [tilespmem:s9+$0x70];
	_ =	sdelay $0x1  }
0x458: {  	v4 =	vmul.f32 $1.131370830e+01, v4;
	v0 =	vadd.f32 v2, v0  }
0x459: {  	v61 =	vmul.f32 $1.131370830e+01, v3;
	[tilespmem:s31+$0xF0] =	vst v7;
	v1 =	vadd.f32 v5, v1  }
0x45a: {  	v62 =	vadd.f32 v6, v4;
	[tilespmem:s22+$0x70] =	vst v0  }
0x45b: {  	[tilespmem:s31+$0xFFFFFF70] =	vst v1;
	v63 =	vadd.f32 v8, v61  }
0x45c: {  	[tilespmem:s31+$0xFFFFFFF0] =	vst v62  }
0x45d: {  	s0 =	simm.s32 $0x0;
	[tilespmem:s31+$0x70] =	vst v63  }
.LBB2_21:
0x45e: {  	s8 =	sshra.s32 s0, $0x2  }
0x45f: {  	v0 =	vld [tilespmem:s8+$0xFC00]  }
0x460: {  	v1 =	vld [tilespmem:s8+$0x3400]  }
0x461: {  	v2 =	vld [tilespmem:s8+$0xFC10]  }
0x462: {  	v3 =	vld [tilespmem:s8+$0x3410]  }
0x463: {  	v4 =	vld [tilespmem:s8+$0xFC20]  }
0x464: {  	v5 =	vld [tilespmem:s8+$0x3420]  }
0x465: {  	v6 =	vld [tilespmem:s8+$0xFC30]  }
0x466: {  	v7 =	vld [tilespmem:s8+$0x3430]  }
0x467: {  	v8 =	vld [tilespmem:s8+$0xFC40]  }
0x468: {  	v9 =	vld [tilespmem:s8+$0x3440]  }
0x469: {  	v10 =	vld [tilespmem:s8+$0xFC50]  }
0x46a: {  	v11 =	vld [tilespmem:s8+$0x3450];
	v0 =	vmul.f32 $1.131370830e+01, v0  }
0x46b: {  	v12 =	vld [tilespmem:s8+$0xFC60];
	v2 =	vmul.f32 $1.131370830e+01, v2  }
0x46c: {  	v50 =	vld [tilespmem:s8+$0xFC70];
	v49 =	vmul.f32 $1.131370830e+01, v4;
	v0 =	vadd.f32 v1, v0  }
0x46d: {  	v52 =	vld [tilespmem:s8+$0x3460];
	v51 =	vmul.f32 $1.131370830e+01, v6;
	v2 =	vadd.f32 v3, v2  }
0x46e: {  	v55 =	vld [tilespmem:s8+$0x3470];
	v54 =	vmul.f32 $1.131370830e+01, v8;
	v53 =	vadd.f32 v5, v49;
	[tilespmem:s8+$0xFC00] =	vst v0  }
0x46f: {  	v57 =	vmul.f32 $1.131370830e+01, v10;
	v56 =	vadd.f32 v7, v51;
	[tilespmem:s8+$0xFC10] =	vst v2  }
0x470: {  	p0 =	sne.s32 s0, $0x200;
	v59 =	vmul.f32 $1.131370830e+01, v12;
	v58 =	vadd.f32 v9, v54;
	[tilespmem:s8+$0xFC20] =	vst v53  }
.Ltmp9:
0x471: {  	v61 =	vmul.f32 $1.131370830e+01, v50;
	v60 =	vadd.f32 v11, v57;
	[tilespmem:s8+$0xFC30] =	vst v56;
	(pc) =	sbr.rel @p0 .LBB2_21-.Ltmp9, $4  }
0x472: {  	v62 =	vadd.f32 v52, v59;
	[tilespmem:s8+$0xFC40] =	vst v58  }
0x473: {  	v63 =	vadd.f32 v55, v61;
	[tilespmem:s8+$0xFC50] =	vst v60  }
0x474: {  	[tilespmem:s8+$0xFC60] =	vst v62  }
0x475: {  	s0 =	sadd.s32 $0x200, s0;
	[tilespmem:s8+$0xFC70] =	vst v63  }
0x476: {  	s0 =	smul.u32 $0x32, s15;
	_ =	sdelay $0x1  }
0x477: {  	s0 =	sadd.s32 s6, s0  }
0x478: {  	_ =	swait.ge [sflag:s3], $0x1900;
	s0 =	sshll.u32 s0, $0x4  }
0x479: {  	[sflag:s3] =	ssyncset.done $0x0;
	s0 =	sand.u32 $0x1FFFFF60, s0  }
0x47a: {  	[sflag:s3] =	ssyncadd.s32 $0xFFFFE700;
	s0 =	sadd.s32 s4, s0  }
0x47b: {  	[hbm4b:s0+s5] =	stream.linear.scatter [tilespmem:s24], [sflag:$0xC], $0x1900, $0x38;
	[tilespmem:$0x14800] =	vst v63  }
0x47c: {  	p0 =	seq.s32 s13, $0xF;
	_ =	swait.ge [sflag:s16], $0x1900  }
0x47d: {  	s15 =	simm.s32 $0xFE00;
	s8 =	simm.s32 @!p0 $0x32;
	[sflag:s16] =	ssyncset.done $0x0  }
0x47e: {  	s9 =	simm.s32 @!p0 $0x8000;
	s0 =	sadd.s32 @!p0 $0x1C0, s20;
	[sflag:s16] =	ssyncadd.s32 $0xFFFFE700  }
0x47f: {  	[tilespmem:s9], [sflag:$0x1] =	stream.indirect.gather @!p0 [hbm4b:s1+s8], $0x80, s0, s8, $0xb8;
	[tilespmem:$0x14800] =	vst v63  }
0x480: {  	v0 =	vld [tilespmem:s15+$0x80]  }
0x481: {  	s31 =	simm.s32 $0x36F0;
	v1 =	vld [tilespmem:s15+$0xFFFFFF80]  }
0x482: {  	v2 =	vld [tilespmem:s31+$0xFFFFFF90]  }
0x483: {  	v3 =	vld [tilespmem:s15+$0xFFFFFF00]  }
0x484: {  	v4 =	vld [tilespmem:s15+$0x0]  }
0x485: {  	v5 =	vld [tilespmem:s31+$0xFFFFFE10]  }
0x486: {  	v6 =	vld [tilespmem:s31+$0xFFFFFE90]  }
0x487: {  	v7 =	vld [tilespmem:s31+$0xFFFFFF10]  }
0x488: {  	s22 =	simm.s32 $0x10000;
	v8 =	vld [tilespmem:s15+$0xFFFFFF10]  }
0x489: {  	s0 =	simm.s32 $0x38F0;
	v10 =	vld [tilespmem:s22+$0xFFFFFF80];
	v0 =	vmul.f32 $1.131370830e+01, v0  }
0x48a: {  	v11 =	vld [tilespmem:s0+$0xFFFFFF90]  }
0x48b: {  	v12 =	vld [tilespmem:s22+$0xFFFFFF00];
	v3 =	vmul.f32 $1.131370830e+01, v3;
	v0 =	vadd.f32 v2, v0  }
0x48c: {  	v2 =	vld [tilespmem:s15+$0x90]  }
0x48d: {  	v13 =	vld [tilespmem:s22+$0x0];
	v1 =	vmul.f32 $1.131370830e+01, v1;
	v3 =	vadd.f32 v5, v3;
	[tilespmem:s15+$0x80] =	vst v0  }
0x48e: {  	v0 =	vld [tilespmem:s31+$0xFFFFFFA0]  }
0x48f: {  	v4 =	vmul.f32 $1.131370830e+01, v4;
	v1 =	vadd.f32 v6, v1;
	v5 =	vld [tilespmem:s15+$0xFFFFFF90];
	[tilespmem:s15+$0xFFFFFF00] =	vst v3  }
0x490: {  	v3 =	vld [tilespmem:s31+$0xFFFFFE20]  }
0x491: {  	v6 =	vld [tilespmem:s15+$0x10];
	[tilespmem:s15+$0xFFFFFF80] =	vst v1;
	v1 =	vadd.f32 v7, v4;
	v2 =	vmul.f32 $1.131370830e+01, v2  }
0x492: {  	v4 =	vld [tilespmem:s31+$0xFFFFFEA0]  }
0x493: {  	[tilespmem:s15+$0x0] =	vst v1;
	v1 =	vld [tilespmem:s15+$0xA0];
	v0 =	vadd.f32 v0, v2;
	v2 =	vmul.f32 $1.131370830e+01, v8  }
0x494: {  	v8 =	vld [tilespmem:s31+$0xFFFFFF20]  }
0x495: {  	v7 =	vld [tilespmem:s15+$0xFFFFFF20];
	v5 =	vmul.f32 $1.131370830e+01, v5;
	[tilespmem:s15+$0x90] =	vst v0;
	v2 =	vadd.f32 v3, v2  }
0x496: {  	v0 =	vld [tilespmem:s31+$0xFFFFFFB0]  }
0x497: {  	v4 =	vadd.f32 v4, v5;
	v5 =	vmul.f32 $1.131370830e+01, v6;
	v3 =	vld [tilespmem:s15+$0xFFFFFFA0];
	[tilespmem:s15+$0xFFFFFF10] =	vst v2  }
0x498: {  	v2 =	vld [tilespmem:s31+$0xFFFFFE30]  }
0x499: {  	v6 =	vld [tilespmem:s15+$0x20];
	v1 =	vmul.f32 $1.131370830e+01, v1;
	[tilespmem:s15+$0xFFFFFF90] =	vst v4;
	v4 =	vadd.f32 v8, v5  }
0x49a: {  	v5 =	vld [tilespmem:s31+$0xFFFFFEB0]  }
0x49b: {  	[tilespmem:s15+$0x10] =	vst v4;
	v4 =	vld [tilespmem:s15+$0xB0];
	v0 =	vadd.f32 v0, v1;
	v1 =	vmul.f32 $1.131370830e+01, v7  }
0x49c: {  	v7 =	vld [tilespmem:s31+$0xFFFFFF30]  }
0x49d: {  	v8 =	vld [tilespmem:s15+$0xFFFFFF30];
	v3 =	vmul.f32 $1.131370830e+01, v3;
	[tilespmem:s15+$0xA0] =	vst v0;
	v1 =	vadd.f32 v2, v1  }
0x49e: {  	v0 =	vld [tilespmem:s31+$0xFFFFFFC0]  }
0x49f: {  	v2 =	vld [tilespmem:s15+$0xFFFFFFB0];
	v3 =	vadd.f32 v5, v3;
	v5 =	vmul.f32 $1.131370830e+01, v6;
	[tilespmem:s15+$0xFFFFFF20] =	vst v1  }
0x4a0: {  	v1 =	vmul.f32 $1.131370830e+01, v4;
	v4 =	vld [tilespmem:s31+$0xFFFFFE40]  }
0x4a1: {  	v6 =	vld [tilespmem:s15+$0x30];
	[tilespmem:s15+$0xFFFFFFA0] =	vst v3;
	v3 =	vadd.f32 v7, v5  }
0x4a2: {  	v5 =	vld [tilespmem:s31+$0xFFFFFEC0]  }
0x4a3: {  	[tilespmem:s15+$0x20] =	vst v3;
	v3 =	vld [tilespmem:s15+$0xC0];
	v0 =	vadd.f32 v0, v1;
	v1 =	vmul.f32 $1.131370830e+01, v8  }
0x4a4: {  	v8 =	vld [tilespmem:s31+$0xFFFFFF40]  }
0x4a5: {  	v7 =	vld [tilespmem:s15+$0xFFFFFF40];
	v2 =	vmul.f32 $1.131370830e+01, v2;
	[tilespmem:s15+$0xB0] =	vst v0;
	v1 =	vadd.f32 v4, v1  }
0x4a6: {  	v0 =	vld [tilespmem:s31+$0xFFFFFFD0]  }
0x4a7: {  	v4 =	vld [tilespmem:s15+$0xFFFFFFC0];
	v2 =	vadd.f32 v5, v2;
	v5 =	vmul.f32 $1.131370830e+01, v6;
	[tilespmem:s15+$0xFFFFFF30] =	vst v1  }
0x4a8: {  	v1 =	vmul.f32 $1.131370830e+01, v3;
	v3 =	vld [tilespmem:s31+$0xFFFFFE50]  }
0x4a9: {  	v6 =	vld [tilespmem:s15+$0x40];
	[tilespmem:s15+$0xFFFFFFB0] =	vst v2;
	v2 =	vadd.f32 v8, v5  }
0x4aa: {  	v5 =	vld [tilespmem:s31+$0xFFFFFED0]  }
0x4ab: {  	[tilespmem:s15+$0x30] =	vst v2;
	v2 =	vld [tilespmem:s15+$0xD0];
	v0 =	vadd.f32 v0, v1;
	v1 =	vmul.f32 $1.131370830e+01, v7  }
0x4ac: {  	v8 =	vld [tilespmem:s15+$0xFFFFFF50]  }
0x4ad: {  	v7 =	vld [tilespmem:s31+$0xFFFFFF50];
	[tilespmem:s15+$0xC0] =	vst v0;
	v1 =	vadd.f32 v3, v1  }
0x4ae: {  	v4 =	vmul.f32 $1.131370830e+01, v4;
	v0 =	vld [tilespmem:s31+$0xFFFFFFE0]  }
0x4af: {  	v14 =	vld [tilespmem:s0+$0xFFFFFE10];
	[tilespmem:s15+$0xFFFFFF40] =	vst v1  }
0x4b0: {  	v4 =	vadd.f32 v5, v4;
	v5 =	vmul.f32 $1.131370830e+01, v6;
	v1 =	vmul.f32 $1.131370830e+01, v2;
	v2 =	vld [tilespmem:s31+$0xFFFFFE60]  }
0x4b1: {  	v15 =	vld [tilespmem:s0+$0xFFFFFE90]  }
0x4b2: {  	v16 =	vld [tilespmem:s0+$0xFFFFFF10];
	[tilespmem:s15+$0xFFFFFFC0] =	vst v4;
	v4 =	vadd.f32 v7, v5  }
0x4b3: {  	v17 =	vld [tilespmem:s22+$0xFFFFFF10];
	v0 =	vadd.f32 v0, v1;
	v1 =	vmul.f32 $1.131370830e+01, v8  }
0x4b4: {  	[tilespmem:s15+$0x40] =	vst v4;
	v4 =	vld [tilespmem:s15+$0xE0]  }
0x4b5: {  	v7 =	vld [tilespmem:s15+$0xFFFFFF60];
	[tilespmem:s15+$0xD0] =	vst v0;
	v1 =	vadd.f32 v2, v1  }
0x4b6: {  	v0 =	vld [tilespmem:s31+$0xFFFFFFF0]  }
0x4b7: {  	v26 =	vld [tilespmem:s22+$0xFFFFFF90];
	[tilespmem:s15+$0xFFFFFF50] =	vst v1  }
0x4b8: {  	v9 =	vld [tilespmem:s31+$0xFFFFFE70]  }
0x4b9: {  	v27 =	vld [tilespmem:s22+$0x10];
	v1 =	vmul.f32 $1.131370830e+01, v4  }
0x4ba: {  	v28 =	vld [tilespmem:s22+$0xFFFFFF20]  }
0x4bb: {  	v29 =	vld [tilespmem:s22+$0xA0];
	v0 =	vadd.f32 v0, v1;
	v1 =	vmul.f32 $1.131370830e+01, v7  }
0x4bc: {  	v32 =	vld [tilespmem:s22+$0xFFFFFFA0]  }
0x4bd: {  	v36 =	vld [tilespmem:s22+$0xB0];
	v9 =	vadd.f32 v9, v1  }
0x4be: {  	v39 =	vld [tilespmem:s22+$0xFFFFFFB0]  }
0x4bf: {  	[tilespmem:s15+$0xFFFFFF60] =	vst v9;
	v9 =	vld [tilespmem:s22+$0x80]  }
0x4c0: {  	v40 =	vld [tilespmem:s22+$0x30]  }
0x4c1: {  	v47 =	vld [tilespmem:s22+$0xFFFFFFC0]  }
0x4c2: {  	v48 =	vld [tilespmem:s22+$0x40]  }
0x4c3: {  	v49 =	vld [tilespmem:s22+$0xFFFFFF50]  }
0x4c4: {  	v51 =	vld [tilespmem:s22+$0xD0];
	v9 =	vmul.f32 $1.131370830e+01, v9  }
0x4c5: {  	v54 =	vld [tilespmem:s22+$0x50]  }
0x4c6: {  	v57 =	vld [tilespmem:s22+$0xE0];
	v9 =	vadd.f32 v11, v9  }
0x4c7: {  	v12 =	vmul.f32 $1.131370830e+01, v12;
	v11 =	vld [tilespmem:s22+$0x90]  }
0x4c8: {  	v59 =	vld [tilespmem:s22+$0xFFFFFFE0];
	v13 =	vmul.f32 $1.131370830e+01, v13;
	[tilespmem:s22+$0x80] =	vst v9  }
0x4c9: {  	v12 =	vadd.f32 v14, v12;
	v9 =	vmul.f32 $1.131370830e+01, v10;
	v10 =	vld [tilespmem:s0+$0xFFFFFFA0]  }
0x4ca: {  	v60 =	vld [tilespmem:s22+$0x60];
	v13 =	vadd.f32 v16, v13  }
0x4cb: {  	v61 =	vld [tilespmem:s22+$0xFFFFFF70];
	[tilespmem:s22+$0xFFFFFF00] =	vst v12;
	v9 =	vadd.f32 v15, v9  }
0x4cc: {  	[tilespmem:s22+$0x0] =	vst v13;
	v12 =	vld [tilespmem:s0+$0xFFFFFE20];
	v11 =	vmul.f32 $1.131370830e+01, v11  }
0x4cd: {  	v30 =	vld [tilespmem:s0+$0xFFFFFF20];
	[tilespmem:s22+$0xFFFFFF80] =	vst v9  }
0x4ce: {  	v9 =	vld [tilespmem:s0+$0xFFFFFEA0];
	v10 =	vadd.f32 v10, v11  }
0x4cf: {  	v3 =	vld [tilespmem:s15+$0xFFFFFFD0]  }
0x4d0: {  	v6 =	vld [tilespmem:s15+$0x50];
	v11 =	vmul.f32 $1.131370830e+01, v17;
	[tilespmem:s22+$0x90] =	vst v10  }
0x4d1: {  	v10 =	vmul.f32 $1.131370830e+01, v26;
	v31 =	vld [tilespmem:s0+$0xFFFFFFB0]  }
0x4d2: {  	v5 =	vld [tilespmem:s31+$0xFFFFFEE0];
	v11 =	vadd.f32 v12, v11  }
0x4d3: {  	v8 =	vld [tilespmem:s31+$0xFFFFFF60];
	v15 =	vmul.f32 $1.131370830e+01, v27;
	v9 =	vadd.f32 v9, v10  }
0x4d4: {  	v10 =	vld [tilespmem:s22+$0x20];
	[tilespmem:s22+$0xFFFFFF10] =	vst v11;
	v11 =	vmul.f32 $1.131370830e+01, v29  }
0x4d5: {  	v15 =	vadd.f32 v30, v15;
	v33 =	vld [tilespmem:s0+$0xFFFFFE30];
	[tilespmem:s22+$0xFFFFFF90] =	vst v9  }
0x4d6: {  	v34 =	vld [tilespmem:s0+$0xFFFFFEB0];
	v11 =	vadd.f32 v31, v11  }
0x4d7: {  	v2 =	vld [tilespmem:s15+$0xFFFFFFE0];
	[tilespmem:s22+$0x10] =	vst v15  }
0x4d8: {  	v35 =	vmul.f32 $1.131370830e+01, v28;
	v3 =	vmul.f32 $1.131370830e+01, v3;
	v37 =	vld [tilespmem:s0+$0xFFFFFF30];
	[tilespmem:s22+$0xA0] =	vst v11  }
0x4d9: {  	v11 =	vmul.f32 $1.131370830e+01, v32;
	v38 =	vld [tilespmem:s0+$0xFFFFFFC0]  }
0x4da: {  	v5 =	vadd.f32 v5, v3;
	v3 =	vld [tilespmem:s15+$0x60];
	v13 =	vadd.f32 v33, v35  }
0x4db: {  	v9 =	vld [tilespmem:s22+$0xFFFFFF30];
	v10 =	vmul.f32 $1.131370830e+01, v10;
	v11 =	vadd.f32 v34, v11  }
0x4dc: {  	v41 =	vmul.f32 $1.131370830e+01, v36;
	v4 =	vld [tilespmem:s15+$0xFFFFFF70];
	[tilespmem:s22+$0xFFFFFF20] =	vst v13  }
0x4dd: {  	v10 =	vadd.f32 v37, v10;
	v42 =	vld [tilespmem:s0+$0xFFFFFE40];
	[tilespmem:s22+$0xFFFFFFA0] =	vst v11  }
0x4de: {  	v43 =	vld [tilespmem:s0+$0xFFFFFEC0];
	v12 =	vadd.f32 v38, v41  }
0x4df: {  	[tilespmem:s22+$0x20] =	vst v10;
	v10 =	vld [tilespmem:s22+$0xC0]  }
0x4e0: {  	v6 =	vmul.f32 $1.131370830e+01, v6;
	v9 =	vmul.f32 $1.131370830e+01, v9;
	v44 =	vld [tilespmem:s0+$0xFFFFFF40];
	[tilespmem:s22+$0xB0] =	vst v12  }
0x4e1: {  	v45 =	vmul.f32 $1.131370830e+01, v39;
	[tilespmem:s15+$0xFFFFFFD0] =	vst v5;
	v46 =	vld [tilespmem:s0+$0xFFFFFFD0]  }
0x4e2: {  	v5 =	vadd.f32 v8, v6;
	v6 =	vld [tilespmem:s31+$0xFFFFFEF0];
	v9 =	vadd.f32 v42, v9  }
0x4e3: {  	v17 =	vmul.f32 $1.131370830e+01, v40;
	v11 =	vld [tilespmem:s22+$0xFFFFFF40];
	v12 =	vadd.f32 v43, v45  }
0x4e4: {  	v8 =	vld [tilespmem:s15+$0xF0];
	[tilespmem:s22+$0xFFFFFF30] =	vst v9;
	v9 =	vmul.f32 $1.131370830e+01, v10  }
0x4e5: {  	v13 =	vadd.f32 v44, v17;
	v10 =	vld [tilespmem:s0+$0xFFFFFE50];
	[tilespmem:s22+$0xFFFFFFB0] =	vst v12  }
0x4e6: {  	[tilespmem:s15+$0x50] =	vst v5;
	v50 =	vld [tilespmem:s0+$0xFFFFFED0];
	v9 =	vadd.f32 v46, v9  }
0x4e7: {  	v7 =	vld [tilespmem:s31+$0xFFFFFF70];
	[tilespmem:s22+$0x30] =	vst v13  }
0x4e8: {  	v11 =	vmul.f32 $1.131370830e+01, v11;
	v52 =	vld [tilespmem:s0+$0xFFFFFF50];
	[tilespmem:s22+$0xC0] =	vst v9  }
0x4e9: {  	v9 =	vmul.f32 $1.131370830e+01, v47;
	v53 =	vld [tilespmem:s0+$0xFFFFFFE0]  }
0x4ea: {  	v1 =	vld [tilespmem:s15+$0xFFFFFFF0];
	v10 =	vadd.f32 v10, v11  }
0x4eb: {  	v16 =	vmul.f32 $1.131370830e+01, v48;
	[tilespmem:s15+$0xE0] =	vst v0;
	v0 =	vld [tilespmem:s15+$0x70];
	v9 =	vadd.f32 v50, v9  }
0x4ec: {  	v11 =	vld [tilespmem:s22+$0xFFFFFFD0];
	[tilespmem:s22+$0xFFFFFF40] =	vst v10;
	v10 =	vmul.f32 $1.131370830e+01, v51  }
0x4ed: {  	v14 =	vadd.f32 v52, v16;
	v55 =	vld [tilespmem:s0+$0xFFFFFE60];
	[tilespmem:s22+$0xFFFFFFC0] =	vst v9  }
0x4ee: {  	v56 =	vld [tilespmem:s0+$0xFFFFFEE0];
	v10 =	vadd.f32 v53, v10  }
0x4ef: {  	v2 =	vmul.f32 $1.131370830e+01, v2;
	v5 =	vld [tilespmem:s31+$0x0];
	[tilespmem:s22+$0x40] =	vst v14  }
0x4f0: {  	v12 =	vmul.f32 $1.131370830e+01, v49;
	v58 =	vld [tilespmem:s0+$0xFFFFFF60];
	[tilespmem:s22+$0xD0] =	vst v10  }
0x4f1: {  	v2 =	vadd.f32 v6, v2;
	v10 =	vmul.f32 $1.131370830e+01, v11;
	v11 =	vld [tilespmem:s0+$0xFFFFFFF0]  }
0x4f2: {  	v6 =	vld [tilespmem:s31+$0xFFFFFE80];
	v12 =	vadd.f32 v55, v12  }
0x4f3: {  	[tilespmem:s15+$0xFFFFFFE0] =	vst v2;
	v17 =	vmul.f32 $1.131370830e+01, v54;
	v9 =	vld [tilespmem:s22+$0xFFFFFF60];
	v10 =	vadd.f32 v56, v10  }
0x4f4: {  	v2 =	vld [tilespmem:s31+$0xFFFFFF00];
	v14 =	vmul.f32 $1.131370830e+01, v57;
	[tilespmem:s22+$0xFFFFFF50] =	vst v12  }
0x4f5: {  	v3 =	vmul.f32 $1.131370830e+01, v3;
	v62 =	vld [tilespmem:s0+$0xFFFFFE70];
	[tilespmem:s22+$0xFFFFFFD0] =	vst v10;
	v10 =	vadd.f32 v58, v17  }
0x4f6: {  	v8 =	vmul.f32 $1.131370830e+01, v8;
	v63 =	vld [tilespmem:s0+$0xFFFFFEF0];
	v11 =	vadd.f32 v11, v14  }
0x4f7: {  	v4 =	vmul.f32 $1.131370830e+01, v4;
	v3 =	vadd.f32 v7, v3;
	v7 =	vld [tilespmem:s22+$0xF0];
	[tilespmem:s22+$0x50] =	vst v10  }
0x4f8: {  	v5 =	vadd.f32 v5, v8;
	v8 =	vmul.f32 $1.131370830e+01, v9;
	v9 =	vld [tilespmem:s0+$0xFFFFFF70];
	[tilespmem:s22+$0xE0] =	vst v11  }
0x4f9: {  	[tilespmem:s15+$0x60] =	vst v3;
	v3 =	vadd.f32 v6, v4;
	v6 =	vmul.f32 $1.131370830e+01, v59;
	v10 =	vld [tilespmem:s0+$0x0]  }
0x4fa: {  	v1 =	vmul.f32 $1.131370830e+01, v1;
	[tilespmem:s15+$0xF0] =	vst v5;
	v4 =	vld [tilespmem:s22+$0xFFFFFFF0];
	v5 =	vadd.f32 v62, v8  }
0x4fb: {  	[tilespmem:s15+$0xFFFFFF70] =	vst v3;
	v3 =	vld [tilespmem:s22+$0x70];
	v8 =	vmul.f32 $1.131370830e+01, v60;
	v6 =	vadd.f32 v63, v6  }
0x4fc: {  	v1 =	vadd.f32 v2, v1;
	v7 =	vmul.f32 $1.131370830e+01, v7;
	v2 =	vld [tilespmem:s31+$0xFFFFFF80];
	[tilespmem:s22+$0xFFFFFF60] =	vst v5  }
0x4fd: {  	v5 =	vld [tilespmem:s0+$0xFFFFFE80];
	[tilespmem:s22+$0xFFFFFFE0] =	vst v6;
	v8 =	vadd.f32 v9, v8  }
0x4fe: {  	s10 =	simm.s32 $0x10200;
	s8 =	simm.s32 $0x4;
	s9 =	simm.s32 $0x38F0;
	v0 =	vmul.f32 $1.131370830e+01, v0;
	[tilespmem:s15+$0xFFFFFFF0] =	vst v1;
	v1 =	vmul.f32 $1.131370830e+01, v61;
	v6 =	vld [tilespmem:s0+$0xFFFFFF00];
	v7 =	vadd.f32 v10, v7  }
.LBB2_23:
0x4ff: {  	v9 =	vld [tilespmem:s10+$0x80];
	s8 =	sadd.s32 $0x4, s8;
	v4 =	vmul.f32 $1.131370830e+01, v4;
	[tilespmem:s22+$0x60] =	vst v8  }
0x500: {  	s0 =	sadd.s32 $0x200, s0;
	v8 =	vld [tilespmem:s10+$0xFFFFFF80];
	p1 =	slt.u32 s8, $0x2C;
	v3 =	vmul.f32 $1.131370830e+01, v3;
	[tilespmem:s22+$0xF0] =	vst v7  }
0x501: {  	v7 =	vld [tilespmem:s0+$0xFFFFFF90];
	v2 =	vadd.f32 v2, v0  }
0x502: {  	v10 =	vld [tilespmem:s10+$0x0];
	v1 =	vadd.f32 v5, v1;
	v0 =	vmov v3  }
0x503: {  	v3 =	vld [tilespmem:s10+$0xFFFFFF00];
	v4 =	vadd.f32 v6, v4;
	[tilespmem:s15+$0x70] =	vst v2;
	s15 =	smov.u32 s22;
	s22 =	smov.u32 s10  }
0x504: {  	v2 =	vld [tilespmem:s0+$0xFFFFFE10];
	v5 =	vmul.f32 $1.131370830e+01, v9;
	[tilespmem:s15+$0xFFFFFF70] =	vst v1  }
0x505: {  	v1 =	vmul.f32 $1.131370830e+01, v8;
	v6 =	vld [tilespmem:s0+$0xFFFFFE90];
	[tilespmem:s15+$0xFFFFFFF0] =	vst v4  }
0x506: {  	v4 =	vld [tilespmem:s0+$0xFFFFFF10];
	v5 =	vadd.f32 v7, v5  }
0x507: {  	v7 =	vmul.f32 $1.131370830e+01, v10;
	v8 =	vld [tilespmem:s10+$0x90]  }
0x508: {  	v3 =	vmul.f32 $1.131370830e+01, v3;
	v9 =	vld [tilespmem:s10+$0xFFFFFF10];
	[tilespmem:s10+$0x80] =	vst v5  }
0x509: {  	v5 =	vld [tilespmem:s0+$0xFFFFFFA0]  }
0x50a: {  	v2 =	vadd.f32 v2, v3;
	v1 =	vadd.f32 v6, v1;
	v3 =	vld [tilespmem:s10+$0xFFFFFF90]  }
0x50b: {  	v4 =	vadd.f32 v4, v7;
	v6 =	vld [tilespmem:s10+$0x10]  }
0x50c: {  	[tilespmem:s10+$0xFFFFFF00] =	vst v2;
	v2 =	vld [tilespmem:s10+$0xFFFFFF20];
	v7 =	vmul.f32 $1.131370830e+01, v8  }
0x50d: {  	v8 =	vmul.f32 $1.131370830e+01, v9;
	v9 =	vld [tilespmem:s0+$0xFFFFFE20];
	[tilespmem:s10+$0xFFFFFF80] =	vst v1  }
0x50e: {  	v1 =	vld [tilespmem:s0+$0xFFFFFEA0];
	[tilespmem:s10+$0x0] =	vst v4;
	v4 =	vadd.f32 v5, v7  }
0x50f: {  	v3 =	vmul.f32 $1.131370830e+01, v3;
	v5 =	vld [tilespmem:s10+$0xA0]  }
0x510: {  	v6 =	vmul.f32 $1.131370830e+01, v6;
	v7 =	vld [tilespmem:s0+$0xFFFFFF20];
	[tilespmem:s10+$0x90] =	vst v4  }
0x511: {  	v2 =	vmul.f32 $1.131370830e+01, v2;
	v4 =	vld [tilespmem:s0+$0xFFFFFFB0]  }
0x512: {  	v8 =	vadd.f32 v9, v8;
	v9 =	vld [tilespmem:s10+$0xFFFFFFA0]  }
0x513: {  	v1 =	vadd.f32 v1, v3;
	v3 =	vld [tilespmem:s10+$0x20]  }
0x514: {  	[tilespmem:s10+$0xFFFFFF10] =	vst v8;
	v8 =	vld [tilespmem:s10+$0xFFFFFF30];
	v5 =	vmul.f32 $1.131370830e+01, v5  }
0x515: {  	v10 =	vld [tilespmem:s0+$0xFFFFFE30];
	[tilespmem:s10+$0xFFFFFF90] =	vst v1;
	v1 =	vadd.f32 v7, v6  }
0x516: {  	v6 =	vld [tilespmem:s0+$0xFFFFFEB0];
	v4 =	vadd.f32 v4, v5  }
0x517: {  	v5 =	vmul.f32 $1.131370830e+01, v9;
	[tilespmem:s10+$0x10] =	vst v1;
	v1 =	vld [tilespmem:s10+$0xB0]  }
0x518: {  	v3 =	vmul.f32 $1.131370830e+01, v3;
	v7 =	vld [tilespmem:s0+$0xFFFFFF30];
	[tilespmem:s10+$0xA0] =	vst v4  }
0x519: {  	v4 =	vmul.f32 $1.131370830e+01, v8;
	v8 =	vld [tilespmem:s0+$0xFFFFFFC0]  }
0x51a: {  	v2 =	vadd.f32 v10, v2;
	v9 =	vld [tilespmem:s10+$0xFFFFFFB0]  }
0x51b: {  	v5 =	vadd.f32 v6, v5;
	v6 =	vld [tilespmem:s10+$0x30]  }
0x51c: {  	[tilespmem:s10+$0xFFFFFF20] =	vst v2;
	v2 =	vld [tilespmem:s10+$0xFFFFFF40];
	v1 =	vmul.f32 $1.131370830e+01, v1  }
0x51d: {  	v10 =	vld [tilespmem:s0+$0xFFFFFE40];
	[tilespmem:s10+$0xFFFFFFA0] =	vst v5;
	v3 =	vadd.f32 v7, v3  }
0x51e: {  	v5 =	vld [tilespmem:s0+$0xFFFFFEC0];
	v1 =	vadd.f32 v8, v1  }
0x51f: {  	v7 =	vmul.f32 $1.131370830e+01, v9;
	[tilespmem:s10+$0x20] =	vst v3;
	v3 =	vld [tilespmem:s10+$0xC0]  }
0x520: {  	v6 =	vmul.f32 $1.131370830e+01, v6;
	v8 =	vld [tilespmem:s0+$0xFFFFFF40];
	[tilespmem:s10+$0xB0] =	vst v1  }
0x521: {  	v1 =	vmul.f32 $1.131370830e+01, v2;
	v2 =	vld [tilespmem:s0+$0xFFFFFFD0]  }
0x522: {  	v4 =	vadd.f32 v10, v4;
	v9 =	vld [tilespmem:s10+$0xFFFFFFC0]  }
0x523: {  	v5 =	vadd.f32 v5, v7;
	v7 =	vld [tilespmem:s10+$0x40]  }
0x524: {  	[tilespmem:s10+$0xFFFFFF30] =	vst v4;
	v4 =	vld [tilespmem:s10+$0xFFFFFF50];
	v3 =	vmul.f32 $1.131370830e+01, v3  }
0x525: {  	v10 =	vld [tilespmem:s0+$0xFFFFFE50];
	[tilespmem:s10+$0xFFFFFFB0] =	vst v5;
	v5 =	vadd.f32 v8, v6  }
0x526: {  	v6 =	vld [tilespmem:s0+$0xFFFFFED0];
	v2 =	vadd.f32 v2, v3  }
0x527: {  	v3 =	vmul.f32 $1.131370830e+01, v9;
	[tilespmem:s10+$0x30] =	vst v5;
	v5 =	vld [tilespmem:s10+$0xD0]  }
0x528: {  	v7 =	vmul.f32 $1.131370830e+01, v7;
	v8 =	vld [tilespmem:s0+$0xFFFFFF50];
	[tilespmem:s10+$0xC0] =	vst v2  }
0x529: {  	v2 =	vmul.f32 $1.131370830e+01, v4;
	v4 =	vld [tilespmem:s0+$0xFFFFFFE0]  }
0x52a: {  	v1 =	vadd.f32 v10, v1;
	v9 =	vld [tilespmem:s10+$0xFFFFFFD0]  }
0x52b: {  	v3 =	vadd.f32 v6, v3;
	v6 =	vld [tilespmem:s10+$0x50]  }
0x52c: {  	[tilespmem:s10+$0xFFFFFF40] =	vst v1;
	v1 =	vld [tilespmem:s10+$0xFFFFFF60];
	v5 =	vmul.f32 $1.131370830e+01, v5  }
0x52d: {  	v10 =	vld [tilespmem:s0+$0xFFFFFE60];
	[tilespmem:s10+$0xFFFFFFC0] =	vst v3;
	v3 =	vadd.f32 v8, v7  }
0x52e: {  	v7 =	vld [tilespmem:s0+$0xFFFFFEE0];
	v4 =	vadd.f32 v4, v5  }
0x52f: {  	v5 =	vmul.f32 $1.131370830e+01, v9;
	[tilespmem:s10+$0x40] =	vst v3;
	v3 =	vld [tilespmem:s10+$0xE0]  }
0x530: {  	v6 =	vmul.f32 $1.131370830e+01, v6;
	v8 =	vld [tilespmem:s0+$0xFFFFFF60];
	[tilespmem:s10+$0xD0] =	vst v4  }
0x531: {  	v4 =	vmul.f32 $1.131370830e+01, v1;
	v1 =	vld [tilespmem:s0+$0xFFFFFFF0]  }
0x532: {  	v2 =	vadd.f32 v10, v2;
	v9 =	vld [tilespmem:s10+$0xFFFFFFE0]  }
0x533: {  	v5 =	vadd.f32 v7, v5;
	v7 =	vld [tilespmem:s10+$0x60]  }
0x534: {  	[tilespmem:s10+$0xFFFFFF50] =	vst v2;
	v2 =	vld [tilespmem:s10+$0xFFFFFF70];
	v3 =	vmul.f32 $1.131370830e+01, v3  }
0x535: {  	v10 =	vld [tilespmem:s0+$0xFFFFFE70];
	[tilespmem:s10+$0xFFFFFFD0] =	vst v5;
	v5 =	vadd.f32 v8, v6  }
0x536: {  	v6 =	vld [tilespmem:s0+$0xFFFFFEF0];
	v1 =	vadd.f32 v1, v3  }
0x537: {  	v3 =	vmul.f32 $1.131370830e+01, v9;
	[tilespmem:s10+$0x50] =	vst v5;
	v5 =	vld [tilespmem:s10+$0xF0]  }
0x538: {  	v7 =	vmul.f32 $1.131370830e+01, v7;
	v8 =	vld [tilespmem:s0+$0xFFFFFF70];
	[tilespmem:s10+$0xE0] =	vst v1  }
0x539: {  	v1 =	vmul.f32 $1.131370830e+01, v2;
	v9 =	vld [tilespmem:s0+$0x0]  }
.Ltmp10:
0x53a: {  	v2 =	vadd.f32 v10, v4;
	v4 =	vld [tilespmem:s10+$0xFFFFFFF0];
	(pc) =	sbr.rel @p1 .LBB2_23-.Ltmp10, $4  }
0x53b: {  	v6 =	vadd.f32 v6, v3;
	v3 =	vld [tilespmem:s10+$0x70]  }
0x53c: {  	[tilespmem:s10+$0xFFFFFF60] =	vst v2;
	v10 =	vmul.f32 $1.131370830e+01, v5;
	v2 =	vld [tilespmem:s9+$0xFFFFFF80];
	s9 =	smov.u32 s0  }
0x53d: {  	v5 =	vld [tilespmem:s0+$0xFFFFFE80];
	[tilespmem:s10+$0xFFFFFFE0] =	vst v6;
	v8 =	vadd.f32 v8, v7  }
0x53e: {  	s10 =	sadd.s32 $0x200, s10;
	v6 =	vld [tilespmem:s0+$0xFFFFFF00];
	v7 =	vadd.f32 v9, v10  }
0x53f: {  	[tilespmem:s22+$0x60] =	vst v8  }
0x540: {  	v8 =	vld [tilespmem:s9+$0xFFFFFF80];
	_ =	sdelay $0x1  }
0x541: {  	v4 =	vmul.f32 $1.131370830e+01, v4;
	v0 =	vadd.f32 v2, v0  }
0x542: {  	v61 =	vmul.f32 $1.131370830e+01, v3;
	[tilespmem:s22+$0xF0] =	vst v7;
	v1 =	vadd.f32 v5, v1  }
0x543: {  	v62 =	vadd.f32 v6, v4;
	[tilespmem:s15+$0x70] =	vst v0  }
0x544: {  	[tilespmem:s22+$0xFFFFFF70] =	vst v1;
	v63 =	vadd.f32 v8, v61  }
0x545: {  	[tilespmem:s22+$0xFFFFFFF0] =	vst v62  }
0x546: {  	s0 =	simm.s32 $0x0;
	[tilespmem:s22+$0x70] =	vst v63  }
.LBB2_25:
0x547: {  	s8 =	sshra.s32 s0, $0x2  }
0x548: {  	v0 =	vld [tilespmem:s8+$0x11500]  }
0x549: {  	v1 =	vld [tilespmem:s8+$0x4D00]  }
0x54a: {  	v2 =	vld [tilespmem:s8+$0x11510]  }
0x54b: {  	v3 =	vld [tilespmem:s8+$0x4D10]  }
0x54c: {  	v4 =	vld [tilespmem:s8+$0x11520]  }
0x54d: {  	v5 =	vld [tilespmem:s8+$0x4D20]  }
0x54e: {  	v6 =	vld [tilespmem:s8+$0x11530]  }
0x54f: {  	v7 =	vld [tilespmem:s8+$0x4D30]  }
0x550: {  	v8 =	vld [tilespmem:s8+$0x11540]  }
0x551: {  	v9 =	vld [tilespmem:s8+$0x4D40]  }
0x552: {  	v10 =	vld [tilespmem:s8+$0x11550]  }
0x553: {  	v11 =	vld [tilespmem:s8+$0x4D50];
	v0 =	vmul.f32 $1.131370830e+01, v0  }
0x554: {  	v12 =	vld [tilespmem:s8+$0x11560];
	v2 =	vmul.f32 $1.131370830e+01, v2  }
0x555: {  	v50 =	vld [tilespmem:s8+$0x11570];
	v49 =	vmul.f32 $1.131370830e+01, v4;
	v0 =	vadd.f32 v1, v0  }
0x556: {  	v52 =	vld [tilespmem:s8+$0x4D60];
	v51 =	vmul.f32 $1.131370830e+01, v6;
	v2 =	vadd.f32 v3, v2  }
0x557: {  	v55 =	vld [tilespmem:s8+$0x4D70];
	v54 =	vmul.f32 $1.131370830e+01, v8;
	v53 =	vadd.f32 v5, v49;
	[tilespmem:s8+$0x11500] =	vst v0  }
0x558: {  	v57 =	vmul.f32 $1.131370830e+01, v10;
	v56 =	vadd.f32 v7, v51;
	[tilespmem:s8+$0x11510] =	vst v2  }
0x559: {  	p1 =	sne.s32 s0, $0x200;
	v59 =	vmul.f32 $1.131370830e+01, v12;
	v58 =	vadd.f32 v9, v54;
	[tilespmem:s8+$0x11520] =	vst v53  }
.Ltmp11:
0x55a: {  	v61 =	vmul.f32 $1.131370830e+01, v50;
	v60 =	vadd.f32 v11, v57;
	[tilespmem:s8+$0x11530] =	vst v56;
	(pc) =	sbr.rel @p1 .LBB2_25-.Ltmp11, $4  }
0x55b: {  	v62 =	vadd.f32 v52, v59;
	[tilespmem:s8+$0x11540] =	vst v58  }
0x55c: {  	v63 =	vadd.f32 v55, v61;
	[tilespmem:s8+$0x11550] =	vst v60  }
0x55d: {  	[tilespmem:s8+$0x11560] =	vst v62  }
0x55e: {  	s0 =	sadd.s32 $0x200, s0;
	[tilespmem:s8+$0x11570] =	vst v63  }
0x55f: {  	s0 =	smul.u32 $0x32, s14;
	_ =	sdelay $0x1  }
0x560: {  	s0 =	sadd.s32 s6, s0  }
0x561: {  	_ =	swait.ge [sflag:s19], $0x1900;
	s0 =	sshll.u32 s0, $0x4  }
0x562: {  	[sflag:s19] =	ssyncset.done $0x0;
	s0 =	sand.u32 $0x1FFFFF80, s0  }
0x563: {  	[sflag:s19] =	ssyncadd.s32 $0xFFFFE700;
	s0 =	sadd.s32 s4, s0  }
0x564: {  	[hbm4b:s0+s5] =	stream.linear.scatter [tilespmem:s26], [sflag:$0xD], $0x1900, $0x38;
	[tilespmem:$0x14800] =	vst v63  }
0x565: {  	_ =	swait.ge [sflag:s21], $0x1900  }
0x566: {  	s8 =	simm.s32 @!p0 $0x32;
	s9 =	simm.s32 @!p0 $0x9900;
	[sflag:s21] =	ssyncset.done $0x0  }
0x567: {  	s14 =	simm.s32 $0x11700;
	s0 =	sadd.s32 @!p0 $0x1F8, s20;
	[sflag:s21] =	ssyncadd.s32 $0xFFFFE700  }
0x568: {  	[tilespmem:s9], [sflag:$0x2] =	stream.indirect.gather @!p0 [hbm4b:s1+s8], $0x80, s0, s8, $0xb8;
	[tilespmem:$0x14800] =	vst v63  }
0x569: {  	v0 =	vld [tilespmem:s14+$0x80]  }
0x56a: {  	s31 =	simm.s32 $0x4FF0;
	v1 =	vld [tilespmem:s14+$0xFFFFFF80]  }
0x56b: {  	v2 =	vld [tilespmem:s31+$0xFFFFFF90]  }
0x56c: {  	v3 =	vld [tilespmem:s14+$0xFFFFFF00]  }
0x56d: {  	v4 =	vld [tilespmem:s14+$0x0]  }
0x56e: {  	v5 =	vld [tilespmem:s31+$0xFFFFFE10]  }
0x56f: {  	v6 =	vld [tilespmem:s31+$0xFFFFFE90]  }
0x570: {  	v7 =	vld [tilespmem:s31+$0xFFFFFF10]  }
0x571: {  	s15 =	simm.s32 $0x11900;
	v8 =	vld [tilespmem:s14+$0xFFFFFF10]  }
0x572: {  	s0 =	simm.s32 $0x51F0;
	v10 =	vld [tilespmem:s15+$0xFFFFFF80];
	v0 =	vmul.f32 $1.131370830e+01, v0  }
0x573: {  	v11 =	vld [tilespmem:s0+$0xFFFFFF90]  }
0x574: {  	v12 =	vld [tilespmem:s15+$0xFFFFFF00];
	v3 =	vmul.f32 $1.131370830e+01, v3;
	v0 =	vadd.f32 v2, v0  }
0x575: {  	v2 =	vld [tilespmem:s14+$0x90]  }
0x576: {  	v13 =	vld [tilespmem:s15+$0x0];
	v1 =	vmul.f32 $1.131370830e+01, v1;
	v3 =	vadd.f32 v5, v3;
	[tilespmem:s14+$0x80] =	vst v0  }
0x577: {  	v0 =	vld [tilespmem:s31+$0xFFFFFFA0]  }
0x578: {  	v4 =	vmul.f32 $1.131370830e+01, v4;
	v1 =	vadd.f32 v6, v1;
	v5 =	vld [tilespmem:s14+$0xFFFFFF90];
	[tilespmem:s14+$0xFFFFFF00] =	vst v3  }
0x579: {  	v3 =	vld [tilespmem:s31+$0xFFFFFE20]  }
0x57a: {  	v6 =	vld [tilespmem:s14+$0x10];
	[tilespmem:s14+$0xFFFFFF80] =	vst v1;
	v1 =	vadd.f32 v7, v4;
	v2 =	vmul.f32 $1.131370830e+01, v2  }
0x57b: {  	v4 =	vld [tilespmem:s31+$0xFFFFFEA0]  }
0x57c: {  	[tilespmem:s14+$0x0] =	vst v1;
	v1 =	vld [tilespmem:s14+$0xA0];
	v0 =	vadd.f32 v0, v2;
	v2 =	vmul.f32 $1.131370830e+01, v8  }
0x57d: {  	v8 =	vld [tilespmem:s31+$0xFFFFFF20]  }
0x57e: {  	v7 =	vld [tilespmem:s14+$0xFFFFFF20];
	v5 =	vmul.f32 $1.131370830e+01, v5;
	[tilespmem:s14+$0x90] =	vst v0;
	v2 =	vadd.f32 v3, v2  }
0x57f: {  	v0 =	vld [tilespmem:s31+$0xFFFFFFB0]  }
0x580: {  	v4 =	vadd.f32 v4, v5;
	v5 =	vmul.f32 $1.131370830e+01, v6;
	v3 =	vld [tilespmem:s14+$0xFFFFFFA0];
	[tilespmem:s14+$0xFFFFFF10] =	vst v2  }
0x581: {  	v2 =	vld [tilespmem:s31+$0xFFFFFE30]  }
0x582: {  	v6 =	vld [tilespmem:s14+$0x20];
	v1 =	vmul.f32 $1.131370830e+01, v1;
	[tilespmem:s14+$0xFFFFFF90] =	vst v4;
	v4 =	vadd.f32 v8, v5  }
0x583: {  	v5 =	vld [tilespmem:s31+$0xFFFFFEB0]  }
0x584: {  	[tilespmem:s14+$0x10] =	vst v4;
	v4 =	vld [tilespmem:s14+$0xB0];
	v0 =	vadd.f32 v0, v1;
	v1 =	vmul.f32 $1.131370830e+01, v7  }
0x585: {  	v7 =	vld [tilespmem:s31+$0xFFFFFF30]  }
0x586: {  	v8 =	vld [tilespmem:s14+$0xFFFFFF30];
	v3 =	vmul.f32 $1.131370830e+01, v3;
	[tilespmem:s14+$0xA0] =	vst v0;
	v1 =	vadd.f32 v2, v1  }
0x587: {  	v0 =	vld [tilespmem:s31+$0xFFFFFFC0]  }
0x588: {  	v2 =	vld [tilespmem:s14+$0xFFFFFFB0];
	v3 =	vadd.f32 v5, v3;
	v5 =	vmul.f32 $1.131370830e+01, v6;
	[tilespmem:s14+$0xFFFFFF20] =	vst v1  }
0x589: {  	v1 =	vmul.f32 $1.131370830e+01, v4;
	v4 =	vld [tilespmem:s31+$0xFFFFFE40]  }
0x58a: {  	v6 =	vld [tilespmem:s14+$0x30];
	[tilespmem:s14+$0xFFFFFFA0] =	vst v3;
	v3 =	vadd.f32 v7, v5  }
0x58b: {  	v5 =	vld [tilespmem:s31+$0xFFFFFEC0]  }
0x58c: {  	[tilespmem:s14+$0x20] =	vst v3;
	v3 =	vld [tilespmem:s14+$0xC0];
	v0 =	vadd.f32 v0, v1;
	v1 =	vmul.f32 $1.131370830e+01, v8  }
0x58d: {  	v8 =	vld [tilespmem:s31+$0xFFFFFF40]  }
0x58e: {  	v7 =	vld [tilespmem:s14+$0xFFFFFF40];
	v2 =	vmul.f32 $1.131370830e+01, v2;
	[tilespmem:s14+$0xB0] =	vst v0;
	v1 =	vadd.f32 v4, v1  }
0x58f: {  	v0 =	vld [tilespmem:s31+$0xFFFFFFD0]  }
0x590: {  	v4 =	vld [tilespmem:s14+$0xFFFFFFC0];
	v2 =	vadd.f32 v5, v2;
	v5 =	vmul.f32 $1.131370830e+01, v6;
	[tilespmem:s14+$0xFFFFFF30] =	vst v1  }
0x591: {  	v1 =	vmul.f32 $1.131370830e+01, v3;
	v3 =	vld [tilespmem:s31+$0xFFFFFE50]  }
0x592: {  	v6 =	vld [tilespmem:s14+$0x40];
	[tilespmem:s14+$0xFFFFFFB0] =	vst v2;
	v2 =	vadd.f32 v8, v5  }
0x593: {  	v5 =	vld [tilespmem:s31+$0xFFFFFED0]  }
0x594: {  	[tilespmem:s14+$0x30] =	vst v2;
	v2 =	vld [tilespmem:s14+$0xD0];
	v0 =	vadd.f32 v0, v1;
	v1 =	vmul.f32 $1.131370830e+01, v7  }
0x595: {  	v8 =	vld [tilespmem:s14+$0xFFFFFF50]  }
0x596: {  	v7 =	vld [tilespmem:s31+$0xFFFFFF50];
	[tilespmem:s14+$0xC0] =	vst v0;
	v1 =	vadd.f32 v3, v1  }
0x597: {  	v4 =	vmul.f32 $1.131370830e+01, v4;
	v0 =	vld [tilespmem:s31+$0xFFFFFFE0]  }
0x598: {  	v14 =	vld [tilespmem:s0+$0xFFFFFE10];
	[tilespmem:s14+$0xFFFFFF40] =	vst v1  }
0x599: {  	v4 =	vadd.f32 v5, v4;
	v5 =	vmul.f32 $1.131370830e+01, v6;
	v1 =	vmul.f32 $1.131370830e+01, v2;
	v2 =	vld [tilespmem:s31+$0xFFFFFE60]  }
0x59a: {  	v15 =	vld [tilespmem:s0+$0xFFFFFE90]  }
0x59b: {  	v16 =	vld [tilespmem:s0+$0xFFFFFF10];
	[tilespmem:s14+$0xFFFFFFC0] =	vst v4;
	v4 =	vadd.f32 v7, v5  }
0x59c: {  	v17 =	vld [tilespmem:s15+$0xFFFFFF10];
	v0 =	vadd.f32 v0, v1;
	v1 =	vmul.f32 $1.131370830e+01, v8  }
0x59d: {  	[tilespmem:s14+$0x40] =	vst v4;
	v4 =	vld [tilespmem:s14+$0xE0]  }
0x59e: {  	v7 =	vld [tilespmem:s14+$0xFFFFFF60];
	[tilespmem:s14+$0xD0] =	vst v0;
	v1 =	vadd.f32 v2, v1  }
0x59f: {  	v0 =	vld [tilespmem:s31+$0xFFFFFFF0]  }
0x5a0: {  	v26 =	vld [tilespmem:s15+$0xFFFFFF90];
	[tilespmem:s14+$0xFFFFFF50] =	vst v1  }
0x5a1: {  	v9 =	vld [tilespmem:s31+$0xFFFFFE70]  }
0x5a2: {  	v27 =	vld [tilespmem:s15+$0x10];
	v1 =	vmul.f32 $1.131370830e+01, v4  }
0x5a3: {  	v28 =	vld [tilespmem:s15+$0xFFFFFF20]  }
0x5a4: {  	v29 =	vld [tilespmem:s15+$0xA0];
	v0 =	vadd.f32 v0, v1;
	v1 =	vmul.f32 $1.131370830e+01, v7  }
0x5a5: {  	v32 =	vld [tilespmem:s15+$0xFFFFFFA0]  }
0x5a6: {  	v36 =	vld [tilespmem:s15+$0xB0];
	v9 =	vadd.f32 v9, v1  }
0x5a7: {  	v39 =	vld [tilespmem:s15+$0xFFFFFFB0]  }
0x5a8: {  	[tilespmem:s14+$0xFFFFFF60] =	vst v9;
	v9 =	vld [tilespmem:s15+$0x80]  }
0x5a9: {  	v40 =	vld [tilespmem:s15+$0x30]  }
0x5aa: {  	v47 =	vld [tilespmem:s15+$0xFFFFFFC0]  }
0x5ab: {  	v48 =	vld [tilespmem:s15+$0x40]  }
0x5ac: {  	v49 =	vld [tilespmem:s15+$0xFFFFFF50]  }
0x5ad: {  	v51 =	vld [tilespmem:s15+$0xD0];
	v9 =	vmul.f32 $1.131370830e+01, v9  }
0x5ae: {  	v54 =	vld [tilespmem:s15+$0x50]  }
0x5af: {  	v57 =	vld [tilespmem:s15+$0xE0];
	v9 =	vadd.f32 v11, v9  }
0x5b0: {  	v12 =	vmul.f32 $1.131370830e+01, v12;
	v11 =	vld [tilespmem:s15+$0x90]  }
0x5b1: {  	v59 =	vld [tilespmem:s15+$0xFFFFFFE0];
	v13 =	vmul.f32 $1.131370830e+01, v13;
	[tilespmem:s15+$0x80] =	vst v9  }
0x5b2: {  	v12 =	vadd.f32 v14, v12;
	v9 =	vmul.f32 $1.131370830e+01, v10;
	v10 =	vld [tilespmem:s0+$0xFFFFFFA0]  }
0x5b3: {  	v60 =	vld [tilespmem:s15+$0x60];
	v13 =	vadd.f32 v16, v13  }
0x5b4: {  	v61 =	vld [tilespmem:s15+$0xFFFFFF70];
	[tilespmem:s15+$0xFFFFFF00] =	vst v12;
	v9 =	vadd.f32 v15, v9  }
0x5b5: {  	[tilespmem:s15+$0x0] =	vst v13;
	v12 =	vld [tilespmem:s0+$0xFFFFFE20];
	v11 =	vmul.f32 $1.131370830e+01, v11  }
0x5b6: {  	v30 =	vld [tilespmem:s0+$0xFFFFFF20];
	[tilespmem:s15+$0xFFFFFF80] =	vst v9  }
0x5b7: {  	v9 =	vld [tilespmem:s0+$0xFFFFFEA0];
	v10 =	vadd.f32 v10, v11  }
0x5b8: {  	v3 =	vld [tilespmem:s14+$0xFFFFFFD0]  }
0x5b9: {  	v6 =	vld [tilespmem:s14+$0x50];
	v11 =	vmul.f32 $1.131370830e+01, v17;
	[tilespmem:s15+$0x90] =	vst v10  }
0x5ba: {  	v10 =	vmul.f32 $1.131370830e+01, v26;
	v31 =	vld [tilespmem:s0+$0xFFFFFFB0]  }
0x5bb: {  	v5 =	vld [tilespmem:s31+$0xFFFFFEE0];
	v11 =	vadd.f32 v12, v11  }
0x5bc: {  	v8 =	vld [tilespmem:s31+$0xFFFFFF60];
	v15 =	vmul.f32 $1.131370830e+01, v27;
	v9 =	vadd.f32 v9, v10  }
0x5bd: {  	v10 =	vld [tilespmem:s15+$0x20];
	[tilespmem:s15+$0xFFFFFF10] =	vst v11;
	v11 =	vmul.f32 $1.131370830e+01, v29  }
0x5be: {  	v15 =	vadd.f32 v30, v15;
	v33 =	vld [tilespmem:s0+$0xFFFFFE30];
	[tilespmem:s15+$0xFFFFFF90] =	vst v9  }
0x5bf: {  	v34 =	vld [tilespmem:s0+$0xFFFFFEB0];
	v11 =	vadd.f32 v31, v11  }
0x5c0: {  	v2 =	vld [tilespmem:s14+$0xFFFFFFE0];
	[tilespmem:s15+$0x10] =	vst v15  }
0x5c1: {  	v35 =	vmul.f32 $1.131370830e+01, v28;
	v3 =	vmul.f32 $1.131370830e+01, v3;
	v37 =	vld [tilespmem:s0+$0xFFFFFF30];
	[tilespmem:s15+$0xA0] =	vst v11  }
0x5c2: {  	v11 =	vmul.f32 $1.131370830e+01, v32;
	v38 =	vld [tilespmem:s0+$0xFFFFFFC0]  }
0x5c3: {  	v5 =	vadd.f32 v5, v3;
	v3 =	vld [tilespmem:s14+$0x60];
	v13 =	vadd.f32 v33, v35  }
0x5c4: {  	v9 =	vld [tilespmem:s15+$0xFFFFFF30];
	v10 =	vmul.f32 $1.131370830e+01, v10;
	v11 =	vadd.f32 v34, v11  }
0x5c5: {  	v41 =	vmul.f32 $1.131370830e+01, v36;
	v4 =	vld [tilespmem:s14+$0xFFFFFF70];
	[tilespmem:s15+$0xFFFFFF20] =	vst v13  }
0x5c6: {  	v10 =	vadd.f32 v37, v10;
	v42 =	vld [tilespmem:s0+$0xFFFFFE40];
	[tilespmem:s15+$0xFFFFFFA0] =	vst v11  }
0x5c7: {  	v43 =	vld [tilespmem:s0+$0xFFFFFEC0];
	v12 =	vadd.f32 v38, v41  }
0x5c8: {  	[tilespmem:s15+$0x20] =	vst v10;
	v10 =	vld [tilespmem:s15+$0xC0]  }
0x5c9: {  	v6 =	vmul.f32 $1.131370830e+01, v6;
	v9 =	vmul.f32 $1.131370830e+01, v9;
	v44 =	vld [tilespmem:s0+$0xFFFFFF40];
	[tilespmem:s15+$0xB0] =	vst v12  }
0x5ca: {  	v45 =	vmul.f32 $1.131370830e+01, v39;
	[tilespmem:s14+$0xFFFFFFD0] =	vst v5;
	v46 =	vld [tilespmem:s0+$0xFFFFFFD0]  }
0x5cb: {  	v5 =	vadd.f32 v8, v6;
	v6 =	vld [tilespmem:s31+$0xFFFFFEF0];
	v9 =	vadd.f32 v42, v9  }
0x5cc: {  	v17 =	vmul.f32 $1.131370830e+01, v40;
	v11 =	vld [tilespmem:s15+$0xFFFFFF40];
	v12 =	vadd.f32 v43, v45  }
0x5cd: {  	v8 =	vld [tilespmem:s14+$0xF0];
	[tilespmem:s15+$0xFFFFFF30] =	vst v9;
	v9 =	vmul.f32 $1.131370830e+01, v10  }
0x5ce: {  	v13 =	vadd.f32 v44, v17;
	v10 =	vld [tilespmem:s0+$0xFFFFFE50];
	[tilespmem:s15+$0xFFFFFFB0] =	vst v12  }
0x5cf: {  	[tilespmem:s14+$0x50] =	vst v5;
	v50 =	vld [tilespmem:s0+$0xFFFFFED0];
	v9 =	vadd.f32 v46, v9  }
0x5d0: {  	v7 =	vld [tilespmem:s31+$0xFFFFFF70];
	[tilespmem:s15+$0x30] =	vst v13  }
0x5d1: {  	v11 =	vmul.f32 $1.131370830e+01, v11;
	v52 =	vld [tilespmem:s0+$0xFFFFFF50];
	[tilespmem:s15+$0xC0] =	vst v9  }
0x5d2: {  	v9 =	vmul.f32 $1.131370830e+01, v47;
	v53 =	vld [tilespmem:s0+$0xFFFFFFE0]  }
0x5d3: {  	v1 =	vld [tilespmem:s14+$0xFFFFFFF0];
	v10 =	vadd.f32 v10, v11  }
0x5d4: {  	v16 =	vmul.f32 $1.131370830e+01, v48;
	[tilespmem:s14+$0xE0] =	vst v0;
	v0 =	vld [tilespmem:s14+$0x70];
	v9 =	vadd.f32 v50, v9  }
0x5d5: {  	v11 =	vld [tilespmem:s15+$0xFFFFFFD0];
	[tilespmem:s15+$0xFFFFFF40] =	vst v10;
	v10 =	vmul.f32 $1.131370830e+01, v51  }
0x5d6: {  	v14 =	vadd.f32 v52, v16;
	v55 =	vld [tilespmem:s0+$0xFFFFFE60];
	[tilespmem:s15+$0xFFFFFFC0] =	vst v9  }
0x5d7: {  	v56 =	vld [tilespmem:s0+$0xFFFFFEE0];
	v10 =	vadd.f32 v53, v10  }
0x5d8: {  	v2 =	vmul.f32 $1.131370830e+01, v2;
	v5 =	vld [tilespmem:s31+$0x0];
	[tilespmem:s15+$0x40] =	vst v14  }
0x5d9: {  	v12 =	vmul.f32 $1.131370830e+01, v49;
	v58 =	vld [tilespmem:s0+$0xFFFFFF60];
	[tilespmem:s15+$0xD0] =	vst v10  }
0x5da: {  	v2 =	vadd.f32 v6, v2;
	v10 =	vmul.f32 $1.131370830e+01, v11;
	v11 =	vld [tilespmem:s0+$0xFFFFFFF0]  }
0x5db: {  	v6 =	vld [tilespmem:s31+$0xFFFFFE80];
	v12 =	vadd.f32 v55, v12  }
0x5dc: {  	[tilespmem:s14+$0xFFFFFFE0] =	vst v2;
	v17 =	vmul.f32 $1.131370830e+01, v54;
	v9 =	vld [tilespmem:s15+$0xFFFFFF60];
	v10 =	vadd.f32 v56, v10  }
0x5dd: {  	v2 =	vld [tilespmem:s31+$0xFFFFFF00];
	v14 =	vmul.f32 $1.131370830e+01, v57;
	[tilespmem:s15+$0xFFFFFF50] =	vst v12  }
0x5de: {  	v3 =	vmul.f32 $1.131370830e+01, v3;
	v62 =	vld [tilespmem:s0+$0xFFFFFE70];
	[tilespmem:s15+$0xFFFFFFD0] =	vst v10;
	v10 =	vadd.f32 v58, v17  }
0x5df: {  	v8 =	vmul.f32 $1.131370830e+01, v8;
	v63 =	vld [tilespmem:s0+$0xFFFFFEF0];
	v11 =	vadd.f32 v11, v14  }
0x5e0: {  	v4 =	vmul.f32 $1.131370830e+01, v4;
	v3 =	vadd.f32 v7, v3;
	v7 =	vld [tilespmem:s15+$0xF0];
	[tilespmem:s15+$0x50] =	vst v10  }
0x5e1: {  	v5 =	vadd.f32 v5, v8;
	v8 =	vmul.f32 $1.131370830e+01, v9;
	v9 =	vld [tilespmem:s0+$0xFFFFFF70];
	[tilespmem:s15+$0xE0] =	vst v11  }
0x5e2: {  	[tilespmem:s14+$0x60] =	vst v3;
	v3 =	vadd.f32 v6, v4;
	v6 =	vmul.f32 $1.131370830e+01, v59;
	v10 =	vld [tilespmem:s0+$0x0]  }
0x5e3: {  	v1 =	vmul.f32 $1.131370830e+01, v1;
	[tilespmem:s14+$0xF0] =	vst v5;
	v4 =	vld [tilespmem:s15+$0xFFFFFFF0];
	v5 =	vadd.f32 v62, v8  }
0x5e4: {  	[tilespmem:s14+$0xFFFFFF70] =	vst v3;
	v3 =	vld [tilespmem:s15+$0x70];
	v8 =	vmul.f32 $1.131370830e+01, v60;
	v6 =	vadd.f32 v63, v6  }
0x5e5: {  	v1 =	vadd.f32 v2, v1;
	v7 =	vmul.f32 $1.131370830e+01, v7;
	v2 =	vld [tilespmem:s31+$0xFFFFFF80];
	[tilespmem:s15+$0xFFFFFF60] =	vst v5  }
0x5e6: {  	v5 =	vld [tilespmem:s0+$0xFFFFFE80];
	[tilespmem:s15+$0xFFFFFFE0] =	vst v6;
	v8 =	vadd.f32 v9, v8  }
0x5e7: {  	s10 =	simm.s32 $0x11B00;
	s8 =	simm.s32 $0x4;
	s9 =	simm.s32 $0x51F0;
	v0 =	vmul.f32 $1.131370830e+01, v0;
	[tilespmem:s14+$0xFFFFFFF0] =	vst v1;
	v1 =	vmul.f32 $1.131370830e+01, v61;
	v6 =	vld [tilespmem:s0+$0xFFFFFF00];
	v7 =	vadd.f32 v10, v7  }
.LBB2_27:
0x5e8: {  	v9 =	vld [tilespmem:s10+$0x80];
	s8 =	sadd.s32 $0x4, s8;
	v4 =	vmul.f32 $1.131370830e+01, v4;
	[tilespmem:s15+$0x60] =	vst v8  }
0x5e9: {  	s0 =	sadd.s32 $0x200, s0;
	v8 =	vld [tilespmem:s10+$0xFFFFFF80];
	p1 =	slt.u32 s8, $0x2C;
	v3 =	vmul.f32 $1.131370830e+01, v3;
	[tilespmem:s15+$0xF0] =	vst v7  }
0x5ea: {  	v7 =	vld [tilespmem:s0+$0xFFFFFF90];
	v2 =	vadd.f32 v2, v0  }
0x5eb: {  	v10 =	vld [tilespmem:s10+$0x0];
	v1 =	vadd.f32 v5, v1;
	v0 =	vmov v3  }
0x5ec: {  	v3 =	vld [tilespmem:s10+$0xFFFFFF00];
	v4 =	vadd.f32 v6, v4;
	[tilespmem:s14+$0x70] =	vst v2;
	s14 =	smov.u32 s15;
	s15 =	smov.u32 s10  }
0x5ed: {  	v2 =	vld [tilespmem:s0+$0xFFFFFE10];
	v5 =	vmul.f32 $1.131370830e+01, v9;
	[tilespmem:s14+$0xFFFFFF70] =	vst v1  }
0x5ee: {  	v1 =	vmul.f32 $1.131370830e+01, v8;
	v6 =	vld [tilespmem:s0+$0xFFFFFE90];
	[tilespmem:s14+$0xFFFFFFF0] =	vst v4  }
0x5ef: {  	v4 =	vld [tilespmem:s0+$0xFFFFFF10];
	v5 =	vadd.f32 v7, v5  }
0x5f0: {  	v7 =	vmul.f32 $1.131370830e+01, v10;
	v8 =	vld [tilespmem:s10+$0x90]  }
0x5f1: {  	v3 =	vmul.f32 $1.131370830e+01, v3;
	v9 =	vld [tilespmem:s10+$0xFFFFFF10];
	[tilespmem:s10+$0x80] =	vst v5  }
0x5f2: {  	v5 =	vld [tilespmem:s0+$0xFFFFFFA0]  }
0x5f3: {  	v2 =	vadd.f32 v2, v3;
	v1 =	vadd.f32 v6, v1;
	v3 =	vld [tilespmem:s10+$0xFFFFFF90]  }
0x5f4: {  	v4 =	vadd.f32 v4, v7;
	v6 =	vld [tilespmem:s10+$0x10]  }
0x5f5: {  	[tilespmem:s10+$0xFFFFFF00] =	vst v2;
	v2 =	vld [tilespmem:s10+$0xFFFFFF20];
	v7 =	vmul.f32 $1.131370830e+01, v8  }
0x5f6: {  	v8 =	vmul.f32 $1.131370830e+01, v9;
	v9 =	vld [tilespmem:s0+$0xFFFFFE20];
	[tilespmem:s10+$0xFFFFFF80] =	vst v1  }
0x5f7: {  	v1 =	vld [tilespmem:s0+$0xFFFFFEA0];
	[tilespmem:s10+$0x0] =	vst v4;
	v4 =	vadd.f32 v5, v7  }
0x5f8: {  	v3 =	vmul.f32 $1.131370830e+01, v3;
	v5 =	vld [tilespmem:s10+$0xA0]  }
0x5f9: {  	v6 =	vmul.f32 $1.131370830e+01, v6;
	v7 =	vld [tilespmem:s0+$0xFFFFFF20];
	[tilespmem:s10+$0x90] =	vst v4  }
0x5fa: {  	v2 =	vmul.f32 $1.131370830e+01, v2;
	v4 =	vld [tilespmem:s0+$0xFFFFFFB0]  }
0x5fb: {  	v8 =	vadd.f32 v9, v8;
	v9 =	vld [tilespmem:s10+$0xFFFFFFA0]  }
0x5fc: {  	v1 =	vadd.f32 v1, v3;
	v3 =	vld [tilespmem:s10+$0x20]  }
0x5fd: {  	[tilespmem:s10+$0xFFFFFF10] =	vst v8;
	v8 =	vld [tilespmem:s10+$0xFFFFFF30];
	v5 =	vmul.f32 $1.131370830e+01, v5  }
0x5fe: {  	v10 =	vld [tilespmem:s0+$0xFFFFFE30];
	[tilespmem:s10+$0xFFFFFF90] =	vst v1;
	v1 =	vadd.f32 v7, v6  }
0x5ff: {  	v6 =	vld [tilespmem:s0+$0xFFFFFEB0];
	v4 =	vadd.f32 v4, v5  }
0x600: {  	v5 =	vmul.f32 $1.131370830e+01, v9;
	[tilespmem:s10+$0x10] =	vst v1;
	v1 =	vld [tilespmem:s10+$0xB0]  }
0x601: {  	v3 =	vmul.f32 $1.131370830e+01, v3;
	v7 =	vld [tilespmem:s0+$0xFFFFFF30];
	[tilespmem:s10+$0xA0] =	vst v4  }
0x602: {  	v4 =	vmul.f32 $1.131370830e+01, v8;
	v8 =	vld [tilespmem:s0+$0xFFFFFFC0]  }
0x603: {  	v2 =	vadd.f32 v10, v2;
	v9 =	vld [tilespmem:s10+$0xFFFFFFB0]  }
0x604: {  	v5 =	vadd.f32 v6, v5;
	v6 =	vld [tilespmem:s10+$0x30]  }
0x605: {  	[tilespmem:s10+$0xFFFFFF20] =	vst v2;
	v2 =	vld [tilespmem:s10+$0xFFFFFF40];
	v1 =	vmul.f32 $1.131370830e+01, v1  }
0x606: {  	v10 =	vld [tilespmem:s0+$0xFFFFFE40];
	[tilespmem:s10+$0xFFFFFFA0] =	vst v5;
	v3 =	vadd.f32 v7, v3  }
0x607: {  	v5 =	vld [tilespmem:s0+$0xFFFFFEC0];
	v1 =	vadd.f32 v8, v1  }
0x608: {  	v7 =	vmul.f32 $1.131370830e+01, v9;
	[tilespmem:s10+$0x20] =	vst v3;
	v3 =	vld [tilespmem:s10+$0xC0]  }
0x609: {  	v6 =	vmul.f32 $1.131370830e+01, v6;
	v8 =	vld [tilespmem:s0+$0xFFFFFF40];
	[tilespmem:s10+$0xB0] =	vst v1  }
0x60a: {  	v1 =	vmul.f32 $1.131370830e+01, v2;
	v2 =	vld [tilespmem:s0+$0xFFFFFFD0]  }
0x60b: {  	v4 =	vadd.f32 v10, v4;
	v9 =	vld [tilespmem:s10+$0xFFFFFFC0]  }
0x60c: {  	v5 =	vadd.f32 v5, v7;
	v7 =	vld [tilespmem:s10+$0x40]  }
0x60d: {  	[tilespmem:s10+$0xFFFFFF30] =	vst v4;
	v4 =	vld [tilespmem:s10+$0xFFFFFF50];
	v3 =	vmul.f32 $1.131370830e+01, v3  }
0x60e: {  	v10 =	vld [tilespmem:s0+$0xFFFFFE50];
	[tilespmem:s10+$0xFFFFFFB0] =	vst v5;
	v5 =	vadd.f32 v8, v6  }
0x60f: {  	v6 =	vld [tilespmem:s0+$0xFFFFFED0];
	v2 =	vadd.f32 v2, v3  }
0x610: {  	v3 =	vmul.f32 $1.131370830e+01, v9;
	[tilespmem:s10+$0x30] =	vst v5;
	v5 =	vld [tilespmem:s10+$0xD0]  }
0x611: {  	v7 =	vmul.f32 $1.131370830e+01, v7;
	v8 =	vld [tilespmem:s0+$0xFFFFFF50];
	[tilespmem:s10+$0xC0] =	vst v2  }
0x612: {  	v2 =	vmul.f32 $1.131370830e+01, v4;
	v4 =	vld [tilespmem:s0+$0xFFFFFFE0]  }
0x613: {  	v1 =	vadd.f32 v10, v1;
	v9 =	vld [tilespmem:s10+$0xFFFFFFD0]  }
0x614: {  	v3 =	vadd.f32 v6, v3;
	v6 =	vld [tilespmem:s10+$0x50]  }
0x615: {  	[tilespmem:s10+$0xFFFFFF40] =	vst v1;
	v1 =	vld [tilespmem:s10+$0xFFFFFF60];
	v5 =	vmul.f32 $1.131370830e+01, v5  }
0x616: {  	v10 =	vld [tilespmem:s0+$0xFFFFFE60];
	[tilespmem:s10+$0xFFFFFFC0] =	vst v3;
	v3 =	vadd.f32 v8, v7  }
0x617: {  	v7 =	vld [tilespmem:s0+$0xFFFFFEE0];
	v4 =	vadd.f32 v4, v5  }
0x618: {  	v5 =	vmul.f32 $1.131370830e+01, v9;
	[tilespmem:s10+$0x40] =	vst v3;
	v3 =	vld [tilespmem:s10+$0xE0]  }
0x619: {  	v6 =	vmul.f32 $1.131370830e+01, v6;
	v8 =	vld [tilespmem:s0+$0xFFFFFF60];
	[tilespmem:s10+$0xD0] =	vst v4  }
0x61a: {  	v4 =	vmul.f32 $1.131370830e+01, v1;
	v1 =	vld [tilespmem:s0+$0xFFFFFFF0]  }
0x61b: {  	v2 =	vadd.f32 v10, v2;
	v9 =	vld [tilespmem:s10+$0xFFFFFFE0]  }
0x61c: {  	v5 =	vadd.f32 v7, v5;
	v7 =	vld [tilespmem:s10+$0x60]  }
0x61d: {  	[tilespmem:s10+$0xFFFFFF50] =	vst v2;
	v2 =	vld [tilespmem:s10+$0xFFFFFF70];
	v3 =	vmul.f32 $1.131370830e+01, v3  }
0x61e: {  	v10 =	vld [tilespmem:s0+$0xFFFFFE70];
	[tilespmem:s10+$0xFFFFFFD0] =	vst v5;
	v5 =	vadd.f32 v8, v6  }
0x61f: {  	v6 =	vld [tilespmem:s0+$0xFFFFFEF0];
	v1 =	vadd.f32 v1, v3  }
0x620: {  	v3 =	vmul.f32 $1.131370830e+01, v9;
	[tilespmem:s10+$0x50] =	vst v5;
	v5 =	vld [tilespmem:s10+$0xF0]  }
0x621: {  	v7 =	vmul.f32 $1.131370830e+01, v7;
	v8 =	vld [tilespmem:s0+$0xFFFFFF70];
	[tilespmem:s10+$0xE0] =	vst v1  }
0x622: {  	v1 =	vmul.f32 $1.131370830e+01, v2;
	v9 =	vld [tilespmem:s0+$0x0]  }
.Ltmp12:
0x623: {  	v2 =	vadd.f32 v10, v4;
	v4 =	vld [tilespmem:s10+$0xFFFFFFF0];
	(pc) =	sbr.rel @p1 .LBB2_27-.Ltmp12, $4  }
0x624: {  	v6 =	vadd.f32 v6, v3;
	v3 =	vld [tilespmem:s10+$0x70]  }
0x625: {  	[tilespmem:s10+$0xFFFFFF60] =	vst v2;
	v10 =	vmul.f32 $1.131370830e+01, v5;
	v2 =	vld [tilespmem:s9+$0xFFFFFF80];
	s9 =	smov.u32 s0  }
0x626: {  	v5 =	vld [tilespmem:s0+$0xFFFFFE80];
	[tilespmem:s10+$0xFFFFFFE0] =	vst v6;
	v8 =	vadd.f32 v8, v7  }
0x627: {  	s10 =	sadd.s32 $0x200, s10;
	v6 =	vld [tilespmem:s0+$0xFFFFFF00];
	v7 =	vadd.f32 v9, v10  }
0x628: {  	[tilespmem:s15+$0x60] =	vst v8  }
0x629: {  	v8 =	vld [tilespmem:s9+$0xFFFFFF80];
	_ =	sdelay $0x1  }
0x62a: {  	v4 =	vmul.f32 $1.131370830e+01, v4;
	v0 =	vadd.f32 v2, v0  }
0x62b: {  	v61 =	vmul.f32 $1.131370830e+01, v3;
	[tilespmem:s15+$0xF0] =	vst v7;
	v1 =	vadd.f32 v5, v1  }
0x62c: {  	v62 =	vadd.f32 v6, v4;
	[tilespmem:s14+$0x70] =	vst v0  }
0x62d: {  	[tilespmem:s15+$0xFFFFFF70] =	vst v1;
	v63 =	vadd.f32 v8, v61  }
0x62e: {  	[tilespmem:s15+$0xFFFFFFF0] =	vst v62  }
0x62f: {  	s0 =	simm.s32 $0x0;
	[tilespmem:s15+$0x70] =	vst v63  }
.LBB2_29:
0x630: {  	s8 =	sshra.s32 s0, $0x2  }
0x631: {  	v0 =	vld [tilespmem:s8+$0x12E00]  }
0x632: {  	v1 =	vld [tilespmem:s8+$0x6600]  }
0x633: {  	v2 =	vld [tilespmem:s8+$0x12E10]  }
0x634: {  	v3 =	vld [tilespmem:s8+$0x6610]  }
0x635: {  	v4 =	vld [tilespmem:s8+$0x12E20]  }
0x636: {  	v5 =	vld [tilespmem:s8+$0x6620]  }
0x637: {  	v6 =	vld [tilespmem:s8+$0x12E30]  }
0x638: {  	v7 =	vld [tilespmem:s8+$0x6630]  }
0x639: {  	v8 =	vld [tilespmem:s8+$0x12E40]  }
0x63a: {  	v9 =	vld [tilespmem:s8+$0x6640]  }
0x63b: {  	v10 =	vld [tilespmem:s8+$0x12E50]  }
0x63c: {  	v11 =	vld [tilespmem:s8+$0x6650];
	v0 =	vmul.f32 $1.131370830e+01, v0  }
0x63d: {  	v12 =	vld [tilespmem:s8+$0x12E60];
	v2 =	vmul.f32 $1.131370830e+01, v2  }
0x63e: {  	v50 =	vld [tilespmem:s8+$0x12E70];
	v49 =	vmul.f32 $1.131370830e+01, v4;
	v0 =	vadd.f32 v1, v0  }
0x63f: {  	v52 =	vld [tilespmem:s8+$0x6660];
	v51 =	vmul.f32 $1.131370830e+01, v6;
	v2 =	vadd.f32 v3, v2  }
0x640: {  	v55 =	vld [tilespmem:s8+$0x6670];
	v54 =	vmul.f32 $1.131370830e+01, v8;
	v53 =	vadd.f32 v5, v49;
	[tilespmem:s8+$0x12E00] =	vst v0  }
0x641: {  	v57 =	vmul.f32 $1.131370830e+01, v10;
	v56 =	vadd.f32 v7, v51;
	[tilespmem:s8+$0x12E10] =	vst v2  }
0x642: {  	p1 =	sne.s32 s0, $0x200;
	v59 =	vmul.f32 $1.131370830e+01, v12;
	v58 =	vadd.f32 v9, v54;
	[tilespmem:s8+$0x12E20] =	vst v53  }
.Ltmp13:
0x643: {  	v61 =	vmul.f32 $1.131370830e+01, v50;
	v60 =	vadd.f32 v11, v57;
	[tilespmem:s8+$0x12E30] =	vst v56;
	(pc) =	sbr.rel @p1 .LBB2_29-.Ltmp13, $4  }
0x644: {  	v62 =	vadd.f32 v52, v59;
	[tilespmem:s8+$0x12E40] =	vst v58  }
0x645: {  	v63 =	vadd.f32 v55, v61;
	[tilespmem:s8+$0x12E50] =	vst v60  }
0x646: {  	[tilespmem:s8+$0x12E60] =	vst v62  }
0x647: {  	s0 =	sadd.s32 $0x200, s0;
	[tilespmem:s8+$0x12E70] =	vst v63  }
0x648: {  	s0 =	smul.u32 $0x32, s18;
	_ =	sdelay $0x1  }
0x649: {  	s0 =	sadd.s32 s6, s0  }
0x64a: {  	_ =	swait.ge [sflag:s7], $0x1900;
	s0 =	sshll.u32 s0, $0x4  }
0x64b: {  	[sflag:s7] =	ssyncset.done $0x0;
	s0 =	sand.u32 $0x1FFFFFA0, s0  }
0x64c: {  	[sflag:s7] =	ssyncadd.s32 $0xFFFFE700;
	s0 =	sadd.s32 s4, s0  }
0x64d: {  	[hbm4b:s0+s5] =	stream.linear.scatter [tilespmem:s29], [sflag:$0xE], $0x1900, $0x38;
	[tilespmem:$0x14800] =	vst v63  }
0x64e: {  	_ =	swait.ge [sflag:s12], $0x1900  }
0x64f: {  	s8 =	simm.s32 @!p0 $0x32;
	[sflag:s12] =	ssyncset.done $0x0  }
0x650: {  	s9 =	simm.s32 @!p0 $0xB200;
	s0 =	sadd.s32 @!p0 $0x230, s20;
	[sflag:s12] =	ssyncadd.s32 $0xFFFFE700  }
0x651: {  	[tilespmem:s9], [sflag:$0x3] =	stream.indirect.gather @!p0 [hbm4b:s1+s8], $0x80, s0, s8, $0xb8;
	[tilespmem:$0x14800] =	vst v63  }
0x652: {  	s0 =	simm.s32 $0x0  }
0x653: {  	v0 =	vld [tilespmem:s0+$0x130F0]  }
0x654: {  	v1 =	vld [tilespmem:s0+$0x12F00]  }
0x655: {  	v2 =	vld [tilespmem:s0+$0x68F0]  }
0x656: {  	v3 =	vld [tilespmem:s0+$0x12F10]  }
0x657: {  	v4 =	vld [tilespmem:s0+$0x12F20]  }
0x658: {  	v5 =	vld [tilespmem:s0+$0x12F30]  }
0x659: {  	v6 =	vld [tilespmem:s0+$0x12F40]  }
0x65a: {  	v7 =	vld [tilespmem:s0+$0x12F50]  }
0x65b: {  	v8 =	vld [tilespmem:s0+$0x12F60]  }
0x65c: {  	v9 =	vld [tilespmem:s0+$0x12F70]  }
0x65d: {  	v10 =	vld [tilespmem:s0+$0x12F80]  }
0x65e: {  	v11 =	vld [tilespmem:s0+$0x12F90]  }
0x65f: {  	v12 =	vld [tilespmem:s0+$0x12FA0]  }
0x660: {  	v13 =	vld [tilespmem:s0+$0x12FB0]  }
0x661: {  	v14 =	vld [tilespmem:s0+$0x12FC0]  }
0x662: {  	v15 =	vld [tilespmem:s0+$0x12FD0]  }
0x663: {  	v16 =	vld [tilespmem:s0+$0x12FE0]  }
0x664: {  	v17 =	vld [tilespmem:s0+$0x12FF0]  }
0x665: {  	v18 =	vld [tilespmem:s0+$0x13000]  }
0x666: {  	v19 =	vld [tilespmem:s0+$0x13010]  }
0x667: {  	v20 =	vld [tilespmem:s0+$0x13020]  }
0x668: {  	v21 =	vld [tilespmem:s0+$0x13030]  }
0x669: {  	v22 =	vld [tilespmem:s0+$0x13040]  }
0x66a: {  	v23 =	vld [tilespmem:s0+$0x13060]  }
0x66b: {  	v24 =	vld [tilespmem:s0+$0x13080]  }
0x66c: {  	v25 =	vld [tilespmem:s0+$0x13090]  }
0x66d: {  	v26 =	vld [tilespmem:s0+$0x130A0]  }
0x66e: {  	v27 =	vld [tilespmem:s0+$0x130B0]  }
0x66f: {  	v28 =	vld [tilespmem:s0+$0x6700]  }
0x670: {  	v29 =	vld [tilespmem:s0+$0x6710]  }
0x671: {  	v30 =	vld [tilespmem:s0+$0x6720]  }
0x672: {  	v31 =	vld [tilespmem:s0+$0x6730]  }
0x673: {  	v32 =	vld [tilespmem:s0+$0x6740]  }
0x674: {  	v60 =	vld [tilespmem:s0+$0x6750]  }
0x675: {  	v33 =	vld [tilespmem:s0+$0x6760]  }
0x676: {  	v34 =	vld [tilespmem:s0+$0x130C0];
	v1 =	vmul.f32 $1.131370830e+01, v1  }
0x677: {  	v61 =	vld [tilespmem:s0+$0x6780];
	v0 =	vmul.f32 $1.131370830e+01, v0  }
0x678: {  	v62 =	vld [tilespmem:s0+$0x6790];
	v3 =	vmul.f32 $1.131370830e+01, v3;
	v1 =	vadd.f32 v28, v1  }
0x679: {  	v63 =	vld [tilespmem:s0+$0x130D0];
	v8 =	vmul.f32 $1.131370830e+01, v8;
	v0 =	vadd.f32 v2, v0  }
0x67a: {  	v2 =	vld [tilespmem:s0+$0x13050];
	v3 =	vadd.f32 v29, v3;
	[tilespmem:s0+$0x12F00] =	vst v1;
	v1 =	vmul.f32 $1.131370830e+01, v4  }
0x67b: {  	v5 =	vmul.f32 $1.131370830e+01, v5;
	v8 =	vadd.f32 v33, v8;
	[tilespmem:s0+$0x130F0] =	vst v0;
	v0 =	vld [tilespmem:s0+$0x13070]  }
0x67c: {  	v6 =	vmul.f32 $1.131370830e+01, v6;
	v11 =	vmul.f32 $1.131370830e+01, v11;
	v4 =	vld [tilespmem:s0+$0x6770];
	[tilespmem:s0+$0x12F10] =	vst v3;
	v1 =	vadd.f32 v30, v1  }
0x67d: {  	v7 =	vmul.f32 $1.131370830e+01, v7;
	v10 =	vmul.f32 $1.131370830e+01, v10;
	v3 =	vadd.f32 v31, v5;
	v5 =	vld [tilespmem:s0+$0x67A0];
	[tilespmem:s0+$0x12F60] =	vst v8  }
0x67e: {  	v8 =	vadd.f32 v62, v11;
	v11 =	vmul.f32 $1.131370830e+01, v14;
	v14 =	vld [tilespmem:s0+$0x6870];
	[tilespmem:s0+$0x12F20] =	vst v1;
	v1 =	vadd.f32 v32, v6  }
0x67f: {  	v9 =	vmul.f32 $1.131370830e+01, v9;
	[tilespmem:s0+$0x12F30] =	vst v3;
	v3 =	vadd.f32 v60, v7;
	v6 =	vld [tilespmem:s0+$0x67B0]  }
0x680: {  	v7 =	vld [tilespmem:s0+$0x67C0];
	[tilespmem:s0+$0x12F40] =	vst v1;
	v1 =	vadd.f32 v61, v10  }
0x681: {  	v12 =	vmul.f32 $1.131370830e+01, v12;
	[tilespmem:s0+$0x12F50] =	vst v3;
	v4 =	vadd.f32 v4, v9;
	v10 =	vld [tilespmem:s0+$0x67D0]  }
0x682: {  	v3 =	vld [tilespmem:s0+$0x67E0];
	[tilespmem:s0+$0x12F80] =	vst v1;
	v1 =	vmul.f32 $1.131370830e+01, v13  }
0x683: {  	[tilespmem:s0+$0x12F70] =	vst v4;
	v4 =	vadd.f32 v5, v12;
	v5 =	vld [tilespmem:s0+$0x6800]  }
0x684: {  	[tilespmem:s0+$0x12F90] =	vst v8;
	v9 =	vld [tilespmem:s0+$0x67F0];
	v12 =	vmul.f32 $1.131370830e+01, v15;
	v1 =	vadd.f32 v6, v1  }
0x685: {  	v8 =	vmul.f32 $1.131370830e+01, v16;
	[tilespmem:s0+$0x12FA0] =	vst v4;
	v4 =	vadd.f32 v7, v11;
	v6 =	vld [tilespmem:s0+$0x6810]  }
0x686: {  	v7 =	vld [tilespmem:s0+$0x6820];
	v11 =	vmul.f32 $1.131370830e+01, v18;
	[tilespmem:s0+$0x12FB0] =	vst v1;
	v1 =	vadd.f32 v10, v12  }
0x687: {  	v3 =	vadd.f32 v3, v8;
	[tilespmem:s0+$0x12FC0] =	vst v4;
	v10 =	vld [tilespmem:s0+$0x6830];
	v12 =	vmul.f32 $1.131370830e+01, v17  }
0x688: {  	v8 =	vmul.f32 $1.131370830e+01, v19;
	v4 =	vld [tilespmem:s0+$0x6840];
	[tilespmem:s0+$0x12FD0] =	vst v1;
	v1 =	vadd.f32 v5, v11  }
0x689: {  	[tilespmem:s0+$0x12FE0] =	vst v3;
	v11 =	vld [tilespmem:s0+$0x6850];
	v5 =	vmul.f32 $1.131370830e+01, v20;
	v9 =	vadd.f32 v9, v12  }
0x68a: {  	v3 =	vld [tilespmem:s0+$0x6860];
	v12 =	vmul.f32 $1.131370830e+01, v21;
	v6 =	vadd.f32 v6, v8;
	[tilespmem:s0+$0x13000] =	vst v1  }
0x68b: {  	v13 =	vld [tilespmem:s0+$0x130E0];
	v1 =	vmul.f32 $1.131370830e+01, v22;
	[tilespmem:s0+$0x12FF0] =	vst v9;
	v5 =	vadd.f32 v7, v5  }
0x68c: {  	v2 =	vmul.f32 $1.131370830e+01, v2;
	[tilespmem:s0+$0x13010] =	vst v6;
	v7 =	vadd.f32 v10, v12;
	v10 =	vld [tilespmem:s0+$0x6880]  }
0x68d: {  	v8 =	vmul.f32 $1.131370830e+01, v23;
	v12 =	vmul.f32 $1.131370830e+01, v0;
	v6 =	vld [tilespmem:s0+$0x6890];
	[tilespmem:s0+$0x13020] =	vst v5;
	v0 =	vadd.f32 v4, v1  }
0x68e: {  	v15 =	vmul.f32 $1.131370830e+01, v24;
	[tilespmem:s0+$0x13030] =	vst v7;
	v9 =	vadd.f32 v11, v2;
	v7 =	vld [tilespmem:s0+$0x68A0]  }
0x68f: {  	v5 =	vmul.f32 $1.131370830e+01, v25;
	v4 =	vmul.f32 $1.131370830e+01, v26;
	v11 =	vadd.f32 v3, v8;
	v8 =	vld [tilespmem:s0+$0x68B0];
	[tilespmem:s0+$0x13040] =	vst v0  }
0x690: {  	v1 =	vmul.f32 $1.131370830e+01, v27;
	v2 =	vmul.f32 $1.131370830e+01, v34;
	v12 =	vadd.f32 v14, v12;
	[tilespmem:s0+$0x13050] =	vst v9;
	v9 =	vld [tilespmem:s0+$0x68C0]  }
0x691: {  	s14 =	simm.s32 $0x0;
	s8 =	simm.s32 $0x0;
	s9 =	simm.s32 $0x800;
	v3 =	vmul.f32 $1.131370830e+01, v13;
	v0 =	vmul.f32 $1.131370830e+01, v63;
	[tilespmem:s0+$0x13060] =	vst v11;
	v11 =	vadd.f32 v10, v15;
	v10 =	vld [tilespmem:s0+$0x68D0]  }
.LBB2_31:
0x692: {  	s10 =	sshra.s32 s9, $0x2;
	s8 =	sadd.s32 $0x4, s8;
	[tilespmem:s0+$0x13070] =	vst v12;
	v5 =	vadd.f32 v6, v5;
	v6 =	vld [tilespmem:s0+$0x68E0]  }
0x693: {  	v12 =	vld [tilespmem:s10+$0x130F0];
	p0 =	slt.u32 s8, $0x2C;
	[tilespmem:s0+$0x13080] =	vst v11;
	v4 =	vadd.f32 v7, v4  }
0x694: {  	v7 =	vld [tilespmem:s10+$0x12F00];
	[tilespmem:s0+$0x13090] =	vst v5;
	v1 =	vadd.f32 v8, v1  }
0x695: {  	v5 =	vld [tilespmem:s10+$0x68F0];
	[tilespmem:s0+$0x130A0] =	vst v4;
	v2 =	vadd.f32 v9, v2  }
0x696: {  	v4 =	vld [tilespmem:s10+$0x12F10];
	[tilespmem:s0+$0x130B0] =	vst v1;
	v0 =	vadd.f32 v10, v0  }
0x697: {  	v1 =	vld [tilespmem:s10+$0x12F20];
	[tilespmem:s0+$0x130C0] =	vst v2;
	v2 =	vadd.f32 v6, v3  }
0x698: {  	v3 =	vld [tilespmem:s10+$0x12F30];
	v6 =	vmul.f32 $1.131370830e+01, v12;
	[tilespmem:s0+$0x130D0] =	vst v0  }
0x699: {  	v7 =	vmul.f32 $1.131370830e+01, v7;
	v0 =	vld [tilespmem:s10+$0x12F40];
	[tilespmem:s0+$0x130E0] =	vst v2;
	s0 =	smov.u32 s10  }
0x69a: {  	v2 =	vld [tilespmem:s0+$0x12F50];
	v5 =	vadd.f32 v5, v6  }
0x69b: {  	v6 =	vmul.f32 $1.131370830e+01, v4;
	v4 =	vld [tilespmem:s0+$0x12F60]  }
0x69c: {  	v8 =	vmul.f32 $1.131370830e+01, v1;
	v1 =	vld [tilespmem:s0+$0x12F70];
	[tilespmem:s0+$0x130F0] =	vst v5  }
0x69d: {  	v9 =	vmul.f32 $1.131370830e+01, v3;
	v3 =	vld [tilespmem:s0+$0x12F80]  }
0x69e: {  	v10 =	vmul.f32 $1.131370830e+01, v0;
	v0 =	vld [tilespmem:s0+$0x12F90]  }
0x69f: {  	v11 =	vmul.f32 $1.131370830e+01, v2;
	v2 =	vld [tilespmem:s0+$0x12FA0]  }
0x6a0: {  	v12 =	vmul.f32 $1.131370830e+01, v4;
	v4 =	vld [tilespmem:s0+$0x12FB0]  }
0x6a1: {  	v13 =	vmul.f32 $1.131370830e+01, v1;
	v1 =	vld [tilespmem:s0+$0x12FC0]  }
0x6a2: {  	v14 =	vmul.f32 $1.131370830e+01, v3;
	v3 =	vld [tilespmem:s0+$0x12FD0]  }
0x6a3: {  	v15 =	vmul.f32 $1.131370830e+01, v0;
	v0 =	vld [tilespmem:s0+$0x12FE0]  }
0x6a4: {  	v16 =	vmul.f32 $1.131370830e+01, v2;
	v2 =	vld [tilespmem:s0+$0x12FF0]  }
0x6a5: {  	v17 =	vmul.f32 $1.131370830e+01, v4;
	v4 =	vld [tilespmem:s0+$0x13000]  }
0x6a6: {  	v18 =	vmul.f32 $1.131370830e+01, v1;
	v1 =	vld [tilespmem:s0+$0x13010]  }
0x6a7: {  	v19 =	vmul.f32 $1.131370830e+01, v3;
	v3 =	vld [tilespmem:s0+$0x13020]  }
0x6a8: {  	v20 =	vmul.f32 $1.131370830e+01, v0;
	v0 =	vld [tilespmem:s0+$0x13030]  }
0x6a9: {  	v21 =	vmul.f32 $1.131370830e+01, v2;
	v2 =	vld [tilespmem:s0+$0x13040]  }
0x6aa: {  	v22 =	vmul.f32 $1.131370830e+01, v4;
	v4 =	vld [tilespmem:s0+$0x13050]  }
0x6ab: {  	v23 =	vmul.f32 $1.131370830e+01, v1;
	v1 =	vld [tilespmem:s0+$0x13060]  }
0x6ac: {  	v24 =	vmul.f32 $1.131370830e+01, v3;
	v3 =	vld [tilespmem:s0+$0x13070]  }
0x6ad: {  	v25 =	vmul.f32 $1.131370830e+01, v0;
	v0 =	vld [tilespmem:s0+$0x13080]  }
0x6ae: {  	v26 =	vmul.f32 $1.131370830e+01, v2;
	v2 =	vld [tilespmem:s0+$0x13090]  }
0x6af: {  	v27 =	vmul.f32 $1.131370830e+01, v4;
	v4 =	vld [tilespmem:s0+$0x130A0]  }
0x6b0: {  	v28 =	vmul.f32 $1.131370830e+01, v1;
	v1 =	vld [tilespmem:s0+$0x130B0]  }
0x6b1: {  	v29 =	vmul.f32 $1.131370830e+01, v3;
	v3 =	vld [tilespmem:s0+$0x130C0]  }
0x6b2: {  	v30 =	vmul.f32 $1.131370830e+01, v0;
	v0 =	vld [tilespmem:s0+$0x130D0]  }
0x6b3: {  	v5 =	vmul.f32 $1.131370830e+01, v2;
	v31 =	vld [tilespmem:s0+$0x130E0]  }
0x6b4: {  	v32 =	vld [tilespmem:s0+$0x6700];
	v4 =	vmul.f32 $1.131370830e+01, v4  }
0x6b5: {  	v33 =	vld [tilespmem:s0+$0x6710];
	v1 =	vmul.f32 $1.131370830e+01, v1  }
0x6b6: {  	v34 =	vld [tilespmem:s0+$0x6720];
	v2 =	vmul.f32 $1.131370830e+01, v3  }
0x6b7: {  	v35 =	vld [tilespmem:s0+$0x6730];
	v0 =	vmul.f32 $1.131370830e+01, v0  }
0x6b8: {  	v36 =	vld [tilespmem:s0+$0x6740];
	v3 =	vmul.f32 $1.131370830e+01, v31  }
0x6b9: {  	v7 =	vadd.f32 v32, v7;
	v31 =	vld [tilespmem:s0+$0x6750]  }
0x6ba: {  	v6 =	vadd.f32 v33, v6;
	v32 =	vld [tilespmem:s0+$0x6760]  }
0x6bb: {  	[tilespmem:s0+$0x12F00] =	vst v7;
	v7 =	vadd.f32 v34, v8;
	v8 =	vld [tilespmem:s0+$0x6770]  }
0x6bc: {  	[tilespmem:s0+$0x12F10] =	vst v6;
	v6 =	vadd.f32 v35, v9;
	v9 =	vld [tilespmem:s0+$0x6780]  }
0x6bd: {  	[tilespmem:s0+$0x12F20] =	vst v7;
	v7 =	vadd.f32 v36, v10;
	v10 =	vld [tilespmem:s0+$0x6790]  }
0x6be: {  	[tilespmem:s0+$0x12F30] =	vst v6;
	v6 =	vadd.f32 v31, v11;
	v11 =	vld [tilespmem:s0+$0x67A0]  }
0x6bf: {  	[tilespmem:s0+$0x12F40] =	vst v7;
	v7 =	vadd.f32 v32, v12;
	v12 =	vld [tilespmem:s0+$0x67B0]  }
0x6c0: {  	[tilespmem:s0+$0x12F50] =	vst v6;
	v6 =	vadd.f32 v8, v13;
	v8 =	vld [tilespmem:s0+$0x67C0]  }
0x6c1: {  	[tilespmem:s0+$0x12F60] =	vst v7;
	v7 =	vadd.f32 v9, v14;
	v9 =	vld [tilespmem:s0+$0x67D0]  }
0x6c2: {  	[tilespmem:s0+$0x12F70] =	vst v6;
	v6 =	vadd.f32 v10, v15;
	v10 =	vld [tilespmem:s0+$0x67E0]  }
0x6c3: {  	[tilespmem:s0+$0x12F80] =	vst v7;
	v7 =	vadd.f32 v11, v16;
	v11 =	vld [tilespmem:s0+$0x67F0]  }
0x6c4: {  	[tilespmem:s0+$0x12F90] =	vst v6;
	v6 =	vadd.f32 v12, v17;
	v12 =	vld [tilespmem:s0+$0x6800]  }
0x6c5: {  	[tilespmem:s0+$0x12FA0] =	vst v7;
	v7 =	vadd.f32 v8, v18;
	v8 =	vld [tilespmem:s0+$0x6810]  }
0x6c6: {  	[tilespmem:s0+$0x12FB0] =	vst v6;
	v6 =	vadd.f32 v9, v19;
	v9 =	vld [tilespmem:s0+$0x6820]  }
0x6c7: {  	[tilespmem:s0+$0x12FC0] =	vst v7;
	v7 =	vadd.f32 v10, v20;
	v10 =	vld [tilespmem:s0+$0x6830]  }
0x6c8: {  	[tilespmem:s0+$0x12FD0] =	vst v6;
	v6 =	vadd.f32 v11, v21;
	v11 =	vld [tilespmem:s0+$0x6840]  }
0x6c9: {  	[tilespmem:s0+$0x12FE0] =	vst v7;
	v7 =	vadd.f32 v12, v22;
	v12 =	vld [tilespmem:s0+$0x6850]  }
0x6ca: {  	[tilespmem:s0+$0x12FF0] =	vst v6;
	v6 =	vadd.f32 v8, v23;
	v8 =	vld [tilespmem:s0+$0x6860]  }
0x6cb: {  	[tilespmem:s0+$0x13000] =	vst v7;
	v7 =	vadd.f32 v9, v24;
	v9 =	vld [tilespmem:s0+$0x6870]  }
0x6cc: {  	[tilespmem:s0+$0x13010] =	vst v6;
	v10 =	vadd.f32 v10, v25;
	v13 =	vld [tilespmem:s0+$0x6880]  }
.Ltmp14:
0x6cd: {  	[tilespmem:s0+$0x13020] =	vst v7;
	v11 =	vadd.f32 v11, v26;
	v6 =	vld [tilespmem:s0+$0x6890];
	(pc) =	sbr.rel @p0 .LBB2_31-.Ltmp14, $4  }
0x6ce: {  	[tilespmem:s0+$0x13030] =	vst v10;
	v10 =	vadd.f32 v12, v27;
	v7 =	vld [tilespmem:s0+$0x68A0]  }
0x6cf: {  	[tilespmem:s0+$0x13040] =	vst v11;
	v11 =	vadd.f32 v8, v28;
	v8 =	vld [tilespmem:s0+$0x68B0]  }
0x6d0: {  	[tilespmem:s0+$0x13050] =	vst v10;
	v12 =	vadd.f32 v9, v29;
	v9 =	vld [tilespmem:s0+$0x68C0]  }
0x6d1: {  	s9 =	sadd.s32 $0x800, s9;
	[tilespmem:s0+$0x13060] =	vst v11;
	v11 =	vadd.f32 v13, v30;
	v10 =	vld [tilespmem:s0+$0x68D0]  }
0x6d2: {  	[tilespmem:s0+$0x13070] =	vst v12;
	v5 =	vadd.f32 v6, v5;
	v62 =	vld [tilespmem:s0+$0x68E0]  }
0x6d3: {  	[tilespmem:s0+$0x13080] =	vst v11;
	v4 =	vadd.f32 v7, v4  }
0x6d4: {  	[tilespmem:s0+$0x13090] =	vst v5;
	v1 =	vadd.f32 v8, v1  }
0x6d5: {  	[tilespmem:s0+$0x130A0] =	vst v4;
	v2 =	vadd.f32 v9, v2  }
0x6d6: {  	[tilespmem:s0+$0x130B0] =	vst v1;
	v0 =	vadd.f32 v10, v0  }
0x6d7: {  	[tilespmem:s0+$0x130C0] =	vst v2;
	v63 =	vadd.f32 v62, v3  }
0x6d8: {  	[tilespmem:s0+$0x130D0] =	vst v0  }
0x6d9: {  	[tilespmem:s0+$0x130E0] =	vst v63  }
.LBB2_33:
0x6da: {  	s0 =	sshra.s32 s14, $0x2  }
0x6db: {  	v0 =	vld [tilespmem:s0+$0x14700]  }
0x6dc: {  	v1 =	vld [tilespmem:s0+$0x7F00]  }
0x6dd: {  	v2 =	vld [tilespmem:s0+$0x14710]  }
0x6de: {  	v3 =	vld [tilespmem:s0+$0x7F10]  }
0x6df: {  	v4 =	vld [tilespmem:s0+$0x14720]  }
0x6e0: {  	v5 =	vld [tilespmem:s0+$0x7F20]  }
0x6e1: {  	v6 =	vld [tilespmem:s0+$0x14730]  }
0x6e2: {  	v7 =	vld [tilespmem:s0+$0x7F30]  }
0x6e3: {  	v8 =	vld [tilespmem:s0+$0x14740]  }
0x6e4: {  	v9 =	vld [tilespmem:s0+$0x7F40]  }
0x6e5: {  	v10 =	vld [tilespmem:s0+$0x14750]  }
0x6e6: {  	v11 =	vld [tilespmem:s0+$0x7F50];
	v0 =	vmul.f32 $1.131370830e+01, v0  }
0x6e7: {  	v12 =	vld [tilespmem:s0+$0x14760];
	v2 =	vmul.f32 $1.131370830e+01, v2  }
0x6e8: {  	v50 =	vld [tilespmem:s0+$0x14770];
	v49 =	vmul.f32 $1.131370830e+01, v4;
	v0 =	vadd.f32 v1, v0  }
0x6e9: {  	v52 =	vld [tilespmem:s0+$0x7F60];
	v51 =	vmul.f32 $1.131370830e+01, v6;
	v2 =	vadd.f32 v3, v2  }
0x6ea: {  	v55 =	vld [tilespmem:s0+$0x7F70];
	v54 =	vmul.f32 $1.131370830e+01, v8;
	v53 =	vadd.f32 v5, v49;
	[tilespmem:s0+$0x14700] =	vst v0  }
0x6eb: {  	v57 =	vmul.f32 $1.131370830e+01, v10;
	v56 =	vadd.f32 v7, v51;
	[tilespmem:s0+$0x14710] =	vst v2  }
0x6ec: {  	p0 =	sne.s32 s14, $0x200;
	v59 =	vmul.f32 $1.131370830e+01, v12;
	v58 =	vadd.f32 v9, v54;
	[tilespmem:s0+$0x14720] =	vst v53  }
.Ltmp15:
0x6ed: {  	v61 =	vmul.f32 $1.131370830e+01, v50;
	v60 =	vadd.f32 v11, v57;
	[tilespmem:s0+$0x14730] =	vst v56;
	(pc) =	sbr.rel @p0 .LBB2_33-.Ltmp15, $4  }
0x6ee: {  	v62 =	vadd.f32 v52, v59;
	[tilespmem:s0+$0x14740] =	vst v58  }
0x6ef: {  	v63 =	vadd.f32 v55, v61;
	[tilespmem:s0+$0x14750] =	vst v60  }
0x6f0: {  	[tilespmem:s0+$0x14760] =	vst v62  }
0x6f1: {  	s14 =	sadd.s32 $0x200, s14;
	[tilespmem:s0+$0x14770] =	vst v63  }
0x6f2: {  	s13 =	sadd.s32 $0x1, s13  }
0x6f3: {  	p0 =	sne.s32 s13, $0x10  }
.Ltmp16:
0x6f4: {  	_ = 	snop;
	(pc) =	sbr.rel @p0 .LBB2_2-.Ltmp16, $1  }
0x6f5: {  	_ =	sdelay $0x3  }
0x6f6: {  	s0 =	rddreg [dreg:$0x9];
	s8 =	simm.s32 $0x11600;
	s10 =	simm.s32 $0xC  }
0x6f7: {  	[hbm4b:s0+s5] =	stream.linear.scatter [tilespmem:s8], [sflag:$0xF], $0x1900, $0x38;
	[tilespmem:$0x14800] =	vst v63  }
0x6f8: {  	_ =	swait.ge [sflag:s10], $0x1900  }
0x6f9: {  	[sflag:s10] =	ssyncset.done $0x0  }
0x6fa: {  	s13 =	simm.s32 $0xD;
	[sflag:s10] =	ssyncadd.s32 $0xFFFFE700  }
0x6fb: {  	_ =	swait.ge [sflag:s13], $0x1900  }
0x6fc: {  	[sflag:s13] =	ssyncset.done $0x0  }
0x6fd: {  	s14 =	simm.s32 $0xE;
	[sflag:s13] =	ssyncadd.s32 $0xFFFFE700  }
0x6fe: {  	_ =	swait.ge [sflag:s14], $0x1900  }
0x6ff: {  	s18 =	simm.s32 $0x12F00;
	[sflag:s14] =	ssyncset.done $0x0  }
0x700: {  	s20 =	simm.s32 $0xF;
	s15 =	rddreg [dreg:$0xa];
	[sflag:s14] =	ssyncadd.s32 $0xFFFFE700  }
0x701: {  	[hbm4b:s15+s5] =	stream.linear.scatter [tilespmem:s18], [sflag:$0x10], $0x1900, $0x38;
	[tilespmem:$0x14800] =	vst v63  }
0x702: {  	_ =	swait.ge [sflag:s20], $0x1900  }
0x703: {  	[sflag:s20] =	ssyncset.done $0x0  }
0x704: {  	s22 =	simm.s32 $0x10;
	[sflag:s20] =	ssyncadd.s32 $0xFFFFE700  }
0x705: {  	_ =	swait.ge [sflag:s22], $0x1900  }
0x706: {  	s9 =	rddreg [dreg:$0xc]  }
0x707: {  	s31 =	rddreg [dreg:$0xb];
	s9 =	sadd.s32 $0x1, s9  }
0x708: {  	p0 =	sne.s32 s9, s31  }
.Ltmp17:
0x709: {  	_ = 	snop;
	(pc) =	sbr.rel @p0 .LBB2_1-.Ltmp17, $3  }
0x70a: {  	_ =	sdelay $0x1  }
0x70b: {  	[sflag:s22] =	ssyncset.done $0x0  }
0x70c: {  	[sflag:s22] =	ssyncadd.s32 $0xFFFFE700  }
0x70d: {  	_ =	sfence.sel $0x180000  }
0x70e: {  	[bflag:$0x0] =	sbarrier.arrive $0xFFFF  }
0x70f: {  	_ =	strace $0x90000047  }
0x710: {  	s0 =	stileid.u32;
	[bflag:$0x2] =	sbarrier.arrive $0xFFFF  }
0x711: {  	p0 =	sne.s32 s0, $0x0;
	s0 =	rddreg [dreg:$0x4]  }
0x712: {  	s0 =	sadd.s32 @!p0 $0x100000, s0  }
0x713: {  	[sflag:s0] =	ssyncadd.tile.s32 @!p0 $0x1;
	_ =	shalt  }
.Lfunc_end2:
_tile_overlayer_lowered:
.L_overlay_start_2:
0x714: {  	(tag) =	ssettag $0x2  }
0x715: {  	s0 =	rddreg [dreg:$0x0];
	s2 =	stileid.u32  }
0x716: {  	s1 =	rddreg [dreg:$0x1];
	p0 =	sne.s32 s2, $0x0  }
0x717: {  	s3 =	rddreg [dreg:$0x2];
	[bflag:$0x3] =	sbarrier.arrive $0xFFFF;
	s2 =	simm.s32 @!p0 $0x1C11  }
0x718: {  	[timem:s3], [sflag:s2] =	dma.local @!p0 [hbm:s0], s1  }
0x719: {  	s0 =	simm.s32 @!p0 $0x11  }
0x71a: {  	_ =	swait.ge @!p0 [sflag:s0], s1  }
0x71b: {  	s1 =	ssub.s32 @!p0 $0x0, s1;
	[sflag:s0] =	ssyncset.done @!p0 $0x0  }
0x71c: {  	[sflag:s0] =	ssyncadd.s32 @!p0 s1  }
0x71d: {  	[bflag:$0x3] =	sbarrier.arrive $0xFFFF  }
0x71e: {  	_ =	shalt  }

</sc_bundles>
